<compile_context>
chip_gen: v7x
topology: tpu7x:2x2x1
jax: 0.10.2.dev20260603
libtpu: 0.0.44.dev20260713+nightly
codegen_flags: <defaults>
</compile_context>

<pallas_src>
import jax
import jax.numpy as jnp
from jax import lax
from jax.experimental import pallas as pl
from jax.experimental.pallas import tpu as pltpu
from jax.experimental.pallas import tpu_sc as plsc

_BS = 8
_D = 32
_K = 8
_S = 4
_OUT = (_D - _K) // _S + 1
_NWIN = _OUT * _OUT
_GROUPS = _BS * _OUT
_NC, _NS = 2, 16
_WORKERS = _NC * _NS
_ROUNDS = -(-_GROUPS // _WORKERS)


def _sc_body(x_hbm, out_hbm, buf_v, stage_v, sem0):
    wid = lax.axis_index("s") * _NC + lax.axis_index("c")
    iota = lax.iota(jnp.int32, 16)
    coffs = [32 * ((16 * gg + iota) >> 3) + ((16 * gg + iota) & 7)
             for gg in range(4)]

    def fetch_block(g):
        b = g // _OUT
        wi = g % _OUT
        pltpu.sync_copy(
            x_hbm.at[b, pl.ds(wi * 128, 256), pl.ds(wi * 128, 256)], buf_v)

    def extract_group(g, stage_v, sem):
        for wj in range(7):
            colvecs = [c + 4 * wj for c in coffs]

            @plsc.parallel_loop(0, 64, unroll=4)
            def body(i, wj=wj, colvecs=colvecs):
                row = 4 * wj + 32 * (i >> 3) + (i & 7)
                rowvec = jnp.full((16,), row, jnp.int32)
                for gg in range(4):
                    v = plsc.load_gather(buf_v, [rowvec, colvecs[gg]])
                    stage_v[wj, i, pl.ds(gg * 16, 16)] = v
        return pltpu.async_copy(stage_v, out_hbm.at[pl.ds(g * _OUT, _OUT)], sem)

    g0 = wid
    g1 = wid + _WORKERS
    fetch_block(g0)
    cp0 = extract_group(g0, stage_v, sem0)

    @pl.when(g1 < _GROUPS)
    def _():
        fetch_block(g1)
        cp0.wait()
        cp1 = extract_group(g1, stage_v, sem0)
        cp1.wait()

    @pl.when(g1 >= _GROUPS)
    def _():
        cp0.wait()


def kernel(x):
    run = pl.kernel(
        _sc_body,
        out_type=jax.ShapeDtypeStruct((_BS * _NWIN, _K * _K, _K * _K),
                                      jnp.float32),
        mesh=plsc.VectorSubcoreMesh(core_axis_name="c", subcore_axis_name="s"),
        compiler_params=pltpu.CompilerParams(use_tc_tiling_on_sc=True, needs_layout_passes=False, skip_device_barrier=True, disable_bounds_checks=True),
        scratch_types=[
            pltpu.VMEM((256, 256), jnp.float32),
            pltpu.VMEM((_OUT, _K * _K, _K * _K), jnp.float32),
            pltpu.SemaphoreType.DMA,
        ],
    )
    out = run(x)
    return (out.reshape(_BS, _NWIN, _K * _K, _K * _K),)

# --- scband reference (transcript-rebuilt; emitter-appended) ---
"""Pipeline reference for scband-sub-manifold-42202348650932 (READ-ONLY COPY).

The authoritative reference and input builder live on the scoring server;
editing this copy changes nothing except your own understanding.
"""

import math
import jax, jax.numpy as jnp
import numpy as np

KS = [8]
S = 4


def _extract_submatrices(x, k, s):
    bs, n, _ = x.shape
    d = int(math.sqrt(n))
    outsize = (d - k) // s + 1
    num_windows = outsize * outsize
    start_indices = jnp.arange(0, d - k + 1, s, dtype=jnp.int32)
    grid_ir, grid_ic = jnp.meshgrid(start_indices, start_indices, indexing='ij')
    grid_ir = grid_ir.reshape(-1)
    grid_ic = grid_ic.reshape(-1)
    rel_range = jnp.arange(k, dtype=jnp.int32)
    rel_a, rel_b = jnp.meshgrid(rel_range, rel_range, indexing='ij')
    rel_indices = (rel_a * d + rel_b).reshape(-1)
    # idx: [num_windows, k*k] flat indices into the d*d grid
    idx = grid_ir[:, None] * d + grid_ic[:, None] + rel_indices[None, :]
    # gather rows: [bs, num_windows, k*k, n]
    sub_rows = jnp.take(x, idx.reshape(-1), axis=1).reshape(bs, num_windows, k * k, n)
    # gather cols within each window
    idx_cols = jnp.broadcast_to(idx[None, :, None, :].astype(jnp.int32), (bs, num_windows, k * k, k * k))
    submatrices = jnp.take_along_axis(sub_rows, idx_cols, axis=3)
    return submatrices


def setup_inputs(seed: int = 0) -> dict:
    key = jax.random.key(seed)
    x = jax.random.normal(key, (8, 1024, 1024), dtype=jnp.float32)
    return {"x": x}


def reference(x):
    xs = []
    for k in KS:
        xs.append(_extract_submatrices(x, k, S))
    return tuple(xs)

if __name__ == "__main__":
    import jax
    _d = setup_inputs()
    print(jax.jit(kernel)(*tuple(_d.values())))

</pallas_src>

<mosaic_0001>
#map = affine_map<(d0, d1) -> (0, 0, 0)>
module attributes {stable_mosaic.version = 14 : i64} {
  func.func @_sc_body(%arg0: i32, %arg1: i32, %arg2: memref<8x1024x1024xf32, #tpu.memory_space<hbm>>, %arg3: memref<392x64x64xf32, #tpu.memory_space<hbm>>, %arg4: memref<256x256xf32, #tpu.memory_space<vmem>>, %arg5: memref<7x64x64xf32, #tpu.memory_space<vmem>>, %arg6: memref<!tpu.dma_semaphore, #tpu.memory_space<semaphore_mem>>) attributes {dimension_semantics = [#tpu.dimension_semantics<core_parallel>, #tpu.dimension_semantics<subcore_parallel>], iteration_bounds = array<i64: 2, 16>, scalar_prefetch = 0 : i64, scratch_operands = 3 : i64, tpu.core_type = #tpu.core_type<sc_vector_subcore>, window_params = [{transform_indices = #map}, {transform_indices = #map}]} {
    %mul3A = arith.constant 2 : i32
    %mul3A_0 = arith.muli %arg1, %mul3A : i32
    %add3A = arith.addi %mul3A_0, %arg0 : i32
    %iota3A = tpu.iota {dimensions = array<i32: 0>} : vector<16xi32>
    %add3A_1 = arith.constant 0 : i32
    %add3A_2 = vector.broadcast %add3A_1 : i32 to vector<16xi32>
    %add3A_3 = arith.addi %add3A_2, %iota3A : vector<16xi32>
    %shift_right_arithmetic3A = arith.constant 3 : i32
    %shift_right_arithmetic3A_4 = vector.broadcast %shift_right_arithmetic3A : i32 to vector<16xi32>
    %shift_right_arithmetic3A_5 = arith.shrsi %add3A_3, %shift_right_arithmetic3A_4 : vector<16xi32>
    %mul3A_6 = arith.constant 32 : i32
    %mul3A_7 = vector.broadcast %mul3A_6 : i32 to vector<16xi32>
    %mul3A_8 = arith.muli %mul3A_7, %shift_right_arithmetic3A_5 : vector<16xi32>
    %add3A_9 = arith.constant 0 : i32
    %add3A_10 = vector.broadcast %add3A_9 : i32 to vector<16xi32>
    %add3A_11 = arith.addi %add3A_10, %iota3A : vector<16xi32>
    %and3A = arith.constant 7 : i32
    %and3A_12 = vector.broadcast %and3A : i32 to vector<16xi32>
    %and3A_13 = arith.andi %add3A_11, %and3A_12 : vector<16xi32>
    %add3A_14 = arith.addi %mul3A_8, %and3A_13 : vector<16xi32>
    %add3A_15 = arith.constant 16 : i32
    %add3A_16 = vector.broadcast %add3A_15 : i32 to vector<16xi32>
    %add3A_17 = arith.addi %add3A_16, %iota3A : vector<16xi32>
    %shift_right_arithmetic3A_18 = arith.constant 3 : i32
    %shift_right_arithmetic3A_19 = vector.broadcast %shift_right_arithmetic3A_18 : i32 to vector<16xi32>
    %shift_right_arithmetic3A_20 = arith.shrsi %add3A_17, %shift_right_arithmetic3A_19 : vector<16xi32>
    %mul3A_21 = arith.constant 32 : i32
    %mul3A_22 = vector.broadcast %mul3A_21 : i32 to vector<16xi32>
    %mul3A_23 = arith.muli %mul3A_22, %shift_right_arithmetic3A_20 : vector<16xi32>
    %add3A_24 = arith.constant 16 : i32
    %add3A_25 = vector.broadcast %add3A_24 : i32 to vector<16xi32>
    %add3A_26 = arith.addi %add3A_25, %iota3A : vector<16xi32>
    %and3A_27 = arith.constant 7 : i32
    %and3A_28 = vector.broadcast %and3A_27 : i32 to vector<16xi32>
    %and3A_29 = arith.andi %add3A_26, %and3A_28 : vector<16xi32>
    %add3A_30 = arith.addi %mul3A_23, %and3A_29 : vector<16xi32>
    %add3A_31 = arith.constant 32 : i32
    %add3A_32 = vector.broadcast %add3A_31 : i32 to vector<16xi32>
    %add3A_33 = arith.addi %add3A_32, %iota3A : vector<16xi32>
    %shift_right_arithmetic3A_34 = arith.constant 3 : i32
    %shift_right_arithmetic3A_35 = vector.broadcast %shift_right_arithmetic3A_34 : i32 to vector<16xi32>
    %shift_right_arithmetic3A_36 = arith.shrsi %add3A_33, %shift_right_arithmetic3A_35 : vector<16xi32>
    %mul3A_37 = arith.constant 32 : i32
    %mul3A_38 = vector.broadcast %mul3A_37 : i32 to vector<16xi32>
    %mul3A_39 = arith.muli %mul3A_38, %shift_right_arithmetic3A_36 : vector<16xi32>
    %add3A_40 = arith.constant 32 : i32
    %add3A_41 = vector.broadcast %add3A_40 : i32 to vector<16xi32>
    %add3A_42 = arith.addi %add3A_41, %iota3A : vector<16xi32>
    %and3A_43 = arith.constant 7 : i32
    %and3A_44 = vector.broadcast %and3A_43 : i32 to vector<16xi32>
    %and3A_45 = arith.andi %add3A_42, %and3A_44 : vector<16xi32>
    %add3A_46 = arith.addi %mul3A_39, %and3A_45 : vector<16xi32>
    %add3A_47 = arith.constant 48 : i32
    %add3A_48 = vector.broadcast %add3A_47 : i32 to vector<16xi32>
    %add3A_49 = arith.addi %add3A_48, %iota3A : vector<16xi32>
    %shift_right_arithmetic3A_50 = arith.constant 3 : i32
    %shift_right_arithmetic3A_51 = vector.broadcast %shift_right_arithmetic3A_50 : i32 to vector<16xi32>
    %shift_right_arithmetic3A_52 = arith.shrsi %add3A_49, %shift_right_arithmetic3A_51 : vector<16xi32>
    %mul3A_53 = arith.constant 32 : i32
    %mul3A_54 = vector.broadcast %mul3A_53 : i32 to vector<16xi32>
    %mul3A_55 = arith.muli %mul3A_54, %shift_right_arithmetic3A_52 : vector<16xi32>
    %add3A_56 = arith.constant 48 : i32
    %add3A_57 = vector.broadcast %add3A_56 : i32 to vector<16xi32>
    %add3A_58 = arith.addi %add3A_57, %iota3A : vector<16xi32>
    %and3A_59 = arith.constant 7 : i32
    %and3A_60 = vector.broadcast %and3A_59 : i32 to vector<16xi32>
    %and3A_61 = arith.andi %add3A_58, %and3A_60 : vector<16xi32>
    %add3A_62 = arith.addi %mul3A_55, %and3A_61 : vector<16xi32>
    %add3A_63 = arith.constant 32 : i32
    %add3A_64 = arith.addi %add3A, %add3A_63 : i32
    %jit3A = arith.constant 7 : i32
    %div3A = arith.divsi %add3A, %jit3A : i32
    %sign3A = arith.constant 0 : i32
    %sign3A_65 = arith.cmpi sgt, %add3A, %sign3A : i32
    %sign3A_66 = arith.extui %sign3A_65 : i1 to i32
    %sign3A_67 = arith.constant 0 : i32
    %sign3A_68 = arith.cmpi slt, %add3A, %sign3A_67 : i32
    %sign3A_69 = arith.extui %sign3A_68 : i1 to i32
    %sign3A_70 = arith.subi %sign3A_66, %sign3A_69 : i32
    %sign3A_71 = arith.constant 0 : i32
    %sign3A_72 = arith.cmpi sgt, %jit3A, %sign3A_71 : i32
    %sign3A_73 = arith.extui %sign3A_72 : i1 to i32
    %sign3A_74 = arith.constant 0 : i32
    %sign3A_75 = arith.cmpi slt, %jit3A, %sign3A_74 : i32
    %sign3A_76 = arith.extui %sign3A_75 : i1 to i32
    %sign3A_77 = arith.subi %sign3A_73, %sign3A_76 : i32
    %ne3A = arith.cmpi ne, %sign3A_70, %sign3A_77 : i32
    %rem3A = arith.remsi %add3A, %jit3A : i32
    %ne3A_78 = arith.constant 0 : i32
    %ne3A_79 = arith.cmpi ne, %rem3A, %ne3A_78 : i32
    %and3A_80 = arith.andi %ne3A, %ne3A_79 : i1
    %sub3A = arith.constant 1 : i32
    %sub3A_81 = arith.subi %div3A, %sub3A : i32
    %select_n3A = arith.select %and3A_80, %sub3A_81, %div3A : i32
    %jit3A_82 = arith.constant 7 : i32
    %eq3A = arith.constant 0 : i32
    %eq3A_83 = arith.cmpi eq, %jit3A_82, %eq3A : i32
    %jit3A_84 = arith.constant 1 : i32
    %select_n3A_85 = arith.select %eq3A_83, %jit3A_84, %jit3A_82 : i32
    %rem3A_86 = arith.remsi %add3A, %select_n3A_85 : i32
    %ne3A_87 = arith.constant 0 : i32
    %ne3A_88 = arith.cmpi ne, %rem3A_86, %ne3A_87 : i32
    %lt3A = arith.constant 0 : i32
    %lt3A_89 = arith.cmpi slt, %rem3A_86, %lt3A : i32
    %lt3A_90 = arith.constant 0 : i32
    %lt3A_91 = arith.cmpi slt, %select_n3A_85, %lt3A_90 : i32
    %ne3A_92 = arith.xori %lt3A_89, %lt3A_91 : i1
    %and3A_93 = arith.andi %ne3A_92, %ne3A_88 : i1
    %add3A_94 = arith.addi %rem3A_86, %select_n3A_85 : i32
    %select_n3A_95 = arith.select %and3A_93, %add3A_94, %rem3A_86 : i32
    %mul3A_96 = arith.constant 128 : i32
    %mul3A_97 = arith.muli %select_n3A_95, %mul3A_96 : i32
    %mul3A_98 = arith.constant 128 : i32
    %mul3A_99 = arith.muli %select_n3A_95, %mul3A_98 : i32
    "tpu.region"() ({
      %run_scoped3A = tpu.sem_alloc : memref<!tpu.dma_semaphore, #tpu.memory_space<semaphore_mem>>
      %dma_start3A_218 = tpu.memref_slice %arg2[%select_n3A, %mul3A_97, %mul3A_99] : memref<8x1024x1024xf32, #tpu.memory_space<hbm>> -> memref<1x256x256xf32, #tpu.memory_space<hbm>>
      %dma_start3A_219 = tpu.memref_squeeze %dma_start3A_218 : memref<1x256x256xf32, #tpu.memory_space<hbm>> -> memref<256x256xf32, #tpu.memory_space<hbm>>
      %dma_start3A_220 = tpu.memref_slice %arg2[%select_n3A, %mul3A_97, %mul3A_99] : memref<8x1024x1024xf32, #tpu.memory_space<hbm>> -> memref<1x256x256xf32, #tpu.memory_space<hbm>>
      %dma_start3A_221 = tpu.memref_squeeze %dma_start3A_220 : memref<1x256x256xf32, #tpu.memory_space<hbm>> -> memref<256x256xf32, #tpu.memory_space<hbm>>
      tpu.enqueue_dma source(%dma_start3A_221 : memref<256x256xf32, #tpu.memory_space<hbm>>) target(%arg4 : memref<256x256xf32, #tpu.memory_space<vmem>>) target_semaphore(%run_scoped3A : memref<!tpu.dma_semaphore, #tpu.memory_space<semaphore_mem>>)
      %dma_wait3A = tpu.memref_slice %arg2[%select_n3A, %mul3A_97, %mul3A_99] : memref<8x1024x1024xf32, #tpu.memory_space<hbm>> -> memref<1x256x256xf32, #tpu.memory_space<hbm>>
      %dma_wait3A_222 = tpu.memref_squeeze %dma_wait3A : memref<1x256x256xf32, #tpu.memory_space<hbm>> -> memref<256x256xf32, #tpu.memory_space<hbm>>
      %dma_wait3A_223 = tpu.memref_slice %arg2[%select_n3A, %mul3A_97, %mul3A_99] : memref<8x1024x1024xf32, #tpu.memory_space<hbm>> -> memref<1x256x256xf32, #tpu.memory_space<hbm>>
      %dma_wait3A_224 = tpu.memref_squeeze %dma_wait3A_223 : memref<1x256x256xf32, #tpu.memory_space<hbm>> -> memref<256x256xf32, #tpu.memory_space<hbm>>
      tpu.wait_dma2 semaphore(%run_scoped3A : memref<!tpu.dma_semaphore, #tpu.memory_space<semaphore_mem>>) src(%dma_wait3A_224 : memref<256x256xf32, #tpu.memory_space<hbm>>) dst(%arg4 : memref<256x256xf32, #tpu.memory_space<vmem>>)
      tpu.yield
    }) : () -> ()
    %add3A_100 = arith.constant 0 : i32
    %add3A_101 = vector.broadcast %add3A_100 : i32 to vector<16xi32>
    %add3A_102 = arith.addi %add3A_14, %add3A_101 : vector<16xi32>
    %add3A_103 = arith.constant 0 : i32
    %add3A_104 = vector.broadcast %add3A_103 : i32 to vector<16xi32>
    %add3A_105 = arith.addi %add3A_30, %add3A_104 : vector<16xi32>
    %add3A_106 = arith.constant 0 : i32
    %add3A_107 = vector.broadcast %add3A_106 : i32 to vector<16xi32>
    %add3A_108 = arith.addi %add3A_46, %add3A_107 : vector<16xi32>
    %add3A_109 = arith.constant 0 : i32
    %add3A_110 = vector.broadcast %add3A_109 : i32 to vector<16xi32>
    %add3A_111 = arith.addi %add3A_62, %add3A_110 : vector<16xi32>
    %parallel_loop3A = arith.constant 0 : i32
    %parallel_loop3A_112 = arith.constant 64 : i32
    %parallel_loop3A_113 = arith.constant 1 : i32
    scf.for %parallel_loop3A_218 = %parallel_loop3A to %parallel_loop3A_112 step %parallel_loop3A_113  : i32 {
      %parallel_loop3A_219 = arith.constant 3 : i32
      %parallel_loop3A_220 = arith.shrsi %parallel_loop3A_218, %parallel_loop3A_219 : i32
      %parallel_loop3A_221 = arith.constant 32 : i32
      %parallel_loop3A_222 = arith.muli %parallel_loop3A_221, %parallel_loop3A_220 : i32
      %parallel_loop3A_223 = arith.constant 0 : i32
      %parallel_loop3A_224 = arith.addi %parallel_loop3A_223, %parallel_loop3A_222 : i32
      %parallel_loop3A_225 = arith.constant 7 : i32
      %parallel_loop3A_226 = arith.andi %parallel_loop3A_218, %parallel_loop3A_225 : i32
      %parallel_loop3A_227 = arith.addi %parallel_loop3A_224, %parallel_loop3A_226 : i32
      %parallel_loop3A_228 = vector.broadcast %parallel_loop3A_227 : i32 to vector<16xi32>
      %parallel_loop3A_229 = tpu.vector_load_idx %arg4[%parallel_loop3A_228, %add3A_102] : memref<256x256xf32, #tpu.memory_space<vmem>>[vector<16xi32>, vector<16xi32>], vector<16xf32>,
      %parallel_loop3A_230 = arith.constant 0 : i32
      %parallel_loop3A_231 = arith.index_cast %parallel_loop3A_230 : i32 to index
      %parallel_loop3A_232 = arith.index_cast %parallel_loop3A_218 : i32 to index
      %parallel_loop3A_233 = arith.constant 0 : index
      %parallel_loop3A_234 = tpu.vector_load %arg5[%parallel_loop3A_231, %parallel_loop3A_232, %parallel_loop3A_233] {strides = array<i32>} : memref<7x64x64xf32, #tpu.memory_space<vmem>>, vector<16xf32>,
      tpu.vector_store %arg5[%parallel_loop3A_231, %parallel_loop3A_232, %parallel_loop3A_233], %parallel_loop3A_229 {strides = array<i32>} : memref<7x64x64xf32, #tpu.memory_space<vmem>>, vector<16xf32>,
      %parallel_loop3A_235 = tpu.vector_load_idx %arg4[%parallel_loop3A_228, %add3A_105] : memref<256x256xf32, #tpu.memory_space<vmem>>[vector<16xi32>, vector<16xi32>], vector<16xf32>,
      %parallel_loop3A_236 = arith.constant 0 : i32
      %parallel_loop3A_237 = arith.index_cast %parallel_loop3A_236 : i32 to index
      %parallel_loop3A_238 = arith.index_cast %parallel_loop3A_218 : i32 to index
      %parallel_loop3A_239 = arith.constant 16 : index
      %parallel_loop3A_240 = tpu.vector_load %arg5[%parallel_loop3A_237, %parallel_loop3A_238, %parallel_loop3A_239] {strides = array<i32>} : memref<7x64x64xf32, #tpu.memory_space<vmem>>, vector<16xf32>,
      tpu.vector_store %arg5[%parallel_loop3A_237, %parallel_loop3A_238, %parallel_loop3A_239], %parallel_loop3A_235 {strides = array<i32>} : memref<7x64x64xf32, #tpu.memory_space<vmem>>, vector<16xf32>,
      %parallel_loop3A_241 = tpu.vector_load_idx %arg4[%parallel_loop3A_228, %add3A_108] : memref<256x256xf32, #tpu.memory_space<vmem>>[vector<16xi32>, vector<16xi32>], vector<16xf32>,
      %parallel_loop3A_242 = arith.constant 0 : i32
      %parallel_loop3A_243 = arith.index_cast %parallel_loop3A_242 : i32 to index
      %parallel_loop3A_244 = arith.index_cast %parallel_loop3A_218 : i32 to index
      %parallel_loop3A_245 = arith.constant 32 : index
      %parallel_loop3A_246 = tpu.vector_load %arg5[%parallel_loop3A_243, %parallel_loop3A_244, %parallel_loop3A_245] {strides = array<i32>} : memref<7x64x64xf32, #tpu.memory_space<vmem>>, vector<16xf32>,
      tpu.vector_store %arg5[%parallel_loop3A_243, %parallel_loop3A_244, %parallel_loop3A_245], %parallel_loop3A_241 {strides = array<i32>} : memref<7x64x64xf32, #tpu.memory_space<vmem>>, vector<16xf32>,
      %parallel_loop3A_247 = tpu.vector_load_idx %arg4[%parallel_loop3A_228, %add3A_111] : memref<256x256xf32, #tpu.memory_space<vmem>>[vector<16xi32>, vector<16xi32>], vector<16xf32>,
      %parallel_loop3A_248 = arith.constant 0 : i32
      %parallel_loop3A_249 = arith.index_cast %parallel_loop3A_248 : i32 to index
      %parallel_loop3A_250 = arith.index_cast %parallel_loop3A_218 : i32 to index
      %parallel_loop3A_251 = arith.constant 48 : index
      %parallel_loop3A_252 = tpu.vector_load %arg5[%parallel_loop3A_249, %parallel_loop3A_250, %parallel_loop3A_251] {strides = array<i32>} : memref<7x64x64xf32, #tpu.memory_space<vmem>>, vector<16xf32>,
      tpu.vector_store %arg5[%parallel_loop3A_249, %parallel_loop3A_250, %parallel_loop3A_251], %parallel_loop3A_247 {strides = array<i32>} : memref<7x64x64xf32, #tpu.memory_space<vmem>>, vector<16xf32>,
    } {sc.loop_unroll_factor = 4 : i64, sc.parallel_access}
    %add3A_114 = arith.constant 4 : i32
    %add3A_115 = vector.broadcast %add3A_114 : i32 to vector<16xi32>
    %add3A_116 = arith.addi %add3A_14, %add3A_115 : vector<16xi32>
    %add3A_117 = arith.constant 4 : i32
    %add3A_118 = vector.broadcast %add3A_117 : i32 to vector<16xi32>
    %add3A_119 = arith.addi %add3A_30, %add3A_118 : vector<16xi32>
    %add3A_120 = arith.constant 4 : i32
    %add3A_121 = vector.broadcast %add3A_120 : i32 to vector<16xi32>
    %add3A_122 = arith.addi %add3A_46, %add3A_121 : vector<16xi32>
    %add3A_123 = arith.constant 4 : i32
    %add3A_124 = vector.broadcast %add3A_123 : i32 to vector<16xi32>
    %add3A_125 = arith.addi %add3A_62, %add3A_124 : vector<16xi32>
    %parallel_loop3A_126 = arith.constant 0 : i32
    %parallel_loop3A_127 = arith.constant 64 : i32
    %parallel_loop3A_128 = arith.constant 1 : i32
    scf.for %parallel_loop3A_218 = %parallel_loop3A_126 to %parallel_loop3A_127 step %parallel_loop3A_128  : i32 {
      %parallel_loop3A_219 = arith.constant 3 : i32
      %parallel_loop3A_220 = arith.shrsi %parallel_loop3A_218, %parallel_loop3A_219 : i32
      %parallel_loop3A_221 = arith.constant 32 : i32
      %parallel_loop3A_222 = arith.muli %parallel_loop3A_221, %parallel_loop3A_220 : i32
      %parallel_loop3A_223 = arith.constant 4 : i32
      %parallel_loop3A_224 = arith.addi %parallel_loop3A_223, %parallel_loop3A_222 : i32
      %parallel_loop3A_225 = arith.constant 7 : i32
      %parallel_loop3A_226 = arith.andi %parallel_loop3A_218, %parallel_loop3A_225 : i32
      %parallel_loop3A_227 = arith.addi %parallel_loop3A_224, %parallel_loop3A_226 : i32
      %parallel_loop3A_228 = vector.broadcast %parallel_loop3A_227 : i32 to vector<16xi32>
      %parallel_loop3A_229 = tpu.vector_load_idx %arg4[%parallel_loop3A_228, %add3A_116] : memref<256x256xf32, #tpu.memory_space<vmem>>[vector<16xi32>, vector<16xi32>], vector<16xf32>,
      %parallel_loop3A_230 = arith.constant 1 : i32
      %parallel_loop3A_231 = arith.index_cast %parallel_loop3A_230 : i32 to index
      %parallel_loop3A_232 = arith.index_cast %parallel_loop3A_218 : i32 to index
      %parallel_loop3A_233 = arith.constant 0 : index
      %parallel_loop3A_234 = tpu.vector_load %arg5[%parallel_loop3A_231, %parallel_loop3A_232, %parallel_loop3A_233] {strides = array<i32>} : memref<7x64x64xf32, #tpu.memory_space<vmem>>, vector<16xf32>,
      tpu.vector_store %arg5[%parallel_loop3A_231, %parallel_loop3A_232, %parallel_loop3A_233], %parallel_loop3A_229 {strides = array<i32>} : memref<7x64x64xf32, #tpu.memory_space<vmem>>, vector<16xf32>,
      %parallel_loop3A_235 = tpu.vector_load_idx %arg4[%parallel_loop3A_228, %add3A_119] : memref<256x256xf32, #tpu.memory_space<vmem>>[vector<16xi32>, vector<16xi32>], vector<16xf32>,
      %parallel_loop3A_236 = arith.constant 1 : i32
      %parallel_loop3A_237 = arith.index_cast %parallel_loop3A_236 : i32 to index
      %parallel_loop3A_238 = arith.index_cast %parallel_loop3A_218 : i32 to index
      %parallel_loop3A_239 = arith.constant 16 : index
      %parallel_loop3A_240 = tpu.vector_load %arg5[%parallel_loop3A_237, %parallel_loop3A_238, %parallel_loop3A_239] {strides = array<i32>} : memref<7x64x64xf32, #tpu.memory_space<vmem>>, vector<16xf32>,
      tpu.vector_store %arg5[%parallel_loop3A_237, %parallel_loop3A_238, %parallel_loop3A_239], %parallel_loop3A_235 {strides = array<i32>} : memref<7x64x64xf32, #tpu.memory_space<vmem>>, vector<16xf32>,
      %parallel_loop3A_241 = tpu.vector_load_idx %arg4[%parallel_loop3A_228, %add3A_122] : memref<256x256xf32, #tpu.memory_space<vmem>>[vector<16xi32>, vector<16xi32>], vector<16xf32>,
      %parallel_loop3A_242 = arith.constant 1 : i32
      %parallel_loop3A_243 = arith.index_cast %parallel_loop3A_242 : i32 to index
      %parallel_loop3A_244 = arith.index_cast %parallel_loop3A_218 : i32 to index
      %parallel_loop3A_245 = arith.constant 32 : index
      %parallel_loop3A_246 = tpu.vector_load %arg5[%parallel_loop3A_243, %parallel_loop3A_244, %parallel_loop3A_245] {strides = array<i32>} : memref<7x64x64xf32, #tpu.memory_space<vmem>>, vector<16xf32>,
      tpu.vector_store %arg5[%parallel_loop3A_243, %parallel_loop3A_244, %parallel_loop3A_245], %parallel_loop3A_241 {strides = array<i32>} : memref<7x64x64xf32, #tpu.memory_space<vmem>>, vector<16xf32>,
      %parallel_loop3A_247 = tpu.vector_load_idx %arg4[%parallel_loop3A_228, %add3A_125] : memref<256x256xf32, #tpu.memory_space<vmem>>[vector<16xi32>, vector<16xi32>], vector<16xf32>,
      %parallel_loop3A_248 = arith.constant 1 : i32
      %parallel_loop3A_249 = arith.index_cast %parallel_loop3A_248 : i32 to index
      %parallel_loop3A_250 = arith.index_cast %parallel_loop3A_218 : i32 to index
      %parallel_loop3A_251 = arith.constant 48 : index
      %parallel_loop3A_252 = tpu.vector_load %arg5[%parallel_loop3A_249, %parallel_loop3A_250, %parallel_loop3A_251] {strides = array<i32>} : memref<7x64x64xf32, #tpu.memory_space<vmem>>, vector<16xf32>,
      tpu.vector_store %arg5[%parallel_loop3A_249, %parallel_loop3A_250, %parallel_loop3A_251], %parallel_loop3A_247 {strides = array<i32>} : memref<7x64x64xf32, #tpu.memory_space<vmem>>, vector<16xf32>,
    } {sc.loop_unroll_factor = 4 : i64, sc.parallel_access}
    %add3A_129 = arith.constant 8 : i32
    %add3A_130 = vector.broadcast %add3A_129 : i32 to vector<16xi32>
    %add3A_131 = arith.addi %add3A_14, %add3A_130 : vector<16xi32>
    %add3A_132 = arith.constant 8 : i32
    %add3A_133 = vector.broadcast %add3A_132 : i32 to vector<16xi32>
    %add3A_134 = arith.addi %add3A_30, %add3A_133 : vector<16xi32>
    %add3A_135 = arith.constant 8 : i32
    %add3A_136 = vector.broadcast %add3A_135 : i32 to vector<16xi32>
    %add3A_137 = arith.addi %add3A_46, %add3A_136 : vector<16xi32>
    %add3A_138 = arith.constant 8 : i32
    %add3A_139 = vector.broadcast %add3A_138 : i32 to vector<16xi32>
    %add3A_140 = arith.addi %add3A_62, %add3A_139 : vector<16xi32>
    %parallel_loop3A_141 = arith.constant 0 : i32
    %parallel_loop3A_142 = arith.constant 64 : i32
    %parallel_loop3A_143 = arith.constant 1 : i32
    scf.for %parallel_loop3A_218 = %parallel_loop3A_141 to %parallel_loop3A_142 step %parallel_loop3A_143  : i32 {
      %parallel_loop3A_219 = arith.constant 3 : i32
      %parallel_loop3A_220 = arith.shrsi %parallel_loop3A_218, %parallel_loop3A_219 : i32
      %parallel_loop3A_221 = arith.constant 32 : i32
      %parallel_loop3A_222 = arith.muli %parallel_loop3A_221, %parallel_loop3A_220 : i32
      %parallel_loop3A_223 = arith.constant 8 : i32
      %parallel_loop3A_224 = arith.addi %parallel_loop3A_223, %parallel_loop3A_222 : i32
      %parallel_loop3A_225 = arith.constant 7 : i32
      %parallel_loop3A_226 = arith.andi %parallel_loop3A_218, %parallel_loop3A_225 : i32
      %parallel_loop3A_227 = arith.addi %parallel_loop3A_224, %parallel_loop3A_226 : i32
      %parallel_loop3A_228 = vector.broadcast %parallel_loop3A_227 : i32 to vector<16xi32>
      %parallel_loop3A_229 = tpu.vector_load_idx %arg4[%parallel_loop3A_228, %add3A_131] : memref<256x256xf32, #tpu.memory_space<vmem>>[vector<16xi32>, vector<16xi32>], vector<16xf32>,
      %parallel_loop3A_230 = arith.constant 2 : i32
      %parallel_loop3A_231 = arith.index_cast %parallel_loop3A_230 : i32 to index
      %parallel_loop3A_232 = arith.index_cast %parallel_loop3A_218 : i32 to index
      %parallel_loop3A_233 = arith.constant 0 : index
      %parallel_loop3A_234 = tpu.vector_load %arg5[%parallel_loop3A_231, %parallel_loop3A_232, %parallel_loop3A_233] {strides = array<i32>} : memref<7x64x64xf32, #tpu.memory_space<vmem>>, vector<16xf32>,
      tpu.vector_store %arg5[%parallel_loop3A_231, %parallel_loop3A_232, %parallel_loop3A_233], %parallel_loop3A_229 {strides = array<i32>} : memref<7x64x64xf32, #tpu.memory_space<vmem>>, vector<16xf32>,
      %parallel_loop3A_235 = tpu.vector_load_idx %arg4[%parallel_loop3A_228, %add3A_134] : memref<256x256xf32, #tpu.memory_space<vmem>>[vector<16xi32>, vector<16xi32>], vector<16xf32>,
      %parallel_loop3A_236 = arith.constant 2 : i32
      %parallel_loop3A_237 = arith.index_cast %parallel_loop3A_236 : i32 to index
      %parallel_loop3A_238 = arith.index_cast %parallel_loop3A_218 : i32 to index
      %parallel_loop3A_239 = arith.constant 16 : index
      %parallel_loop3A_240 = tpu.vector_load %arg5[%parallel_loop3A_237, %parallel_loop3A_238, %parallel_loop3A_239] {strides = array<i32>} : memref<7x64x64xf32, #tpu.memory_space<vmem>>, vector<16xf32>,
      tpu.vector_store %arg5[%parallel_loop3A_237, %parallel_loop3A_238, %parallel_loop3A_239], %parallel_loop3A_235 {strides = array<i32>} : memref<7x64x64xf32, #tpu.memory_space<vmem>>, vector<16xf32>,
      %parallel_loop3A_241 = tpu.vector_load_idx %arg4[%parallel_loop3A_228, %add3A_137] : memref<256x256xf32, #tpu.memory_space<vmem>>[vector<16xi32>, vector<16xi32>], vector<16xf32>,
      %parallel_loop3A_242 = arith.constant 2 : i32
      %parallel_loop3A_243 = arith.index_cast %parallel_loop3A_242 : i32 to index
      %parallel_loop3A_244 = arith.index_cast %parallel_loop3A_218 : i32 to index
      %parallel_loop3A_245 = arith.constant 32 : index
      %parallel_loop3A_246 = tpu.vector_load %arg5[%parallel_loop3A_243, %parallel_loop3A_244, %parallel_loop3A_245] {strides = array<i32>} : memref<7x64x64xf32, #tpu.memory_space<vmem>>, vector<16xf32>,
      tpu.vector_store %arg5[%parallel_loop3A_243, %parallel_loop3A_244, %parallel_loop3A_245], %parallel_loop3A_241 {strides = array<i32>} : memref<7x64x64xf32, #tpu.memory_space<vmem>>, vector<16xf32>,
      %parallel_loop3A_247 = tpu.vector_load_idx %arg4[%parallel_loop3A_228, %add3A_140] : memref<256x256xf32, #tpu.memory_space<vmem>>[vector<16xi32>, vector<16xi32>], vector<16xf32>,
      %parallel_loop3A_248 = arith.constant 2 : i32
      %parallel_loop3A_249 = arith.index_cast %parallel_loop3A_248 : i32 to index
      %parallel_loop3A_250 = arith.index_cast %parallel_loop3A_218 : i32 to index
      %parallel_loop3A_251 = arith.constant 48 : index
      %parallel_loop3A_252 = tpu.vector_load %arg5[%parallel_loop3A_249, %parallel_loop3A_250, %parallel_loop3A_251] {strides = array<i32>} : memref<7x64x64xf32, #tpu.memory_space<vmem>>, vector<16xf32>,
      tpu.vector_store %arg5[%parallel_loop3A_249, %parallel_loop3A_250, %parallel_loop3A_251], %parallel_loop3A_247 {strides = array<i32>} : memref<7x64x64xf32, #tpu.memory_space<vmem>>, vector<16xf32>,
    } {sc.loop_unroll_factor = 4 : i64, sc.parallel_access}
    %add3A_144 = arith.constant 12 : i32
    %add3A_145 = vector.broadcast %add3A_144 : i32 to vector<16xi32>
    %add3A_146 = arith.addi %add3A_14, %add3A_145 : vector<16xi32>
    %add3A_147 = arith.constant 12 : i32
    %add3A_148 = vector.broadcast %add3A_147 : i32 to vector<16xi32>
    %add3A_149 = arith.addi %add3A_30, %add3A_148 : vector<16xi32>
    %add3A_150 = arith.constant 12 : i32
    %add3A_151 = vector.broadcast %add3A_150 : i32 to vector<16xi32>
    %add3A_152 = arith.addi %add3A_46, %add3A_151 : vector<16xi32>
    %add3A_153 = arith.constant 12 : i32
    %add3A_154 = vector.broadcast %add3A_153 : i32 to vector<16xi32>
    %add3A_155 = arith.addi %add3A_62, %add3A_154 : vector<16xi32>
    %parallel_loop3A_156 = arith.constant 0 : i32
    %parallel_loop3A_157 = arith.constant 64 : i32
    %parallel_loop3A_158 = arith.constant 1 : i32
    scf.for %parallel_loop3A_218 = %parallel_loop3A_156 to %parallel_loop3A_157 step %parallel_loop3A_158  : i32 {
      %parallel_loop3A_219 = arith.constant 3 : i32
      %parallel_loop3A_220 = arith.shrsi %parallel_loop3A_218, %parallel_loop3A_219 : i32
      %parallel_loop3A_221 = arith.constant 32 : i32
      %parallel_loop3A_222 = arith.muli %parallel_loop3A_221, %parallel_loop3A_220 : i32
      %parallel_loop3A_223 = arith.constant 12 : i32
      %parallel_loop3A_224 = arith.addi %parallel_loop3A_223, %parallel_loop3A_222 : i32
      %parallel_loop3A_225 = arith.constant 7 : i32
      %parallel_loop3A_226 = arith.andi %parallel_loop3A_218, %parallel_loop3A_225 : i32
      %parallel_loop3A_227 = arith.addi %parallel_loop3A_224, %parallel_loop3A_226 : i32
      %parallel_loop3A_228 = vector.broadcast %parallel_loop3A_227 : i32 to vector<16xi32>
      %parallel_loop3A_229 = tpu.vector_load_idx %arg4[%parallel_loop3A_228, %add3A_146] : memref<256x256xf32, #tpu.memory_space<vmem>>[vector<16xi32>, vector<16xi32>], vector<16xf32>,
      %parallel_loop3A_230 = arith.constant 3 : i32
      %parallel_loop3A_231 = arith.index_cast %parallel_loop3A_230 : i32 to index
      %parallel_loop3A_232 = arith.index_cast %parallel_loop3A_218 : i32 to index
      %parallel_loop3A_233 = arith.constant 0 : index
      %parallel_loop3A_234 = tpu.vector_load %arg5[%parallel_loop3A_231, %parallel_loop3A_232, %parallel_loop3A_233] {strides = array<i32>} : memref<7x64x64xf32, #tpu.memory_space<vmem>>, vector<16xf32>,
      tpu.vector_store %arg5[%parallel_loop3A_231, %parallel_loop3A_232, %parallel_loop3A_233], %parallel_loop3A_229 {strides = array<i32>} : memref<7x64x64xf32, #tpu.memory_space<vmem>>, vector<16xf32>,
      %parallel_loop3A_235 = tpu.vector_load_idx %arg4[%parallel_loop3A_228, %add3A_149] : memref<256x256xf32, #tpu.memory_space<vmem>>[vector<16xi32>, vector<16xi32>], vector<16xf32>,
      %parallel_loop3A_236 = arith.constant 3 : i32
      %parallel_loop3A_237 = arith.index_cast %parallel_loop3A_236 : i32 to index
      %parallel_loop3A_238 = arith.index_cast %parallel_loop3A_218 : i32 to index
      %parallel_loop3A_239 = arith.constant 16 : index
      %parallel_loop3A_240 = tpu.vector_load %arg5[%parallel_loop3A_237, %parallel_loop3A_238, %parallel_loop3A_239] {strides = array<i32>} : memref<7x64x64xf32, #tpu.memory_space<vmem>>, vector<16xf32>,
      tpu.vector_store %arg5[%parallel_loop3A_237, %parallel_loop3A_238, %parallel_loop3A_239], %parallel_loop3A_235 {strides = array<i32>} : memref<7x64x64xf32, #tpu.memory_space<vmem>>, vector<16xf32>,
      %parallel_loop3A_241 = tpu.vector_load_idx %arg4[%parallel_loop3A_228, %add3A_152] : memref<256x256xf32, #tpu.memory_space<vmem>>[vector<16xi32>, vector<16xi32>], vector<16xf32>,
      %parallel_loop3A_242 = arith.constant 3 : i32
      %parallel_loop3A_243 = arith.index_cast %parallel_loop3A_242 : i32 to index
      %parallel_loop3A_244 = arith.index_cast %parallel_loop3A_218 : i32 to index
      %parallel_loop3A_245 = arith.constant 32 : index
      %parallel_loop3A_246 = tpu.vector_load %arg5[%parallel_loop3A_243, %parallel_loop3A_244, %parallel_loop3A_245] {strides = array<i32>} : memref<7x64x64xf32, #tpu.memory_space<vmem>>, vector<16xf32>,
      tpu.vector_store %arg5[%parallel_loop3A_243, %parallel_loop3A_244, %parallel_loop3A_245], %parallel_loop3A_241 {strides = array<i32>} : memref<7x64x64xf32, #tpu.memory_space<vmem>>, vector<16xf32>,
      %parallel_loop3A_247 = tpu.vector_load_idx %arg4[%parallel_loop3A_228, %add3A_155] : memref<256x256xf32, #tpu.memory_space<vmem>>[vector<16xi32>, vector<16xi32>], vector<16xf32>,
      %parallel_loop3A_248 = arith.constant 3 : i32
      %parallel_loop3A_249 = arith.index_cast %parallel_loop3A_248 : i32 to index
      %parallel_loop3A_250 = arith.index_cast %parallel_loop3A_218 : i32 to index
      %parallel_loop3A_251 = arith.constant 48 : index
      %parallel_loop3A_252 = tpu.vector_load %arg5[%parallel_loop3A_249, %parallel_loop3A_250, %parallel_loop3A_251] {strides = array<i32>} : memref<7x64x64xf32, #tpu.memory_space<vmem>>, vector<16xf32>,
      tpu.vector_store %arg5[%parallel_loop3A_249, %parallel_loop3A_250, %parallel_loop3A_251], %parallel_loop3A_247 {strides = array<i32>} : memref<7x64x64xf32, #tpu.memory_space<vmem>>, vector<16xf32>,
    } {sc.loop_unroll_factor = 4 : i64, sc.parallel_access}
    %add3A_159 = arith.constant 16 : i32
    %add3A_160 = vector.broadcast %add3A_159 : i32 to vector<16xi32>
    %add3A_161 = arith.addi %add3A_14, %add3A_160 : vector<16xi32>
    %add3A_162 = arith.constant 16 : i32
    %add3A_163 = vector.broadcast %add3A_162 : i32 to vector<16xi32>
    %add3A_164 = arith.addi %add3A_30, %add3A_163 : vector<16xi32>
    %add3A_165 = arith.constant 16 : i32
    %add3A_166 = vector.broadcast %add3A_165 : i32 to vector<16xi32>
    %add3A_167 = arith.addi %add3A_46, %add3A_166 : vector<16xi32>
    %add3A_168 = arith.constant 16 : i32
    %add3A_169 = vector.broadcast %add3A_168 : i32 to vector<16xi32>
    %add3A_170 = arith.addi %add3A_62, %add3A_169 : vector<16xi32>
    %parallel_loop3A_171 = arith.constant 0 : i32
    %parallel_loop3A_172 = arith.constant 64 : i32
    %parallel_loop3A_173 = arith.constant 1 : i32
    scf.for %parallel_loop3A_218 = %parallel_loop3A_171 to %parallel_loop3A_172 step %parallel_loop3A_173  : i32 {
      %parallel_loop3A_219 = arith.constant 3 : i32
      %parallel_loop3A_220 = arith.shrsi %parallel_loop3A_218, %parallel_loop3A_219 : i32
      %parallel_loop3A_221 = arith.constant 32 : i32
      %parallel_loop3A_222 = arith.muli %parallel_loop3A_221, %parallel_loop3A_220 : i32
      %parallel_loop3A_223 = arith.constant 16 : i32
      %parallel_loop3A_224 = arith.addi %parallel_loop3A_223, %parallel_loop3A_222 : i32
      %parallel_loop3A_225 = arith.constant 7 : i32
      %parallel_loop3A_226 = arith.andi %parallel_loop3A_218, %parallel_loop3A_225 : i32
      %parallel_loop3A_227 = arith.addi %parallel_loop3A_224, %parallel_loop3A_226 : i32
      %parallel_loop3A_228 = vector.broadcast %parallel_loop3A_227 : i32 to vector<16xi32>
      %parallel_loop3A_229 = tpu.vector_load_idx %arg4[%parallel_loop3A_228, %add3A_161] : memref<256x256xf32, #tpu.memory_space<vmem>>[vector<16xi32>, vector<16xi32>], vector<16xf32>,
      %parallel_loop3A_230 = arith.constant 4 : i32
      %parallel_loop3A_231 = arith.index_cast %parallel_loop3A_230 : i32 to index
      %parallel_loop3A_232 = arith.index_cast %parallel_loop3A_218 : i32 to index
      %parallel_loop3A_233 = arith.constant 0 : index
      %parallel_loop3A_234 = tpu.vector_load %arg5[%parallel_loop3A_231, %parallel_loop3A_232, %parallel_loop3A_233] {strides = array<i32>} : memref<7x64x64xf32, #tpu.memory_space<vmem>>, vector<16xf32>,
      tpu.vector_store %arg5[%parallel_loop3A_231, %parallel_loop3A_232, %parallel_loop3A_233], %parallel_loop3A_229 {strides = array<i32>} : memref<7x64x64xf32, #tpu.memory_space<vmem>>, vector<16xf32>,
      %parallel_loop3A_235 = tpu.vector_load_idx %arg4[%parallel_loop3A_228, %add3A_164] : memref<256x256xf32, #tpu.memory_space<vmem>>[vector<16xi32>, vector<16xi32>], vector<16xf32>,
      %parallel_loop3A_236 = arith.constant 4 : i32
      %parallel_loop3A_237 = arith.index_cast %parallel_loop3A_236 : i32 to index
      %parallel_loop3A_238 = arith.index_cast %parallel_loop3A_218 : i32 to index
      %parallel_loop3A_239 = arith.constant 16 : index
      %parallel_loop3A_240 = tpu.vector_load %arg5[%parallel_loop3A_237, %parallel_loop3A_238, %parallel_loop3A_239] {strides = array<i32>} : memref<7x64x64xf32, #tpu.memory_space<vmem>>, vector<16xf32>,
      tpu.vector_store %arg5[%parallel_loop3A_237, %parallel_loop3A_238, %parallel_loop3A_239], %parallel_loop3A_235 {strides = array<i32>} : memref<7x64x64xf32, #tpu.memory_space<vmem>>, vector<16xf32>,
      %parallel_loop3A_241 = tpu.vector_load_idx %arg4[%parallel_loop3A_228, %add3A_167] : memref<256x256xf32, #tpu.memory_space<vmem>>[vector<16xi32>, vector<16xi32>], vector<16xf32>,
      %parallel_loop3A_242 = arith.constant 4 : i32
      %parallel_loop3A_243 = arith.index_cast %parallel_loop3A_242 : i32 to index
      %parallel_loop3A_244 = arith.index_cast %parallel_loop3A_218 : i32 to index
      %parallel_loop3A_245 = arith.constant 32 : index
      %parallel_loop3A_246 = tpu.vector_load %arg5[%parallel_loop3A_243, %parallel_loop3A_244, %parallel_loop3A_245] {strides = array<i32>} : memref<7x64x64xf32, #tpu.memory_space<vmem>>, vector<16xf32>,
      tpu.vector_store %arg5[%parallel_loop3A_243, %parallel_loop3A_244, %parallel_loop3A_245], %parallel_loop3A_241 {strides = array<i32>} : memref<7x64x64xf32, #tpu.memory_space<vmem>>, vector<16xf32>,
      %parallel_loop3A_247 = tpu.vector_load_idx %arg4[%parallel_loop3A_228, %add3A_170] : memref<256x256xf32, #tpu.memory_space<vmem>>[vector<16xi32>, vector<16xi32>], vector<16xf32>,
      %parallel_loop3A_248 = arith.constant 4 : i32
      %parallel_loop3A_249 = arith.index_cast %parallel_loop3A_248 : i32 to index
      %parallel_loop3A_250 = arith.index_cast %parallel_loop3A_218 : i32 to index
      %parallel_loop3A_251 = arith.constant 48 : index
      %parallel_loop3A_252 = tpu.vector_load %arg5[%parallel_loop3A_249, %parallel_loop3A_250, %parallel_loop3A_251] {strides = array<i32>} : memref<7x64x64xf32, #tpu.memory_space<vmem>>, vector<16xf32>,
      tpu.vector_store %arg5[%parallel_loop3A_249, %parallel_loop3A_250, %parallel_loop3A_251], %parallel_loop3A_247 {strides = array<i32>} : memref<7x64x64xf32, #tpu.memory_space<vmem>>, vector<16xf32>,
    } {sc.loop_unroll_factor = 4 : i64, sc.parallel_access}
    %add3A_174 = arith.constant 20 : i32
    %add3A_175 = vector.broadcast %add3A_174 : i32 to vector<16xi32>
    %add3A_176 = arith.addi %add3A_14, %add3A_175 : vector<16xi32>
    %add3A_177 = arith.constant 20 : i32
    %add3A_178 = vector.broadcast %add3A_177 : i32 to vector<16xi32>
    %add3A_179 = arith.addi %add3A_30, %add3A_178 : vector<16xi32>
    %add3A_180 = arith.constant 20 : i32
    %add3A_181 = vector.broadcast %add3A_180 : i32 to vector<16xi32>
    %add3A_182 = arith.addi %add3A_46, %add3A_181 : vector<16xi32>
    %add3A_183 = arith.constant 20 : i32
    %add3A_184 = vector.broadcast %add3A_183 : i32 to vector<16xi32>
    %add3A_185 = arith.addi %add3A_62, %add3A_184 : vector<16xi32>
    %parallel_loop3A_186 = arith.constant 0 : i32
    %parallel_loop3A_187 = arith.constant 64 : i32
    %parallel_loop3A_188 = arith.constant 1 : i32
    scf.for %parallel_loop3A_218 = %parallel_loop3A_186 to %parallel_loop3A_187 step %parallel_loop3A_188  : i32 {
      %parallel_loop3A_219 = arith.constant 3 : i32
      %parallel_loop3A_220 = arith.shrsi %parallel_loop3A_218, %parallel_loop3A_219 : i32
      %parallel_loop3A_221 = arith.constant 32 : i32
      %parallel_loop3A_222 = arith.muli %parallel_loop3A_221, %parallel_loop3A_220 : i32
      %parallel_loop3A_223 = arith.constant 20 : i32
      %parallel_loop3A_224 = arith.addi %parallel_loop3A_223, %parallel_loop3A_222 : i32
      %parallel_loop3A_225 = arith.constant 7 : i32
      %parallel_loop3A_226 = arith.andi %parallel_loop3A_218, %parallel_loop3A_225 : i32
      %parallel_loop3A_227 = arith.addi %parallel_loop3A_224, %parallel_loop3A_226 : i32
      %parallel_loop3A_228 = vector.broadcast %parallel_loop3A_227 : i32 to vector<16xi32>
      %parallel_loop3A_229 = tpu.vector_load_idx %arg4[%parallel_loop3A_228, %add3A_176] : memref<256x256xf32, #tpu.memory_space<vmem>>[vector<16xi32>, vector<16xi32>], vector<16xf32>,
      %parallel_loop3A_230 = arith.constant 5 : i32
      %parallel_loop3A_231 = arith.index_cast %parallel_loop3A_230 : i32 to index
      %parallel_loop3A_232 = arith.index_cast %parallel_loop3A_218 : i32 to index
      %parallel_loop3A_233 = arith.constant 0 : index
      %parallel_loop3A_234 = tpu.vector_load %arg5[%parallel_loop3A_231, %parallel_loop3A_232, %parallel_loop3A_233] {strides = array<i32>} : memref<7x64x64xf32, #tpu.memory_space<vmem>>, vector<16xf32>,
      tpu.vector_store %arg5[%parallel_loop3A_231, %parallel_loop3A_232, %parallel_loop3A_233], %parallel_loop3A_229 {strides = array<i32>} : memref<7x64x64xf32, #tpu.memory_space<vmem>>, vector<16xf32>,
      %parallel_loop3A_235 = tpu.vector_load_idx %arg4[%parallel_loop3A_228, %add3A_179] : memref<256x256xf32, #tpu.memory_space<vmem>>[vector<16xi32>, vector<16xi32>], vector<16xf32>,
      %parallel_loop3A_236 = arith.constant 5 : i32
      %parallel_loop3A_237 = arith.index_cast %parallel_loop3A_236 : i32 to index
      %parallel_loop3A_238 = arith.index_cast %parallel_loop3A_218 : i32 to index
      %parallel_loop3A_239 = arith.constant 16 : index
      %parallel_loop3A_240 = tpu.vector_load %arg5[%parallel_loop3A_237, %parallel_loop3A_238, %parallel_loop3A_239] {strides = array<i32>} : memref<7x64x64xf32, #tpu.memory_space<vmem>>, vector<16xf32>,
      tpu.vector_store %arg5[%parallel_loop3A_237, %parallel_loop3A_238, %parallel_loop3A_239], %parallel_loop3A_235 {strides = array<i32>} : memref<7x64x64xf32, #tpu.memory_space<vmem>>, vector<16xf32>,
      %parallel_loop3A_241 = tpu.vector_load_idx %arg4[%parallel_loop3A_228, %add3A_182] : memref<256x256xf32, #tpu.memory_space<vmem>>[vector<16xi32>, vector<16xi32>], vector<16xf32>,
      %parallel_loop3A_242 = arith.constant 5 : i32
      %parallel_loop3A_243 = arith.index_cast %parallel_loop3A_242 : i32 to index
      %parallel_loop3A_244 = arith.index_cast %parallel_loop3A_218 : i32 to index
      %parallel_loop3A_245 = arith.constant 32 : index
      %parallel_loop3A_246 = tpu.vector_load %arg5[%parallel_loop3A_243, %parallel_loop3A_244, %parallel_loop3A_245] {strides = array<i32>} : memref<7x64x64xf32, #tpu.memory_space<vmem>>, vector<16xf32>,
      tpu.vector_store %arg5[%parallel_loop3A_243, %parallel_loop3A_244, %parallel_loop3A_245], %parallel_loop3A_241 {strides = array<i32>} : memref<7x64x64xf32, #tpu.memory_space<vmem>>, vector<16xf32>,
      %parallel_loop3A_247 = tpu.vector_load_idx %arg4[%parallel_loop3A_228, %add3A_185] : memref<256x256xf32, #tpu.memory_space<vmem>>[vector<16xi32>, vector<16xi32>], vector<16xf32>,
      %parallel_loop3A_248 = arith.constant 5 : i32
      %parallel_loop3A_249 = arith.index_cast %parallel_loop3A_248 : i32 to index
      %parallel_loop3A_250 = arith.index_cast %parallel_loop3A_218 : i32 to index
      %parallel_loop3A_251 = arith.constant 48 : index
      %parallel_loop3A_252 = tpu.vector_load %arg5[%parallel_loop3A_249, %parallel_loop3A_250, %parallel_loop3A_251] {strides = array<i32>} : memref<7x64x64xf32, #tpu.memory_space<vmem>>, vector<16xf32>,
      tpu.vector_store %arg5[%parallel_loop3A_249, %parallel_loop3A_250, %parallel_loop3A_251], %parallel_loop3A_247 {strides = array<i32>} : memref<7x64x64xf32, #tpu.memory_space<vmem>>, vector<16xf32>,
    } {sc.loop_unroll_factor = 4 : i64, sc.parallel_access}
    %add3A_189 = arith.constant 24 : i32
    %add3A_190 = vector.broadcast %add3A_189 : i32 to vector<16xi32>
    %add3A_191 = arith.addi %add3A_14, %add3A_190 : vector<16xi32>
    %add3A_192 = arith.constant 24 : i32
    %add3A_193 = vector.broadcast %add3A_192 : i32 to vector<16xi32>
    %add3A_194 = arith.addi %add3A_30, %add3A_193 : vector<16xi32>
    %add3A_195 = arith.constant 24 : i32
    %add3A_196 = vector.broadcast %add3A_195 : i32 to vector<16xi32>
    %add3A_197 = arith.addi %add3A_46, %add3A_196 : vector<16xi32>
    %add3A_198 = arith.constant 24 : i32
    %add3A_199 = vector.broadcast %add3A_198 : i32 to vector<16xi32>
    %add3A_200 = arith.addi %add3A_62, %add3A_199 : vector<16xi32>
    %parallel_loop3A_201 = arith.constant 0 : i32
    %parallel_loop3A_202 = arith.constant 64 : i32
    %parallel_loop3A_203 = arith.constant 1 : i32
    scf.for %parallel_loop3A_218 = %parallel_loop3A_201 to %parallel_loop3A_202 step %parallel_loop3A_203  : i32 {
      %parallel_loop3A_219 = arith.constant 3 : i32
      %parallel_loop3A_220 = arith.shrsi %parallel_loop3A_218, %parallel_loop3A_219 : i32
      %parallel_loop3A_221 = arith.constant 32 : i32
      %parallel_loop3A_222 = arith.muli %parallel_loop3A_221, %parallel_loop3A_220 : i32
      %parallel_loop3A_223 = arith.constant 24 : i32
      %parallel_loop3A_224 = arith.addi %parallel_loop3A_223, %parallel_loop3A_222 : i32
      %parallel_loop3A_225 = arith.constant 7 : i32
      %parallel_loop3A_226 = arith.andi %parallel_loop3A_218, %parallel_loop3A_225 : i32
      %parallel_loop3A_227 = arith.addi %parallel_loop3A_224, %parallel_loop3A_226 : i32
      %parallel_loop3A_228 = vector.broadcast %parallel_loop3A_227 : i32 to vector<16xi32>
      %parallel_loop3A_229 = tpu.vector_load_idx %arg4[%parallel_loop3A_228, %add3A_191] : memref<256x256xf32, #tpu.memory_space<vmem>>[vector<16xi32>, vector<16xi32>], vector<16xf32>,
      %parallel_loop3A_230 = arith.constant 6 : i32
      %parallel_loop3A_231 = arith.index_cast %parallel_loop3A_230 : i32 to index
      %parallel_loop3A_232 = arith.index_cast %parallel_loop3A_218 : i32 to index
      %parallel_loop3A_233 = arith.constant 0 : index
      %parallel_loop3A_234 = tpu.vector_load %arg5[%parallel_loop3A_231, %parallel_loop3A_232, %parallel_loop3A_233] {strides = array<i32>} : memref<7x64x64xf32, #tpu.memory_space<vmem>>, vector<16xf32>,
      tpu.vector_store %arg5[%parallel_loop3A_231, %parallel_loop3A_232, %parallel_loop3A_233], %parallel_loop3A_229 {strides = array<i32>} : memref<7x64x64xf32, #tpu.memory_space<vmem>>, vector<16xf32>,
      %parallel_loop3A_235 = tpu.vector_load_idx %arg4[%parallel_loop3A_228, %add3A_194] : memref<256x256xf32, #tpu.memory_space<vmem>>[vector<16xi32>, vector<16xi32>], vector<16xf32>,
      %parallel_loop3A_236 = arith.constant 6 : i32
      %parallel_loop3A_237 = arith.index_cast %parallel_loop3A_236 : i32 to index
      %parallel_loop3A_238 = arith.index_cast %parallel_loop3A_218 : i32 to index
      %parallel_loop3A_239 = arith.constant 16 : index
      %parallel_loop3A_240 = tpu.vector_load %arg5[%parallel_loop3A_237, %parallel_loop3A_238, %parallel_loop3A_239] {strides = array<i32>} : memref<7x64x64xf32, #tpu.memory_space<vmem>>, vector<16xf32>,
      tpu.vector_store %arg5[%parallel_loop3A_237, %parallel_loop3A_238, %parallel_loop3A_239], %parallel_loop3A_235 {strides = array<i32>} : memref<7x64x64xf32, #tpu.memory_space<vmem>>, vector<16xf32>,
      %parallel_loop3A_241 = tpu.vector_load_idx %arg4[%parallel_loop3A_228, %add3A_197] : memref<256x256xf32, #tpu.memory_space<vmem>>[vector<16xi32>, vector<16xi32>], vector<16xf32>,
      %parallel_loop3A_242 = arith.constant 6 : i32
      %parallel_loop3A_243 = arith.index_cast %parallel_loop3A_242 : i32 to index
      %parallel_loop3A_244 = arith.index_cast %parallel_loop3A_218 : i32 to index
      %parallel_loop3A_245 = arith.constant 32 : index
      %parallel_loop3A_246 = tpu.vector_load %arg5[%parallel_loop3A_243, %parallel_loop3A_244, %parallel_loop3A_245] {strides = array<i32>} : memref<7x64x64xf32, #tpu.memory_space<vmem>>, vector<16xf32>,
      tpu.vector_store %arg5[%parallel_loop3A_243, %parallel_loop3A_244, %parallel_loop3A_245], %parallel_loop3A_241 {strides = array<i32>} : memref<7x64x64xf32, #tpu.memory_space<vmem>>, vector<16xf32>,
      %parallel_loop3A_247 = tpu.vector_load_idx %arg4[%parallel_loop3A_228, %add3A_200] : memref<256x256xf32, #tpu.memory_space<vmem>>[vector<16xi32>, vector<16xi32>], vector<16xf32>,
      %parallel_loop3A_248 = arith.constant 6 : i32
      %parallel_loop3A_249 = arith.index_cast %parallel_loop3A_248 : i32 to index
      %parallel_loop3A_250 = arith.index_cast %parallel_loop3A_218 : i32 to index
      %parallel_loop3A_251 = arith.constant 48 : index
      %parallel_loop3A_252 = tpu.vector_load %arg5[%parallel_loop3A_249, %parallel_loop3A_250, %parallel_loop3A_251] {strides = array<i32>} : memref<7x64x64xf32, #tpu.memory_space<vmem>>, vector<16xf32>,
      tpu.vector_store %arg5[%parallel_loop3A_249, %parallel_loop3A_250, %parallel_loop3A_251], %parallel_loop3A_247 {strides = array<i32>} : memref<7x64x64xf32, #tpu.memory_space<vmem>>, vector<16xf32>,
    } {sc.loop_unroll_factor = 4 : i64, sc.parallel_access}
    %mul3A_204 = arith.constant 7 : i32
    %mul3A_205 = arith.muli %add3A, %mul3A_204 : i32
    %dma_start3A = arith.constant 0 : i32
    %dma_start3A_206 = arith.constant 0 : i32
    %dma_start3A_207 = tpu.memref_slice %arg3[%mul3A_205, %dma_start3A, %dma_start3A_206] : memref<392x64x64xf32, #tpu.memory_space<hbm>> -> memref<7x64x64xf32, #tpu.memory_space<hbm>>
    %dma_start3A_208 = arith.constant 0 : i32
    %dma_start3A_209 = arith.constant 0 : i32
    %dma_start3A_210 = tpu.memref_slice %arg3[%mul3A_205, %dma_start3A_208, %dma_start3A_209] : memref<392x64x64xf32, #tpu.memory_space<hbm>> -> memref<7x64x64xf32, #tpu.memory_space<hbm>>
    tpu.enqueue_dma source(%arg5 : memref<7x64x64xf32, #tpu.memory_space<vmem>>) target(%dma_start3A_210 : memref<7x64x64xf32, #tpu.memory_space<hbm>>) target_semaphore(%arg6 : memref<!tpu.dma_semaphore, #tpu.memory_space<semaphore_mem>>)
    %lt3A_211 = arith.constant 56 : i32
    %lt3A_212 = arith.cmpi slt, %add3A_64, %lt3A_211 : i32
    %convert_element_type3A = arith.extui %lt3A_212 : i1 to i32
    %cond3A = arith.constant 0 : i32
    %cond3A_213 = arith.cmpi ne, %convert_element_type3A, %cond3A : i32
    scf.if %cond3A_213 {
      %jit3A_218 = arith.constant 7 : i32
      %div3A_219 = arith.divsi %add3A_64, %jit3A_218 : i32
      %sign3A_220 = arith.constant 0 : i32
      %sign3A_221 = arith.cmpi sgt, %add3A_64, %sign3A_220 : i32
      %sign3A_222 = arith.extui %sign3A_221 : i1 to i32
      %sign3A_223 = arith.constant 0 : i32
      %sign3A_224 = arith.cmpi slt, %add3A_64, %sign3A_223 : i32
      %sign3A_225 = arith.extui %sign3A_224 : i1 to i32
      %sign3A_226 = arith.subi %sign3A_222, %sign3A_225 : i32
      %sign3A_227 = arith.constant 0 : i32
      %sign3A_228 = arith.cmpi sgt, %jit3A_218, %sign3A_227 : i32
      %sign3A_229 = arith.extui %sign3A_228 : i1 to i32
      %sign3A_230 = arith.constant 0 : i32
      %sign3A_231 = arith.cmpi slt, %jit3A_218, %sign3A_230 : i32
      %sign3A_232 = arith.extui %sign3A_231 : i1 to i32
      %sign3A_233 = arith.subi %sign3A_229, %sign3A_232 : i32
      %ne3A_234 = arith.cmpi ne, %sign3A_226, %sign3A_233 : i32
      %rem3A_235 = arith.remsi %add3A_64, %jit3A_218 : i32
      %ne3A_236 = arith.constant 0 : i32
      %ne3A_237 = arith.cmpi ne, %rem3A_235, %ne3A_236 : i32
      %and3A_238 = arith.andi %ne3A_234, %ne3A_237 : i1
      %sub3A_239 = arith.constant 1 : i32
      %sub3A_240 = arith.subi %div3A_219, %sub3A_239 : i32
      %select_n3A_241 = arith.select %and3A_238, %sub3A_240, %div3A_219 : i32
      %jit3A_242 = arith.constant 7 : i32
      %eq3A_243 = arith.constant 0 : i32
      %eq3A_244 = arith.cmpi eq, %jit3A_242, %eq3A_243 : i32
      %jit3A_245 = arith.constant 1 : i32
      %select_n3A_246 = arith.select %eq3A_244, %jit3A_245, %jit3A_242 : i32
      %rem3A_247 = arith.remsi %add3A_64, %select_n3A_246 : i32
      %ne3A_248 = arith.constant 0 : i32
      %ne3A_249 = arith.cmpi ne, %rem3A_247, %ne3A_248 : i32
      %lt3A_250 = arith.constant 0 : i32
      %lt3A_251 = arith.cmpi slt, %rem3A_247, %lt3A_250 : i32
      %lt3A_252 = arith.constant 0 : i32
      %lt3A_253 = arith.cmpi slt, %select_n3A_246, %lt3A_252 : i32
      %ne3A_254 = arith.xori %lt3A_251, %lt3A_253 : i1
      %and3A_255 = arith.andi %ne3A_254, %ne3A_249 : i1
      %add3A_256 = arith.addi %rem3A_247, %select_n3A_246 : i32
      %select_n3A_257 = arith.select %and3A_255, %add3A_256, %rem3A_247 : i32
      %mul3A_258 = arith.constant 128 : i32
      %mul3A_259 = arith.muli %select_n3A_257, %mul3A_258 : i32
      %mul3A_260 = arith.constant 128 : i32
      %mul3A_261 = arith.muli %select_n3A_257, %mul3A_260 : i32
      "tpu.region"() ({
        %run_scoped3A = tpu.sem_alloc : memref<!tpu.dma_semaphore, #tpu.memory_space<semaphore_mem>>
        %dma_start3A_386 = tpu.memref_slice %arg2[%select_n3A_241, %mul3A_259, %mul3A_261] : memref<8x1024x1024xf32, #tpu.memory_space<hbm>> -> memref<1x256x256xf32, #tpu.memory_space<hbm>>
        %dma_start3A_387 = tpu.memref_squeeze %dma_start3A_386 : memref<1x256x256xf32, #tpu.memory_space<hbm>> -> memref<256x256xf32, #tpu.memory_space<hbm>>
        %dma_start3A_388 = tpu.memref_slice %arg2[%select_n3A_241, %mul3A_259, %mul3A_261] : memref<8x1024x1024xf32, #tpu.memory_space<hbm>> -> memref<1x256x256xf32, #tpu.memory_space<hbm>>
        %dma_start3A_389 = tpu.memref_squeeze %dma_start3A_388 : memref<1x256x256xf32, #tpu.memory_space<hbm>> -> memref<256x256xf32, #tpu.memory_space<hbm>>
        tpu.enqueue_dma source(%dma_start3A_389 : memref<256x256xf32, #tpu.memory_space<hbm>>) target(%arg4 : memref<256x256xf32, #tpu.memory_space<vmem>>) target_semaphore(%run_scoped3A : memref<!tpu.dma_semaphore, #tpu.memory_space<semaphore_mem>>)
        %dma_wait3A_390 = tpu.memref_slice %arg2[%select_n3A_241, %mul3A_259, %mul3A_261] : memref<8x1024x1024xf32, #tpu.memory_space<hbm>> -> memref<1x256x256xf32, #tpu.memory_space<hbm>>
        %dma_wait3A_391 = tpu.memref_squeeze %dma_wait3A_390 : memref<1x256x256xf32, #tpu.memory_space<hbm>> -> memref<256x256xf32, #tpu.memory_space<hbm>>
        %dma_wait3A_392 = tpu.memref_slice %arg2[%select_n3A_241, %mul3A_259, %mul3A_261] : memref<8x1024x1024xf32, #tpu.memory_space<hbm>> -> memref<1x256x256xf32, #tpu.memory_space<hbm>>
        %dma_wait3A_393 = tpu.memref_squeeze %dma_wait3A_392 : memref<1x256x256xf32, #tpu.memory_space<hbm>> -> memref<256x256xf32, #tpu.memory_space<hbm>>
        tpu.wait_dma2 semaphore(%run_scoped3A : memref<!tpu.dma_semaphore, #tpu.memory_space<semaphore_mem>>) src(%dma_wait3A_393 : memref<256x256xf32, #tpu.memory_space<hbm>>) dst(%arg4 : memref<256x256xf32, #tpu.memory_space<vmem>>)
        tpu.yield
      }) : () -> ()
      %dma_wait3A = arith.constant 0 : i32
      %dma_wait3A_262 = arith.constant 0 : i32
      %dma_wait3A_263 = tpu.memref_slice %arg3[%mul3A_205, %dma_wait3A, %dma_wait3A_262] : memref<392x64x64xf32, #tpu.memory_space<hbm>> -> memref<7x64x64xf32, #tpu.memory_space<hbm>>
      %dma_wait3A_264 = arith.constant 0 : i32
      %dma_wait3A_265 = arith.constant 0 : i32
      %dma_wait3A_266 = tpu.memref_slice %arg3[%mul3A_205, %dma_wait3A_264, %dma_wait3A_265] : memref<392x64x64xf32, #tpu.memory_space<hbm>> -> memref<7x64x64xf32, #tpu.memory_space<hbm>>
      tpu.wait_dma2 semaphore(%arg6 : memref<!tpu.dma_semaphore, #tpu.memory_space<semaphore_mem>>) src(%arg5 : memref<7x64x64xf32, #tpu.memory_space<vmem>>) dst(%dma_wait3A_266 : memref<7x64x64xf32, #tpu.memory_space<hbm>>)
      %add3A_267 = arith.constant 0 : i32
      %add3A_268 = vector.broadcast %add3A_267 : i32 to vector<16xi32>
      %add3A_269 = arith.addi %add3A_14, %add3A_268 : vector<16xi32>
      %add3A_270 = arith.constant 0 : i32
      %add3A_271 = vector.broadcast %add3A_270 : i32 to vector<16xi32>
      %add3A_272 = arith.addi %add3A_30, %add3A_271 : vector<16xi32>
      %add3A_273 = arith.constant 0 : i32
      %add3A_274 = vector.broadcast %add3A_273 : i32 to vector<16xi32>
      %add3A_275 = arith.addi %add3A_46, %add3A_274 : vector<16xi32>
      %add3A_276 = arith.constant 0 : i32
      %add3A_277 = vector.broadcast %add3A_276 : i32 to vector<16xi32>
      %add3A_278 = arith.addi %add3A_62, %add3A_277 : vector<16xi32>
      %parallel_loop3A_279 = arith.constant 0 : i32
      %parallel_loop3A_280 = arith.constant 64 : i32
      %parallel_loop3A_281 = arith.constant 1 : i32
      scf.for %parallel_loop3A_386 = %parallel_loop3A_279 to %parallel_loop3A_280 step %parallel_loop3A_281  : i32 {
        %parallel_loop3A_387 = arith.constant 3 : i32
        %parallel_loop3A_388 = arith.shrsi %parallel_loop3A_386, %parallel_loop3A_387 : i32
        %parallel_loop3A_389 = arith.constant 32 : i32
        %parallel_loop3A_390 = arith.muli %parallel_loop3A_389, %parallel_loop3A_388 : i32
        %parallel_loop3A_391 = arith.constant 0 : i32
        %parallel_loop3A_392 = arith.addi %parallel_loop3A_391, %parallel_loop3A_390 : i32
        %parallel_loop3A_393 = arith.constant 7 : i32
        %parallel_loop3A_394 = arith.andi %parallel_loop3A_386, %parallel_loop3A_393 : i32
        %parallel_loop3A_395 = arith.addi %parallel_loop3A_392, %parallel_loop3A_394 : i32
        %parallel_loop3A_396 = vector.broadcast %parallel_loop3A_395 : i32 to vector<16xi32>
        %parallel_loop3A_397 = tpu.vector_load_idx %arg4[%parallel_loop3A_396, %add3A_269] : memref<256x256xf32, #tpu.memory_space<vmem>>[vector<16xi32>, vector<16xi32>], vector<16xf32>,
        %parallel_loop3A_398 = arith.constant 0 : i32
        %parallel_loop3A_399 = arith.index_cast %parallel_loop3A_398 : i32 to index
        %parallel_loop3A_400 = arith.index_cast %parallel_loop3A_386 : i32 to index
        %parallel_loop3A_401 = arith.constant 0 : index
        %parallel_loop3A_402 = tpu.vector_load %arg5[%parallel_loop3A_399, %parallel_loop3A_400, %parallel_loop3A_401] {strides = array<i32>} : memref<7x64x64xf32, #tpu.memory_space<vmem>>, vector<16xf32>,
        tpu.vector_store %arg5[%parallel_loop3A_399, %parallel_loop3A_400, %parallel_loop3A_401], %parallel_loop3A_397 {strides = array<i32>} : memref<7x64x64xf32, #tpu.memory_space<vmem>>, vector<16xf32>,
        %parallel_loop3A_403 = tpu.vector_load_idx %arg4[%parallel_loop3A_396, %add3A_272] : memref<256x256xf32, #tpu.memory_space<vmem>>[vector<16xi32>, vector<16xi32>], vector<16xf32>,
        %parallel_loop3A_404 = arith.constant 0 : i32
        %parallel_loop3A_405 = arith.index_cast %parallel_loop3A_404 : i32 to index
        %parallel_loop3A_406 = arith.index_cast %parallel_loop3A_386 : i32 to index
        %parallel_loop3A_407 = arith.constant 16 : index
        %parallel_loop3A_408 = tpu.vector_load %arg5[%parallel_loop3A_405, %parallel_loop3A_406, %parallel_loop3A_407] {strides = array<i32>} : memref<7x64x64xf32, #tpu.memory_space<vmem>>, vector<16xf32>,
        tpu.vector_store %arg5[%parallel_loop3A_405, %parallel_loop3A_406, %parallel_loop3A_407], %parallel_loop3A_403 {strides = array<i32>} : memref<7x64x64xf32, #tpu.memory_space<vmem>>, vector<16xf32>,
        %parallel_loop3A_409 = tpu.vector_load_idx %arg4[%parallel_loop3A_396, %add3A_275] : memref<256x256xf32, #tpu.memory_space<vmem>>[vector<16xi32>, vector<16xi32>], vector<16xf32>,
        %parallel_loop3A_410 = arith.constant 0 : i32
        %parallel_loop3A_411 = arith.index_cast %parallel_loop3A_410 : i32 to index
        %parallel_loop3A_412 = arith.index_cast %parallel_loop3A_386 : i32 to index
        %parallel_loop3A_413 = arith.constant 32 : index
        %parallel_loop3A_414 = tpu.vector_load %arg5[%parallel_loop3A_411, %parallel_loop3A_412, %parallel_loop3A_413] {strides = array<i32>} : memref<7x64x64xf32, #tpu.memory_space<vmem>>, vector<16xf32>,
        tpu.vector_store %arg5[%parallel_loop3A_411, %parallel_loop3A_412, %parallel_loop3A_413], %parallel_loop3A_409 {strides = array<i32>} : memref<7x64x64xf32, #tpu.memory_space<vmem>>, vector<16xf32>,
        %parallel_loop3A_415 = tpu.vector_load_idx %arg4[%parallel_loop3A_396, %add3A_278] : memref<256x256xf32, #tpu.memory_space<vmem>>[vector<16xi32>, vector<16xi32>], vector<16xf32>,
        %parallel_loop3A_416 = arith.constant 0 : i32
        %parallel_loop3A_417 = arith.index_cast %parallel_loop3A_416 : i32 to index
        %parallel_loop3A_418 = arith.index_cast %parallel_loop3A_386 : i32 to index
        %parallel_loop3A_419 = arith.constant 48 : index
        %parallel_loop3A_420 = tpu.vector_load %arg5[%parallel_loop3A_417, %parallel_loop3A_418, %parallel_loop3A_419] {strides = array<i32>} : memref<7x64x64xf32, #tpu.memory_space<vmem>>, vector<16xf32>,
        tpu.vector_store %arg5[%parallel_loop3A_417, %parallel_loop3A_418, %parallel_loop3A_419], %parallel_loop3A_415 {strides = array<i32>} : memref<7x64x64xf32, #tpu.memory_space<vmem>>, vector<16xf32>,
      } {sc.loop_unroll_factor = 4 : i64, sc.parallel_access}
      %add3A_282 = arith.constant 4 : i32
      %add3A_283 = vector.broadcast %add3A_282 : i32 to vector<16xi32>
      %add3A_284 = arith.addi %add3A_14, %add3A_283 : vector<16xi32>
      %add3A_285 = arith.constant 4 : i32
      %add3A_286 = vector.broadcast %add3A_285 : i32 to vector<16xi32>
      %add3A_287 = arith.addi %add3A_30, %add3A_286 : vector<16xi32>
      %add3A_288 = arith.constant 4 : i32
      %add3A_289 = vector.broadcast %add3A_288 : i32 to vector<16xi32>
      %add3A_290 = arith.addi %add3A_46, %add3A_289 : vector<16xi32>
      %add3A_291 = arith.constant 4 : i32
      %add3A_292 = vector.broadcast %add3A_291 : i32 to vector<16xi32>
      %add3A_293 = arith.addi %add3A_62, %add3A_292 : vector<16xi32>
      %parallel_loop3A_294 = arith.constant 0 : i32
      %parallel_loop3A_295 = arith.constant 64 : i32
      %parallel_loop3A_296 = arith.constant 1 : i32
      scf.for %parallel_loop3A_386 = %parallel_loop3A_294 to %parallel_loop3A_295 step %parallel_loop3A_296  : i32 {
        %parallel_loop3A_387 = arith.constant 3 : i32
        %parallel_loop3A_388 = arith.shrsi %parallel_loop3A_386, %parallel_loop3A_387 : i32
        %parallel_loop3A_389 = arith.constant 32 : i32
        %parallel_loop3A_390 = arith.muli %parallel_loop3A_389, %parallel_loop3A_388 : i32
        %parallel_loop3A_391 = arith.constant 4 : i32
        %parallel_loop3A_392 = arith.addi %parallel_loop3A_391, %parallel_loop3A_390 : i32
        %parallel_loop3A_393 = arith.constant 7 : i32
        %parallel_loop3A_394 = arith.andi %parallel_loop3A_386, %parallel_loop3A_393 : i32
        %parallel_loop3A_395 = arith.addi %parallel_loop3A_392, %parallel_loop3A_394 : i32
        %parallel_loop3A_396 = vector.broadcast %parallel_loop3A_395 : i32 to vector<16xi32>
        %parallel_loop3A_397 = tpu.vector_load_idx %arg4[%parallel_loop3A_396, %add3A_284] : memref<256x256xf32, #tpu.memory_space<vmem>>[vector<16xi32>, vector<16xi32>], vector<16xf32>,
        %parallel_loop3A_398 = arith.constant 1 : i32
        %parallel_loop3A_399 = arith.index_cast %parallel_loop3A_398 : i32 to index
        %parallel_loop3A_400 = arith.index_cast %parallel_loop3A_386 : i32 to index
        %parallel_loop3A_401 = arith.constant 0 : index
        %parallel_loop3A_402 = tpu.vector_load %arg5[%parallel_loop3A_399, %parallel_loop3A_400, %parallel_loop3A_401] {strides = array<i32>} : memref<7x64x64xf32, #tpu.memory_space<vmem>>, vector<16xf32>,
        tpu.vector_store %arg5[%parallel_loop3A_399, %parallel_loop3A_400, %parallel_loop3A_401], %parallel_loop3A_397 {strides = array<i32>} : memref<7x64x64xf32, #tpu.memory_space<vmem>>, vector<16xf32>,
        %parallel_loop3A_403 = tpu.vector_load_idx %arg4[%parallel_loop3A_396, %add3A_287] : memref<256x256xf32, #tpu.memory_space<vmem>>[vector<16xi32>, vector<16xi32>], vector<16xf32>,
        %parallel_loop3A_404 = arith.constant 1 : i32
        %parallel_loop3A_405 = arith.index_cast %parallel_loop3A_404 : i32 to index
        %parallel_loop3A_406 = arith.index_cast %parallel_loop3A_386 : i32 to index
        %parallel_loop3A_407 = arith.constant 16 : index
        %parallel_loop3A_408 = tpu.vector_load %arg5[%parallel_loop3A_405, %parallel_loop3A_406, %parallel_loop3A_407] {strides = array<i32>} : memref<7x64x64xf32, #tpu.memory_space<vmem>>, vector<16xf32>,
        tpu.vector_store %arg5[%parallel_loop3A_405, %parallel_loop3A_406, %parallel_loop3A_407], %parallel_loop3A_403 {strides = array<i32>} : memref<7x64x64xf32, #tpu.memory_space<vmem>>, vector<16xf32>,
        %parallel_loop3A_409 = tpu.vector_load_idx %arg4[%parallel_loop3A_396, %add3A_290] : memref<256x256xf32, #tpu.memory_space<vmem>>[vector<16xi32>, vector<16xi32>], vector<16xf32>,
        %parallel_loop3A_410 = arith.constant 1 : i32
        %parallel_loop3A_411 = arith.index_cast %parallel_loop3A_410 : i32 to index
        %parallel_loop3A_412 = arith.index_cast %parallel_loop3A_386 : i32 to index
        %parallel_loop3A_413 = arith.constant 32 : index
        %parallel_loop3A_414 = tpu.vector_load %arg5[%parallel_loop3A_411, %parallel_loop3A_412, %parallel_loop3A_413] {strides = array<i32>} : memref<7x64x64xf32, #tpu.memory_space<vmem>>, vector<16xf32>,
        tpu.vector_store %arg5[%parallel_loop3A_411, %parallel_loop3A_412, %parallel_loop3A_413], %parallel_loop3A_409 {strides = array<i32>} : memref<7x64x64xf32, #tpu.memory_space<vmem>>, vector<16xf32>,
        %parallel_loop3A_415 = tpu.vector_load_idx %arg4[%parallel_loop3A_396, %add3A_293] : memref<256x256xf32, #tpu.memory_space<vmem>>[vector<16xi32>, vector<16xi32>], vector<16xf32>,
        %parallel_loop3A_416 = arith.constant 1 : i32
        %parallel_loop3A_417 = arith.index_cast %parallel_loop3A_416 : i32 to index
        %parallel_loop3A_418 = arith.index_cast %parallel_loop3A_386 : i32 to index
        %parallel_loop3A_419 = arith.constant 48 : index
        %parallel_loop3A_420 = tpu.vector_load %arg5[%parallel_loop3A_417, %parallel_loop3A_418, %parallel_loop3A_419] {strides = array<i32>} : memref<7x64x64xf32, #tpu.memory_space<vmem>>, vector<16xf32>,
        tpu.vector_store %arg5[%parallel_loop3A_417, %parallel_loop3A_418, %parallel_loop3A_419], %parallel_loop3A_415 {strides = array<i32>} : memref<7x64x64xf32, #tpu.memory_space<vmem>>, vector<16xf32>,
      } {sc.loop_unroll_factor = 4 : i64, sc.parallel_access}
      %add3A_297 = arith.constant 8 : i32
      %add3A_298 = vector.broadcast %add3A_297 : i32 to vector<16xi32>
      %add3A_299 = arith.addi %add3A_14, %add3A_298 : vector<16xi32>
      %add3A_300 = arith.constant 8 : i32
      %add3A_301 = vector.broadcast %add3A_300 : i32 to vector<16xi32>
      %add3A_302 = arith.addi %add3A_30, %add3A_301 : vector<16xi32>
      %add3A_303 = arith.constant 8 : i32
      %add3A_304 = vector.broadcast %add3A_303 : i32 to vector<16xi32>
      %add3A_305 = arith.addi %add3A_46, %add3A_304 : vector<16xi32>
      %add3A_306 = arith.constant 8 : i32
      %add3A_307 = vector.broadcast %add3A_306 : i32 to vector<16xi32>
      %add3A_308 = arith.addi %add3A_62, %add3A_307 : vector<16xi32>
      %parallel_loop3A_309 = arith.constant 0 : i32
      %parallel_loop3A_310 = arith.constant 64 : i32
      %parallel_loop3A_311 = arith.constant 1 : i32
      scf.for %parallel_loop3A_386 = %parallel_loop3A_309 to %parallel_loop3A_310 step %parallel_loop3A_311  : i32 {
        %parallel_loop3A_387 = arith.constant 3 : i32
        %parallel_loop3A_388 = arith.shrsi %parallel_loop3A_386, %parallel_loop3A_387 : i32
        %parallel_loop3A_389 = arith.constant 32 : i32
        %parallel_loop3A_390 = arith.muli %parallel_loop3A_389, %parallel_loop3A_388 : i32
        %parallel_loop3A_391 = arith.constant 8 : i32
        %parallel_loop3A_392 = arith.addi %parallel_loop3A_391, %parallel_loop3A_390 : i32
        %parallel_loop3A_393 = arith.constant 7 : i32
        %parallel_loop3A_394 = arith.andi %parallel_loop3A_386, %parallel_loop3A_393 : i32
        %parallel_loop3A_395 = arith.addi %parallel_loop3A_392, %parallel_loop3A_394 : i32
        %parallel_loop3A_396 = vector.broadcast %parallel_loop3A_395 : i32 to vector<16xi32>
        %parallel_loop3A_397 = tpu.vector_load_idx %arg4[%parallel_loop3A_396, %add3A_299] : memref<256x256xf32, #tpu.memory_space<vmem>>[vector<16xi32>, vector<16xi32>], vector<16xf32>,
        %parallel_loop3A_398 = arith.constant 2 : i32
        %parallel_loop3A_399 = arith.index_cast %parallel_loop3A_398 : i32 to index
        %parallel_loop3A_400 = arith.index_cast %parallel_loop3A_386 : i32 to index
        %parallel_loop3A_401 = arith.constant 0 : index
        %parallel_loop3A_402 = tpu.vector_load %arg5[%parallel_loop3A_399, %parallel_loop3A_400, %parallel_loop3A_401] {strides = array<i32>} : memref<7x64x64xf32, #tpu.memory_space<vmem>>, vector<16xf32>,
        tpu.vector_store %arg5[%parallel_loop3A_399, %parallel_loop3A_400, %parallel_loop3A_401], %parallel_loop3A_397 {strides = array<i32>} : memref<7x64x64xf32, #tpu.memory_space<vmem>>, vector<16xf32>,
        %parallel_loop3A_403 = tpu.vector_load_idx %arg4[%parallel_loop3A_396, %add3A_302] : memref<256x256xf32, #tpu.memory_space<vmem>>[vector<16xi32>, vector<16xi32>], vector<16xf32>,
        %parallel_loop3A_404 = arith.constant 2 : i32
        %parallel_loop3A_405 = arith.index_cast %parallel_loop3A_404 : i32 to index
        %parallel_loop3A_406 = arith.index_cast %parallel_loop3A_386 : i32 to index
        %parallel_loop3A_407 = arith.constant 16 : index
        %parallel_loop3A_408 = tpu.vector_load %arg5[%parallel_loop3A_405, %parallel_loop3A_406, %parallel_loop3A_407] {strides = array<i32>} : memref<7x64x64xf32, #tpu.memory_space<vmem>>, vector<16xf32>,
        tpu.vector_store %arg5[%parallel_loop3A_405, %parallel_loop3A_406, %parallel_loop3A_407], %parallel_loop3A_403 {strides = array<i32>} : memref<7x64x64xf32, #tpu.memory_space<vmem>>, vector<16xf32>,
        %parallel_loop3A_409 = tpu.vector_load_idx %arg4[%parallel_loop3A_396, %add3A_305] : memref<256x256xf32, #tpu.memory_space<vmem>>[vector<16xi32>, vector<16xi32>], vector<16xf32>,
        %parallel_loop3A_410 = arith.constant 2 : i32
        %parallel_loop3A_411 = arith.index_cast %parallel_loop3A_410 : i32 to index
        %parallel_loop3A_412 = arith.index_cast %parallel_loop3A_386 : i32 to index
        %parallel_loop3A_413 = arith.constant 32 : index
        %parallel_loop3A_414 = tpu.vector_load %arg5[%parallel_loop3A_411, %parallel_loop3A_412, %parallel_loop3A_413] {strides = array<i32>} : memref<7x64x64xf32, #tpu.memory_space<vmem>>, vector<16xf32>,
        tpu.vector_store %arg5[%parallel_loop3A_411, %parallel_loop3A_412, %parallel_loop3A_413], %parallel_loop3A_409 {strides = array<i32>} : memref<7x64x64xf32, #tpu.memory_space<vmem>>, vector<16xf32>,
        %parallel_loop3A_415 = tpu.vector_load_idx %arg4[%parallel_loop3A_396, %add3A_308] : memref<256x256xf32, #tpu.memory_space<vmem>>[vector<16xi32>, vector<16xi32>], vector<16xf32>,
        %parallel_loop3A_416 = arith.constant 2 : i32
        %parallel_loop3A_417 = arith.index_cast %parallel_loop3A_416 : i32 to index
        %parallel_loop3A_418 = arith.index_cast %parallel_loop3A_386 : i32 to index
        %parallel_loop3A_419 = arith.constant 48 : index
        %parallel_loop3A_420 = tpu.vector_load %arg5[%parallel_loop3A_417, %parallel_loop3A_418, %parallel_loop3A_419] {strides = array<i32>} : memref<7x64x64xf32, #tpu.memory_space<vmem>>, vector<16xf32>,
        tpu.vector_store %arg5[%parallel_loop3A_417, %parallel_loop3A_418, %parallel_loop3A_419], %parallel_loop3A_415 {strides = array<i32>} : memref<7x64x64xf32, #tpu.memory_space<vmem>>, vector<16xf32>,
      } {sc.loop_unroll_factor = 4 : i64, sc.parallel_access}
      %add3A_312 = arith.constant 12 : i32
      %add3A_313 = vector.broadcast %add3A_312 : i32 to vector<16xi32>
      %add3A_314 = arith.addi %add3A_14, %add3A_313 : vector<16xi32>
      %add3A_315 = arith.constant 12 : i32
      %add3A_316 = vector.broadcast %add3A_315 : i32 to vector<16xi32>
      %add3A_317 = arith.addi %add3A_30, %add3A_316 : vector<16xi32>
      %add3A_318 = arith.constant 12 : i32
      %add3A_319 = vector.broadcast %add3A_318 : i32 to vector<16xi32>
      %add3A_320 = arith.addi %add3A_46, %add3A_319 : vector<16xi32>
      %add3A_321 = arith.constant 12 : i32
      %add3A_322 = vector.broadcast %add3A_321 : i32 to vector<16xi32>
      %add3A_323 = arith.addi %add3A_62, %add3A_322 : vector<16xi32>
      %parallel_loop3A_324 = arith.constant 0 : i32
      %parallel_loop3A_325 = arith.constant 64 : i32
      %parallel_loop3A_326 = arith.constant 1 : i32
      scf.for %parallel_loop3A_386 = %parallel_loop3A_324 to %parallel_loop3A_325 step %parallel_loop3A_326  : i32 {
        %parallel_loop3A_387 = arith.constant 3 : i32
        %parallel_loop3A_388 = arith.shrsi %parallel_loop3A_386, %parallel_loop3A_387 : i32
        %parallel_loop3A_389 = arith.constant 32 : i32
        %parallel_loop3A_390 = arith.muli %parallel_loop3A_389, %parallel_loop3A_388 : i32
        %parallel_loop3A_391 = arith.constant 12 : i32
        %parallel_loop3A_392 = arith.addi %parallel_loop3A_391, %parallel_loop3A_390 : i32
        %parallel_loop3A_393 = arith.constant 7 : i32
        %parallel_loop3A_394 = arith.andi %parallel_loop3A_386, %parallel_loop3A_393 : i32
        %parallel_loop3A_395 = arith.addi %parallel_loop3A_392, %parallel_loop3A_394 : i32
        %parallel_loop3A_396 = vector.broadcast %parallel_loop3A_395 : i32 to vector<16xi32>
        %parallel_loop3A_397 = tpu.vector_load_idx %arg4[%parallel_loop3A_396, %add3A_314] : memref<256x256xf32, #tpu.memory_space<vmem>>[vector<16xi32>, vector<16xi32>], vector<16xf32>,
        %parallel_loop3A_398 = arith.constant 3 : i32
        %parallel_loop3A_399 = arith.index_cast %parallel_loop3A_398 : i32 to index
        %parallel_loop3A_400 = arith.index_cast %parallel_loop3A_386 : i32 to index
        %parallel_loop3A_401 = arith.constant 0 : index
        %parallel_loop3A_402 = tpu.vector_load %arg5[%parallel_loop3A_399, %parallel_loop3A_400, %parallel_loop3A_401] {strides = array<i32>} : memref<7x64x64xf32, #tpu.memory_space<vmem>>, vector<16xf32>,
        tpu.vector_store %arg5[%parallel_loop3A_399, %parallel_loop3A_400, %parallel_loop3A_401], %parallel_loop3A_397 {strides = array<i32>} : memref<7x64x64xf32, #tpu.memory_space<vmem>>, vector<16xf32>,
        %parallel_loop3A_403 = tpu.vector_load_idx %arg4[%parallel_loop3A_396, %add3A_317] : memref<256x256xf32, #tpu.memory_space<vmem>>[vector<16xi32>, vector<16xi32>], vector<16xf32>,
        %parallel_loop3A_404 = arith.constant 3 : i32
        %parallel_loop3A_405 = arith.index_cast %parallel_loop3A_404 : i32 to index
        %parallel_loop3A_406 = arith.index_cast %parallel_loop3A_386 : i32 to index
        %parallel_loop3A_407 = arith.constant 16 : index
        %parallel_loop3A_408 = tpu.vector_load %arg5[%parallel_loop3A_405, %parallel_loop3A_406, %parallel_loop3A_407] {strides = array<i32>} : memref<7x64x64xf32, #tpu.memory_space<vmem>>, vector<16xf32>,
        tpu.vector_store %arg5[%parallel_loop3A_405, %parallel_loop3A_406, %parallel_loop3A_407], %parallel_loop3A_403 {strides = array<i32>} : memref<7x64x64xf32, #tpu.memory_space<vmem>>, vector<16xf32>,
        %parallel_loop3A_409 = tpu.vector_load_idx %arg4[%parallel_loop3A_396, %add3A_320] : memref<256x256xf32, #tpu.memory_space<vmem>>[vector<16xi32>, vector<16xi32>], vector<16xf32>,
        %parallel_loop3A_410 = arith.constant 3 : i32
        %parallel_loop3A_411 = arith.index_cast %parallel_loop3A_410 : i32 to index
        %parallel_loop3A_412 = arith.index_cast %parallel_loop3A_386 : i32 to index
        %parallel_loop3A_413 = arith.constant 32 : index
        %parallel_loop3A_414 = tpu.vector_load %arg5[%parallel_loop3A_411, %parallel_loop3A_412, %parallel_loop3A_413] {strides = array<i32>} : memref<7x64x64xf32, #tpu.memory_space<vmem>>, vector<16xf32>,
        tpu.vector_store %arg5[%parallel_loop3A_411, %parallel_loop3A_412, %parallel_loop3A_413], %parallel_loop3A_409 {strides = array<i32>} : memref<7x64x64xf32, #tpu.memory_space<vmem>>, vector<16xf32>,
        %parallel_loop3A_415 = tpu.vector_load_idx %arg4[%parallel_loop3A_396, %add3A_323] : memref<256x256xf32, #tpu.memory_space<vmem>>[vector<16xi32>, vector<16xi32>], vector<16xf32>,
        %parallel_loop3A_416 = arith.constant 3 : i32
        %parallel_loop3A_417 = arith.index_cast %parallel_loop3A_416 : i32 to index
        %parallel_loop3A_418 = arith.index_cast %parallel_loop3A_386 : i32 to index
        %parallel_loop3A_419 = arith.constant 48 : index
        %parallel_loop3A_420 = tpu.vector_load %arg5[%parallel_loop3A_417, %parallel_loop3A_418, %parallel_loop3A_419] {strides = array<i32>} : memref<7x64x64xf32, #tpu.memory_space<vmem>>, vector<16xf32>,
        tpu.vector_store %arg5[%parallel_loop3A_417, %parallel_loop3A_418, %parallel_loop3A_419], %parallel_loop3A_415 {strides = array<i32>} : memref<7x64x64xf32, #tpu.memory_space<vmem>>, vector<16xf32>,
      } {sc.loop_unroll_factor = 4 : i64, sc.parallel_access}
      %add3A_327 = arith.constant 16 : i32
      %add3A_328 = vector.broadcast %add3A_327 : i32 to vector<16xi32>
      %add3A_329 = arith.addi %add3A_14, %add3A_328 : vector<16xi32>
      %add3A_330 = arith.constant 16 : i32
      %add3A_331 = vector.broadcast %add3A_330 : i32 to vector<16xi32>
      %add3A_332 = arith.addi %add3A_30, %add3A_331 : vector<16xi32>
      %add3A_333 = arith.constant 16 : i32
      %add3A_334 = vector.broadcast %add3A_333 : i32 to vector<16xi32>
      %add3A_335 = arith.addi %add3A_46, %add3A_334 : vector<16xi32>
      %add3A_336 = arith.constant 16 : i32
      %add3A_337 = vector.broadcast %add3A_336 : i32 to vector<16xi32>
      %add3A_338 = arith.addi %add3A_62, %add3A_337 : vector<16xi32>
      %parallel_loop3A_339 = arith.constant 0 : i32
      %parallel_loop3A_340 = arith.constant 64 : i32
      %parallel_loop3A_341 = arith.constant 1 : i32
      scf.for %parallel_loop3A_386 = %parallel_loop3A_339 to %parallel_loop3A_340 step %parallel_loop3A_341  : i32 {
        %parallel_loop3A_387 = arith.constant 3 : i32
        %parallel_loop3A_388 = arith.shrsi %parallel_loop3A_386, %parallel_loop3A_387 : i32
        %parallel_loop3A_389 = arith.constant 32 : i32
        %parallel_loop3A_390 = arith.muli %parallel_loop3A_389, %parallel_loop3A_388 : i32
        %parallel_loop3A_391 = arith.constant 16 : i32
        %parallel_loop3A_392 = arith.addi %parallel_loop3A_391, %parallel_loop3A_390 : i32
        %parallel_loop3A_393 = arith.constant 7 : i32
        %parallel_loop3A_394 = arith.andi %parallel_loop3A_386, %parallel_loop3A_393 : i32
        %parallel_loop3A_395 = arith.addi %parallel_loop3A_392, %parallel_loop3A_394 : i32
        %parallel_loop3A_396 = vector.broadcast %parallel_loop3A_395 : i32 to vector<16xi32>
        %parallel_loop3A_397 = tpu.vector_load_idx %arg4[%parallel_loop3A_396, %add3A_329] : memref<256x256xf32, #tpu.memory_space<vmem>>[vector<16xi32>, vector<16xi32>], vector<16xf32>,
        %parallel_loop3A_398 = arith.constant 4 : i32
        %parallel_loop3A_399 = arith.index_cast %parallel_loop3A_398 : i32 to index
        %parallel_loop3A_400 = arith.index_cast %parallel_loop3A_386 : i32 to index
        %parallel_loop3A_401 = arith.constant 0 : index
        %parallel_loop3A_402 = tpu.vector_load %arg5[%parallel_loop3A_399, %parallel_loop3A_400, %parallel_loop3A_401] {strides = array<i32>} : memref<7x64x64xf32, #tpu.memory_space<vmem>>, vector<16xf32>,
        tpu.vector_store %arg5[%parallel_loop3A_399, %parallel_loop3A_400, %parallel_loop3A_401], %parallel_loop3A_397 {strides = array<i32>} : memref<7x64x64xf32, #tpu.memory_space<vmem>>, vector<16xf32>,
        %parallel_loop3A_403 = tpu.vector_load_idx %arg4[%parallel_loop3A_396, %add3A_332] : memref<256x256xf32, #tpu.memory_space<vmem>>[vector<16xi32>, vector<16xi32>], vector<16xf32>,
        %parallel_loop3A_404 = arith.constant 4 : i32
        %parallel_loop3A_405 = arith.index_cast %parallel_loop3A_404 : i32 to index
        %parallel_loop3A_406 = arith.index_cast %parallel_loop3A_386 : i32 to index
        %parallel_loop3A_407 = arith.constant 16 : index
        %parallel_loop3A_408 = tpu.vector_load %arg5[%parallel_loop3A_405, %parallel_loop3A_406, %parallel_loop3A_407] {strides = array<i32>} : memref<7x64x64xf32, #tpu.memory_space<vmem>>, vector<16xf32>,
        tpu.vector_store %arg5[%parallel_loop3A_405, %parallel_loop3A_406, %parallel_loop3A_407], %parallel_loop3A_403 {strides = array<i32>} : memref<7x64x64xf32, #tpu.memory_space<vmem>>, vector<16xf32>,
        %parallel_loop3A_409 = tpu.vector_load_idx %arg4[%parallel_loop3A_396, %add3A_335] : memref<256x256xf32, #tpu.memory_space<vmem>>[vector<16xi32>, vector<16xi32>], vector<16xf32>,
        %parallel_loop3A_410 = arith.constant 4 : i32
        %parallel_loop3A_411 = arith.index_cast %parallel_loop3A_410 : i32 to index
        %parallel_loop3A_412 = arith.index_cast %parallel_loop3A_386 : i32 to index
        %parallel_loop3A_413 = arith.constant 32 : index
        %parallel_loop3A_414 = tpu.vector_load %arg5[%parallel_loop3A_411, %parallel_loop3A_412, %parallel_loop3A_413] {strides = array<i32>} : memref<7x64x64xf32, #tpu.memory_space<vmem>>, vector<16xf32>,
        tpu.vector_store %arg5[%parallel_loop3A_411, %parallel_loop3A_412, %parallel_loop3A_413], %parallel_loop3A_409 {strides = array<i32>} : memref<7x64x64xf32, #tpu.memory_space<vmem>>, vector<16xf32>,
        %parallel_loop3A_415 = tpu.vector_load_idx %arg4[%parallel_loop3A_396, %add3A_338] : memref<256x256xf32, #tpu.memory_space<vmem>>[vector<16xi32>, vector<16xi32>], vector<16xf32>,
        %parallel_loop3A_416 = arith.constant 4 : i32
        %parallel_loop3A_417 = arith.index_cast %parallel_loop3A_416 : i32 to index
        %parallel_loop3A_418 = arith.index_cast %parallel_loop3A_386 : i32 to index
        %parallel_loop3A_419 = arith.constant 48 : index
        %parallel_loop3A_420 = tpu.vector_load %arg5[%parallel_loop3A_417, %parallel_loop3A_418, %parallel_loop3A_419] {strides = array<i32>} : memref<7x64x64xf32, #tpu.memory_space<vmem>>, vector<16xf32>,
        tpu.vector_store %arg5[%parallel_loop3A_417, %parallel_loop3A_418, %parallel_loop3A_419], %parallel_loop3A_415 {strides = array<i32>} : memref<7x64x64xf32, #tpu.memory_space<vmem>>, vector<16xf32>,
      } {sc.loop_unroll_factor = 4 : i64, sc.parallel_access}
      %add3A_342 = arith.constant 20 : i32
      %add3A_343 = vector.broadcast %add3A_342 : i32 to vector<16xi32>
      %add3A_344 = arith.addi %add3A_14, %add3A_343 : vector<16xi32>
      %add3A_345 = arith.constant 20 : i32
      %add3A_346 = vector.broadcast %add3A_345 : i32 to vector<16xi32>
      %add3A_347 = arith.addi %add3A_30, %add3A_346 : vector<16xi32>
      %add3A_348 = arith.constant 20 : i32
      %add3A_349 = vector.broadcast %add3A_348 : i32 to vector<16xi32>
      %add3A_350 = arith.addi %add3A_46, %add3A_349 : vector<16xi32>
      %add3A_351 = arith.constant 20 : i32
      %add3A_352 = vector.broadcast %add3A_351 : i32 to vector<16xi32>
      %add3A_353 = arith.addi %add3A_62, %add3A_352 : vector<16xi32>
      %parallel_loop3A_354 = arith.constant 0 : i32
      %parallel_loop3A_355 = arith.constant 64 : i32
      %parallel_loop3A_356 = arith.constant 1 : i32
      scf.for %parallel_loop3A_386 = %parallel_loop3A_354 to %parallel_loop3A_355 step %parallel_loop3A_356  : i32 {
        %parallel_loop3A_387 = arith.constant 3 : i32
        %parallel_loop3A_388 = arith.shrsi %parallel_loop3A_386, %parallel_loop3A_387 : i32
        %parallel_loop3A_389 = arith.constant 32 : i32
        %parallel_loop3A_390 = arith.muli %parallel_loop3A_389, %parallel_loop3A_388 : i32
        %parallel_loop3A_391 = arith.constant 20 : i32
        %parallel_loop3A_392 = arith.addi %parallel_loop3A_391, %parallel_loop3A_390 : i32
        %parallel_loop3A_393 = arith.constant 7 : i32
        %parallel_loop3A_394 = arith.andi %parallel_loop3A_386, %parallel_loop3A_393 : i32
        %parallel_loop3A_395 = arith.addi %parallel_loop3A_392, %parallel_loop3A_394 : i32
        %parallel_loop3A_396 = vector.broadcast %parallel_loop3A_395 : i32 to vector<16xi32>
        %parallel_loop3A_397 = tpu.vector_load_idx %arg4[%parallel_loop3A_396, %add3A_344] : memref<256x256xf32, #tpu.memory_space<vmem>>[vector<16xi32>, vector<16xi32>], vector<16xf32>,
        %parallel_loop3A_398 = arith.constant 5 : i32
        %parallel_loop3A_399 = arith.index_cast %parallel_loop3A_398 : i32 to index
        %parallel_loop3A_400 = arith.index_cast %parallel_loop3A_386 : i32 to index
        %parallel_loop3A_401 = arith.constant 0 : index
        %parallel_loop3A_402 = tpu.vector_load %arg5[%parallel_loop3A_399, %parallel_loop3A_400, %parallel_loop3A_401] {strides = array<i32>} : memref<7x64x64xf32, #tpu.memory_space<vmem>>, vector<16xf32>,
        tpu.vector_store %arg5[%parallel_loop3A_399, %parallel_loop3A_400, %parallel_loop3A_401], %parallel_loop3A_397 {strides = array<i32>} : memref<7x64x64xf32, #tpu.memory_space<vmem>>, vector<16xf32>,
        %parallel_loop3A_403 = tpu.vector_load_idx %arg4[%parallel_loop3A_396, %add3A_347] : memref<256x256xf32, #tpu.memory_space<vmem>>[vector<16xi32>, vector<16xi32>], vector<16xf32>,
        %parallel_loop3A_404 = arith.constant 5 : i32
        %parallel_loop3A_405 = arith.index_cast %parallel_loop3A_404 : i32 to index
        %parallel_loop3A_406 = arith.index_cast %parallel_loop3A_386 : i32 to index
        %parallel_loop3A_407 = arith.constant 16 : index
        %parallel_loop3A_408 = tpu.vector_load %arg5[%parallel_loop3A_405, %parallel_loop3A_406, %parallel_loop3A_407] {strides = array<i32>} : memref<7x64x64xf32, #tpu.memory_space<vmem>>, vector<16xf32>,
        tpu.vector_store %arg5[%parallel_loop3A_405, %parallel_loop3A_406, %parallel_loop3A_407], %parallel_loop3A_403 {strides = array<i32>} : memref<7x64x64xf32, #tpu.memory_space<vmem>>, vector<16xf32>,
        %parallel_loop3A_409 = tpu.vector_load_idx %arg4[%parallel_loop3A_396, %add3A_350] : memref<256x256xf32, #tpu.memory_space<vmem>>[vector<16xi32>, vector<16xi32>], vector<16xf32>,
        %parallel_loop3A_410 = arith.constant 5 : i32
        %parallel_loop3A_411 = arith.index_cast %parallel_loop3A_410 : i32 to index
        %parallel_loop3A_412 = arith.index_cast %parallel_loop3A_386 : i32 to index
        %parallel_loop3A_413 = arith.constant 32 : index
        %parallel_loop3A_414 = tpu.vector_load %arg5[%parallel_loop3A_411, %parallel_loop3A_412, %parallel_loop3A_413] {strides = array<i32>} : memref<7x64x64xf32, #tpu.memory_space<vmem>>, vector<16xf32>,
        tpu.vector_store %arg5[%parallel_loop3A_411, %parallel_loop3A_412, %parallel_loop3A_413], %parallel_loop3A_409 {strides = array<i32>} : memref<7x64x64xf32, #tpu.memory_space<vmem>>, vector<16xf32>,
        %parallel_loop3A_415 = tpu.vector_load_idx %arg4[%parallel_loop3A_396, %add3A_353] : memref<256x256xf32, #tpu.memory_space<vmem>>[vector<16xi32>, vector<16xi32>], vector<16xf32>,
        %parallel_loop3A_416 = arith.constant 5 : i32
        %parallel_loop3A_417 = arith.index_cast %parallel_loop3A_416 : i32 to index
        %parallel_loop3A_418 = arith.index_cast %parallel_loop3A_386 : i32 to index
        %parallel_loop3A_419 = arith.constant 48 : index
        %parallel_loop3A_420 = tpu.vector_load %arg5[%parallel_loop3A_417, %parallel_loop3A_418, %parallel_loop3A_419] {strides = array<i32>} : memref<7x64x64xf32, #tpu.memory_space<vmem>>, vector<16xf32>,
        tpu.vector_store %arg5[%parallel_loop3A_417, %parallel_loop3A_418, %parallel_loop3A_419], %parallel_loop3A_415 {strides = array<i32>} : memref<7x64x64xf32, #tpu.memory_space<vmem>>, vector<16xf32>,
      } {sc.loop_unroll_factor = 4 : i64, sc.parallel_access}
      %add3A_357 = arith.constant 24 : i32
      %add3A_358 = vector.broadcast %add3A_357 : i32 to vector<16xi32>
      %add3A_359 = arith.addi %add3A_14, %add3A_358 : vector<16xi32>
      %add3A_360 = arith.constant 24 : i32
      %add3A_361 = vector.broadcast %add3A_360 : i32 to vector<16xi32>
      %add3A_362 = arith.addi %add3A_30, %add3A_361 : vector<16xi32>
      %add3A_363 = arith.constant 24 : i32
      %add3A_364 = vector.broadcast %add3A_363 : i32 to vector<16xi32>
      %add3A_365 = arith.addi %add3A_46, %add3A_364 : vector<16xi32>
      %add3A_366 = arith.constant 24 : i32
      %add3A_367 = vector.broadcast %add3A_366 : i32 to vector<16xi32>
      %add3A_368 = arith.addi %add3A_62, %add3A_367 : vector<16xi32>
      %parallel_loop3A_369 = arith.constant 0 : i32
      %parallel_loop3A_370 = arith.constant 64 : i32
      %parallel_loop3A_371 = arith.constant 1 : i32
      scf.for %parallel_loop3A_386 = %parallel_loop3A_369 to %parallel_loop3A_370 step %parallel_loop3A_371  : i32 {
        %parallel_loop3A_387 = arith.constant 3 : i32
        %parallel_loop3A_388 = arith.shrsi %parallel_loop3A_386, %parallel_loop3A_387 : i32
        %parallel_loop3A_389 = arith.constant 32 : i32
        %parallel_loop3A_390 = arith.muli %parallel_loop3A_389, %parallel_loop3A_388 : i32
        %parallel_loop3A_391 = arith.constant 24 : i32
        %parallel_loop3A_392 = arith.addi %parallel_loop3A_391, %parallel_loop3A_390 : i32
        %parallel_loop3A_393 = arith.constant 7 : i32
        %parallel_loop3A_394 = arith.andi %parallel_loop3A_386, %parallel_loop3A_393 : i32
        %parallel_loop3A_395 = arith.addi %parallel_loop3A_392, %parallel_loop3A_394 : i32
        %parallel_loop3A_396 = vector.broadcast %parallel_loop3A_395 : i32 to vector<16xi32>
        %parallel_loop3A_397 = tpu.vector_load_idx %arg4[%parallel_loop3A_396, %add3A_359] : memref<256x256xf32, #tpu.memory_space<vmem>>[vector<16xi32>, vector<16xi32>], vector<16xf32>,
        %parallel_loop3A_398 = arith.constant 6 : i32
        %parallel_loop3A_399 = arith.index_cast %parallel_loop3A_398 : i32 to index
        %parallel_loop3A_400 = arith.index_cast %parallel_loop3A_386 : i32 to index
        %parallel_loop3A_401 = arith.constant 0 : index
        %parallel_loop3A_402 = tpu.vector_load %arg5[%parallel_loop3A_399, %parallel_loop3A_400, %parallel_loop3A_401] {strides = array<i32>} : memref<7x64x64xf32, #tpu.memory_space<vmem>>, vector<16xf32>,
        tpu.vector_store %arg5[%parallel_loop3A_399, %parallel_loop3A_400, %parallel_loop3A_401], %parallel_loop3A_397 {strides = array<i32>} : memref<7x64x64xf32, #tpu.memory_space<vmem>>, vector<16xf32>,
        %parallel_loop3A_403 = tpu.vector_load_idx %arg4[%parallel_loop3A_396, %add3A_362] : memref<256x256xf32, #tpu.memory_space<vmem>>[vector<16xi32>, vector<16xi32>], vector<16xf32>,
        %parallel_loop3A_404 = arith.constant 6 : i32
        %parallel_loop3A_405 = arith.index_cast %parallel_loop3A_404 : i32 to index
        %parallel_loop3A_406 = arith.index_cast %parallel_loop3A_386 : i32 to index
        %parallel_loop3A_407 = arith.constant 16 : index
        %parallel_loop3A_408 = tpu.vector_load %arg5[%parallel_loop3A_405, %parallel_loop3A_406, %parallel_loop3A_407] {strides = array<i32>} : memref<7x64x64xf32, #tpu.memory_space<vmem>>, vector<16xf32>,
        tpu.vector_store %arg5[%parallel_loop3A_405, %parallel_loop3A_406, %parallel_loop3A_407], %parallel_loop3A_403 {strides = array<i32>} : memref<7x64x64xf32, #tpu.memory_space<vmem>>, vector<16xf32>,
        %parallel_loop3A_409 = tpu.vector_load_idx %arg4[%parallel_loop3A_396, %add3A_365] : memref<256x256xf32, #tpu.memory_space<vmem>>[vector<16xi32>, vector<16xi32>], vector<16xf32>,
        %parallel_loop3A_410 = arith.constant 6 : i32
        %parallel_loop3A_411 = arith.index_cast %parallel_loop3A_410 : i32 to index
        %parallel_loop3A_412 = arith.index_cast %parallel_loop3A_386 : i32 to index
        %parallel_loop3A_413 = arith.constant 32 : index
        %parallel_loop3A_414 = tpu.vector_load %arg5[%parallel_loop3A_411, %parallel_loop3A_412, %parallel_loop3A_413] {strides = array<i32>} : memref<7x64x64xf32, #tpu.memory_space<vmem>>, vector<16xf32>,
        tpu.vector_store %arg5[%parallel_loop3A_411, %parallel_loop3A_412, %parallel_loop3A_413], %parallel_loop3A_409 {strides = array<i32>} : memref<7x64x64xf32, #tpu.memory_space<vmem>>, vector<16xf32>,
        %parallel_loop3A_415 = tpu.vector_load_idx %arg4[%parallel_loop3A_396, %add3A_368] : memref<256x256xf32, #tpu.memory_space<vmem>>[vector<16xi32>, vector<16xi32>], vector<16xf32>,
        %parallel_loop3A_416 = arith.constant 6 : i32
        %parallel_loop3A_417 = arith.index_cast %parallel_loop3A_416 : i32 to index
        %parallel_loop3A_418 = arith.index_cast %parallel_loop3A_386 : i32 to index
        %parallel_loop3A_419 = arith.constant 48 : index
        %parallel_loop3A_420 = tpu.vector_load %arg5[%parallel_loop3A_417, %parallel_loop3A_418, %parallel_loop3A_419] {strides = array<i32>} : memref<7x64x64xf32, #tpu.memory_space<vmem>>, vector<16xf32>,
        tpu.vector_store %arg5[%parallel_loop3A_417, %parallel_loop3A_418, %parallel_loop3A_419], %parallel_loop3A_415 {strides = array<i32>} : memref<7x64x64xf32, #tpu.memory_space<vmem>>, vector<16xf32>,
      } {sc.loop_unroll_factor = 4 : i64, sc.parallel_access}
      %mul3A_372 = arith.constant 7 : i32
      %mul3A_373 = arith.muli %add3A_64, %mul3A_372 : i32
      %dma_start3A_374 = arith.constant 0 : i32
      %dma_start3A_375 = arith.constant 0 : i32
      %dma_start3A_376 = tpu.memref_slice %arg3[%mul3A_373, %dma_start3A_374, %dma_start3A_375] : memref<392x64x64xf32, #tpu.memory_space<hbm>> -> memref<7x64x64xf32, #tpu.memory_space<hbm>>
      %dma_start3A_377 = arith.constant 0 : i32
      %dma_start3A_378 = arith.constant 0 : i32
      %dma_start3A_379 = tpu.memref_slice %arg3[%mul3A_373, %dma_start3A_377, %dma_start3A_378] : memref<392x64x64xf32, #tpu.memory_space<hbm>> -> memref<7x64x64xf32, #tpu.memory_space<hbm>>
      tpu.enqueue_dma source(%arg5 : memref<7x64x64xf32, #tpu.memory_space<vmem>>) target(%dma_start3A_379 : memref<7x64x64xf32, #tpu.memory_space<hbm>>) target_semaphore(%arg6 : memref<!tpu.dma_semaphore, #tpu.memory_space<semaphore_mem>>)
      %dma_wait3A_380 = arith.constant 0 : i32
      %dma_wait3A_381 = arith.constant 0 : i32
      %dma_wait3A_382 = tpu.memref_slice %arg3[%mul3A_373, %dma_wait3A_380, %dma_wait3A_381] : memref<392x64x64xf32, #tpu.memory_space<hbm>> -> memref<7x64x64xf32, #tpu.memory_space<hbm>>
      %dma_wait3A_383 = arith.constant 0 : i32
      %dma_wait3A_384 = arith.constant 0 : i32
      %dma_wait3A_385 = tpu.memref_slice %arg3[%mul3A_373, %dma_wait3A_383, %dma_wait3A_384] : memref<392x64x64xf32, #tpu.memory_space<hbm>> -> memref<7x64x64xf32, #tpu.memory_space<hbm>>
      tpu.wait_dma2 semaphore(%arg6 : memref<!tpu.dma_semaphore, #tpu.memory_space<semaphore_mem>>) src(%arg5 : memref<7x64x64xf32, #tpu.memory_space<vmem>>) dst(%dma_wait3A_385 : memref<7x64x64xf32, #tpu.memory_space<hbm>>)
    } else {
    }
    %ge3A = arith.constant 56 : i32
    %ge3A_214 = arith.cmpi sge, %add3A_64, %ge3A : i32
    %convert_element_type3A_215 = arith.extui %ge3A_214 : i1 to i32
    %cond3A_216 = arith.constant 0 : i32
    %cond3A_217 = arith.cmpi ne, %convert_element_type3A_215, %cond3A_216 : i32
    scf.if %cond3A_217 {
      %dma_wait3A = arith.constant 0 : i32
      %dma_wait3A_218 = arith.constant 0 : i32
      %dma_wait3A_219 = tpu.memref_slice %arg3[%mul3A_205, %dma_wait3A, %dma_wait3A_218] : memref<392x64x64xf32, #tpu.memory_space<hbm>> -> memref<7x64x64xf32, #tpu.memory_space<hbm>>
      %dma_wait3A_220 = arith.constant 0 : i32
      %dma_wait3A_221 = arith.constant 0 : i32
      %dma_wait3A_222 = tpu.memref_slice %arg3[%mul3A_205, %dma_wait3A_220, %dma_wait3A_221] : memref<392x64x64xf32, #tpu.memory_space<hbm>> -> memref<7x64x64xf32, #tpu.memory_space<hbm>>
      tpu.wait_dma2 semaphore(%arg6 : memref<!tpu.dma_semaphore, #tpu.memory_space<semaphore_mem>>) src(%arg5 : memref<7x64x64xf32, #tpu.memory_space<vmem>>) dst(%dma_wait3A_222 : memref<7x64x64xf32, #tpu.memory_space<hbm>>)
    } else {
    }
    return
  }
}

</mosaic_0001>

<sc_bundles>
// kernel: kernel.3.cloned.1.call-start
scs
__scs_entry_jumppad:
0x0: {  	(pc) =	sbr.rel $0x88, $3  }
0x1: {  	(tag) =	ssettag $0x0;
	lr =	simm.s32 $0x1  }
0x2: {  	[smem:$0x3FA0] =	sst lr;
	_ =	strace $0xD0000000  }
0x3: {  	_ = 	snop  }
0x4: {  	_ = 	snop  }
0x5: {  	_ = 	snop  }
0x6: {  	_ = 	snop  }
0x7: {  	_ = 	snop  }
__scs_overlays_trampoline_lowered:
0x8: {  	[smem:$0x3FAF] =	sst s0  }
0x9: {  	[smem:$0x3FB0] =	sst s1  }
0xa: {  	[smem:$0x3FB1] =	sst s2  }
0xb: {  	[smem:$0x3FB2] =	sst s3  }
0xc: {  	[smem:$0x3FB3] =	sst s4  }
0xd: {  	[smem:$0x3FB4] =	sst s5  }
0xe: {  	[smem:$0x3FB5] =	sst s6  }
0xf: {  	[smem:$0x3FB6] =	sst s7  }
0x10: {  	[smem:$0x3FB7] =	sst s8  }
0x11: {  	[smem:$0x3FB8] =	sst s9;
	s0 =	simm.s32 @!p0 $0x0  }
0x12: {  	s1 =	sld [smem:$0x3F9E];
	s0 =	simm.s32 @p0 $0x1  }
0x13: {  	[smem:$0x3FB9] =	sst s0;
	s0 =	simm.s32 @!p1 $0x0  }
0x14: {  	s2 =	sld [smem:$0x3F9D];
	s0 =	simm.s32 @p1 $0x1  }
0x15: {  	[smem:$0x3FBA] =	sst s0;
	s0 =	simm.s32 @!p2 $0x0  }
0x16: {  	s3 =	sld [smem:$0x3FDB];
	s0 =	simm.s32 @p2 $0x1  }
0x17: {  	s4 =	simm.s32 $0x1BF5;
	[smem:$0x3FBC] =	sst s0  }
0x18: {  	s0 =	sld [smem:$0x3F9F];
	_ =	swait.ge [sflag:s4], $0x0  }
0x19: {  	s7 =	sld [smem:$0x3FA0]  }
0x1a: {  	s8 =	sadd.s32 $0xFFFFE003, lr  }
0x1b: {  	s9 =	sadd.s32 $0xFFFFFEF7, lr;
	s5 =	simm.s32 $0xFFFFFFFF;
	p2 =	slt.u32 s8, $0xFFFFF086  }
0x1c: {  	p1 =	slt.u32 s9, $0xF7A;
	s5 =	simm.s32 @!p2 $0x0  }
0x1d: {  	s5 =	simm.s32 @p1 $0x1;
	p0 =	seq.s32 s7, s2  }
0x1e: {  	s7 =	smul.u32 @!p0 $0xF7A, s2;
	p2 =	seq.s32 @!p0 s5, $0x0  }
0x1f: {  	s9 =	smul.u32 $0xF7A, s1;
	s8 =	simm.s32 @!p0 $0x1BF5;
	p2 =	por !p2, p0  }
0x20: {  	[sflag:s8] =	ssyncset.s32 @!p0 $0xFFFFF086;
	s6 =	sadd.s32 @!p0 s3, s7;
	s7 =	simm.s32 @!p0 $0x108  }
0x21: {  	s3 =	sadd.s32 s3, s9;
	s6 =	sadd.s32 @!p0 $0x88, s6;
	s7 =	simm.s32 @p2 $0x1082  }
0x22: {  	[simem:s7], [sflag:s8] =	dma.local @!p0 [hbm:s6], $0xF7A  }
0x23: {  	s9 =	sor.u32 $0xD0000000, s2;
	s6 =	simm.s32 $0x108;
	_ =	swait.ge @!p0 [sflag:s8], $0x0  }
0x24: {  	s3 =	sadd.s32 $0x88, s3;
	s6 =	simm.s32 @!p1 $0x1082;
	[sflag:s4] =	ssyncset.s32 $0xFFFFF086  }
0x25: {  	[simem:s6], [sflag:s4] =	dma.local [hbm:s3], $0xF7A  }
0x26: {  	[smem:$0x3FA0] =	sst s1;
	(tag) =	ssettag s2;
	_ =	strace s9  }
0x27: {  	s1 =	sld [smem:$0x3FB0]  }
0x28: {  	s2 =	sld [smem:$0x3FB1]  }
0x29: {  	s4 =	sld [smem:$0x3FB3]  }
0x2a: {  	p0 =	seq.s32 s5, $0x0;
	s5 =	sld [smem:$0x3FB4]  }
0x2b: {  	s6 =	sld [smem:$0x3FB5]  }
0x2c: {  	s7 =	sld [smem:$0x3FB6]  }
0x2d: {  	s3 =	simm.s32 $0x108;
	s8 =	sld [smem:$0x3FB7]  }
0x2e: {  	s3 =	simm.s32 @!p0 $0x1082;
	s9 =	sld [smem:$0x3FB8]  }
0x2f: {  	lr =	sadd.s32 s0, s3;
	s0 =	sld [smem:$0x3FAF]  }
0x30: {  	s3 =	sld [smem:$0x3FB2]  }
0x31: {  	[smem:$0x3FBB] =	sst s10  }
0x32: {  	s10 =	sld [smem:$0x3FB9];
	_ =	sdelay $0x3  }
0x33: {  	p0 =	seq.s32 s10, $0x1;
	s10 =	sld [smem:$0x3FBB];
	_ =	sdelay $0x3  }
0x34: {  	[smem:$0x3FBB] =	sst s10  }
0x35: {  	s10 =	sld [smem:$0x3FBA];
	_ =	sdelay $0x3  }
0x36: {  	p1 =	seq.s32 s10, $0x1;
	s10 =	sld [smem:$0x3FBB];
	_ =	sdelay $0x3  }
0x37: {  	[smem:$0x3FBB] =	sst s10  }
0x38: {  	s10 =	sld [smem:$0x3FBC]  }
0x39: {  	_ = 	snop;
	(pc) =	sbr.ind lr, $3  }
0x3a: {  	_ = 	snop  }
0x3b: {  	_ = 	snop  }
0x3c: {  	p2 =	seq.s32 s10, $0x1;
	s10 =	sld [smem:$0x3FBB]  }
0x3d: {  	_ =	shalt  }
0x3e: {  	_ =	shalt  }
0x3f: {  	_ =	shalt  }
0x40: {  	_ =	shalt  }
0x41: {  	_ =	shalt  }
0x42: {  	_ =	shalt  }
0x43: {  	_ =	shalt  }
0x44: {  	_ =	shalt  }
0x45: {  	_ =	shalt  }
0x46: {  	_ =	shalt  }
0x47: {  	_ =	shalt  }
0x48: {  	_ =	shalt  }
0x49: {  	_ =	shalt  }
0x4a: {  	_ =	shalt  }
0x4b: {  	_ =	shalt  }
0x4c: {  	_ =	shalt  }
0x4d: {  	_ =	shalt  }
0x4e: {  	_ =	shalt  }
0x4f: {  	_ =	shalt  }
0x50: {  	_ =	shalt  }
0x51: {  	_ =	shalt  }
0x52: {  	_ =	shalt  }
0x53: {  	_ =	shalt  }
0x54: {  	_ =	shalt  }
0x55: {  	_ =	shalt  }
0x56: {  	_ =	shalt  }
0x57: {  	_ =	shalt  }
0x58: {  	_ =	shalt  }
0x59: {  	_ =	shalt  }
0x5a: {  	_ =	shalt  }
0x5b: {  	_ =	shalt  }
0x5c: {  	_ =	shalt  }
0x5d: {  	_ =	shalt  }
0x5e: {  	_ =	shalt  }
0x5f: {  	_ =	shalt  }
0x60: {  	_ =	shalt  }
0x61: {  	_ =	shalt  }
0x62: {  	_ =	shalt  }
0x63: {  	_ =	shalt  }
0x64: {  	_ =	shalt  }
0x65: {  	_ =	shalt  }
0x66: {  	_ =	shalt  }
0x67: {  	_ =	shalt  }
0x68: {  	_ =	shalt  }
0x69: {  	_ =	shalt  }
0x6a: {  	_ =	shalt  }
0x6b: {  	_ =	shalt  }
0x6c: {  	_ =	shalt  }
0x6d: {  	_ =	shalt  }
0x6e: {  	_ =	shalt  }
0x6f: {  	_ =	shalt  }
0x70: {  	_ =	shalt  }
0x71: {  	_ =	shalt  }
0x72: {  	_ =	shalt  }
0x73: {  	_ =	shalt  }
0x74: {  	_ =	shalt  }
0x75: {  	_ =	shalt  }
0x76: {  	_ =	shalt  }
0x77: {  	_ =	shalt  }
0x78: {  	_ =	shalt  }
0x79: {  	_ =	shalt  }
0x7a: {  	_ =	shalt  }
0x7b: {  	_ =	shalt  }
0x7c: {  	_ =	shalt  }
0x7d: {  	_ =	shalt  }
0x7e: {  	_ =	shalt  }
0x7f: {  	_ =	shalt  }
0x80: {  	_ =	shalt  }
0x81: {  	_ =	shalt  }
0x82: {  	_ =	shalt  }
0x83: {  	_ =	shalt  }
0x84: {  	_ =	shalt  }
0x85: {  	_ =	shalt  }
0x86: {  	_ =	shalt  }
0x87: {  	_ =	shalt  }
.Lfunc_end0:
.L_simem_size_0:
called_computation_lowered:
.L_overlay_start_0:
0x88: {  	s2 =	sld [smem:$0x3FD9]  }
0x89: {  	s3 =	sld [smem:$0x3FFE];
	_ =	sdelay $0x1  }
0x8a: {  	s1 =	srdreg.scid  }
0x8b: {  	s0 =	sand.u32 $0x1, s1  }
0x8c: {  	s18 =	sshll.u32 s0, $0xA;
	s2 =	sadd.s32 s3, s2  }
0x8d: {  	s2 =	sadd.s32 s2, s18  }
0x8e: {  	[smem:$0x3FC7] =	sst s2  }
0x8f: {  	_ = 	snop  }
0x90: {  	s2 =	sld [smem:$0x3FC9]  }
0x91: {  	s19 =	sld [smem:$0x3FD0];
	(tm) =	ssettm $0x1  }
0x92: {  	s4 =	sld [smem:$0x3FFB];
	_ =	sdelay $0x3  }
0x93: {  	_ =	strace s4  }
0x94: {  	s4 =	sld [smem:$0x3FFC];
	_ =	sdelay $0x3  }
0x95: {  	_ =	strace s4  }
0x96: {  	s4 =	sld [smem:$0x3FFD];
	_ =	sdelay $0x3  }
0x97: {  	_ =	strace s4  }
0x98: {  	_ =	strace $0x8FFFFFFF  }
0x99: {  	s20 =	sld [smem:$0x3FDB];
	_ =	sdelay $0x1  }
0x9a: {  	s5 =	simm.s32 $_scs_section_size  }
0x9b: {  	s6 =	simm.s32 $_size__tile_overlayer_lowered;
	s7 =	simm.s32 $_tile_overlayer_lowered  }
0x9c: {  	s23 =	simm.s32 $0x1BFF;
	s22 =	sshll.u32 s7, $0x1;
	s4 =	sadd.s32 s5, s20  }
0x9d: {  	s8 =	simm.s32 $0x0;
	s21 =	sshll.u32 s6, $0x1;
	s6 =	sadd.s32 s22, s4  }
0x9e: {  	[timem:s8], [sflag:s23] =	dma.local [hbm:s6], s21  }
0x9f: {  	_ =	swait.ge [sflag:s23], s21  }
0xa0: {  	s5 =	ssub.s32 $0x0, s21;
	[sflag:s23] =	ssyncset.done $0x0  }
0xa1: {  	[sflag:s23] =	ssyncadd.s32 s5;
	_ =	sdelay $0x1  }
0xa2: {  	s24 =	simm.s32 $0x1B8B  }
0xa3: {  	_ =	swait.ge [sflag:s24], $0x1  }
0xa4: {  	[sflag:s24] =	ssyncset.done $0x0  }
0xa5: {  	s25 =	simm.s32 $0x1B8E;
	[sflag:s24] =	ssyncadd.s32 $0xFFFFFFFF  }
0xa6: {  	s26 =	simm.s32 $execute0_lowered;
	[smem:$0x3FD2] =	sst s25  }
0xa7: {  	s5 =	sshll.u32 s26, $0x1;
	_ =	strace $0x80000046;
	[dreg:$0x1] =	wrdreg $0xFFFFFFFF  }
0xa8: {  	s28 =	simm.s32 $_size_execute0_lowered;
	s4 =	sadd.s32 s4, s5;
	[dreg:$0x0] =	wrdreg $0x0  }
0xa9: {  	s5 =	sshll.u32 s28, $0x1;
	[dreg:$0x2] =	wrdreg s4  }
0xaa: {  	[dreg:$0x3] =	wrdreg s5  }
0xab: {  	[dreg:$0x4] =	wrdreg $0xC0  }
0xac: {  	_ =	task [dreg:s8], $0x5FFFF  }
0xad: {  	[dreg:$0x1] =	wrdreg $0xFFFFFFFF  }
0xae: {  	[dreg:$0x0] =	wrdreg $0x60  }
0xaf: {  	[dreg:$0x2] =	wrdreg s2  }
0xb0: {  	[dreg:$0x3] =	wrdreg s19  }
0xb1: {  	[dreg:$0x4] =	wrdreg $0x9  }
0xb2: {  	_ =	task.clear_ibuf [dreg:s8], $0x5FFFF;
	_ =	strace $0x90000046  }
0xb3: {  	s29 =	simm.s32 $0x9;
	_ =	strace $0x80000048  }
0xb4: {  	_ =	swait.ge [sflag:s29], $0x1  }
0xb5: {  	[sflag:s29] =	ssyncadd.s32 $0xFFFFFFFF  }
0xb6: {  	_ =	strace $0x90000048  }
0xb7: {  	_ =	sfence  }
0xb8: {  	s30 =	sld [smem:$0x0];
	_ =	sdelay $0x2  }
0xb9: {  	s31 =	sshll.u32 s1, $0xD;
	s1 =	sshrl.u32 s1, $0x2  }
0xba: {  	s3 =	sand.u32 $0x4000, s31;
	s1 =	sadd.s32 s1, s30  }
0xbb: {  	s0 =	sor.u32 s3, s0;
	s1 =	sshll.u32 s1, $0x11  }
0xbc: {  	s0 =	sor.u32 s1, s0  }
0xbd: {  	s0 =	sadd.s32 $0x8F2B, s0  }
0xbe: {  	[sflag:s0] =	ssyncadd.remote.s32 $0x1  }
0xbf: {  	_ =	sfence.sel $0xFFFF  }
0xc0: {  	[dreg:$0x0] =	wrdreg $0xFFFFFFFF;
	(pc) =	sbr.abs _section_cstart, $3  }
0xc1: {  	[dreg:$0x1] =	wrdreg $0xFFFFFFFF  }
0xc2: {  	_ =	task.clear_ibuf [dreg:s8], $0x2FFFF;
	_ =	strace $0x9FFFFFFF  }
0xc3: {  	(tm) =	ssettm $0x7FFFFFFF  }
tec
execute0_lowered:
.L_overlay_start_1:
0x0: {  	(tag) =	ssettag $0x1  }
0x1: {  	v0 =	vimm.s32 $0x23222120;
	v1 =	vimm.s32 $0x76543210  }
0x2: {  	v2 =	vimm.s32 $0x27262524;
	vm0 =	vcmask $0x1F10;
	v3 =	vimm.s32 $0x67666564  }
0x3: {  	v6 =	vimm.s32 $0x47464544;
	vm15 =	vcmask $0x300;
	vm14 =	vcmask $0x704  }
0x4: {  	v7 =	vimm.s32 $0x467;
	vm13 =	vcmask $0xB08;
	vm12 =	vcmask $0xF0C  }
0x5: {  	vm11 =	vcmask $0x1310;
	vm10 =	vcmask $0x1714;
	vm9 =	vcmask $0x1B18  }
0x6: {  	vm8 =	vcmask $0x1F1C;
	vm7 =	vcmask $0x2320;
	vm6 =	vcmask $0x2724  }
0x7: {  	vm5 =	vcmask $0x2B28;
	v0 =	vunpack.c.0.s8.s32 v0;
	v1 =	vunpack.c.l.s4.s8 v1  }
0x8: {  	v4 =	vunpack.c.0.s8.s32 v2;
	v2 =	vimm.s32 $0x63626160;
	v5 =	vunpack.c.0.s8.s32 v3  }
0x9: {  	v3 =	vimm.s32 $0x43424140;
	v6 =	vunpack.c.0.s8.s32 v6;
	v1 =	vunpack.c.0.s8.s32 v1  }
0xa: {  	v2 =	vunpack.c.0.s8.s32 v2;
	v3 =	vunpack.c.0.s8.s32 v3;
	v0 =	vsel vm0, v4, v0  }
0xb: {  	vm4 =	vcmask $0x2F2C;
	vm3 =	vcmask $0x3330;
	v0 =	vcombine.low v1, v0  }
0xc: {  	v1 =	vsel vm0, v5, v2;
	v2 =	vsel vm0, v6, v3;
	v3 =	vimm.s32 $0x427  }
0xd: {  	vm2 =	vcmask $0x3734;
	vm1 =	vcmask $0x3B38;
	v3 =	vsel vm15, $0x400, v3  }
0xe: {  	v8 =	vimm.s32 $0x46B;
	v7 =	vsel vm15, $0x440, v7;
	v3 =	vsel vm14, $0x401, v3  }
0xf: {  	v9 =	vimm.s32 $0x2B2A2928;
	v7 =	vsel vm14, $0x441, v7;
	v3 =	vsel vm13, $0x402, v3  }
0x10: {  	v10 =	vimm.s32 $0xBA987654;
	v7 =	vsel vm13, $0x442, v7;
	v3 =	vsel vm12, $0x403, v3  }
0x11: {  	v11 =	vimm.s32 $0x4B4A4948;
	v7 =	vsel vm12, $0x443, v7;
	v3 =	vsel vm11, $0x404, v3  }
0x12: {  	v12 =	vimm.s32 $0x42F;
	v7 =	vsel vm11, $0x444, v7;
	v3 =	vsel vm10, $0x405, v3  }
0x13: {  	v13 =	vimm.s32 $0x46F;
	v7 =	vsel vm10, $0x445, v7;
	v3 =	vsel vm9, $0x406, v3  }
0x14: {  	v14 =	vimm.s32 $0xFEDCBA98;
	v7 =	vsel vm9, $0x446, v7;
	v3 =	vsel vm8, $0x407, v3  }
0x15: {  	v17 =	vimm.s32 $0xF0E0D0C;
	v7 =	vsel vm8, $0x447, v7;
	v3 =	vsel vm7, $0x420, v3  }
0x16: {  	v18 =	vimm.s32 $0x13121110;
	v7 =	vsel vm7, $0x460, v7;
	v3 =	vsel vm6, $0x421, v3  }
0x17: {  	v8 =	vsel vm15, $0x444, v8;
	v7 =	vsel vm6, $0x461, v7;
	v3 =	vsel vm5, $0x422, v3  }
0x18: {  	v10 =	vunpack.c.l.s4.s8 v10;
	v7 =	vsel vm5, $0x462, v7;
	v3 =	vsel vm4, $0x423, v3  }
0x19: {  	v9 =	vunpack.c.0.s8.s32 v9;
	v7 =	vsel vm4, $0x463, v7;
	v3 =	vsel vm3, $0x424, v3  }
0x1a: {  	v1 =	vcombine.low v2, v1;
	v7 =	vsel vm3, $0x464, v7;
	v3 =	vsel vm2, $0x425, v3  }
0x1b: {  	v2 =	vsel vm1, $0x426, v3;
	v3 =	vsel vm2, $0x465, v7;
	v7 =	vimm.s32 $0x42B  }
0x1c: {  	v11 =	vunpack.c.0.s8.s32 v11;
	v12 =	vsel vm15, $0x408, v12;
	v7 =	vsel vm15, $0x404, v7  }
0x1d: {  	v13 =	vsel vm15, $0x448, v13;
	v8 =	vsel vm14, $0x445, v8;
	v7 =	vsel vm14, $0x405, v7  }
0x1e: {  	v14 =	vunpack.c.l.s4.s8 v14;
	v8 =	vsel vm13, $0x446, v8;
	v7 =	vsel vm13, $0x406, v7  }
0x1f: {  	v12 =	vsel vm14, $0x409, v12;
	v8 =	vsel vm12, $0x447, v8;
	v7 =	vsel vm12, $0x407, v7  }
0x20: {  	v13 =	vsel vm14, $0x449, v13;
	v8 =	vsel vm11, $0x448, v8;
	v7 =	vsel vm11, $0x408, v7  }
0x21: {  	v10 =	vunpack.c.0.s8.s32 v10;
	v8 =	vsel vm10, $0x449, v8;
	v7 =	vsel vm10, $0x409, v7  }
0x22: {  	v4 =	vsel vm0, v9, v4;
	v8 =	vsel vm9, $0x44A, v8;
	v7 =	vsel vm9, $0x40A, v7  }
0x23: {  	v10 =	vand.u32 $0xF, v10;
	v8 =	vsel vm8, $0x44B, v8;
	v7 =	vsel vm8, $0x40B, v7  }
0x24: {  	v4 =	vcombine.low v10, v4;
	v8 =	vsel vm7, $0x464, v8;
	v7 =	vsel vm7, $0x424, v7  }
0x25: {  	v10 =	vimm.s32 $0x6B6A6968;
	v8 =	vsel vm6, $0x465, v8;
	v7 =	vsel vm6, $0x425, v7  }
0x26: {  	v10 =	vunpack.c.0.s8.s32 v10;
	v8 =	vsel vm5, $0x466, v8;
	v7 =	vsel vm5, $0x426, v7  }
0x27: {  	v6 =	vsel vm0, v11, v6;
	v8 =	vsel vm4, $0x467, v8;
	v7 =	vsel vm4, $0x427, v7  }
0x28: {  	v5 =	vsel vm0, v10, v5;
	v8 =	vsel vm3, $0x468, v8;
	v7 =	vsel vm3, $0x428, v7  }
0x29: {  	v5 =	vcombine.low v6, v5;
	v8 =	vsel vm2, $0x469, v8;
	v7 =	vsel vm2, $0x429, v7  }
0x2a: {  	v6 =	vsel vm1, $0x42A, v7;
	v7 =	vsel vm1, $0x46A, v8;
	v8 =	vimm.s32 $0x2F2E2D2C  }
0x2b: {  	v15 =	vunpack.c.0.s8.s32 v8;
	v8 =	vsel vm13, $0x40A, v12;
	v12 =	vsel vm13, $0x44A, v13  }
0x2c: {  	v13 =	vunpack.c.0.s8.s32 v14;
	v8 =	vsel vm12, $0x40B, v8;
	v12 =	vsel vm12, $0x44B, v12  }
0x2d: {  	v9 =	vsel vm0, v15, v9;
	v8 =	vsel vm11, $0x40C, v8;
	v12 =	vsel vm11, $0x44C, v12  }
0x2e: {  	v13 =	vand.u32 $0xF, v13;
	v14 =	vsel vm10, $0x40D, v8;
	v12 =	vsel vm10, $0x44D, v12  }
0x2f: {  	v8 =	vcombine.low v13, v9;
	v9 =	vsel vm9, $0x40E, v14;
	v12 =	vsel vm9, $0x44E, v12  }
0x30: {  	v13 =	vimm.s32 $0x6F6E6D6C;
	v9 =	vsel vm8, $0x40F, v9;
	v12 =	vsel vm8, $0x44F, v12  }
0x31: {  	v13 =	vunpack.c.0.s8.s32 v13;
	v9 =	vsel vm7, $0x428, v9;
	v12 =	vsel vm7, $0x468, v12  }
0x32: {  	v14 =	vimm.s32 $0x4F4E4D4C;
	v9 =	vsel vm6, $0x429, v9;
	v12 =	vsel vm6, $0x469, v12  }
0x33: {  	v14 =	vunpack.c.0.s8.s32 v14;
	v9 =	vsel vm5, $0x42A, v9;
	v12 =	vsel vm5, $0x46A, v12  }
0x34: {  	v10 =	vsel vm0, v13, v10;
	v9 =	vsel vm4, $0x42B, v9;
	v12 =	vsel vm4, $0x46B, v12  }
0x35: {  	v11 =	vsel vm0, v14, v11;
	v16 =	vsel vm3, $0x42C, v9;
	v12 =	vsel vm3, $0x46C, v12  }
0x36: {  	v9 =	vcombine.low v11, v10;
	v11 =	vsel vm2, $0x46D, v12;
	v12 =	vimm.s32 $0x433  }
0x37: {  	v19 =	vimm.s32 $0x473;
	v26 =	vimm.s32 $0x1B1A1918;
	v12 =	vsel vm15, $0x40C, v12  }
0x38: {  	v17 =	vunpack.c.0.s8.s32 v17;
	v18 =	vunpack.c.0.s8.s32 v18;
	v12 =	vsel vm14, $0x40D, v12  }
0x39: {  	v10 =	vsel vm2, $0x42D, v16;
	v16 =	vimm.s32 $0x33323130;
	v12 =	vsel vm13, $0x40E, v12  }
0x3a: {  	v19 =	vsel vm15, $0x44C, v19;
	v16 =	vunpack.c.0.s8.s32 v16;
	v12 =	vsel vm12, $0x40F, v12  }
0x3b: {  	v19 =	vsel vm14, $0x44D, v19;
	v17 =	vsel vm0, v18, v17;
	v12 =	vsel vm11, $0x410, v12  }
0x3c: {  	v19 =	vsel vm13, $0x44E, v19;
	v15 =	vsel vm0, v16, v15;
	v20 =	vsel vm10, $0x411, v12  }
0x3d: {  	v12 =	vcombine.low v17, v15;
	v17 =	vsel vm12, $0x44F, v19;
	v19 =	vimm.s32 $0x73727170  }
0x3e: {  	v15 =	vsel vm9, $0x412, v20;
	v17 =	vsel vm11, $0x450, v17;
	v20 =	vunpack.c.0.s8.s32 v19  }
0x3f: {  	v19 =	vimm.s32 $0x53525150;
	v15 =	vsel vm8, $0x413, v15;
	v17 =	vsel vm10, $0x451, v17  }
0x40: {  	v21 =	vunpack.c.0.s8.s32 v19;
	v19 =	vimm.s32 $0x17161514;
	v15 =	vsel vm7, $0x42C, v15  }
0x41: {  	v17 =	vsel vm9, $0x452, v17;
	v13 =	vsel vm0, v20, v13;
	v15 =	vsel vm6, $0x42D, v15  }
0x42: {  	v23 =	vunpack.c.0.s8.s32 v19;
	v17 =	vsel vm8, $0x453, v17;
	v15 =	vsel vm5, $0x42E, v15  }
0x43: {  	v14 =	vsel vm0, v21, v14;
	v17 =	vsel vm7, $0x46C, v17;
	v15 =	vsel vm4, $0x42F, v15  }
0x44: {  	v13 =	vcombine.low v14, v13;
	v17 =	vsel vm6, $0x46D, v17;
	v15 =	vsel vm3, $0x430, v15  }
0x45: {  	v14 =	vsel vm2, $0x431, v15;
	v15 =	vsel vm5, $0x46E, v17;
	v17 =	vimm.s32 $0x37363534  }
0x46: {  	v18 =	vsel vm0, v23, v18;
	v15 =	vsel vm4, $0x46F, v15;
	v24 =	vunpack.c.0.s8.s32 v17  }
0x47: {  	v17 =	vimm.s32 $0x437;
	v22 =	vsel vm3, $0x470, v15;
	v15 =	vsel vm1, $0x432, v14  }
0x48: {  	v14 =	vsel vm2, $0x471, v22;
	v19 =	vsel vm0, v24, v16;
	v22 =	vsel vm15, $0x410, v17  }
0x49: {  	v16 =	vsel vm1, $0x472, v14;
	v17 =	vcombine.low v18, v19;
	v14 =	vsel vm14, $0x411, v22  }
0x4a: {  	v18 =	vimm.s32 $0x77767574;
	v19 =	vimm.s32 $0x477;
	v14 =	vsel vm13, $0x412, v14  }
0x4b: {  	v22 =	vimm.s32 $0x57565554;
	v19 =	vsel vm15, $0x450, v19;
	v14 =	vsel vm12, $0x413, v14  }
0x4c: {  	[tilespmem:$0x1FF60] =	vst v23;
	v18 =	vunpack.c.0.s8.s32 v18;
	v23 =	vsel vm14, $0x451, v19;
	v14 =	vsel vm11, $0x414, v14  }
0x4d: {  	v19 =	vunpack.c.0.s8.s32 v22;
	v22 =	vsel vm13, $0x452, v23;
	v14 =	vsel vm10, $0x415, v14  }
0x4e: {  	v20 =	vsel vm0, v18, v20;
	v22 =	vsel vm12, $0x453, v22;
	v14 =	vsel vm9, $0x416, v14  }
0x4f: {  	v21 =	vsel vm0, v19, v21;
	v22 =	vsel vm11, $0x454, v22;
	v14 =	vsel vm8, $0x417, v14  }
0x50: {  	v20 =	vcombine.low v21, v20;
	v21 =	vsel vm10, $0x455, v22;
	v14 =	vsel vm7, $0x430, v14  }
0x51: {  	v22 =	vimm.s32 $0x43B;
	v21 =	vsel vm9, $0x456, v21;
	v14 =	vsel vm6, $0x431, v14  }
0x52: {  	v22 =	vsel vm15, $0x414, v22;
	v21 =	vsel vm8, $0x457, v21;
	v14 =	vsel vm5, $0x432, v14  }
0x53: {  	v22 =	vsel vm14, $0x415, v22;
	v21 =	vsel vm7, $0x470, v21;
	v14 =	vsel vm4, $0x433, v14  }
0x54: {  	v22 =	vsel vm13, $0x416, v22;
	v21 =	vsel vm6, $0x471, v21;
	v14 =	vsel vm3, $0x434, v14  }
0x55: {  	v22 =	vsel vm12, $0x417, v22;
	v23 =	vsel vm5, $0x472, v21;
	v14 =	vsel vm2, $0x435, v14  }
0x56: {  	v22 =	vsel vm11, $0x418, v22;
	v21 =	vsel vm1, $0x436, v14;
	v14 =	vsel vm4, $0x473, v23  }
0x57: {  	v25 =	vsel vm10, $0x419, v22;
	v23 =	vimm.s32 $0x3B3A3938;
	v14 =	vsel vm3, $0x474, v14  }
0x58: {  	v25 =	vsel vm9, $0x41A, v25;
	v22 =	vunpack.c.0.s8.s32 v23;
	v14 =	vsel vm2, $0x475, v14  }
0x59: {  	v23 =	vsel vm1, $0x476, v14;
	v14 =	vsel vm8, $0x41B, v25;
	v25 =	vimm.s32 $0x47B  }
0x5a: {  	v30 =	vimm.s32 $0x47F;
	v14 =	vsel vm7, $0x434, v14;
	v25 =	vsel vm15, $0x454, v25  }
0x5b: {  	v30 =	vsel vm15, $0x458, v30;
	v14 =	vsel vm6, $0x435, v14;
	v27 =	vsel vm14, $0x455, v25  }
0x5c: {  	v25 =	vunpack.c.0.s8.s32 v26;
	v14 =	vsel vm5, $0x436, v14;
	v26 =	vsel vm13, $0x456, v27  }
0x5d: {  	v27 =	vimm.s32 $0x7B7A7978;
	v14 =	vsel vm4, $0x437, v14;
	v28 =	vsel vm12, $0x457, v26  }
0x5e: {  	v26 =	vunpack.c.0.s8.s32 v27;
	v14 =	vsel vm3, $0x438, v14;
	v27 =	vsel vm11, $0x458, v28  }
0x5f: {  	s1 =	srdreg.scid;
	s0 =	stileid.u32;
	v28 =	vimm.s32 $0x5B5A5958;
	v14 =	vsel vm2, $0x439, v14;
	v29 =	vsel vm10, $0x459, v27  }
0x60: {  	s3 =	sand.u32 $0x1, s1;
	s25 =	sshll.u32 s0, $0x1;
	v27 =	vunpack.c.0.s8.s32 v28;
	v28 =	vsel vm1, $0x43A, v14;
	v14 =	vsel vm9, $0x45A, v29  }
0x61: {  	s4 =	sor.u32 s3, s25;
	v30 =	vsel vm14, $0x459, v30;
	v29 =	vimm.s32 $0x43F;
	v14 =	vsel vm8, $0x45B, v14  }
0x62: {  	s5 =	rddreg [dreg:$0x0];
	s1 =	smul.u32 $0x25, s4;
	v30 =	vsel vm13, $0x45A, v30;
	v29 =	vsel vm15, $0x418, v29;
	v14 =	vsel vm7, $0x474, v14  }
0x63: {  	s6 =	rddreg [dreg:$0x1];
	s7 =	sor.u32 $0x20, s4;
	v30 =	vsel vm12, $0x45B, v30;
	v29 =	vsel vm14, $0x419, v29;
	v14 =	vsel vm6, $0x475, v14  }
0x64: {  	s2 =	simm.s32 $0x0;
	s9 =	smul.u32 $0x25, s7;
	s8 =	sshrl.u32 s1, $0x8;
	v30 =	vsel vm11, $0x45C, v30;
	v29 =	vsel vm13, $0x41A, v29;
	v14 =	vsel vm5, $0x476, v14  }
0x65: {  	[smem:$0x7FF] =	sst s2;
	p0 =	sgt.u32 s0, $0xB;
	s10 =	smul.u32 $0x7, s8;
	v30 =	vsel vm10, $0x45D, v30;
	v29 =	vsel vm12, $0x41B, v29;
	v14 =	vsel vm4, $0x477, v14  }
0x66: {  	s3 =	ssub.s32 $0x2, s3;
	s9 =	sshrl.u32 s9, $0x8;
	s8 =	sshll.u32 s8, $0x11;
	v30 =	vsel vm9, $0x45E, v30;
	v29 =	vsel vm11, $0x41C, v29;
	v14 =	vsel vm3, $0x478, v14  }
0x67: {  	s11 =	smul.u32 $0x7, s9;
	s9 =	sshll.u32 s9, $0x11;
	s10 =	ssub.s32 s4, s10;
	v30 =	vsel vm8, $0x45F, v30;
	v31 =	vsel vm10, $0x41D, v29;
	v14 =	vsel vm2, $0x479, v14  }
0x68: {  	s12 =	sshrl.u32 s3, $0x1;
	s4 =	smul.u32 $0x1C00, s4;
	s10 =	sand.u32 $0xFF, s10;
	v29 =	vsel vm1, $0x47A, v14;
	v14 =	vsel vm9, $0x41E, v31;
	v31 =	vimm.s32 $0x3F3E3D3C  }
0x69: {  	s11 =	ssub.s32 s7, s11;
	v30 =	vsel vm7, $0x478, v30;
	s7 =	smul.u32 $0x1C00, s7;
	s26 =	sshll.u32 s10, $0xE;
	[tilespmem:$0x1FF70] =	vst v18;
	v18 =	vunpack.c.0.s8.s32 v31  }
0x6a: {  	s13 =	simm.s32 $0x0;
	s12 =	ssub.s32 s3, s12;
	s11 =	sand.u32 $0xFF, s11;
	v30 =	vsel vm6, $0x479, v30;
	[tilespmem:$0x1FF80] =	vst v19;
	v14 =	vsel vm8, $0x41F, v14;
	v31 =	vimm.s32 $0x1F1E1D1C  }
0x6b: {  	s10 =	sshll.u32 s10, $0x7;
	s4 =	sadd.s32 s6, s4;
	v30 =	vsel vm5, $0x47A, v30;
	_ =	strace $0x80000047;
	v14 =	vsel vm7, $0x438, v14;
	[tilespmem:$0x1FF90] =	vst v18;
	v18 =	vunpack.c.0.s8.s32 v31  }
0x6c: {  	s3 =	sadd.s32 s5, s26;
	s28 =	sshll.u32 s11, $0xE;
	s29 =	sshll.u32 s11, $0x7;
	v30 =	vsel vm4, $0x47B, v30;
	[tilespmem:$0x1FFE0] =	vst v25;
	v14 =	vsel vm6, $0x439, v14;
	v31 =	vimm.s32 $0x7F7E7D7C  }
.Ltmp0:
0x6d: {  	s31 =	sadd.s32 s6, s7;
	s5 =	sadd.s32 s5, s28;
	v30 =	vsel vm3, $0x47C, v30;
	v14 =	vsel vm5, $0x43A, v14;
	[tilespmem:$0x1FFA0] =	vst v18;
	v18 =	vunpack.c.0.s8.s32 v31;
	(pc) =	sbr.rel .LBB2_1-.Ltmp0, $4  }
0x6e: {  	s7 =	smax.u32 s12, $0x1;
	s11 =	simm.s32 $0x1;
	s5 =	sadd.s32 s9, s5;
	v30 =	vsel vm2, $0x47D, v30;
	[tilespmem:$0x1FFD0] =	vst v26;
	v14 =	vsel vm4, $0x43B, v14;
	v31 =	vimm.s32 $0x5F5E5D5C  }
0x6f: {  	s12 =	simm.s32 $0x10000;
	s3 =	sadd.s32 s8, s3;
	s30 =	sadd.s32 s29, s5;
	v35 =	vsel vm1, $0x47E, v30;
	v14 =	vsel vm3, $0x43C, v14;
	[tilespmem:$0x1FFB0] =	vst v18;
	v18 =	vunpack.c.0.s8.s32 v31  }
0x70: {  	s8 =	simm.s32 $0x800;
	s3 =	sadd.s32 s10, s3;
	v3 =	vsel vm1, $0x466, v3;
	v10 =	vsel vm1, $0x42E, v10;
	[dreg:$0x3] =	wrdreg s30;
	[tilespmem:$0x1FFF0] =	vst v27;
	v14 =	vsel vm2, $0x43D, v14  }
0x71: {  	s9 =	simm.s32 $0x2000;
	s10 =	simm.s32 $0x2;
	v11 =	vsel vm1, $0x46E, v11;
	[dreg:$0x4] =	wrdreg s31;
	v24 =	vsel vm0, v22, v24;
	v34 =	vsel vm1, $0x43E, v14;
	[tilespmem:$0x1FFC0] =	vst v18  }
.LBB2_75:
0x72: {  	v49 =	vmov v57;
	p2 =	por $0x0, $0x0;
	s8 =	simm.s32 $0x800  }
.LBB2_82:
0x73: {  	_ =	sdelay $0x3  }
0x74: {  	v18 =	vld.idx.msk [tilespmem:v50+s2+$0x0], $0xffff;
	[tilespmem:s16+$0xFFFFFF00] =	vst @p1 v59  }
0x75: {  	v19 =	vld.idx.msk [tilespmem:v51+s2+$0x0], $0xffff;
	[tilespmem:s14+$0xFFFFFE60] =	vst @p2 v54;
	v22 =	vor.u32 @p2 v35, v57  }
0x76: {  	[tilespmem:s14+$0xFFFFFF60] =	vst @p2 v53;
	v25 =	vor.u32 v36, v49;
	v26 =	vld.idx.msk [tilespmem:v48+s2+$0x0], $0xffff  }
0x77: {  	v41 =	vld.idx.msk [tilespmem:v47+s2+$0x0], $0xffff;
	[tilespmem:s16+$0xFFFFFF80] =	vst @p1 v30;
	v30 =	vor.u32 v36, v43  }
0x78: {  	v37 =	vor.u32 v36, v38;
	v33 =	vld.idx.msk @p2 [tilespmem:v56+s2+$0x0], $0xffff;
	[tilespmem:s14+$0xFFFFFEF0] =	vst @p2 v52  }
0x79: {  	v60 =	vor.u32 v36, v40;
	v14 =	vld.idx.msk @p2 [tilespmem:v14+s2+$0x0], $0xffff;
	[tilespmem:s14+$0xFFFFFFF0] =	vst @p2 v55  }
0x7a: {  	v22 =	vld.idx.msk @p2 [tilespmem:v22+s2+$0x0], $0xffff;
	[tilespmem:s15+$0xFFFFFFD0] =	vst v19  }
0x7b: {  	v32 =	vor.u32 @p2 v35, v32;
	[tilespmem:s15+$0xFFFFFE50] =	vst v26;
	v19 =	vld.idx.msk [tilespmem:v25+s2+$0x0], $0xffff  }
0x7c: {  	[tilespmem:s15+$0xFFFFFED0] =	vst v18;
	v25 =	vor.u32 v34, v49;
	v18 =	vld.idx.msk [tilespmem:v30+s2+$0x0], $0xffff  }
0x7d: {  	s0 =	smov.u32 @p2 s14;
	[tilespmem:s15+$0xFFFFFF50] =	vst v41;
	v26 =	vld.idx.msk [tilespmem:v37+s2+$0x0], $0xffff;
	v30 =	vor.u32 v34, v43  }
0x7e: {  	v61 =	vor.u32 v34, v38;
	[tilespmem:s0+$0xFFFFFE70] =	vst @p2 v33;
	v62 =	vld.idx.msk [tilespmem:v60+s2+$0x0], $0xffff  }
0x7f: {  	[tilespmem:s0+$0xFFFFFF70] =	vst @p2 v14;
	v14 =	vor.u32 @p2 v35, v31;
	v31 =	vld.idx.msk @p2 [tilespmem:v45+s2+$0x0], $0xffff  }
0x80: {  	v32 =	vld.idx.msk @p2 [tilespmem:v32+s2+$0x0], $0xffff;
	[tilespmem:s15+$0xFFFFFFE0] =	vst v19  }
0x81: {  	[tilespmem:s15+$0xFFFFFE60] =	vst v18;
	v19 =	vld.idx.msk [tilespmem:v25+s2+$0x0], $0xffff  }
0x82: {  	[tilespmem:s15+$0xFFFFFEE0] =	vst v26;
	v18 =	vor.u32 v35, v49;
	v25 =	vld.idx.msk [tilespmem:v30+s2+$0x0], $0xffff  }
0x83: {  	[tilespmem:s15+$0xFFFFFF60] =	vst v62;
	v26 =	vld.idx.msk [tilespmem:v61+s2+$0x0], $0xffff;
	v30 =	vor.u32 v35, v43  }
0x84: {  	[tilespmem:s0+$0x0] =	vst @p2 v22;
	v22 =	vor.u32 v35, v38;
	v33 =	vld.idx.msk [tilespmem:v39+s2+$0x0], $0xffff  }
0x85: {  	v63 =	vor.u32 v35, v40;
	v14 =	vld.idx.msk @p2 [tilespmem:v14+s2+$0x0], $0xffff;
	[tilespmem:s0+$0xFFFFFE80] =	vst @p2 v32  }
0x86: {  	[tilespmem:s15+$0xFFFFFFF0] =	vst v19  }
0x87: {  	[tilespmem:s15+$0xFFFFFE70] =	vst v25;
	v18 =	vld.idx.msk [tilespmem:v18+s2+$0x0], $0xffff  }
0x88: {  	[tilespmem:s15+$0xFFFFFEF0] =	vst v26;
	v19 =	vld.idx.msk [tilespmem:v30+s2+$0x0], $0xffff  }
0x89: {  	s0 =	smov.u32 @p2 s0;
	v25 =	vpsel p2, v31, v0;
	[tilespmem:s15+$0xFFFFFF70] =	vst v33;
	v22 =	vld.idx.msk [tilespmem:v22+s2+$0x0], $0xffff  }
0x8a: {  	v14 =	vpsel p2, v14, v0;
	[tilespmem:s0+$0xFFFFFF00] =	vst @p2 v25;
	v25 =	vld.idx.msk [tilespmem:v63+s2+$0x0], $0xffff  }
0x8b: {  	[tilespmem:s0+$0xFFFFFF80] =	vst @p2 v14  }
0x8c: {  	[tilespmem:s15+$0x0] =	vst v18  }
0x8d: {  	[tilespmem:s15+$0xFFFFFE80] =	vst v19  }
0x8e: {  	[tilespmem:s15+$0xFFFFFF00] =	vst v22  }
0x8f: {  	[tilespmem:s15+$0xFFFFFF80] =	vst v25  }
0x90: {  	v25 =	vld [tilespmem:$0x1FFE0]  }
0x91: {  	s0 =	rddreg [dreg:$0x4];
	v26 =	vld [tilespmem:$0x1FFD0]  }
0x92: {  	v22 =	vmov v27;
	v27 =	vld [tilespmem:$0x1FFF0];
	[hbm4b:s0+s2] =	stream.linear.scatter [tilespmem:s12], [sflag:$0x1], $0xE000, $0x38  }
.LBB2_83:
0x93: {  	s13 =	sadd.s32 $0x1, s13  }
0x94: {  	p1 =	sne.s32 s13, s7  }
.Ltmp1:
0x95: {  	_ = 	snop;
	(pc) =	sbr.rel @!p1 .LBB2_84-.Ltmp1, $4  }
0x96: {  	_ = 	snop  }
0x97: {  	_ =	swait.ge [sflag:s11], $0xE000  }
0x98: {  	[sflag:s11] =	ssyncset.done $0x0  }
0x99: {  	[sflag:s11] =	ssyncadd.s32 $0xFFFF2000  }
.LBB2_1:
0x9a: {  	s14 =	simm.s32 $0x0  }
0x9b: {  	s16 =	simm.s32 $0x1;
	s17 =	simm.s32 $0xFFFFFFFB;
	s1 =	simm.s32 $0x2  }
0x9c: {  	s5 =	sand.u32 $0xE0, s2;
	s15 =	sand.u32 $0x4, s14;
	s18 =	sand.u32 $0x5, s16  }
0x9d: {  	s14 =	sand.u32 $0x6, s1;
	s19 =	sand.u32 $0x7, s17;
	s6 =	sor.u32 s15, s5  }
0x9e: {  	s20 =	sor.u32 s18, s5;
	s14 =	sor.u32 s14, s5;
	s16 =	sor.u32 s19, s5;
	v14 =	vmov s6  }
0x9f: {  	v30 =	vmov s20;
	v31 =	vmov s14;
	v32 =	vmov s16  }
0xa0: {  	v33 =	vshll.u32 v31, $0x7;
	v36 =	vshll.u32 v32, $0x8;
	v32 =	vshll.u32 v32, $0x7  }
0xa1: {  	v31 =	vshll.u32 v31, $0x8;
	v36 =	vand.u32 $0xE000, v36;
	v32 =	vand.u32 $0x380, v32  }
0xa2: {  	v33 =	vand.u32 $0x300, v33;
	v31 =	vand.u32 $0xE000, v31;
	v32 =	vor.u32 v32, v36  }
0xa3: {  	[tilespmem:s2], [sflag:$0x2] =	stream.strided.gather [hbm4b:s3+s8], $0x10000, s9, s8, $0x38;
	v38 =	vshll.u32 v14, $0x8;
	v31 =	vor.u32 v33, v31;
	v57 =	vor.u32 v0, v32;
	[tilespmem:$0x1E000] =	vst v63  }
0xa4: {  	s21 =	simm.s32 $0x10;
	s22 =	simm.s32 $0x5;
	s23 =	simm.s32 $0x6;
	v58 =	vshll.u32 v30, $0x8;
	v14 =	vshll.u32 v14, $0x7;
	v37 =	vor.u32 v0, v31  }
0xa5: {  	s24 =	simm.s32 $0xFFFFFFFF;
	_ =	swait.ge [sflag:s10], $0x10000;
	s17 =	sand.u32 $0x6, s23;
	v30 =	vshll.u32 v30, $0x7;
	v39 =	vand.u32 $0xE000, v38;
	v14 =	vand.u32 $0x200, v14  }
0xa6: {  	[sflag:s10] =	ssyncset.done $0x0;
	s16 =	sand.u32 $0x5, s22;
	s14 =	sand.u32 $0xE0, s21;
	v30 =	vand.u32 $0x280, v30;
	v36 =	vand.u32 $0xE000, v58;
	v59 =	vor.u32 v14, v39  }
0xa7: {  	[sflag:s10] =	ssyncadd.s32 $0xFFFF0000;
	s22 =	sand.u32 $0x7, s24;
	s21 =	sor.u32 s16, s14;
	v30 =	vor.u32 v30, v36;
	v40 =	vor.u32 v0, v59  }
0xa8: {  	s17 =	sor.u32 s17, s14;
	s25 =	sor.u32 s22, s14;
	v61 =	vmov s21;
	v60 =	vor.u32 v0, v30;
	v33 =	vld.idx.msk [tilespmem:v57+s2+$0x0], $0xffff  }
0xa9: {  	v47 =	vmov s17;
	v49 =	vmov s25;
	v41 =	vor.u32 v1, v32;
	v37 =	vld.idx.msk [tilespmem:v37+s2+$0x0], $0xffff  }
0xaa: {  	v48 =	vshll.u32 v61, $0x8;
	v63 =	vshll.u32 v47, $0x7;
	v43 =	vor.u32 v1, v31  }
0xab: {  	v50 =	vshll.u32 v49, $0x8;
	v52 =	vshll.u32 v47, $0x8;
	v53 =	vshll.u32 v49, $0x7  }
0xac: {  	s20 =	simm.s32 $0x10100;
	v45 =	vor.u32 v1, v59;
	v62 =	vand.u32 $0xE000, v48;
	v54 =	vand.u32 $0xE000, v50;
	v40 =	vld.idx.msk [tilespmem:v40+s2+$0x0], $0xffff  }
0xad: {  	v47 =	vand.u32 $0x380, v53;
	v36 =	vshll.u32 v61, $0x7;
	v46 =	vor.u32 v1, v30;
	v39 =	vld.idx.msk [tilespmem:v60+s2+$0x0], $0xffff;
	[tilespmem:s20+$0x80] =	vst v33  }
0xae: {  	s26 =	simm.s32 $0x4;
	v36 =	vand.u32 $0x280, v36;
	[tilespmem:s20+$0x0] =	vst v37;
	v37 =	vand.u32 $0xE000, v52;
	v52 =	vor.u32 v47, v54;
	v41 =	vld.idx.msk [tilespmem:v41+s2+$0x0], $0xffff  }
0xaf: {  	s21 =	sand.u32 $0x4, s26;
	v36 =	vor.u32 v36, v62;
	v43 =	vld.idx.msk [tilespmem:v43+s2+$0x0], $0xffff;
	v55 =	vor.u32 v0, v52  }
0xb0: {  	s14 =	sor.u32 s21, s14;
	v14 =	vor.u32 v14, v38;
	v42 =	vor.u32 v2, v31;
	v58 =	vor.u32 v0, v36  }
0xb1: {  	v44 =	vor.u32 v2, v32;
	v48 =	vand.u32 $0x300, v63;
	v57 =	vmov s14;
	[tilespmem:s20+$0xFFFFFF00] =	vst v40  }
0xb2: {  	v61 =	vor.u32 v2, v30;
	v40 =	vshll.u32 v57, $0x7;
	[tilespmem:s20+$0xFFFFFF80] =	vst v39;
	v37 =	vor.u32 v48, v37;
	v45 =	vld.idx.msk [tilespmem:v45+s2+$0x0], $0xffff  }
0xb3: {  	v59 =	vshll.u32 v57, $0x8;
	v40 =	vand.u32 $0x200, v40;
	v46 =	vld.idx.msk [tilespmem:v46+s2+$0x0], $0xffff;
	v56 =	vor.u32 v0, v37;
	[tilespmem:s20+$0x90] =	vst v41  }
0xb4: {  	v62 =	vor.u32 v2, v14;
	v60 =	vand.u32 $0xE000, v59;
	v53 =	vor.u32 v40, v59;
	[tilespmem:s20+$0x10] =	vst v43;
	v39 =	vld.idx.msk [tilespmem:v55+s2+$0x0], $0xffff  }
0xb5: {  	s30 =	simm.s32 $0x20;
	v43 =	vor.u32 v40, v60;
	v40 =	vor.u32 v3, v30;
	v30 =	vor.u32 v3, v31;
	v31 =	vld.idx.msk [tilespmem:v58+s2+$0x0], $0xffff  }
0xb6: {  	s31 =	simm.s32 $0x9;
	s23 =	simm.s32 $0x3;
	s25 =	simm.s32 $0xA;
	v41 =	vld.idx.msk [tilespmem:v44+s2+$0x0], $0xffff;
	v63 =	vor.u32 v0, v43  }
0xb7: {  	s26 =	simm.s32 $0x8;
	s25 =	sand.u32 $0x6, s25;
	s14 =	sand.u32 $0xE0, s30;
	v47 =	vor.u32 v1, v52;
	v42 =	vld.idx.msk [tilespmem:v42+s2+$0x0], $0xffff  }
0xb8: {  	s17 =	sand.u32 $0x5, s31;
	s24 =	sand.u32 $0x4, s26;
	v32 =	vor.u32 v3, v32;
	v14 =	vor.u32 v3, v14;
	s25 =	sor.u32 s25, s14;
	[tilespmem:s20+$0xFFFFFF10] =	vst v45;
	v33 =	vld.idx.msk [tilespmem:v56+s2+$0x0], $0xffff  }
0xb9: {  	s28 =	sor.u32 s24, s14;
	s29 =	sor.u32 s17, s14;
	s24 =	simm.s32 $0x10300;
	v51 =	vmov s25;
	v49 =	vor.u32 v2, v52;
	[tilespmem:s20+$0xFFFFFF90] =	vst v46;
	v46 =	vor.u32 v1, v37;
	v48 =	vld.idx.msk [tilespmem:v62+s2+$0x0], $0xffff  }
0xba: {  	s23 =	sand.u32 $0x7, s23;
	v54 =	vor.u32 v2, v37;
	v45 =	vor.u32 v1, v36;
	v60 =	vmov s29;
	v44 =	vld.idx.msk [tilespmem:v61+s2+$0x0], $0xffff;
	[tilespmem:s24+$0x80] =	vst v39  }
0xbb: {  	s14 =	sor.u32 s23, s14;
	v43 =	vor.u32 v1, v43;
	v56 =	vshll.u32 v60, $0x8;
	v62 =	vshll.u32 v51, $0x7;
	[tilespmem:s24+$0xFFFFFF80] =	vst v31;
	v57 =	vld.idx.msk [tilespmem:v63+s2+$0x0], $0xffff  }
0xbc: {  	v51 =	vshll.u32 v51, $0x8;
	v38 =	vshll.u32 v60, $0x7;
	v61 =	vmov s14;
	[tilespmem:s20+$0xA0] =	vst v41;
	v58 =	vld.idx.msk [tilespmem:v47+s2+$0x0], $0xffff  }
0xbd: {  	v56 =	vand.u32 $0xE000, v56;
	v59 =	vand.u32 $0x300, v62;
	v51 =	vand.u32 $0xE000, v51;
	[tilespmem:s24+$0x0] =	vst v33;
	v32 =	vld.idx.msk [tilespmem:v32+s2+$0x0], $0xffff  }
0xbe: {  	v39 =	vshll.u32 v61, $0x7;
	v41 =	vmov s28;
	v63 =	vshll.u32 v61, $0x8;
	[tilespmem:s20+$0x20] =	vst v42;
	v46 =	vld.idx.msk [tilespmem:v46+s2+$0x0], $0xffff  }
0xbf: {  	v61 =	vand.u32 $0x280, v38;
	[tilespmem:s20+$0xFFFFFF20] =	vst v48;
	v31 =	vand.u32 $0xE000, v63;
	v60 =	vld.idx.msk [tilespmem:v30+s2+$0x0], $0xffff;
	v30 =	vand.u32 $0x380, v39  }
0xc0: {  	v42 =	vld.idx.msk [tilespmem:v45+s2+$0x0], $0xffff;
	v48 =	vor.u32 v2, v53;
	v55 =	vshll.u32 v41, $0x8;
	[tilespmem:s20+$0xFFFFFFA0] =	vst v44;
	v38 =	vor.u32 v30, v31  }
0xc1: {  	v50 =	vshll.u32 v41, $0x7;
	v30 =	vor.u32 v59, v51;
	v62 =	vld.idx.msk [tilespmem:v40+s2+$0x0], $0xffff;
	v63 =	vor.u32 v0, v38;
	[tilespmem:s24+$0xFFFFFF00] =	vst v57  }
0xc2: {  	v47 =	vand.u32 $0xE000, v55;
	v31 =	vand.u32 $0x200, v50;
	v50 =	vld.idx.msk [tilespmem:v14+s2+$0x0], $0xffff;
	v33 =	vor.u32 v0, v30;
	[tilespmem:s24+$0x90] =	vst v58  }
0xc3: {  	v40 =	vor.u32 v61, v56;
	v45 =	vor.u32 v31, v47;
	[tilespmem:s20+$0xB0] =	vst v32;
	v47 =	vld.idx.msk [tilespmem:v43+s2+$0x0], $0xffff  }
0xc4: {  	v39 =	vor.u32 v3, v53;
	v51 =	vor.u32 v0, v40;
	[tilespmem:s24+$0x10] =	vst v46;
	v46 =	vld.idx.msk [tilespmem:v49+s2+$0x0], $0xffff  }
0xc5: {  	s25 =	simm.s32 $0x10500;
	v41 =	vor.u32 v31, v55;
	v49 =	vor.u32 v2, v36;
	[tilespmem:s20+$0x30] =	vst v60;
	v43 =	vld.idx.msk [tilespmem:v54+s2+$0x0], $0xffff  }
0xc6: {  	s29 =	simm.s32 $0x30;
	s14 =	simm.s32 $0x0;
	s28 =	simm.s32 $0x0;
	v31 =	vor.u32 v3, v52;
	v44 =	vor.u32 v0, v45;
	[tilespmem:s20+$0xFFFFFFB0] =	vst v62;
	v32 =	vld.idx.msk [tilespmem:v63+s2+$0x0], $0xffff  }
.LBB2_2:
0xc7: {  	s30 =	sadd.s32 $0x5, s26;
	s31 =	sadd.s32 $0xFFFFFFFF, s26;
	v14 =	vld.idx.msk [tilespmem:v33+s14+$0x0], $0xffff;
	v33 =	vor.u32 v3, v36;
	s1 =	smov.u32 s26  }
0xc8: {  	v52 =	vor.u32 v3, v37;
	[tilespmem:s20+$0xFFFFFF30] =	vst v50;
	v37 =	vmovc v30;
	v36 =	vmov v40;
	v53 =	vmov v41;
	s26 =	sadd.s32 $0x4, s26;
	s20 =	smov.u32 s24;
	s24 =	smov.u32 s25  }
0xc9: {  	v40 =	vor.u32 v1, v38;
	s0 =	sand.u32 $0x4, s26;
	s30 =	sand.u32 $0x5, s30;
	s1 =	sadd.s32 $0x6, s1;
	v30 =	vld.idx.msk [tilespmem:v51+s14+$0x0], $0xffff;
	v54 =	vor.u32 v2, v37;
	[tilespmem:s20+$0xFFFFFF90] =	vst v42  }
0xca: {  	s5 =	sand.u32 $0xE0, s29;
	v55 =	vor.u32 v2, v38;
	s31 =	sand.u32 $0x7, s31;
	v41 =	vor.u32 v1, v37;
	s1 =	sand.u32 $0x6, s1;
	[tilespmem:s20+$0xFFFFFF10] =	vst v47;
	v47 =	vld.idx.msk [tilespmem:v49+s28+$0x0], $0xffff  }
0xcb: {  	v42 =	vor.u32 v1, v36;
	s0 =	sor.u32 s0, s5;
	s30 =	sor.u32 s30, s5;
	v49 =	vor.u32 v1, v45;
	s1 =	sor.u32 s1, s5;
	v45 =	vld.idx.msk [tilespmem:v48+s28+$0x0], $0xffff;
	[tilespmem:s20+$0xA0] =	vst v46  }
0xcc: {  	p1 =	slt.u32 s26, $0x3C;
	v46 =	vmov s0;
	v48 =	vmov s30;
	s0 =	sor.u32 s31, s5;
	v50 =	vmov s1;
	v31 =	vld.idx.msk [tilespmem:v31+s28+$0x0], $0xffff  }
0xcd: {  	v51 =	vshll.u32 v46, $0x8;
	v56 =	vshll.u32 v48, $0x8;
	v57 =	vmov s0;
	v44 =	vld.idx.msk [tilespmem:v44+s14+$0x0], $0xffff;
	[tilespmem:s25+$0x80] =	vst v32  }
0xce: {  	v32 =	vand.u32 $0xE000, v56;
	v56 =	vshll.u32 v50, $0x7;
	v58 =	vshll.u32 v57, $0x8;
	[tilespmem:s25+$0x0] =	vst v14;
	v14 =	vld.idx.msk [tilespmem:v40+s14+$0x0], $0xffff  }
0xcf: {  	v59 =	vand.u32 $0xE000, v51;
	v40 =	vshll.u32 v50, $0x8;
	v50 =	vand.u32 $0x300, v56;
	v56 =	vld.idx.msk [tilespmem:v41+s14+$0x0], $0xffff;
	[tilespmem:s20+$0x20] =	vst v43  }
0xd0: {  	v41 =	vshll.u32 v48, $0x7;
	v43 =	vand.u32 $0xE000, v58;
	v48 =	vshll.u32 v57, $0x7;
	[tilespmem:s25+$0xFFFFFF80] =	vst v30;
	v52 =	vld.idx.msk [tilespmem:v52+s28+$0x0], $0xffff  }
0xd1: {  	v46 =	vshll.u32 v46, $0x7;
	v30 =	vand.u32 $0xE000, v40;
	v40 =	vand.u32 $0x380, v48;
	v42 =	vld.idx.msk [tilespmem:v42+s14+$0x0], $0xffff;
	[tilespmem:s20+$0xFFFFFFA0] =	vst v47  }
0xd2: {  	v41 =	vand.u32 $0x280, v41;
	v30 =	vor.u32 v50, v30;
	v57 =	vor.u32 v40, v43;
	[tilespmem:s20+$0xFFFFFF20] =	vst v45;
	v58 =	vld.idx.msk [tilespmem:v33+s28+$0x0], $0xffff  }
0xd3: {  	v40 =	vor.u32 v41, v32;
	v33 =	vand.u32 $0x200, v46;
	v32 =	vor.u32 v0, v57;
	v50 =	vld.idx.msk [tilespmem:v39+s28+$0x0], $0xffff;
	[tilespmem:s20+$0xB0] =	vst v31;
	s28 =	smov.u32 s14  }
.Ltmp2:
0xd4: {  	v45 =	vor.u32 v33, v59;
	v41 =	vor.u32 v33, v51;
	v33 =	vor.u32 v0, v30;
	[tilespmem:s25+$0xFFFFFF00] =	vst v44;
	(pc) =	sbr.rel @p1 .LBB2_2-.Ltmp2, $4  }
0xd5: {  	v51 =	vor.u32 v0, v40;
	v44 =	vor.u32 v0, v45;
	v47 =	vld.idx.msk [tilespmem:v49+s28+$0x0], $0xffff;
	[tilespmem:s25+$0x90] =	vst v14  }
0xd6: {  	v49 =	vor.u32 v2, v36;
	[tilespmem:s25+$0x10] =	vst v56;
	v46 =	vld.idx.msk [tilespmem:v55+s28+$0x0], $0xffff  }
0xd7: {  	v48 =	vor.u32 v2, v53;
	s14 =	simm.s32 $0x0;
	v43 =	vld.idx.msk [tilespmem:v54+s28+$0x0], $0xffff;
	[tilespmem:s20+$0x30] =	vst v52  }
0xd8: {  	s29 =	sadd.s32 $0x10, s29;
	v39 =	vor.u32 v3, v53;
	v31 =	vor.u32 v3, v38;
	v38 =	vmov v57;
	s25 =	sadd.s32 $0x200, s25;
	v32 =	vld.idx.msk [tilespmem:v32+s14+$0x0], $0xffff;
	[tilespmem:s20+$0xFFFFFFB0] =	vst v58  }
0xd9: {  	_ =	sdelay $0x3  }
0xda: {  	v14 =	vld.idx.msk [tilespmem:v33+s14+$0x0], $0xffff  }
0xdb: {  	[tilespmem:s20+$0xFFFFFF30] =	vst v50;
	v61 =	vld.idx.msk [tilespmem:v51+s14+$0x0], $0xffff;
	v62 =	vor.u32 v1, v30  }
0xdc: {  	[tilespmem:s24+$0xFFFFFF90] =	vst v42;
	v63 =	vor.u32 v1, v40;
	v44 =	vld.idx.msk [tilespmem:v44+s14+$0x0], $0xffff  }
0xdd: {  	v45 =	vor.u32 v1, v45;
	[tilespmem:s24+$0xFFFFFF10] =	vst v47  }
0xde: {  	v60 =	vor.u32 v1, v38;
	[tilespmem:s24+$0xA0] =	vst v46  }
0xdf: {  	v31 =	vld.idx.msk [tilespmem:v31+s28+$0x0], $0xffff;
	[tilespmem:s25+$0x0] =	vst v14;
	v14 =	vor.u32 v3, v37  }
0xe0: {  	[tilespmem:s25+$0xFFFFFF80] =	vst v61;
	v54 =	vld.idx.msk [tilespmem:v62+s14+$0x0], $0xffff  }
0xe1: {  	v55 =	vor.u32 v2, v30;
	[tilespmem:s25+$0xFFFFFF00] =	vst v44;
	v47 =	vld.idx.msk [tilespmem:v63+s14+$0x0], $0xffff  }
0xe2: {  	v56 =	vor.u32 v2, v40;
	[tilespmem:s25+$0x80] =	vst v32;
	v44 =	vld.idx.msk [tilespmem:v45+s14+$0x0], $0xffff  }
0xe3: {  	v57 =	vor.u32 v2, v41;
	[tilespmem:s24+$0x20] =	vst v43;
	v33 =	vld.idx.msk [tilespmem:v60+s14+$0x0], $0xffff  }
0xe4: {  	v53 =	vor.u32 v2, v38;
	[tilespmem:s24+$0xB0] =	vst v31;
	v14 =	vld.idx.msk [tilespmem:v14+s28+$0x0], $0xffff  }
0xe5: {  	v52 =	vld.idx.msk [tilespmem:v48+s28+$0x0], $0xffff;
	[tilespmem:s25+$0x10] =	vst v54  }
0xe6: {  	[tilespmem:s25+$0xFFFFFF90] =	vst v47;
	v58 =	vld.idx.msk [tilespmem:v55+s14+$0x0], $0xffff  }
0xe7: {  	v30 =	vor.u32 v3, v30;
	s20 =	sand.u32 $0xE0, s14;
	s1 =	simm.s32 $0x2;
	[tilespmem:s25+$0xFFFFFF10] =	vst v44;
	v60 =	vld.idx.msk [tilespmem:v56+s14+$0x0], $0xffff  }
0xe8: {  	s0 =	sor.u32 $0x4, s20;
	s1 =	sand.u32 $0x6, s1;
	v31 =	vor.u32 v3, v40;
	[tilespmem:s25+$0x90] =	vst v33;
	v32 =	vld.idx.msk [tilespmem:v57+s14+$0x0], $0xffff  }
0xe9: {  	s1 =	sadd.s32 s1, s0;
	v33 =	vld.idx.msk [tilespmem:v53+s14+$0x0], $0xffff;
	[tilespmem:s24+$0x30] =	vst v14;
	v14 =	vor.u32 v3, v41  }
0xea: {  	v36 =	vor.u32 v3, v36;
	v59 =	vor.u32 v3, v38;
	v51 =	vld.idx.msk [tilespmem:v49+s28+$0x0], $0xffff;
	s5 =	sadd.s32 s19, s0;
	v46 =	vmov s1;
	[tilespmem:s24+$0xFFFFFF20] =	vst v52  }
0xeb: {  	s6 =	sadd.s32 s18, s0;
	v48 =	vshll.u32 v46, $0x7;
	v42 =	vshll.u32 v46, $0x8;
	v61 =	vmov s5;
	v39 =	vld.idx.msk [tilespmem:v39+s28+$0x0], $0xffff;
	[tilespmem:s25+$0x20] =	vst v58  }
0xec: {  	v49 =	vand.u32 $0xE800, v42;
	v38 =	vand.u32 $0x300, v48;
	v62 =	vmov s6;
	[tilespmem:s25+$0xFFFFFFA0] =	vst v60;
	v30 =	vld.idx.msk [tilespmem:v30+s14+$0x0], $0xffff  }
0xed: {  	s0 =	sadd.s32 s15, s0;
	v63 =	vshll.u32 v61, $0x8;
	v38 =	vor.u32 v38, v49;
	v45 =	vshll.u32 v62, $0x8;
	[tilespmem:s25+$0xFFFFFF20] =	vst v32;
	v31 =	vld.idx.msk [tilespmem:v31+s14+$0x0], $0xffff  }
0xee: {  	v37 =	vshll.u32 v62, $0x7;
	v52 =	vmov s0;
	v40 =	vshll.u32 v61, $0x7;
	[tilespmem:s25+$0xA0] =	vst v33;
	v14 =	vld.idx.msk [tilespmem:v14+s14+$0x0], $0xffff  }
0xef: {  	[tilespmem:s24+$0xFFFFFFA0] =	vst v51;
	v51 =	vand.u32 $0xE800, v45;
	v40 =	vand.u32 $0x380, v40;
	v47 =	vand.u32 $0xE800, v63;
	v33 =	vld.idx.msk [tilespmem:v59+s14+$0x0], $0xffff  }
0xf0: {  	v36 =	vld.idx.msk [tilespmem:v36+s28+$0x0], $0xffff;
	v53 =	vor.u32 v4, v38;
	v54 =	vshll.u32 v52, $0x8;
	[tilespmem:s24+$0xFFFFFF30] =	vst v39;
	v32 =	vor.u32 v40, v47  }
0xf1: {  	v39 =	vshll.u32 v52, $0x7;
	v50 =	vor.u32 v4, v32;
	[tilespmem:s25+$0x30] =	vst v30;
	v30 =	vand.u32 $0x280, v37  }
0xf2: {  	s15 =	simm.s32 $0x10;
	v55 =	vand.u32 $0x200, v39;
	[tilespmem:s25+$0xFFFFFFB0] =	vst v31;
	v31 =	vand.u32 $0xE800, v54;
	v30 =	vor.u32 v30, v51  }
0xf3: {  	s19 =	sand.u32 $0xE0, s15;
	v31 =	vor.u32 v55, v31;
	[tilespmem:s25+$0xFFFFFF30] =	vst v14;
	v14 =	vor.u32 v4, v30  }
0xf4: {  	s0 =	sor.u32 $0x4, s19;
	[tilespmem:s25+$0xB0] =	vst v33;
	v33 =	vor.u32 v4, v31  }
0xf5: {  	s18 =	sadd.s32 s22, s0;
	[tilespmem:s24+$0xFFFFFFB0] =	vst v36;
	s24 =	sadd.s32 s16, s0  }
0xf6: {  	v58 =	vor.u32 v5, v38;
	v59 =	vmov s18;
	v60 =	vmov s24;
	v36 =	vld.idx.msk [tilespmem:v50+s14+$0x0], $0xffff  }
0xf7: {  	v57 =	vor.u32 v5, v32;
	v61 =	vshll.u32 v59, $0x8;
	v43 =	vshll.u32 v59, $0x7;
	v56 =	vld.idx.msk [tilespmem:v53+s14+$0x0], $0xffff  }
0xf8: {  	s22 =	simm.s32 $0x6;
	v62 =	vshll.u32 v60, $0x8;
	v46 =	vshll.u32 v60, $0x7;
	v63 =	vand.u32 $0x380, v43;
	v14 =	vld.idx.msk [tilespmem:v14+s14+$0x0], $0xffff  }
0xf9: {  	v52 =	vand.u32 $0xE800, v62;
	v46 =	vand.u32 $0x280, v46;
	s25 =	sand.u32 $0x6, s22;
	v45 =	vor.u32 v5, v30;
	v33 =	vld.idx.msk [tilespmem:v33+s14+$0x0], $0xffff  }
0xfa: {  	s16 =	simm.s32 $0x121B0;
	v52 =	vor.u32 v46, v52;
	v54 =	vand.u32 $0xE800, v61;
	v44 =	vor.u32 v5, v31;
	s1 =	sadd.s32 s25, s0  }
0xfb: {  	v53 =	vmov s1;
	[tilespmem:s16+$0xFFFFFFD0] =	vst v36;
	v36 =	vor.u32 v63, v54;
	v63 =	vor.u32 v4, v52  }
0xfc: {  	v55 =	vshll.u32 v53, $0x7;
	v48 =	vshll.u32 v53, $0x8;
	[tilespmem:s16+$0xFFFFFF50] =	vst v56;
	v37 =	vld.idx.msk [tilespmem:v57+s14+$0x0], $0xffff;
	v57 =	vor.u32 v4, v36  }
0xfd: {  	v40 =	vor.u32 v6, v32;
	s0 =	sadd.s32 s21, s0;
	v47 =	vand.u32 $0x300, v55;
	v56 =	vand.u32 $0xE800, v48;
	v41 =	vld.idx.msk [tilespmem:v58+s14+$0x0], $0xffff;
	[tilespmem:s16+$0xFFFFFED0] =	vst v14  }
0xfe: {  	v42 =	vor.u32 v6, v38;
	v58 =	vmov s0;
	v14 =	vor.u32 v47, v56;
	[tilespmem:s16+$0xFFFFFE50] =	vst v33;
	v60 =	vld.idx.msk [tilespmem:v45+s14+$0x0], $0xffff  }
0xff: {  	v61 =	vshll.u32 v58, $0x8;
	v62 =	vshll.u32 v58, $0x7;
	v59 =	vor.u32 v4, v14;
	v44 =	vld.idx.msk [tilespmem:v44+s14+$0x0], $0xffff  }
0x100: {  	v55 =	vor.u32 v6, v30;
	v53 =	vand.u32 $0xE800, v61;
	v54 =	vand.u32 $0x200, v62;
	v47 =	vld.idx.msk [tilespmem:v63+s14+$0x0], $0xffff  }
0x101: {  	v56 =	vor.u32 v6, v31;
	[tilespmem:s16+$0xFFFFFFE0] =	vst v37;
	v37 =	vor.u32 v54, v53;
	v39 =	vld.idx.msk [tilespmem:v57+s14+$0x0], $0xffff  }
0x102: {  	s15 =	simm.s32 $0x20;
	[tilespmem:s16+$0xFFFFFF60] =	vst v41;
	v40 =	vld.idx.msk [tilespmem:v40+s14+$0x0], $0xffff;
	v45 =	vor.u32 v4, v37  }
0x103: {  	s18 =	sand.u32 $0xE0, s15;
	v32 =	vor.u32 v7, v32;
	v30 =	vor.u32 v7, v30;
	v58 =	vor.u32 v5, v36;
	v42 =	vld.idx.msk [tilespmem:v42+s14+$0x0], $0xffff  }
0x104: {  	s26 =	sor.u32 $0x4, s18;
	v50 =	vor.u32 v6, v36;
	v57 =	vor.u32 v7, v38;
	v33 =	vld.idx.msk [tilespmem:v59+s14+$0x0], $0xffff;
	[tilespmem:s16+$0xFFFFFEE0] =	vst v60  }
0x105: {  	s28 =	sadd.s32 s23, s26;
	s21 =	simm.s32 $0x123B0;
	v31 =	vor.u32 v7, v31;
	v43 =	vor.u32 v5, v14;
	[tilespmem:s16+$0xFFFFFE60] =	vst v44;
	v44 =	vld.idx.msk [tilespmem:v55+s14+$0x0], $0xffff  }
0x106: {  	s30 =	simm.s32 $0xA;
	s29 =	sadd.s32 s17, s26;
	v38 =	vor.u32 v7, v14;
	v53 =	vor.u32 v5, v37;
	v59 =	vmov s28;
	v51 =	vld.idx.msk [tilespmem:v56+s14+$0x0], $0xffff;
	[tilespmem:s21+$0xFFFFFFD0] =	vst v39  }
0x107: {  	s1 =	sand.u32 $0x6, s30;
	v60 =	vmov s29;
	v61 =	vshll.u32 v59, $0x8;
	v46 =	vshll.u32 v59, $0x7;
	[tilespmem:s16+$0xFFFFFFF0] =	vst v40;
	v45 =	vld.idx.msk [tilespmem:v45+s14+$0x0], $0xffff  }
0x108: {  	s1 =	sadd.s32 s1, s26;
	v54 =	vshll.u32 v60, $0x8;
	v62 =	vshll.u32 v60, $0x7;
	v40 =	vor.u32 v5, v52;
	[tilespmem:s16+$0xFFFFFF70] =	vst v42;
	v49 =	vld.idx.msk [tilespmem:v58+s14+$0x0], $0xffff  }
0x109: {  	[tilespmem:s21+$0xFFFFFED0] =	vst v47;
	v63 =	vand.u32 $0x380, v46;
	v58 =	vmov s1;
	v42 =	vand.u32 $0xE800, v61;
	v55 =	vld.idx.msk [tilespmem:v57+s14+$0x0], $0xffff  }
0x10a: {  	s17 =	simm.s32 $0x8;
	v39 =	vand.u32 $0x280, v62;
	v57 =	vand.u32 $0xE800, v54;
	v41 =	vor.u32 v63, v42;
	v42 =	vld.idx.msk [tilespmem:v32+s14+$0x0], $0xffff;
	[tilespmem:s21+$0xFFFFFF50] =	vst v33  }
0x10b: {  	s31 =	sand.u32 $0x4, s17;
	v59 =	vshll.u32 v58, $0x7;
	v39 =	vor.u32 v39, v57;
	v33 =	vshll.u32 v58, $0x8;
	v54 =	vld.idx.msk [tilespmem:v43+s14+$0x0], $0xffff;
	[tilespmem:s16+$0xFFFFFEF0] =	vst v44  }
0x10c: {  	s0 =	sadd.s32 s31, s26;
	v61 =	vand.u32 $0x300, v59;
	v57 =	vor.u32 v4, v41;
	v60 =	vand.u32 $0xE800, v33;
	[tilespmem:s16+$0xFFFFFE70] =	vst v51;
	v56 =	vld.idx.msk [tilespmem:v30+s14+$0x0], $0xffff  }
0x10d: {  	v14 =	vor.u32 v6, v14;
	v62 =	vmov s0;
	v30 =	vor.u32 v61, v60;
	[tilespmem:s21+$0xFFFFFE50] =	vst v45;
	v48 =	vld.idx.msk [tilespmem:v31+s14+$0x0], $0xffff  }
0x10e: {  	v63 =	vshll.u32 v62, $0x7;
	v47 =	vld.idx.msk [tilespmem:v40+s14+$0x0], $0xffff;
	[tilespmem:s21+$0xFFFFFFE0] =	vst v49;
	v33 =	vor.u32 v4, v30  }
0x10f: {  	v32 =	vand.u32 $0x200, v63;
	v51 =	vor.u32 v4, v39;
	v31 =	vshll.u32 v62, $0x8;
	[tilespmem:s16+$0xFFFFFF80] =	vst v55;
	v46 =	vld.idx.msk [tilespmem:v53+s14+$0x0], $0xffff  }
0x110: {  	v49 =	vor.u32 v6, v37;
	v31 =	vand.u32 $0xE800, v31;
	v45 =	vld.idx.msk [tilespmem:v50+s14+$0x0], $0xffff;
	v50 =	vor.u32 v6, v52;
	[tilespmem:s16+$0x0] =	vst v42  }
0x111: {  	v40 =	vor.u32 v7, v30;
	v43 =	vor.u32 v32, v31;
	v31 =	vld.idx.msk [tilespmem:v57+s14+$0x0], $0xffff;
	[tilespmem:s21+$0xFFFFFF60] =	vst v54  }
0x112: {  	s23 =	simm.s32 $0x30;
	s22 =	simm.s32 $0x125B0;
	v42 =	vor.u32 v7, v52;
	v44 =	vor.u32 v4, v43;
	v32 =	vld.idx.msk [tilespmem:v14+s14+$0x0], $0xffff;
	[tilespmem:s16+$0xFFFFFF00] =	vst v56  }
.LBB2_4:
0x113: {  	s0 =	sand.u32 $0xE0, s23;
	s1 =	sadd.s32 $0x6, s17;
	s5 =	sadd.s32 $0xFFFFFFFF, s17;
	v14 =	vld.idx.msk [tilespmem:v33+s14+$0x0], $0xffff;
	v33 =	vor.u32 v7, v37;
	v52 =	vor.u32 v7, v36;
	[tilespmem:s16+$0xFFFFFE80] =	vst v48;
	v36 =	vmov v41  }
0x114: {  	s16 =	sadd.s32 $0x5, s17;
	v37 =	vmov v43;
	s0 =	sor.u32 $0x4, s0;
	s5 =	sand.u32 $0x7, s5;
	v48 =	vld.idx.msk [tilespmem:v51+s14+$0x0], $0xffff;
	v41 =	vor.u32 v5, v36;
	v53 =	vor.u32 v6, v36;
	[tilespmem:s21+$0xFFFFFEE0] =	vst v47  }
0x115: {  	v43 =	vor.u32 v5, v30;
	v54 =	vor.u32 v6, v30;
	s16 =	sand.u32 $0x5, s16;
	s1 =	sand.u32 $0x6, s1;
	s5 =	sadd.s32 s5, s0;
	[tilespmem:s21+$0xFFFFFE60] =	vst v46;
	v30 =	vld.idx.msk [tilespmem:v50+s14+$0x0], $0xffff  }
0x116: {  	s17 =	sadd.s32 $0x4, s17;
	v47 =	vor.u32 v5, v39;
	s16 =	sadd.s32 s16, s0;
	s1 =	sadd.s32 s1, s0;
	v50 =	vor.u32 v5, v37;
	v46 =	vmov s5;
	v49 =	vld.idx.msk [tilespmem:v49+s14+$0x0], $0xffff;
	[tilespmem:s21+$0xFFFFFFF0] =	vst v45  }
0x117: {  	p1 =	slt.u32 s17, $0x3C;
	s5 =	sand.u32 $0x4, s17;
	v45 =	vmov s16;
	s16 =	smov.u32 s21;
	v51 =	vshll.u32 v46, $0x8;
	v46 =	vshll.u32 v46, $0x7;
	v44 =	vld.idx.msk [tilespmem:v44+s14+$0x0], $0xffff;
	[tilespmem:s21+$0xFFFFFF70] =	vst v32  }
0x118: {  	s0 =	sadd.s32 s5, s0;
	v32 =	vshll.u32 v45, $0x8;
	v45 =	vshll.u32 v45, $0x7;
	s21 =	smov.u32 s22;
	v46 =	vand.u32 $0x380, v46;
	[tilespmem:s22+$0xFFFFFFD0] =	vst v31;
	v31 =	vld.idx.msk [tilespmem:v38+s14+$0x0], $0xffff;
	v38 =	vmovc v40  }
0x119: {  	v32 =	vand.u32 $0xE800, v32;
	v40 =	vmov s1;
	v51 =	vand.u32 $0xE800, v51;
	[tilespmem:s22+$0xFFFFFF50] =	vst v14;
	v14 =	vld.idx.msk [tilespmem:v41+s14+$0x0], $0xffff  }
0x11a: {  	v45 =	vand.u32 $0x280, v45;
	v55 =	vshll.u32 v40, $0x7;
	v41 =	vor.u32 v46, v51;
	[tilespmem:s22+$0xFFFFFED0] =	vst v48;
	v56 =	vld.idx.msk [tilespmem:v43+s14+$0x0], $0xffff  }
0x11b: {  	v57 =	vor.u32 v45, v32;
	v32 =	vshll.u32 v40, $0x8;
	v43 =	vmov s0;
	[tilespmem:s16+$0xFFFFFEF0] =	vst v30;
	v52 =	vld.idx.msk [tilespmem:v52+s14+$0x0], $0xffff  }
0x11c: {  	v45 =	vshll.u32 v43, $0x8;
	v30 =	vand.u32 $0xE800, v32;
	v32 =	vand.u32 $0x300, v55;
	[tilespmem:s16+$0xFFFFFE70] =	vst v49;
	v55 =	vld.idx.msk [tilespmem:v42+s14+$0x0], $0xffff  }
0x11d: {  	v30 =	vor.u32 v32, v30;
	v42 =	vor.u32 v4, v41;
	[tilespmem:s22+$0xFFFFFE50] =	vst v44;
	v48 =	vld.idx.msk [tilespmem:v33+s14+$0x0], $0xffff  }
.Ltmp3:
0x11e: {  	v32 =	vshll.u32 v43, $0x7;
	v33 =	vor.u32 v4, v30;
	v40 =	vor.u32 v7, v30;
	v47 =	vld.idx.msk [tilespmem:v47+s14+$0x0], $0xffff;
	[tilespmem:s16+$0xFFFFFF80] =	vst v31;
	(pc) =	sbr.rel @p1 .LBB2_4-.Ltmp3, $4  }
0x11f: {  	v51 =	vor.u32 v4, v57;
	v32 =	vand.u32 $0x200, v32;
	v31 =	vand.u32 $0xE800, v45;
	v46 =	vld.idx.msk [tilespmem:v50+s14+$0x0], $0xffff;
	[tilespmem:s22+$0xFFFFFFE0] =	vst v14  }
0x120: {  	v43 =	vor.u32 v32, v31;
	v50 =	vor.u32 v6, v39;
	[tilespmem:s22+$0xFFFFFF60] =	vst v56;
	v45 =	vld.idx.msk [tilespmem:v53+s14+$0x0], $0xffff  }
0x121: {  	v49 =	vor.u32 v6, v37;
	v44 =	vor.u32 v4, v43;
	v32 =	vld.idx.msk [tilespmem:v54+s14+$0x0], $0xffff;
	[tilespmem:s16+$0x0] =	vst v52  }
0x122: {  	s23 =	sadd.s32 $0x10, s23;
	s22 =	sadd.s32 $0x200, s22;
	v31 =	vld.idx.msk [tilespmem:v42+s14+$0x0], $0xffff;
	v42 =	vor.u32 v7, v39;
	[tilespmem:s16+$0xFFFFFF00] =	vst v55;
	v39 =	vmov v57  }
0x123: {  	_ =	sdelay $0x2  }
0x124: {  	[tilespmem:s16+$0xFFFFFE80] =	vst v48  }
0x125: {  	v14 =	vld.idx.msk [tilespmem:v33+s14+$0x0], $0xffff;
	[tilespmem:s21+$0xFFFFFEE0] =	vst v47;
	v54 =	vor.u32 v5, v41  }
0x126: {  	v52 =	vor.u32 v5, v30;
	v53 =	vld.idx.msk [tilespmem:v51+s14+$0x0], $0xffff;
	[tilespmem:s21+$0xFFFFFE60] =	vst v46  }
0x127: {  	v55 =	vor.u32 v5, v39;
	v44 =	vld.idx.msk [tilespmem:v44+s14+$0x0], $0xffff;
	[tilespmem:s21+$0xFFFFFFF0] =	vst v45  }
0x128: {  	v57 =	vor.u32 v5, v43;
	v56 =	vld.idx.msk [tilespmem:v50+s14+$0x0], $0xffff;
	[tilespmem:s21+$0xFFFFFF70] =	vst v32  }
0x129: {  	v58 =	vld.idx.msk [tilespmem:v49+s14+$0x0], $0xffff;
	[tilespmem:s22+$0xFFFFFFD0] =	vst v31  }
0x12a: {  	[tilespmem:s22+$0xFFFFFF50] =	vst v14;
	v14 =	vor.u32 v7, v36;
	v59 =	vld.idx.msk [tilespmem:v54+s14+$0x0], $0xffff  }
0x12b: {  	v60 =	vor.u32 v6, v41;
	[tilespmem:s22+$0xFFFFFED0] =	vst v53;
	v31 =	vld.idx.msk [tilespmem:v52+s14+$0x0], $0xffff  }
0x12c: {  	v30 =	vor.u32 v6, v30;
	[tilespmem:s22+$0xFFFFFE50] =	vst v44;
	v61 =	vld.idx.msk [tilespmem:v55+s14+$0x0], $0xffff  }
0x12d: {  	v63 =	vor.u32 v6, v39;
	[tilespmem:s21+$0xFFFFFEF0] =	vst v56;
	v62 =	vld.idx.msk [tilespmem:v57+s14+$0x0], $0xffff  }
0x12e: {  	v47 =	vor.u32 v6, v43;
	v38 =	vld.idx.msk [tilespmem:v38+s14+$0x0], $0xffff;
	[tilespmem:s21+$0xFFFFFE70] =	vst v58  }
0x12f: {  	v14 =	vld.idx.msk [tilespmem:v14+s14+$0x0], $0xffff;
	[tilespmem:s22+$0xFFFFFFE0] =	vst v59  }
0x130: {  	[tilespmem:s22+$0xFFFFFF60] =	vst v31;
	v31 =	vor.u32 v7, v37;
	v33 =	vld.idx.msk [tilespmem:v60+s14+$0x0], $0xffff  }
0x131: {  	v48 =	vor.u32 v7, v41;
	[tilespmem:s22+$0xFFFFFEE0] =	vst v61;
	v30 =	vld.idx.msk [tilespmem:v30+s14+$0x0], $0xffff  }
0x132: {  	s0 =	simm.s32 $0x0;
	s1 =	simm.s32 $0x1;
	[tilespmem:s22+$0xFFFFFE60] =	vst v62;
	v49 =	vld.idx.msk [tilespmem:v63+s14+$0x0], $0xffff  }
0x133: {  	v50 =	vor.u32 v7, v39;
	s17 =	sand.u32 $0x4, s0;
	s26 =	sand.u32 $0x5, s1;
	[tilespmem:s21+$0xFFFFFF80] =	vst v38;
	v32 =	vld.idx.msk [tilespmem:v47+s14+$0x0], $0xffff  }
0x134: {  	s28 =	sor.u32 s17, s20;
	s0 =	sor.u32 s26, s20;
	v51 =	vld.idx.msk [tilespmem:v42+s14+$0x0], $0xffff;
	[tilespmem:s21+$0x0] =	vst v14;
	v14 =	vor.u32 v7, v43  }
0x135: {  	s29 =	simm.s32 $0xFFFFFFFB;
	s1 =	sor.u32 $0x8, s28;
	s0 =	sor.u32 $0x8, s0;
	v31 =	vld.idx.msk [tilespmem:v31+s14+$0x0], $0xffff;
	[tilespmem:s22+$0xFFFFFFF0] =	vst v33  }
0x136: {  	s16 =	sand.u32 $0x7, s29;
	v52 =	vmov s0;
	[tilespmem:s22+$0xFFFFFF70] =	vst v30;
	v30 =	vmov s1;
	v36 =	vld.idx.msk [tilespmem:v48+s14+$0x0], $0xffff  }
0x137: {  	s5 =	simm.s32 $0x2;
	s31 =	sor.u32 s16, s20;
	v55 =	vshll.u32 v52, $0x7;
	[tilespmem:s22+$0xFFFFFEF0] =	vst v49;
	v53 =	vld.idx.msk [tilespmem:v40+s14+$0x0], $0xffff;
	v54 =	vshll.u32 v30, $0x8;
	v30 =	vshll.u32 v30, $0x7  }
0x138: {  	s30 =	sand.u32 $0x6, s5;
	v57 =	vand.u32 $0x280, v55;
	[tilespmem:s22+$0xFFFFFE70] =	vst v32;
	s1 =	sor.u32 $0x8, s31;
	v56 =	vld.idx.msk [tilespmem:v50+s14+$0x0], $0xffff;
	v37 =	vand.u32 $0xE800, v54;
	v30 =	vand.u32 $0x200, v30  }
0x139: {  	s0 =	sor.u32 s30, s20;
	v59 =	vshll.u32 v52, $0x8;
	[tilespmem:s21+$0xFFFFFF00] =	vst v51;
	v58 =	vmov s1;
	v14 =	vld.idx.msk [tilespmem:v14+s14+$0x0], $0xffff;
	v47 =	vor.u32 v30, v37  }
0x13a: {  	p2 =	por $0x1, $0x1;
	s0 =	sor.u32 $0x8, s0;
	v62 =	vand.u32 $0xE800, v59;
	v60 =	vshll.u32 v58, $0x8;
	[tilespmem:s21+$0xFFFFFE80] =	vst v31;
	v31 =	vor.u32 v8, v47  }
.Ltmp4:
0x13b: {  	v51 =	vor.u32 v57, v62;
	v30 =	vmov s0;
	v40 =	vand.u32 $0xE800, v60;
	[tilespmem:s22+$0x0] =	vst v36;
	(pc) =	sbr.rel @!p2 .LBB2_6-.Ltmp4, $4  }
0x13c: {  	v37 =	vshll.u32 v58, $0x7;
	v61 =	vshll.u32 v30, $0x7;
	v30 =	vshll.u32 v30, $0x8;
	[tilespmem:s22+$0xFFFFFF80] =	vst v53  }
0x13d: {  	v37 =	vand.u32 $0x380, v37;
	v30 =	vand.u32 $0xE800, v30;
	v63 =	vand.u32 $0x300, v61;
	[tilespmem:s22+$0xFFFFFF00] =	vst v56  }
0x13e: {  	v46 =	vor.u32 v8, v51;
	v52 =	vor.u32 v37, v40;
	v49 =	vor.u32 v63, v30;
	[tilespmem:s22+$0xFFFFFE80] =	vst v14;
	s22 =	simm.s32 $0x0  }
0x13f: {  	p3 =	por $0x0, $0x0;
	p1 =	por $0x0, $0x0;
	s20 =	simm.s32 $0x141B0;
	v44 =	vor.u32 v9, v47;
	v39 =	vor.u32 v8, v52;
	v50 =	vor.u32 v8, v49;
	v45 =	vld.idx.msk [tilespmem:v31+s22+$0x0], $0xffff  }
0x140: {  	_ = 	snop  }
0x141: {  	s0 =	simm.s32 $0x4;
	s1 =	simm.s32 $0x5  }
0x142: {  	s0 =	sand.u32 $0x4, s0;
	s1 =	sand.u32 $0x5, s1  }
0x143: {  	v14 =	vor.u32 v10, v47;
	v40 =	vor.u32 v10, v51;
	s5 =	simm.s32 $0xFFFFFFFF;
	s0 =	sor.u32 s0, s19;
	s1 =	sor.u32 s1, s19  }
0x144: {  	v30 =	vld.idx.msk [tilespmem:v50+s22+$0x0], $0xffff;
	v31 =	vor.u32 v9, v51;
	v33 =	vor.u32 v9, v49;
	v43 =	vor.u32 v9, v52;
	s5 =	sand.u32 $0x7, s5;
	s0 =	sor.u32 $0x8, s0;
	s1 =	sor.u32 $0x8, s1  }
0x145: {  	v54 =	vor.u32 v10, v49;
	s31 =	sor.u32 s5, s19;
	v32 =	vmov s0;
	v38 =	vmov s1  }
0x146: {  	s30 =	simm.s32 $0x6;
	s1 =	sor.u32 $0x8, s31;
	v36 =	vshll.u32 v32, $0x8;
	v32 =	vshll.u32 v32, $0x7;
	v41 =	vshll.u32 v38, $0x7  }
0x147: {  	v37 =	vld.idx.msk [tilespmem:v46+s22+$0x0], $0xffff;
	[tilespmem:s20+$0xFFFFFE50] =	vst v45;
	s0 =	sand.u32 $0x6, s30;
	v57 =	vmov s1;
	v38 =	vshll.u32 v38, $0x8;
	v36 =	vand.u32 $0xE800, v36  }
0x148: {  	s0 =	sor.u32 s0, s19;
	v42 =	vld.idx.msk [tilespmem:v44+s22+$0x0], $0xffff;
	v32 =	vand.u32 $0x200, v32;
	v56 =	vand.u32 $0x280, v41;
	v60 =	vshll.u32 v57, $0x8  }
0x149: {  	[tilespmem:s20+$0xFFFFFF50] =	vst v30;
	v30 =	vld.idx.msk [tilespmem:v39+s22+$0x0], $0xffff;
	s0 =	sor.u32 $0x8, s0;
	v41 =	vshll.u32 v57, $0x7;
	v48 =	vand.u32 $0xE800, v38;
	v36 =	vor.u32 v32, v36  }
0x14a: {  	p4 =	por $0x1, $0x1;
	v33 =	vld.idx.msk [tilespmem:v33+s22+$0x0], $0xffff;
	v59 =	vmov s0;
	v46 =	vand.u32 $0xE800, v60;
	v58 =	vor.u32 v8, v36  }
.Ltmp5:
0x14b: {  	v63 =	vand.u32 $0x380, v41;
	v41 =	vor.u32 v56, v48;
	v61 =	vshll.u32 v59, $0x7;
	(pc) =	sbr.rel @!p4 .LBB2_8-.Ltmp5, $4  }
0x14c: {  	[tilespmem:s20+$0xFFFFFED0] =	vst v37;
	v62 =	vshll.u32 v59, $0x8;
	v37 =	vor.u32 v63, v46;
	v44 =	vor.u32 v9, v36  }
0x14d: {  	v53 =	vld.idx.msk [tilespmem:v31+s22+$0x0], $0xffff;
	v46 =	vor.u32 v8, v41;
	v31 =	vand.u32 $0xE800, v62;
	v39 =	vand.u32 $0x300, v61;
	[tilespmem:s20+$0xFFFFFE60] =	vst v42  }
0x14e: {  	s19 =	simm.s32 $0x0;
	v38 =	vor.u32 v39, v31;
	v39 =	vor.u32 v8, v37;
	[tilespmem:s20+$0xFFFFFFD0] =	vst v30;
	v48 =	vld.idx.msk [tilespmem:v14+s22+$0x0], $0xffff  }
0x14f: {  	s21 =	simm.s32 $0x143B0;
	p3 =	por $0x1, $0x1;
	v42 =	vor.u32 v11, v52;
	v50 =	vor.u32 v8, v38;
	[tilespmem:s20+$0xFFFFFF60] =	vst v33;
	v45 =	vld.idx.msk [tilespmem:v58+s19+$0x0], $0xffff  }
0x150: {  	_ =	sdelay $0x3  }
0x151: {  	s23 =	simm.s32 $0x8;
	v14 =	vld.idx.msk [tilespmem:v43+s22+$0x0], $0xffff  }
0x152: {  	s0 =	simm.s32 $0x9;
	v30 =	vor.u32 v11, v47;
	v32 =	vor.u32 v11, v49;
	v49 =	vld.idx.msk [tilespmem:v50+s19+$0x0], $0xffff;
	s1 =	sand.u32 $0x4, s23  }
0x153: {  	v33 =	vor.u32 v11, v51;
	v59 =	vor.u32 v10, v52;
	v54 =	vld.idx.msk [tilespmem:v54+s22+$0x0], $0xffff;
	s0 =	sand.u32 $0x5, s0;
	s1 =	sor.u32 s1, s18  }
0x154: {  	v51 =	vor.u32 v10, v36;
	v46 =	vld.idx.msk [tilespmem:v46+s19+$0x0], $0xffff;
	v50 =	vor.u32 v9, v41;
	[tilespmem:s20+$0xFFFFFEE0] =	vst v53;
	s0 =	sor.u32 s0, s18;
	s1 =	sor.u32 $0x8, s1  }
0x155: {  	s5 =	simm.s32 $0xA;
	v43 =	vor.u32 v9, v37;
	v52 =	vor.u32 v9, v38;
	v31 =	vld.idx.msk [tilespmem:v40+s22+$0x0], $0xffff;
	s0 =	sor.u32 $0x8, s0;
	[tilespmem:s21+$0xFFFFFE50] =	vst v45;
	v60 =	vmov s1  }
0x156: {  	s30 =	sand.u32 $0x6, s5;
	v40 =	vor.u32 v10, v41;
	[tilespmem:s20+$0xFFFFFE70] =	vst v48;
	v61 =	vmov s0;
	v55 =	vshll.u32 v60, $0x8;
	v44 =	vld.idx.msk [tilespmem:v44+s19+$0x0], $0xffff  }
0x157: {  	s14 =	simm.s32 $0x3;
	s1 =	sor.u32 s30, s18;
	v45 =	vshll.u32 v60, $0x7;
	v62 =	vshll.u32 v61, $0x7;
	v30 =	vld.idx.msk [tilespmem:v30+s22+$0x0], $0xffff;
	[tilespmem:s20+$0xFFFFFFE0] =	vst v14;
	v57 =	vshll.u32 v61, $0x8  }
0x158: {  	s31 =	sand.u32 $0x7, s14;
	s1 =	sor.u32 $0x8, s1;
	[tilespmem:s20+$0xFFFFFF70] =	vst v54;
	v54 =	vor.u32 v10, v38;
	v55 =	vand.u32 $0xE800, v55;
	v45 =	vand.u32 $0x200, v45;
	v47 =	vld.idx.msk [tilespmem:v59+s22+$0x0], $0xffff  }
0x159: {  	s0 =	sor.u32 s31, s18;
	[tilespmem:s21+$0xFFFFFF50] =	vst v49;
	v60 =	vld.idx.msk [tilespmem:v39+s19+$0x0], $0xffff;
	v14 =	vand.u32 $0x280, v62;
	v63 =	vmov s1;
	v55 =	vor.u32 v45, v55  }
0x15a: {  	s0 =	sor.u32 $0x8, s0;
	[tilespmem:s21+$0xFFFFFED0] =	vst v46;
	v52 =	vld.idx.msk [tilespmem:v52+s19+$0x0], $0xffff;
	v56 =	vshll.u32 v63, $0x7;
	v45 =	vshll.u32 v63, $0x8;
	v48 =	vor.u32 v8, v55  }
0x15b: {  	p5 =	por $0x1, $0x1;
	v53 =	vld.idx.msk [tilespmem:v50+s19+$0x0], $0xffff;
	v63 =	vand.u32 $0xE800, v57;
	[tilespmem:s20+$0xFFFFFEF0] =	vst v31;
	v31 =	vmov s0;
	v45 =	vand.u32 $0xE800, v45  }
.Ltmp6:
0x15c: {  	v57 =	vld.idx.msk [tilespmem:v32+s22+$0x0], $0xffff;
	v62 =	vand.u32 $0x300, v56;
	v32 =	vor.u32 v14, v63;
	v61 =	vshll.u32 v31, $0x8;
	[tilespmem:s21+$0xFFFFFE60] =	vst v44;
	(pc) =	sbr.rel @!p5 .LBB2_10-.Ltmp6, $4  }
0x15d: {  	v31 =	vshll.u32 v31, $0x7;
	v56 =	vld.idx.msk [tilespmem:v33+s22+$0x0], $0xffff;
	v58 =	vor.u32 v62, v45;
	v46 =	vor.u32 v8, v32;
	[tilespmem:s20+$0xFFFFFFF0] =	vst v47  }
0x15e: {  	s18 =	simm.s32 $0x0;
	v39 =	vand.u32 $0xE800, v61;
	v31 =	vand.u32 $0x380, v31;
	[tilespmem:s20+$0xFFFFFE80] =	vst v30;
	v50 =	vor.u32 v8, v58;
	v30 =	vld.idx.msk [tilespmem:v42+s22+$0x0], $0xffff  }
0x15f: {  	v44 =	vor.u32 v9, v55;
	[tilespmem:s21+$0xFFFFFFD0] =	vst v60;
	v31 =	vor.u32 v31, v39;
	v45 =	vld.idx.msk [tilespmem:v48+s18+$0x0], $0xffff  }
0x160: {  	s24 =	simm.s32 $0x145B0;
	p4 =	por $0x1, $0x1;
	[tilespmem:s21+$0xFFFFFF60] =	vst v52;
	v39 =	vor.u32 v8, v31;
	v42 =	vor.u32 v11, v37;
	v48 =	vld.idx.msk [tilespmem:v51+s19+$0x0], $0xffff  }
.LBB2_11:
0x161: {  	s0 =	sadd.s32 $0x5, s23;
	v14 =	vor.u32 v11, v36  }
0x162: {  	s15 =	sadd.s32 $0x10, s15;
	[tilespmem:s21+$0xFFFFFEE0] =	vst v53;
	v33 =	vor.u32 v11, v38;
	v47 =	vld.idx.msk [tilespmem:v43+s19+$0x0], $0xffff;
	v36 =	vmov v55;
	v38 =	vmov v58;
	s1 =	smov.u32 s23;
	s23 =	sadd.s32 $0x4, s23  }
0x163: {  	v51 =	vor.u32 v11, v41;
	v52 =	vor.u32 v10, v37;
	v37 =	vmov v31;
	s5 =	sand.u32 $0xE0, s15;
	s14 =	sand.u32 $0x4, s23;
	s0 =	sand.u32 $0x5, s0;
	v49 =	vld.idx.msk [tilespmem:v40+s19+$0x0], $0xffff;
	[tilespmem:s20+$0xFFFFFF00] =	vst v56  }
0x164: {  	v41 =	vmov v32;
	s22 =	sadd.s32 $0x6, s1;
	v59 =	vor.u32 v10, v36;
	v40 =	vor.u32 v10, v32;
	s14 =	sor.u32 s14, s5;
	s0 =	sor.u32 s0, s5;
	v31 =	vld.idx.msk [tilespmem:v50+s18+$0x0], $0xffff;
	[tilespmem:s20+$0xFFFFFF80] =	vst v57  }
0x165: {  	s1 =	sadd.s32 $0xFFFFFFFF, s1;
	v43 =	vor.u32 v9, v37;
	s14 =	sor.u32 $0x8, s14;
	s0 =	sor.u32 $0x8, s0;
	[tilespmem:s24+$0xFFFFFE50] =	vst v45;
	v32 =	vld.idx.msk [tilespmem:v46+s18+$0x0], $0xffff;
	v45 =	vor.u32 v9, v41  }
0x166: {  	p5 =	slt.u32 s23, $0x3C;
	v53 =	vor.u32 v9, v38;
	s1 =	sand.u32 $0x7, s1;
	v46 =	vmov s14;
	v50 =	vmov s0;
	s0 =	sand.u32 $0x6, s22;
	v54 =	vld.idx.msk [tilespmem:v54+s19+$0x0], $0xffff;
	[tilespmem:s20+$0x0] =	vst v30  }
0x167: {  	s1 =	sor.u32 s1, s5;
	s20 =	smov.u32 s21;
	v30 =	vshll.u32 v46, $0x8;
	v46 =	vshll.u32 v46, $0x7;
	v55 =	vshll.u32 v50, $0x7;
	s0 =	sor.u32 s0, s5;
	v44 =	vld.idx.msk [tilespmem:v44+s18+$0x0], $0xffff;
	[tilespmem:s21+$0xFFFFFE70] =	vst v48  }
0x168: {  	s1 =	sor.u32 $0x8, s1;
	s21 =	smov.u32 s24;
	v30 =	vand.u32 $0xE800, v30;
	v46 =	vand.u32 $0x200, v46;
	v48 =	vand.u32 $0x280, v55;
	s0 =	sor.u32 $0x8, s0;
	v14 =	vld.idx.msk [tilespmem:v14+s19+$0x0], $0xffff;
	[tilespmem:s20+$0xFFFFFFE0] =	vst v47  }
0x169: {  	v55 =	vor.u32 v46, v30;
	v30 =	vmov s0;
	v46 =	vmov s1;
	[tilespmem:s20+$0xFFFFFEF0] =	vst v49;
	v47 =	vld.idx.msk [tilespmem:v52+s19+$0x0], $0xffff  }
0x16a: {  	v50 =	vshll.u32 v50, $0x8;
	v49 =	vor.u32 v8, v55;
	v52 =	vshll.u32 v46, $0x8;
	[tilespmem:s24+$0xFFFFFF50] =	vst v31;
	v60 =	vld.idx.msk [tilespmem:v39+s18+$0x0], $0xffff  }
0x16b: {  	v31 =	vshll.u32 v30, $0x7;
	v46 =	vshll.u32 v46, $0x7;
	v39 =	vand.u32 $0xE800, v52;
	[tilespmem:s24+$0xFFFFFED0] =	vst v32;
	v52 =	vld.idx.msk [tilespmem:v53+s18+$0x0], $0xffff  }
0x16c: {  	v30 =	vshll.u32 v30, $0x8;
	v32 =	vand.u32 $0xE800, v50;
	v46 =	vand.u32 $0x380, v46;
	v53 =	vld.idx.msk [tilespmem:v45+s18+$0x0], $0xffff;
	[tilespmem:s20+$0xFFFFFF70] =	vst v54  }
.Ltmp7:
0x16d: {  	v30 =	vand.u32 $0xE800, v30;
	v45 =	vand.u32 $0x300, v31;
	v31 =	vor.u32 v46, v39;
	[tilespmem:s24+$0xFFFFFE60] =	vst v44;
	v56 =	vld.idx.msk [tilespmem:v51+s19+$0x0], $0xffff;
	(pc) =	sbr.rel @p5 .LBB2_11-.Ltmp7, $4  }
0x16e: {  	s14 =	simm.s32 $0x0;
	v58 =	vor.u32 v45, v30;
	v39 =	vor.u32 v8, v31;
	[tilespmem:s20+$0xFFFFFE80] =	vst v14;
	v57 =	vld.idx.msk [tilespmem:v33+s19+$0x0], $0xffff  }
0x16f: {  	v32 =	vor.u32 v48, v32;
	v50 =	vor.u32 v8, v58;
	v45 =	vld.idx.msk [tilespmem:v49+s14+$0x0], $0xffff;
	[tilespmem:s20+$0xFFFFFFF0] =	vst v47  }
0x170: {  	v44 =	vor.u32 v9, v55;
	v46 =	vor.u32 v8, v32;
	[tilespmem:s24+$0xFFFFFFD0] =	vst v60;
	v30 =	vld.idx.msk [tilespmem:v42+s19+$0x0], $0xffff;
	s19 =	smov.u32 s18;
	s18 =	smov.u32 s14  }
0x171: {  	v54 =	vor.u32 v10, v38;
	v42 =	vor.u32 v11, v37;
	s24 =	sadd.s32 $0x200, s24;
	v48 =	vld.idx.msk [tilespmem:v59+s19+$0x0], $0xffff;
	[tilespmem:s21+$0xFFFFFF60] =	vst v52  }
0x172: {  	v47 =	vmov v36;
	s15 =	smov.u32 s21;
	v49 =	vmov v38;
	v51 =	vmov v41  }
0x173: {  	s22 =	smov.u32 s19;
	v52 =	vmovc v37;
	v36 =	vmovc v55;
	v38 =	vmov v58;
	v37 =	vmov v31;
	v41 =	vmov v32;
	s19 =	smov.u32 s18;
	s21 =	smov.u32 s24  }
.LBB2_13:
0x174: {  	_ =	sdelay $0x3  }
0x175: {  	[tilespmem:s15+$0xFFFFFEE0] =	vst @p3 v53;
	v14 =	vld.idx.msk @p3 [tilespmem:v43+s22+$0x0], $0xffff  }
0x176: {  	[tilespmem:s20+$0xFFFFFF00] =	vst @p4 v56;
	v33 =	vld.idx.msk [tilespmem:v50+s19+$0x0], $0xffff  }
0x177: {  	v32 =	vor.u32 @p3 v11, v47;
	[tilespmem:s20+$0xFFFFFF80] =	vst @p4 v57;
	v56 =	vld.idx.msk [tilespmem:v46+s19+$0x0], $0xffff  }
0x178: {  	[tilespmem:s21+$0xFFFFFE50] =	vst v45;
	v31 =	vld.idx.msk @p3 [tilespmem:v40+s22+$0x0], $0xffff;
	v40 =	vor.u32 @p3 v10, v52  }
0x179: {  	v46 =	vld.idx.msk @p3 [tilespmem:v54+s22+$0x0], $0xffff;
	v58 =	vor.u32 v9, v41;
	[tilespmem:s20+$0x0] =	vst @p4 v30  }
0x17a: {  	v57 =	vor.u32 v9, v38;
	s0 =	smov.u32 @p3 s15;
	v39 =	vld.idx.msk [tilespmem:v39+s19+$0x0], $0xffff;
	[tilespmem:s15+$0xFFFFFE70] =	vst @p3 v48  }
0x17b: {  	v59 =	vor.u32 v9, v37;
	v30 =	vld.idx.msk [tilespmem:v44+s19+$0x0], $0xffff;
	[tilespmem:s0+$0xFFFFFFE0] =	vst @p3 v14  }
0x17c: {  	v44 =	vor.u32 @p3 v11, v51;
	v32 =	vld.idx.msk @p3 [tilespmem:v32+s22+$0x0], $0xffff;
	[tilespmem:s21+$0xFFFFFF50] =	vst v33  }
0x17d: {  	v60 =	vor.u32 v10, v36;
	[tilespmem:s21+$0xFFFFFED0] =	vst v56;
	v40 =	vld.idx.msk @p3 [tilespmem:v40+s22+$0x0], $0xffff  }
0x17e: {  	v14 =	vor.u32 @p3 v11, v49;
	[tilespmem:s0+$0xFFFFFEF0] =	vst @p3 v31;
	v31 =	vld.idx.msk [tilespmem:v58+s19+$0x0], $0xffff  }
0x17f: {  	v61 =	vor.u32 v10, v41;
	[tilespmem:s21+$0xFFFFFFD0] =	vst v39;
	v33 =	vld.idx.msk [tilespmem:v57+s19+$0x0], $0xffff  }
0x180: {  	v62 =	vor.u32 v10, v38;
	[tilespmem:s0+$0xFFFFFF70] =	vst @p3 v46;
	v63 =	vld.idx.msk [tilespmem:v59+s19+$0x0], $0xffff  }
0x181: {  	v48 =	vor.u32 v10, v37;
	[tilespmem:s21+$0xFFFFFE60] =	vst v30;
	v44 =	vld.idx.msk @p3 [tilespmem:v44+s22+$0x0], $0xffff  }
0x182: {  	v49 =	vld.idx.msk [tilespmem:v60+s19+$0x0], $0xffff;
	[tilespmem:s0+$0xFFFFFE80] =	vst @p3 v32  }
0x183: {  	s1 =	sand.u32 $0xE0, s14;
	v14 =	vld.idx.msk @p3 [tilespmem:v14+s22+$0x0], $0xffff;
	[tilespmem:s21+$0xFFFFFEE0] =	vst v31  }
0x184: {  	s1 =	sor.u32 $0xC, s1;
	[tilespmem:s21+$0xFFFFFF60] =	vst v33;
	v31 =	vor.u32 v11, v36;
	v50 =	vld.idx.msk [tilespmem:v61+s19+$0x0], $0xffff  }
0x185: {  	s5 =	simm.s32 $0x1;
	s31 =	simm.s32 $0x2;
	v51 =	vor.u32 v11, v41;
	s30 =	sadd.s32 s17, s1;
	[tilespmem:s21+$0xFFFFFFE0] =	vst v63;
	v39 =	vld.idx.msk [tilespmem:v62+s19+$0x0], $0xffff  }
0x186: {  	v52 =	vor.u32 v11, v38;
	s5 =	sand.u32 $0x5, s5;
	s15 =	sand.u32 $0x6, s31;
	v54 =	vmov s30;
	[tilespmem:s0+$0xFFFFFFF0] =	vst @p3 v40;
	v40 =	vld.idx.msk [tilespmem:v48+s19+$0x0], $0xffff  }
0x187: {  	v53 =	vor.u32 v11, v37;
	s5 =	sadd.s32 s5, s1;
	s15 =	sadd.s32 s15, s1;
	v55 =	vshll.u32 v54, $0x8;
	s0 =	smov.u32 @p3 s0;
	v30 =	vld.idx.msk @p3 [tilespmem:v42+s22+$0x0], $0xffff;
	v32 =	vpsel p3, v44, v0;
	[tilespmem:s21+$0xFFFFFE70] =	vst v49  }
0x188: {  	v56 =	vmov s5;
	v41 =	vand.u32 $0xF800, v55;
	v58 =	vmov s15;
	[tilespmem:s0+$0xFFFFFF00] =	vst @p3 v32  }
0x189: {  	s1 =	sadd.s32 s16, s1;
	v59 =	vshll.u32 v56, $0x7;
	v60 =	vshll.u32 v58, $0x7;
	v33 =	vshll.u32 v56, $0x8;
	v31 =	vld.idx.msk [tilespmem:v31+s19+$0x0], $0xffff;
	[tilespmem:s21+$0xFFFFFEF0] =	vst v50  }
0x18a: {  	v61 =	vmov s1;
	v62 =	vshll.u32 v58, $0x8;
	v32 =	vshll.u32 v54, $0x7;
	[tilespmem:s21+$0xFFFFFF70] =	vst v39;
	v57 =	vld.idx.msk [tilespmem:v51+s19+$0x0], $0xffff  }
0x18b: {  	v63 =	vand.u32 $0xF800, v62;
	v32 =	vand.u32 $0x200, v32;
	v14 =	vpsel p3, v14, v0;
	[tilespmem:s21+$0xFFFFFFF0] =	vst v40;
	v38 =	vld.idx.msk [tilespmem:v52+s19+$0x0], $0xffff  }
0x18c: {  	v36 =	vor.u32 v32, v41;
	v32 =	vand.u32 $0x280, v59;
	[tilespmem:s0+$0xFFFFFF80] =	vst @p3 v14;
	v30 =	vpsel p3, v30, v0;
	v14 =	vld.idx.msk [tilespmem:v53+s19+$0x0], $0xffff  }
.Ltmp8:
0x18d: {  	v47 =	vor.u32 v12, v36;
	v40 =	vand.u32 $0x300, v60;
	[tilespmem:s0+$0x0] =	vst @p3 v30;
	v30 =	vand.u32 $0xF800, v33;
	(pc) =	sbr.rel @!p2 .LBB2_14-.Ltmp8, $4  }
0x18e: {  	v39 =	vor.u32 v32, v30;
	v30 =	vshll.u32 v61, $0x8;
	[tilespmem:s21+$0xFFFFFE80] =	vst v31;
	v31 =	vshll.u32 v61, $0x7  }
0x18f: {  	v40 =	vor.u32 v40, v63;
	v30 =	vand.u32 $0xF800, v30;
	v31 =	vand.u32 $0x380, v31;
	[tilespmem:s21+$0xFFFFFF00] =	vst v57  }
0x190: {  	v37 =	vor.u32 v15, v40;
	v49 =	vor.u32 v12, v40;
	[tilespmem:s21+$0xFFFFFF80] =	vst v38;
	v41 =	vor.u32 v31, v30  }
0x191: {  	s18 =	simm.s32 $0x161B0;
	s15 =	sadd.s32 $0x10, s14;
	v52 =	vor.u32 v12, v39;
	[tilespmem:s21+$0x0] =	vst v14;
	v50 =	vor.u32 v12, v41;
	v38 =	vor.u32 v15, v41  }
0x192: {  	_ =	sdelay $0x2  }
0x193: {  	s0 =	simm.s32 $0x4;
	s1 =	sand.u32 $0xE0, s15;
	s5 =	simm.s32 $0x5  }
0x194: {  	s16 =	simm.s32 $0x6;
	v14 =	vld.idx.msk [tilespmem:v47+s14+$0x0], $0xffff;
	v30 =	vor.u32 v13, v36;
	s1 =	sor.u32 $0xC, s1;
	s0 =	sand.u32 $0x4, s0  }
0x195: {  	v31 =	vor.u32 v15, v36;
	v32 =	vld.idx.msk [tilespmem:v52+s14+$0x0], $0xffff;
	v43 =	vor.u32 v13, v39;
	v44 =	vor.u32 v13, v41;
	s5 =	sand.u32 $0x5, s5;
	s16 =	sand.u32 $0x6, s16;
	s0 =	sadd.s32 s0, s1  }
0x196: {  	v46 =	vld.idx.msk [tilespmem:v50+s14+$0x0], $0xffff;
	v51 =	vor.u32 v13, v40;
	v55 =	vor.u32 v15, v39;
	s28 =	sadd.s32 s5, s1;
	s29 =	sadd.s32 s16, s1;
	v33 =	vmov s0  }
0x197: {  	s30 =	simm.s32 $0xFFFFFFFF;
	v49 =	vld.idx.msk [tilespmem:v49+s14+$0x0], $0xffff;
	v45 =	vmov s28;
	v48 =	vmov s29;
	v42 =	vshll.u32 v33, $0x8  }
0x198: {  	s31 =	sand.u32 $0x7, s30;
	v33 =	vshll.u32 v33, $0x7;
	v62 =	vshll.u32 v45, $0x7;
	v63 =	vshll.u32 v48, $0x7  }
0x199: {  	s0 =	sadd.s32 s31, s1;
	v53 =	vshll.u32 v45, $0x8;
	v60 =	vshll.u32 v48, $0x8;
	v42 =	vand.u32 $0xF800, v42;
	[tilespmem:s18+$0xFFFFFE50] =	vst v14  }
0x19a: {  	v33 =	vand.u32 $0x200, v33;
	v14 =	vmov s0;
	[tilespmem:s18+$0xFFFFFED0] =	vst v32;
	v61 =	vand.u32 $0x300, v63;
	v30 =	vld.idx.msk [tilespmem:v30+s14+$0x0], $0xffff  }
0x19b: {  	p3 =	por $0x1, $0x1;
	v32 =	vand.u32 $0xF800, v53;
	[tilespmem:s18+$0xFFFFFFD0] =	vst v46;
	v42 =	vor.u32 v33, v42;
	v56 =	vld.idx.msk [tilespmem:v43+s14+$0x0], $0xffff;
	v33 =	vand.u32 $0x280, v62  }
.Ltmp9:
0x19c: {  	[tilespmem:s18+$0xFFFFFF50] =	vst v49;
	v62 =	vand.u32 $0xF800, v60;
	v63 =	vshll.u32 v14, $0x8;
	v14 =	vshll.u32 v14, $0x7;
	(pc) =	sbr.rel @!p3 .LBB2_16-.Ltmp9, $4  }
0x19d: {  	v54 =	vld.idx.msk [tilespmem:v44+s14+$0x0], $0xffff;
	v47 =	vor.u32 v12, v42;
	v45 =	vor.u32 v33, v32;
	v46 =	vor.u32 v61, v62  }
0x19e: {  	v53 =	vld.idx.msk [tilespmem:v51+s14+$0x0], $0xffff;
	v32 =	vand.u32 $0xF800, v63;
	v14 =	vand.u32 $0x380, v14;
	v43 =	vor.u32 v15, v46  }
0x19f: {  	v52 =	vor.u32 v12, v45;
	v48 =	vor.u32 v14, v32;
	v49 =	vor.u32 v12, v46;
	[tilespmem:s18+$0xFFFFFE60] =	vst v30  }
0x1a0: {  	s19 =	sadd.s32 $0x10, s15;
	p2 =	por $0x1, $0x1;
	s16 =	simm.s32 $0x163B0;
	v50 =	vor.u32 v12, v48;
	v44 =	vor.u32 v15, v48;
	[tilespmem:s18+$0xFFFFFEE0] =	vst v56;
	v51 =	vld.idx.msk [tilespmem:v31+s14+$0x0], $0xffff  }
0x1a1: {  	_ =	sdelay $0x3  }
0x1a2: {  	v14 =	vld.idx.msk [tilespmem:v47+s14+$0x0], $0xffff  }
0x1a3: {  	s17 =	simm.s32 $0x8;
	v31 =	vld.idx.msk [tilespmem:v52+s14+$0x0], $0xffff  }
0x1a4: {  	s0 =	sand.u32 $0xE0, s19;
	v30 =	vor.u32 v16, v36;
	v32 =	vor.u32 v16, v40;
	v33 =	vor.u32 v16, v39;
	v40 =	vld.idx.msk [tilespmem:v55+s14+$0x0], $0xffff;
	s5 =	simm.s32 $0xA;
	s20 =	simm.s32 $0x9  }
0x1a5: {  	v39 =	vor.u32 v13, v42;
	v57 =	vor.u32 v16, v41;
	v50 =	vld.idx.msk [tilespmem:v50+s14+$0x0], $0xffff;
	s0 =	sor.u32 $0xC, s0;
	s1 =	sand.u32 $0x4, s17;
	[tilespmem:s18+$0xFFFFFFE0] =	vst v54;
	s5 =	sand.u32 $0x6, s5  }
0x1a6: {  	v41 =	vor.u32 v13, v45;
	v58 =	vor.u32 v15, v42;
	v49 =	vld.idx.msk [tilespmem:v49+s14+$0x0], $0xffff;
	s29 =	sand.u32 $0x5, s20;
	s1 =	sadd.s32 s1, s0;
	[tilespmem:s18+$0xFFFFFF60] =	vst v53;
	s5 =	sadd.s32 s5, s0  }
0x1a7: {  	s30 =	simm.s32 $0x3;
	v52 =	vor.u32 v13, v48;
	v55 =	vmov s1;
	s1 =	sadd.s32 s29, s0;
	v37 =	vld.idx.msk [tilespmem:v37+s14+$0x0], $0xffff;
	v61 =	vmov s5;
	[tilespmem:s18+$0xFFFFFE70] =	vst v51  }
0x1a8: {  	s31 =	sand.u32 $0x7, s30;
	v59 =	vshll.u32 v55, $0x8;
	v36 =	vshll.u32 v55, $0x7;
	v60 =	vmov s1;
	[tilespmem:s16+$0xFFFFFE50] =	vst v14;
	v14 =	vld.idx.msk [tilespmem:v38+s14+$0x0], $0xffff  }
0x1a9: {  	s0 =	sadd.s32 s31, s0;
	v63 =	vshll.u32 v61, $0x7;
	v61 =	vshll.u32 v61, $0x8;
	v47 =	vand.u32 $0xF800, v59;
	v30 =	vld.idx.msk [tilespmem:v30+s14+$0x0], $0xffff  }
0x1aa: {  	v36 =	vand.u32 $0x200, v36;
	v62 =	vshll.u32 v60, $0x7;
	[tilespmem:s16+$0xFFFFFED0] =	vst v31;
	v31 =	vmov s0;
	v55 =	vld.idx.msk [tilespmem:v39+s14+$0x0], $0xffff  }
0x1ab: {  	v59 =	vor.u32 v13, v46;
	v56 =	vshll.u32 v60, $0x8;
	[tilespmem:s18+$0xFFFFFEF0] =	vst v40;
	v40 =	vand.u32 $0xF800, v61;
	v60 =	vld.idx.msk [tilespmem:v41+s14+$0x0], $0xffff  }
0x1ac: {  	[tilespmem:s16+$0xFFFFFFD0] =	vst v50;
	v36 =	vor.u32 v36, v47;
	v39 =	vand.u32 $0xF800, v56;
	v38 =	vand.u32 $0x280, v62;
	v33 =	vld.idx.msk [tilespmem:v33+s14+$0x0], $0xffff  }
0x1ad: {  	p3 =	por $0x1, $0x1;
	[tilespmem:s16+$0xFFFFFF50] =	vst v49;
	v62 =	vand.u32 $0x300, v63;
	v54 =	vld.idx.msk [tilespmem:v52+s14+$0x0], $0xffff;
	v63 =	vshll.u32 v31, $0x8;
	v31 =	vshll.u32 v31, $0x7  }
.Ltmp10:
0x1ae: {  	v47 =	vor.u32 v12, v36;
	v39 =	vor.u32 v38, v39;
	v40 =	vor.u32 v62, v40;
	[tilespmem:s18+$0xFFFFFF70] =	vst v37;
	(pc) =	sbr.rel @!p3 .LBB2_18-.Ltmp10, $4  }
0x1af: {  	v38 =	vand.u32 $0xF800, v63;
	v31 =	vand.u32 $0x380, v31;
	v37 =	vor.u32 v15, v40;
	v56 =	vld.idx.msk [tilespmem:v32+s14+$0x0], $0xffff;
	[tilespmem:s18+$0xFFFFFFF0] =	vst v14  }
0x1b0: {  	v52 =	vor.u32 v12, v39;
	v41 =	vor.u32 v31, v38;
	v53 =	vld.idx.msk [tilespmem:v59+s14+$0x0], $0xffff;
	[tilespmem:s16+$0xFFFFFE60] =	vst v55  }
0x1b1: {  	v49 =	vor.u32 v12, v40;
	v55 =	vor.u32 v15, v45;
	[tilespmem:s16+$0xFFFFFEE0] =	vst v60;
	v57 =	vld.idx.msk [tilespmem:v57+s14+$0x0], $0xffff  }
0x1b2: {  	p1 =	por $0x1, $0x1;
	s20 =	sadd.s32 $0x10, s19;
	s19 =	simm.s32 $0x165B0;
	v50 =	vor.u32 v12, v41;
	v38 =	vor.u32 v15, v41;
	[tilespmem:s18+$0xFFFFFF00] =	vst v33;
	v51 =	vld.idx.msk [tilespmem:v58+s14+$0x0], $0xffff  }
.LBB2_19:
0x1b3: {  	s0 =	sand.u32 $0xE0, s20;
	v14 =	vld.idx.msk [tilespmem:v47+s14+$0x0], $0xffff  }
0x1b4: {  	s1 =	sadd.s32 $0x6, s17;
	v31 =	vor.u32 v16, v42;
	v32 =	vor.u32 v16, v46;
	[tilespmem:s16+$0xFFFFFFE0] =	vst v54;
	v42 =	vmovc v36;
	v46 =	vmov v40;
	s5 =	smov.u32 s17;
	s17 =	sadd.s32 $0x4, s17  }
0x1b5: {  	v40 =	vor.u32 v16, v45;
	v58 =	vor.u32 v16, v48;
	v45 =	vmov v39;
	s0 =	sor.u32 $0xC, s0;
	s21 =	sand.u32 $0x4, s17;
	s22 =	sadd.s32 $0x5, s5;
	v33 =	vld.idx.msk [tilespmem:v52+s14+$0x0], $0xffff;
	[tilespmem:s18+$0xFFFFFE80] =	vst v30  }
0x1b6: {  	v48 =	vmov v41;
	s1 =	sand.u32 $0x6, s1;
	v30 =	vor.u32 v13, v42;
	v59 =	vor.u32 v15, v42;
	s21 =	sadd.s32 s21, s0;
	s22 =	sand.u32 $0x5, s22;
	v39 =	vld.idx.msk [tilespmem:v55+s14+$0x0], $0xffff;
	[tilespmem:s18+$0xFFFFFF80] =	vst v56  }
0x1b7: {  	s5 =	sadd.s32 $0xFFFFFFFF, s5;
	v41 =	vor.u32 v13, v45;
	v52 =	vor.u32 v13, v48;
	s1 =	sadd.s32 s1, s0;
	v36 =	vmov s21;
	s21 =	sadd.s32 s22, s0;
	v50 =	vld.idx.msk [tilespmem:v50+s14+$0x0], $0xffff;
	[tilespmem:s16+$0xFFFFFF60] =	vst v53  }
0x1b8: {  	p3 =	slt.u32 s17, $0x3C;
	s5 =	sand.u32 $0x7, s5;
	v47 =	vshll.u32 v36, $0x8;
	v36 =	vshll.u32 v36, $0x7;
	v53 =	vmov s21;
	v49 =	vld.idx.msk [tilespmem:v49+s14+$0x0], $0xffff;
	[tilespmem:s18+$0x0] =	vst v57;
	s18 =	smov.u32 s16  }
0x1b9: {  	v54 =	vmov s1;
	s0 =	sadd.s32 s5, s0;
	s16 =	smov.u32 s19;
	v47 =	vand.u32 $0xF800, v47;
	v36 =	vand.u32 $0x200, v36;
	[tilespmem:s18+$0xFFFFFE70] =	vst v51;
	v51 =	vld.idx.msk [tilespmem:v43+s14+$0x0], $0xffff;
	v43 =	vmovc v37  }
0x1ba: {  	v55 =	vshll.u32 v54, $0x7;
	v37 =	vshll.u32 v53, $0x7;
	v36 =	vor.u32 v36, v47;
	[tilespmem:s19+$0xFFFFFE50] =	vst v14;
	v14 =	vld.idx.msk [tilespmem:v44+s14+$0x0], $0xffff;
	v44 =	vmovc v38  }
0x1bb: {  	v38 =	vmov s0;
	v47 =	vor.u32 v12, v36;
	v57 =	vld.idx.msk [tilespmem:v30+s14+$0x0], $0xffff;
	[tilespmem:s19+$0xFFFFFED0] =	vst v33;
	v33 =	vor.u32 v13, v46  }
0x1bc: {  	v30 =	vshll.u32 v53, $0x8;
	v53 =	vshll.u32 v54, $0x8;
	v54 =	vand.u32 $0x300, v55;
	v60 =	vld.idx.msk [tilespmem:v41+s14+$0x0], $0xffff;
	[tilespmem:s18+$0xFFFFFEF0] =	vst v39  }
0x1bd: {  	v37 =	vand.u32 $0x280, v37;
	v30 =	vand.u32 $0xF800, v30;
	v41 =	vand.u32 $0xF800, v53;
	[tilespmem:s19+$0xFFFFFFD0] =	vst v50;
	v61 =	vld.idx.msk [tilespmem:v40+s14+$0x0], $0xffff  }
0x1be: {  	v39 =	vor.u32 v37, v30;
	v40 =	vor.u32 v54, v41;
	v30 =	vshll.u32 v38, $0x8;
	[tilespmem:s19+$0xFFFFFF50] =	vst v49;
	v54 =	vld.idx.msk [tilespmem:v52+s14+$0x0], $0xffff  }
.Ltmp11:
0x1bf: {  	v38 =	vshll.u32 v38, $0x7;
	v37 =	vor.u32 v15, v40;
	v41 =	vand.u32 $0xF800, v30;
	v30 =	vld.idx.msk [tilespmem:v31+s14+$0x0], $0xffff;
	[tilespmem:s18+$0xFFFFFF70] =	vst v51;
	(pc) =	sbr.rel @p3 .LBB2_19-.Ltmp11, $4  }
0x1c0: {  	v52 =	vor.u32 v12, v39;
	v31 =	vand.u32 $0x380, v38;
	v56 =	vld.idx.msk [tilespmem:v32+s14+$0x0], $0xffff;
	[tilespmem:s18+$0xFFFFFFF0] =	vst v14  }
0x1c1: {  	v55 =	vor.u32 v15, v45;
	v41 =	vor.u32 v31, v41;
	[tilespmem:s19+$0xFFFFFE60] =	vst v57;
	v53 =	vld.idx.msk [tilespmem:v33+s14+$0x0], $0xffff  }
0x1c2: {  	v50 =	vor.u32 v12, v41;
	v38 =	vor.u32 v15, v41;
	[tilespmem:s19+$0xFFFFFEE0] =	vst v60;
	v57 =	vld.idx.msk [tilespmem:v58+s14+$0x0], $0xffff  }
0x1c3: {  	s20 =	sadd.s32 $0x10, s20;
	v49 =	vor.u32 v12, v40;
	s19 =	sadd.s32 $0x200, s19;
	v51 =	vld.idx.msk [tilespmem:v59+s14+$0x0], $0xffff;
	[tilespmem:s18+$0xFFFFFF00] =	vst v61  }
0x1c4: {  	v31 =	vmov v42  }
0x1c5: {  	s17 =	smov.u32 s18;
	v32 =	vmovc v46;
	v33 =	vmovc v45;
	v58 =	vmov v48;
	v14 =	vmov v43;
	s18 =	smov.u32 s19;
	v59 =	vmov v44  }
.LBB2_21:
0x1c6: {  	_ =	sdelay $0x3  }
0x1c7: {  	v42 =	vld.idx.msk [tilespmem:v47+s14+$0x0], $0xffff;
	[tilespmem:s16+$0xFFFFFFE0] =	vst @p2 v54  }
0x1c8: {  	v43 =	vld.idx.msk [tilespmem:v52+s14+$0x0], $0xffff;
	[tilespmem:s17+$0xFFFFFE80] =	vst @p1 v30  }
0x1c9: {  	v44 =	vld.idx.msk @p2 [tilespmem:v55+s14+$0x0], $0xffff;
	[tilespmem:s17+$0xFFFFFF80] =	vst @p1 v56;
	v31 =	vor.u32 @p2 v16, v31  }
0x1ca: {  	v45 =	vor.u32 v13, v39;
	v46 =	vld.idx.msk [tilespmem:v50+s14+$0x0], $0xffff;
	[tilespmem:s16+$0xFFFFFF60] =	vst @p2 v53  }
0x1cb: {  	v30 =	vor.u32 v13, v36;
	v56 =	vld.idx.msk [tilespmem:v49+s14+$0x0], $0xffff;
	s0 =	smov.u32 @p2 s16;
	[tilespmem:s17+$0x0] =	vst @p1 v57  }
0x1cc: {  	v48 =	vor.u32 v13, v41;
	v14 =	vld.idx.msk @p2 [tilespmem:v14+s14+$0x0], $0xffff;
	[tilespmem:s0+$0xFFFFFE70] =	vst @p2 v51  }
0x1cd: {  	v33 =	vor.u32 @p2 v16, v33;
	[tilespmem:s18+$0xFFFFFE50] =	vst v42;
	v42 =	vld.idx.msk @p2 [tilespmem:v59+s14+$0x0], $0xffff  }
0x1ce: {  	v59 =	vor.u32 v13, v40;
	[tilespmem:s18+$0xFFFFFED0] =	vst v43;
	v31 =	vld.idx.msk @p2 [tilespmem:v31+s14+$0x0], $0xffff  }
0x1cf: {  	v32 =	vor.u32 @p2 v16, v32;
	[tilespmem:s0+$0xFFFFFEF0] =	vst @p2 v44;
	v43 =	vld.idx.msk [tilespmem:v45+s14+$0x0], $0xffff  }
0x1d0: {  	v44 =	vor.u32 @p2 v16, v58;
	[tilespmem:s18+$0xFFFFFFD0] =	vst v46;
	v30 =	vld.idx.msk [tilespmem:v30+s14+$0x0], $0xffff  }
0x1d1: {  	v61 =	vor.u32 v15, v39;
	[tilespmem:s18+$0xFFFFFF50] =	vst v56;
	v60 =	vld.idx.msk [tilespmem:v48+s14+$0x0], $0xffff  }
0x1d2: {  	v62 =	vor.u32 v15, v36;
	v33 =	vld.idx.msk @p2 [tilespmem:v33+s14+$0x0], $0xffff;
	[tilespmem:s0+$0xFFFFFF70] =	vst @p2 v14  }
0x1d3: {  	v63 =	vld.idx.msk [tilespmem:v59+s14+$0x0], $0xffff;
	[tilespmem:s0+$0xFFFFFFF0] =	vst @p2 v42  }
0x1d4: {  	v14 =	vld.idx.msk @p2 [tilespmem:v32+s14+$0x0], $0xffff;
	[tilespmem:s18+$0xFFFFFEE0] =	vst v43  }
0x1d5: {  	v32 =	vld.idx.msk @p2 [tilespmem:v44+s14+$0x0], $0xffff;
	[tilespmem:s18+$0xFFFFFE60] =	vst v30  }
0x1d6: {  	s1 =	simm.s32 $0x1;
	s5 =	sand.u32 $0x7, s14;
	p1 =	por $0x0, $0x0;
	[tilespmem:s18+$0xFFFFFFE0] =	vst v60;
	v30 =	vld.idx.msk [tilespmem:v61+s14+$0x0], $0xffff  }
0x1d7: {  	v52 =	vor.u32 v16, v39;
	s16 =	smov.u32 @p2 s0;
	s5 =	sadd.s32 s5, s14;
	s1 =	simm.s32 @!p1 $0x0;
	[tilespmem:s0+$0xFFFFFF00] =	vst @p2 v33;
	v51 =	vld.idx.msk [tilespmem:v62+s14+$0x0], $0xffff  }
0x1d8: {  	v53 =	vor.u32 v16, v36;
	s29 =	sadd.s32 $0x3, s5;
	s5 =	sadd.s32 $0x1, s5;
	s1 =	sshll.u32 s1, $0x2;
	v31 =	vpsel p2, v31, v0;
	v38 =	vld.idx.msk [tilespmem:v38+s14+$0x0], $0xffff;
	[tilespmem:s18+$0xFFFFFF60] =	vst v63  }
0x1d9: {  	v55 =	vor.u32 v16, v41;
	s5 =	sor.u32 $0x10, s5;
	s1 =	sadd.s32 s1, s14;
	[tilespmem:s16+$0xFFFFFE80] =	vst @p2 v31;
	v14 =	vpsel p2, v14, v0;
	v37 =	vld.idx.msk [tilespmem:v37+s14+$0x0], $0xffff  }
0x1da: {  	v54 =	vor.u32 v16, v40;
	s1 =	sor.u32 $0x10, s1;
	v56 =	vmov s5;
	[tilespmem:s16+$0xFFFFFF80] =	vst @p2 v14  }
0x1db: {  	s30 =	sand.u32 $0x3, s14;
	v41 =	vshll.u32 v56, $0x8;
	v59 =	vshll.u32 v56, $0x7;
	v31 =	vmov s1;
	[tilespmem:s18+$0xFFFFFEF0] =	vst v30  }
0x1dc: {  	s1 =	sshll.u32 s30, $0x1;
	v44 =	vand.u32 $0x280, v59;
	v57 =	vshll.u32 v31, $0x8;
	v63 =	vand.u32 $0x7FFFF800, v41;
	[tilespmem:s18+$0xFFFFFE70] =	vst v51;
	v39 =	vld.idx.msk [tilespmem:v52+s14+$0x0], $0xffff  }
0x1dd: {  	s0 =	sor.u32 $0x10, s29;
	s31 =	sadd.s32 $0x2, s1;
	v31 =	vshll.u32 v31, $0x7;
	v42 =	vand.u32 $0x7FFFF800, v57;
	v40 =	vor.u32 v44, v63;
	[tilespmem:s18+$0xFFFFFFF0] =	vst v38;
	v36 =	vld.idx.msk [tilespmem:v53+s14+$0x0], $0xffff  }
0x1de: {  	v32 =	vpsel p2, v32, v0;
	v30 =	vmov s0;
	s0 =	sor.u32 $0x10, s31;
	v50 =	vor.u32 v17, v40;
	v14 =	vld.idx.msk [tilespmem:v55+s14+$0x0], $0xffff;
	[tilespmem:s18+$0xFFFFFF70] =	vst v37  }
0x1df: {  	[tilespmem:s16+$0x0] =	vst @p2 v32;
	p2 =	por $0x1, $0x1;
	v58 =	vshll.u32 v30, $0x8;
	v30 =	vshll.u32 v30, $0x7;
	v60 =	vmov s0;
	v33 =	vld.idx.msk [tilespmem:v54+s14+$0x0], $0xffff  }
.Ltmp12:
0x1e0: {  	v61 =	vand.u32 $0x7FFFF800, v58;
	v62 =	vshll.u32 v60, $0x7;
	v30 =	vand.u32 $0x380, v30;
	(pc) =	sbr.rel @!p2 .LBB2_22-.Ltmp12, $4  }
0x1e1: {  	v37 =	vor.u32 v30, v61;
	v30 =	vand.u32 $0x200, v31;
	v31 =	vshll.u32 v60, $0x8;
	[tilespmem:s18+$0xFFFFFF00] =	vst v39  }
0x1e2: {  	v31 =	vand.u32 $0x7FFFF800, v31;
	v39 =	vor.u32 v30, v42;
	[tilespmem:s18+$0xFFFFFE80] =	vst v36;
	v30 =	vand.u32 $0x300, v62  }
0x1e3: {  	s20 =	sadd.s32 $0x4, s14;
	s21 =	sadd.s32 $0x2, s14;
	s17 =	simm.s32 $0x0;
	v41 =	vor.u32 v17, v37;
	[tilespmem:s18+$0x0] =	vst v14;
	v38 =	vor.u32 v21, v39;
	v42 =	vor.u32 v30, v31  }
0x1e4: {  	p3 =	por !p1, !p1;
	s16 =	simm.s32 $0x181B0;
	v49 =	vor.u32 v17, v39;
	v52 =	vor.u32 v17, v42;
	v36 =	vor.u32 v23, v42;
	[tilespmem:s18+$0xFFFFFF80] =	vst v33;
	s18 =	simm.s32 $0x0  }
0x1e5: {  	s0 =	simm.s32 $0x1  }
0x1e6: {  	s1 =	sand.u32 $0x7, s20;
	s0 =	simm.s32 @!p3 $0x0  }
0x1e7: {  	s14 =	sand.u32 $0x3, s21;
	s1 =	sadd.s32 s1, s15;
	s0 =	sshll.u32 s0, $0x2  }
0x1e8: {  	v14 =	vor.u32 v20, v42;
	v30 =	vor.u32 v20, v39;
	s5 =	sadd.s32 $0x3, s1;
	s1 =	sadd.s32 $0x1, s1;
	s0 =	sadd.s32 s0, s15  }
0x1e9: {  	v31 =	vor.u32 v20, v37;
	v44 =	vor.u32 v20, v40;
	v45 =	vld.idx.msk [tilespmem:v52+s18+$0x0], $0xffff;
	v57 =	vor.u32 v21, v40;
	s5 =	sor.u32 $0x10, s5;
	s29 =	sor.u32 $0x10, s1;
	s0 =	sor.u32 $0x10, s0  }
0x1ea: {  	v48 =	vld.idx.msk [tilespmem:v50+s18+$0x0], $0xffff;
	s30 =	sshll.u32 s14, $0x1;
	v33 =	vmov s5;
	v46 =	vmov s29;
	v32 =	vmov s0  }
0x1eb: {  	v49 =	vld.idx.msk [tilespmem:v49+s18+$0x0], $0xffff;
	s31 =	sadd.s32 $0x12, s30;
	v47 =	vshll.u32 v33, $0x8;
	v61 =	vshll.u32 v46, $0x7;
	v33 =	vshll.u32 v33, $0x7  }
0x1ec: {  	v56 =	vld.idx.msk [tilespmem:v41+s18+$0x0], $0xffff;
	s0 =	sor.u32 $0x10, s31;
	v60 =	vshll.u32 v46, $0x8;
	v43 =	vshll.u32 v32, $0x8;
	v51 =	vand.u32 $0x280, v61  }
0x1ed: {  	v62 =	vand.u32 $0x7FFFF800, v47;
	v33 =	vand.u32 $0x380, v33;
	v63 =	vmov s0  }
0x1ee: {  	p5 =	por $0x1, $0x1;
	[tilespmem:s16+$0xFFFFFF50] =	vst v45;
	v32 =	vshll.u32 v32, $0x7;
	v41 =	vand.u32 $0x7FFFF800, v60;
	v50 =	vand.u32 $0x7FFFF800, v43  }
.Ltmp13:
0x1ef: {  	[tilespmem:s16+$0xFFFFFED0] =	vst v48;
	v43 =	vor.u32 v33, v62;
	v61 =	vshll.u32 v63, $0x7;
	v32 =	vand.u32 $0x200, v32;
	(pc) =	sbr.rel @!p5 .LBB2_24-.Ltmp13, $4  }
0x1f0: {  	[tilespmem:s16+$0xFFFFFE50] =	vst v49;
	v53 =	vld.idx.msk [tilespmem:v14+s18+$0x0], $0xffff;
	v47 =	vor.u32 v51, v41;
	v62 =	vshll.u32 v63, $0x8;
	v48 =	vor.u32 v32, v50  }
0x1f1: {  	[tilespmem:s16+$0xFFFFFFD0] =	vst v56;
	v55 =	vld.idx.msk [tilespmem:v44+s18+$0x0], $0xffff;
	v50 =	vor.u32 v17, v47;
	v14 =	vand.u32 $0x300, v61;
	v63 =	vand.u32 $0x7FFFF800, v62  }
0x1f2: {  	s19 =	simm.s32 $0x183B0;
	p4 =	por !p3, !p3;
	s24 =	sadd.s32 $0x4, s20;
	v54 =	vld.idx.msk [tilespmem:v30+s18+$0x0], $0xffff;
	v41 =	vor.u32 v17, v43;
	v44 =	vor.u32 v21, v48;
	v51 =	vor.u32 v14, v63  }
0x1f3: {  	s23 =	sadd.s32 $0x2, s21;
	s14 =	sadd.s32 $0x10, s15;
	p3 =	por $0x1, $0x1;
	v56 =	vld.idx.msk [tilespmem:v31+s18+$0x0], $0xffff;
	v49 =	vor.u32 v17, v48;
	v52 =	vor.u32 v17, v51;
	v45 =	vor.u32 v23, v51  }
0x1f4: {  	_ =	sdelay $0x2  }
0x1f5: {  	s0 =	simm.s32 $0x1;
	s1 =	sand.u32 $0x7, s24  }
0x1f6: {  	v14 =	vld.idx.msk [tilespmem:v50+s18+$0x0], $0xffff;
	v30 =	vor.u32 v21, v42;
	s5 =	sand.u32 $0x3, s23;
	s0 =	simm.s32 @!p4 $0x0;
	s1 =	sadd.s32 s1, s14  }
0x1f7: {  	v46 =	vor.u32 v23, v37;
	v32 =	vor.u32 v23, v39;
	v31 =	vor.u32 v23, v40;
	v40 =	vld.idx.msk [tilespmem:v52+s18+$0x0], $0xffff;
	s5 =	sshll.u32 s5, $0x1;
	s0 =	sshll.u32 s0, $0x2;
	s15 =	sadd.s32 $0x3, s1  }
0x1f8: {  	v33 =	vor.u32 v20, v51;
	v37 =	vor.u32 v21, v37;
	v49 =	vld.idx.msk [tilespmem:v49+s18+$0x0], $0xffff;
	[tilespmem:s16+$0xFFFFFEE0] =	vst v55;
	s1 =	sadd.s32 $0x1, s1;
	s30 =	sadd.s32 $0x22, s5;
	s0 =	sadd.s32 s0, s14  }
0x1f9: {  	v60 =	vor.u32 v20, v48;
	v62 =	vor.u32 v20, v43;
	v52 =	vor.u32 v20, v47;
	v39 =	vld.idx.msk [tilespmem:v57+s18+$0x0], $0xffff;
	s15 =	sor.u32 $0x10, s15;
	s29 =	sor.u32 $0x10, s1;
	s31 =	sor.u32 $0x10, s30  }
0x1fa: {  	[tilespmem:s16+$0xFFFFFE60] =	vst v54;
	s0 =	sor.u32 $0x10, s0;
	v61 =	vmov s15;
	v55 =	vmov s29;
	v59 =	vmov s31  }
0x1fb: {  	v38 =	vld.idx.msk [tilespmem:v38+s18+$0x0], $0xffff;
	[tilespmem:s16+$0xFFFFFFE0] =	vst v56;
	v42 =	vmov s0;
	v57 =	vshll.u32 v61, $0x8;
	v58 =	vshll.u32 v55, $0x7  }
0x1fc: {  	v50 =	vshll.u32 v61, $0x7;
	v61 =	vld.idx.msk [tilespmem:v41+s18+$0x0], $0xffff;
	v55 =	vshll.u32 v55, $0x8;
	[tilespmem:s19+$0xFFFFFF50] =	vst v40;
	v63 =	vshll.u32 v42, $0x8  }
0x1fd: {  	[tilespmem:s19+$0xFFFFFED0] =	vst v14;
	v56 =	vand.u32 $0x280, v58;
	v41 =	vand.u32 $0x7FFFF800, v57;
	v58 =	vld.idx.msk [tilespmem:v37+s18+$0x0], $0xffff;
	v55 =	vand.u32 $0x7FFFF800, v55  }
0x1fe: {  	v37 =	vand.u32 $0x380, v50;
	v50 =	vshll.u32 v42, $0x7;
	v40 =	vor.u32 v56, v55;
	v55 =	vld.idx.msk [tilespmem:v52+s18+$0x0], $0xffff;
	[tilespmem:s16+$0xFFFFFEF0] =	vst v39  }
0x1ff: {  	p6 =	por $0x1, $0x1;
	[tilespmem:s19+$0xFFFFFE50] =	vst v49;
	v57 =	vshll.u32 v59, $0x7;
	v54 =	vand.u32 $0x7FFFF800, v63;
	v14 =	vand.u32 $0x200, v50;
	v63 =	vld.idx.msk [tilespmem:v31+s18+$0x0], $0xffff  }
.Ltmp14:
0x200: {  	v59 =	vshll.u32 v59, $0x8;
	v37 =	vor.u32 v37, v41;
	v39 =	vor.u32 v14, v54;
	v54 =	vld.idx.msk [tilespmem:v60+s18+$0x0], $0xffff;
	(pc) =	sbr.rel @!p6 .LBB2_26-.Ltmp14, $4  }
0x201: {  	s20 =	simm.s32 $0x8;
	[tilespmem:s16+$0xFFFFFF60] =	vst v53;
	v50 =	vor.u32 v17, v40;
	v14 =	vand.u32 $0x300, v57;
	v57 =	vor.u32 v21, v47;
	v31 =	vld.idx.msk [tilespmem:v33+s18+$0x0], $0xffff  }
0x202: {  	s21 =	sadd.s32 $0x10, s14;
	s22 =	simm.s32 $0x32;
	p5 =	por !p4, !p4;
	v41 =	vor.u32 v17, v37;
	v60 =	vld.idx.msk [tilespmem:v30+s18+$0x0], $0xffff;
	[tilespmem:s16+$0xFFFFFE70] =	vst v38;
	v38 =	vor.u32 v21, v39;
	v33 =	vand.u32 $0x7FFFF800, v59  }
0x203: {  	s24 =	sadd.s32 $0x4, s24;
	s25 =	sadd.s32 $0x2, s23;
	s23 =	simm.s32 $0x0;
	v49 =	vor.u32 v17, v39;
	v59 =	vld.idx.msk [tilespmem:v32+s18+$0x0], $0xffff;
	v42 =	vor.u32 v14, v33;
	[tilespmem:s19+$0xFFFFFFD0] =	vst v61  }
0x204: {  	p4 =	por $0x1, $0x1;
	s14 =	simm.s32 $0x0;
	s15 =	simm.s32 $0x185B0;
	v52 =	vor.u32 v17, v42;
	v61 =	vor.u32 v23, v42;
	v56 =	vld.idx.msk [tilespmem:v62+s18+$0x0], $0xffff;
	[tilespmem:s16+$0xFFFFFF00] =	vst v63  }
.LBB2_27:
0x205: {  	s5 =	simm.s32 $0x1  }
0x206: {  	s0 =	sand.u32 $0x7, s24;
	s1 =	sand.u32 $0x3, s25;
	v14 =	vld.idx.msk [tilespmem:v50+s14+$0x0], $0xffff;
	v30 =	vor.u32 v21, v51;
	v32 =	vor.u32 v23, v43;
	[tilespmem:s16+$0xFFFFFFF0] =	vst v58;
	v33 =	vmov v31;
	s5 =	simm.s32 @!p5 $0x0  }
0x207: {  	v53 =	vor.u32 v23, v48;
	v31 =	vor.u32 v23, v47;
	s0 =	sadd.s32 s0, s21;
	s1 =	sshll.u32 s1, $0x1;
	s5 =	sshll.u32 s5, $0x2;
	[tilespmem:s19+$0xFFFFFEE0] =	vst v55;
	v50 =	vld.idx.msk [tilespmem:v46+s18+$0x0], $0xffff;
	v46 =	vmov v32  }
0x208: {  	s1 =	sadd.s32 s1, s22;
	s26 =	sadd.s32 $0x3, s0;
	v32 =	vor.u32 v20, v42;
	s5 =	sadd.s32 s5, s21;
	v55 =	vld.idx.msk [tilespmem:v57+s23+$0x0], $0xffff;
	v57 =	vor.u32 v21, v43;
	[tilespmem:s16+$0xFFFFFE80] =	vst v59;
	v43 =	vmov v37  }
0x209: {  	v62 =	vor.u32 v20, v39;
	v47 =	vmov v40;
	s0 =	sadd.s32 $0x1, s0;
	s26 =	sor.u32 $0x10, s26;
	s5 =	sor.u32 $0x10, s5;
	v52 =	vld.idx.msk [tilespmem:v52+s14+$0x0], $0xffff;
	v63 =	vor.u32 v20, v43;
	[tilespmem:s19+$0xFFFFFE60] =	vst v54  }
0x20a: {  	s20 =	sadd.s32 $0x4, s20;
	v48 =	vmovc v39;
	v51 =	vmovc v42;
	s0 =	sor.u32 $0x10, s0;
	s1 =	sor.u32 $0x10, s1;
	v40 =	vmov s26;
	v54 =	vor.u32 v20, v47;
	v37 =	vmov s5;
	v49 =	vld.idx.msk [tilespmem:v49+s14+$0x0], $0xffff;
	[tilespmem:s16+$0xFFFFFF70] =	vst v60  }
0x20b: {  	p6 =	slt.u32 s20, $0x3C;
	v42 =	vmov s0;
	v58 =	vshll.u32 v40, $0x8;
	v39 =	vshll.u32 v37, $0x8;
	v59 =	vld.idx.msk [tilespmem:v44+s23+$0x0], $0xffff;
	[tilespmem:s19+$0xFFFFFFE0] =	vst v56;
	v44 =	vmovc v38  }
0x20c: {  	v40 =	vshll.u32 v40, $0x7;
	v38 =	vand.u32 $0x7FFFF800, v39;
	v39 =	vshll.u32 v42, $0x7;
	[tilespmem:s15+$0xFFFFFED0] =	vst v14;
	v14 =	vld.idx.msk [tilespmem:v36+s18+$0x0], $0xffff;
	v36 =	vmovc v45;
	v45 =	vmovc v61;
	s18 =	smov.u32 s23;
	s23 =	smov.u32 s14  }
0x20d: {  	v56 =	vmov s1;
	v60 =	vand.u32 $0x7FFFF800, v58;
	v39 =	vand.u32 $0x280, v39;
	v61 =	vld.idx.msk [tilespmem:v41+s23+$0x0], $0xffff;
	[tilespmem:s16+$0x0] =	vst v50  }
0x20e: {  	v40 =	vand.u32 $0x380, v40;
	v41 =	vshll.u32 v42, $0x8;
	v42 =	vshll.u32 v56, $0x7;
	[tilespmem:s19+$0xFFFFFEF0] =	vst v55;
	v58 =	vld.idx.msk [tilespmem:v57+s18+$0x0], $0xffff  }
0x20f: {  	v50 =	vshll.u32 v37, $0x7;
	v37 =	vor.u32 v40, v60;
	v41 =	vand.u32 $0x7FFFF800, v41;
	[tilespmem:s15+$0xFFFFFF50] =	vst v52;
	v18 =	vld.idx.msk [tilespmem:v31+s18+$0x0], $0xffff  }
0x210: {  	v50 =	vand.u32 $0x200, v50;
	v40 =	vor.u32 v39, v41;
	v41 =	vshll.u32 v56, $0x8;
	[tilespmem:s15+$0xFFFFFE50] =	vst v49;
	v31 =	vld.idx.msk [tilespmem:v32+s23+$0x0], $0xffff  }
.Ltmp15:
0x211: {  	v39 =	vor.u32 v50, v38;
	v50 =	vor.u32 v17, v40;
	v32 =	vand.u32 $0x300, v42;
	v55 =	vld.idx.msk [tilespmem:v54+s23+$0x0], $0xffff;
	[tilespmem:s19+$0xFFFFFE70] =	vst v59;
	(pc) =	sbr.rel @p6 .LBB2_27-.Ltmp15, $4  }
0x212: {  	v57 =	vor.u32 v21, v47;
	v38 =	vor.u32 v21, v39;
	v41 =	vand.u32 $0x7FFFF800, v41;
	v59 =	vld.idx.msk [tilespmem:v53+s18+$0x0], $0xffff;
	[tilespmem:s16+$0xFFFFFF80] =	vst v14;
	s16 =	smov.u32 s19;
	s19 =	smov.u32 s15  }
0x213: {  	v42 =	vor.u32 v32, v41;
	v41 =	vor.u32 v17, v37;
	s15 =	sadd.s32 $0x200, s15;
	v54 =	vld.idx.msk [tilespmem:v62+s23+$0x0], $0xffff;
	[tilespmem:s16+$0xFFFFFF60] =	vst v33  }
0x214: {  	p5 =	por !p5, !p5;
	s22 =	sadd.s32 $0x10, s22;
	s21 =	sadd.s32 $0x10, s21;
	v49 =	vor.u32 v17, v39;
	v52 =	vor.u32 v17, v42;
	[tilespmem:s19+$0xFFFFFFD0] =	vst v61;
	v60 =	vld.idx.msk [tilespmem:v30+s18+$0x0], $0xffff  }
0x215: {  	s24 =	sadd.s32 $0x4, s24;
	s25 =	sadd.s32 $0x2, s25;
	v61 =	vor.u32 v23, v42;
	v56 =	vld.idx.msk [tilespmem:v63+s23+$0x0], $0xffff;
	[tilespmem:s16+$0xFFFFFF00] =	vst v18  }
0x216: {  	s20 =	smov.u32 s16;
	v33 =	vmovc v36;
	v62 =	vmov v51;
	v30 =	vmov v43;
	v53 =	vmov v31  }
0x217: {  	s21 =	smov.u32 s18;
	v31 =	vmovc v48;
	v63 =	vmovc v47;
	s18 =	smov.u32 s23;
	v14 =	vmov v44;
	s16 =	smov.u32 s15;
	v32 =	vmov v45;
	v36 =	vmov v61  }
.LBB2_29:
0x218: {  	_ =	sdelay $0x2  }
0x219: {  	[tilespmem:s20+$0xFFFFFFF0] =	vst @p4 v58  }
0x21a: {  	v18 =	vld.idx.msk [tilespmem:v50+s14+$0x0], $0xffff;
	[tilespmem:s19+$0xFFFFFEE0] =	vst @p3 v55  }
0x21b: {  	[tilespmem:s20+$0xFFFFFE80] =	vst @p4 v59;
	v48 =	vld.idx.msk [tilespmem:v49+s14+$0x0], $0xffff  }
0x21c: {  	[tilespmem:s19+$0xFFFFFE60] =	vst @p3 v54;
	v41 =	vld.idx.msk [tilespmem:v41+s14+$0x0], $0xffff  }
0x21d: {  	v45 =	vor.u32 @p3 v21, v30;
	v43 =	vld.idx.msk @p4 [tilespmem:v46+s21+$0x0], $0xffff;
	[tilespmem:s20+$0xFFFFFF70] =	vst @p4 v60  }
0x21e: {  	v59 =	vor.u32 v20, v39;
	v44 =	vld.idx.msk @p3 [tilespmem:v57+s18+$0x0], $0xffff;
	[tilespmem:s19+$0xFFFFFFE0] =	vst @p3 v56  }
0x21f: {  	v47 =	vor.u32 @p3 v23, v63;
	v57 =	vld.idx.msk [tilespmem:v52+s14+$0x0], $0xffff;
	[tilespmem:s16+$0xFFFFFED0] =	vst v18  }
0x220: {  	v58 =	vor.u32 v20, v42;
	v14 =	vld.idx.msk @p3 [tilespmem:v14+s18+$0x0], $0xffff;
	[tilespmem:s16+$0xFFFFFE50] =	vst v48  }
0x221: {  	s0 =	smov.u32 @p3 s18;
	v33 =	vld.idx.msk @p4 [tilespmem:v33+s21+$0x0], $0xffff;
	v18 =	vor.u32 v20, v40;
	[tilespmem:s16+$0xFFFFFFD0] =	vst v41  }
0x222: {  	v31 =	vor.u32 @p3 v23, v31;
	v45 =	vld.idx.msk @p3 [tilespmem:v45+s0+$0x0], $0xffff;
	[tilespmem:s20+$0x0] =	vst @p4 v43  }
0x223: {  	v60 =	vor.u32 v20, v37;
	[tilespmem:s19+$0xFFFFFEF0] =	vst @p3 v44;
	v43 =	vld.idx.msk [tilespmem:v59+s14+$0x0], $0xffff  }
0x224: {  	[tilespmem:s16+$0xFFFFFF50] =	vst v57;
	v46 =	vld.idx.msk @p3 [tilespmem:v47+s0+$0x0], $0xffff;
	v47 =	vor.u32 @p3 v21, v62  }
0x225: {  	[tilespmem:s19+$0xFFFFFE70] =	vst @p3 v14;
	v61 =	vld.idx.msk [tilespmem:v58+s14+$0x0], $0xffff  }
0x226: {  	s1 =	smov.u32 @p3 s19;
	[tilespmem:s20+$0xFFFFFF80] =	vst @p4 v33;
	v14 =	vld.idx.msk [tilespmem:v18+s14+$0x0], $0xffff;
	v18 =	vmov @p3 v53  }
0x227: {  	v31 =	vld.idx.msk @p3 [tilespmem:v31+s0+$0x0], $0xffff;
	[tilespmem:s1+$0xFFFFFF60] =	vst @p3 v18  }
0x228: {  	v18 =	vld.idx.msk [tilespmem:v60+s14+$0x0], $0xffff;
	[tilespmem:s16+$0xFFFFFE60] =	vst v43  }
0x229: {  	v41 =	vpsel p3, v45, v0;
	[tilespmem:s1+$0xFFFFFF00] =	vst @p3 v46;
	v45 =	vld.idx.msk @p3 [tilespmem:v47+s0+$0x0], $0xffff  }
0x22a: {  	v62 =	vor.u32 v21, v40;
	s1 =	smov.u32 @p3 s1;
	[tilespmem:s16+$0xFFFFFF60] =	vst v61  }
0x22b: {  	[tilespmem:s1+$0xFFFFFFF0] =	vst @p3 v41  }
0x22c: {  	[tilespmem:s16+$0xFFFFFEE0] =	vst v14  }
0x22d: {  	[tilespmem:s16+$0xFFFFFFE0] =	vst v18;
	v18 =	vpsel p3, v31, v0  }
0x22e: {  	v31 =	vor.u32 v23, v39;
	v39 =	vpsel p3, v45, v0;
	[tilespmem:s1+$0xFFFFFE80] =	vst @p3 v18  }
0x22f: {  	v50 =	vld.idx.msk [tilespmem:v62+s14+$0x0], $0xffff;
	[tilespmem:s1+$0xFFFFFF70] =	vst @p3 v39  }
0x230: {  	v30 =	vor.u32 @p3 v23, v30;
	v19 =	vld [tilespmem:$0x1FF80]  }
0x231: {  	v30 =	vpsel p3, v30, v0  }
0x232: {  	v49 =	vor.u32 v21, v42  }
0x233: {  	v63 =	vor.u32 v21, v37  }
0x234: {  	v38 =	vld.idx.msk [tilespmem:v38+s14+$0x0], $0xffff;
	v14 =	vpsel p3, v32, v0;
	[tilespmem:s16+$0xFFFFFEF0] =	vst v50  }
0x235: {  	s0 =	smov.u32 @p3 s0;
	v54 =	vsel vm0, v27, v19;
	v19 =	vld [tilespmem:$0x1FF70]  }
0x236: {  	v30 =	vld.idx.msk @p3 [tilespmem:v30+s0+$0x0], $0xffff  }
0x237: {  	s5 =	sor.u32 $0x14, s14;
	s15 =	sand.u32 $0x4, s17;
	v18 =	vld.idx.msk [tilespmem:v49+s14+$0x0], $0xffff  }
0x238: {  	v51 =	vor.u32 v23, v40;
	s25 =	simm.s32 $0x2;
	s15 =	sadd.s32 s15, s5;
	v52 =	vld.idx.msk [tilespmem:v63+s14+$0x0], $0xffff  }
0x239: {  	s26 =	sand.u32 $0x6, s25;
	v56 =	vmov s15;
	v14 =	vld.idx.msk @p3 [tilespmem:v14+s0+$0x0], $0xffff  }
0x23a: {  	v57 =	vshll.u32 v56, $0x8;
	v58 =	vshll.u32 v56, $0x7;
	s0 =	sadd.s32 s26, s5;
	v55 =	vsel vm0, v26, v19;
	v19 =	vld [tilespmem:$0x1FF60]  }
0x23b: {  	s28 =	simm.s32 $0x1;
	v53 =	vor.u32 v23, v37;
	v32 =	vand.u32 $0x7FFFF800, v57;
	v59 =	vmov s0;
	[tilespmem:s16+$0xFFFFFE70] =	vst v38  }
0x23c: {  	s29 =	sand.u32 $0x5, s28;
	v60 =	vshll.u32 v59, $0x7;
	v42 =	vshll.u32 v59, $0x8;
	[tilespmem:s16+$0xFFFFFF70] =	vst v18;
	v18 =	vand.u32 $0x200, v58;
	v31 =	vld.idx.msk [tilespmem:v31+s14+$0x0], $0xffff  }
0x23d: {  	s0 =	sadd.s32 s29, s5;
	v33 =	vld.idx.msk [tilespmem:v51+s14+$0x0], $0xffff;
	v61 =	vand.u32 $0x300, v60;
	v51 =	vor.u32 v18, v32;
	v18 =	vand.u32 $0x7FFFF800, v42  }
0x23e: {  	s30 =	simm.s32 $0xFFFFFFFB;
	[tilespmem:s1+$0xFFFFFF80] =	vst @p3 v14;
	v14 =	vmov s0;
	v46 =	vor.u32 v61, v18  }
0x23f: {  	s31 =	sand.u32 $0x7, s30;
	[tilespmem:s16+$0xFFFFFFF0] =	vst v52;
	v18 =	vshll.u32 v14, $0x8;
	v14 =	vshll.u32 v14, $0x7;
	v37 =	vsel vm0, v25, v19  }
0x240: {  	[tilespmem:s1+$0x0] =	vst @p3 v30;
	s0 =	sadd.s32 s31, s5;
	v41 =	vld.idx.msk [tilespmem:v53+s14+$0x0], $0xffff;
	v18 =	vand.u32 $0x7FFFF800, v18;
	v14 =	vand.u32 $0x280, v14;
	v39 =	vcombine.low v37, v24  }
0x241: {  	v38 =	vcombine.low v54, v55;
	v30 =	vld.idx.msk [tilespmem:v36+s14+$0x0], $0xffff;
	v54 =	vor.u32 v14, v18;
	[tilespmem:s16+$0xFFFFFE80] =	vst v31;
	v31 =	vmov s0  }
0x242: {  	v63 =	vshll.u32 v31, $0x8;
	v31 =	vshll.u32 v31, $0x7;
	v62 =	vor.u32 v39, v51  }
0x243: {  	v32 =	vor.u32 v39, v46;
	v14 =	vand.u32 $0x380, v31;
	v18 =	vand.u32 $0x7FFFF800, v63  }
.Ltmp16:
0x244: {  	[tilespmem:s16+$0xFFFFFF00] =	vst v33;
	v53 =	vor.u32 v14, v18;
	(pc) =	sbr.rel @!p2 .LBB2_30-.Ltmp16, $4  }
0x245: {  	[tilespmem:s16+$0x0] =	vst v41;
	v40 =	vor.u32 v28, v53  }
0x246: {  	v36 =	vor.u32 v28, v54;
	[tilespmem:s16+$0xFFFFFF80] =	vst v30  }
0x247: {  	v42 =	vor.u32 v38, v51;
	v52 =	vld.idx.msk [tilespmem:v62+s14+$0x0], $0xffff  }
0x248: {  	s15 =	simm.s32 $0x1A1B0;
	v41 =	vor.u32 v38, v54;
	v43 =	vor.u32 v39, v54;
	v55 =	vor.u32 v39, v53;
	v50 =	vld.idx.msk [tilespmem:v32+s14+$0x0], $0xffff  }
0x249: {  	s16 =	simm.s32 $0x4;
	s17 =	sadd.s32 $0x10, s14;
	s0 =	simm.s32 $0x5  }
0x24a: {  	s1 =	sor.u32 $0x14, s17;
	s5 =	sand.u32 $0x4, s16;
	s0 =	sand.u32 $0x5, s0  }
0x24b: {  	v14 =	vor.u32 v28, v46;
	v18 =	vor.u32 v38, v46;
	v30 =	vor.u32 v28, v51;
	s29 =	simm.s32 $0x6;
	s5 =	sadd.s32 s5, s1;
	s0 =	sadd.s32 s0, s1  }
0x24c: {  	v32 =	vor.u32 v38, v53;
	s30 =	sand.u32 $0x6, s29;
	v31 =	vmov s5;
	v33 =	vmov s0  }
0x24d: {  	v47 =	vld.idx.msk [tilespmem:v55+s14+$0x0], $0xffff;
	v39 =	vcombine.low v37, v24;
	s0 =	sadd.s32 s30, s1;
	v44 =	vshll.u32 v31, $0x8;
	v45 =	vshll.u32 v33, $0x8  }
0x24e: {  	v43 =	vld.idx.msk [tilespmem:v43+s14+$0x0], $0xffff;
	[tilespmem:s15+$0xFFFFFE50] =	vst v52;
	v31 =	vshll.u32 v31, $0x7;
	v33 =	vshll.u32 v33, $0x7;
	v61 =	vmov s0  }
0x24f: {  	s31 =	simm.s32 $0xFFFFFFFF;
	v42 =	vld.idx.msk [tilespmem:v42+s14+$0x0], $0xffff;
	[tilespmem:s15+$0xFFFFFF50] =	vst v50;
	v44 =	vand.u32 $0x7FFFF800, v44;
	v48 =	vand.u32 $0x7FFFF800, v45;
	v31 =	vand.u32 $0x200, v31  }
0x250: {  	s5 =	sand.u32 $0x7, s31;
	v33 =	vand.u32 $0x280, v33;
	v18 =	vld.idx.msk [tilespmem:v18+s14+$0x0], $0xffff;
	v49 =	vshll.u32 v61, $0x7;
	v63 =	vshll.u32 v61, $0x8  }
0x251: {  	s1 =	sadd.s32 s5, s1;
	v45 =	vor.u32 v31, v44;
	v31 =	vand.u32 $0x7FFFF800, v63;
	v49 =	vand.u32 $0x300, v49  }
0x252: {  	v62 =	vmov s1;
	[tilespmem:s15+$0xFFFFFFD0] =	vst v47;
	v56 =	vor.u32 v39, v45;
	v49 =	vor.u32 v49, v31  }
0x253: {  	p2 =	por $0x1, $0x1;
	[tilespmem:s15+$0xFFFFFED0] =	vst v43;
	v60 =	vshll.u32 v62, $0x8;
	v59 =	vld.idx.msk [tilespmem:v32+s14+$0x0], $0xffff;
	v31 =	vshll.u32 v62, $0x7;
	v61 =	vor.u32 v39, v49  }
.Ltmp17:
0x254: {  	v47 =	vor.u32 v33, v48;
	v44 =	vor.u32 v29, v46;
	v62 =	vand.u32 $0x380, v31;
	v31 =	vld.idx.msk [tilespmem:v41+s14+$0x0], $0xffff;
	[tilespmem:s15+$0xFFFFFE60] =	vst v42;
	(pc) =	sbr.rel @!p2 .LBB2_32-.Ltmp17, $4  }
0x255: {  	v48 =	vor.u32 v29, v54;
	v63 =	vand.u32 $0x7FFFF800, v60;
	v43 =	vor.u32 v39, v47;
	v58 =	vld.idx.msk [tilespmem:v30+s14+$0x0], $0xffff;
	[tilespmem:s15+$0xFFFFFF60] =	vst v18  }
0x256: {  	v41 =	vor.u32 v38, v47;
	v32 =	vor.u32 v62, v63;
	v42 =	vor.u32 v38, v45;
	v57 =	vld.idx.msk [tilespmem:v14+s14+$0x0], $0xffff  }
0x257: {  	v55 =	vor.u32 v39, v32;
	v30 =	vor.u32 v29, v51;
	v51 =	vor.u32 v28, v32;
	v52 =	vld.idx.msk [tilespmem:v56+s14+$0x0], $0xffff  }
0x258: {  	s18 =	simm.s32 $0x1A3B0;
	p1 =	por $0x1, $0x1;
	v14 =	vor.u32 v28, v47;
	[tilespmem:s15+$0xFFFFFFE0] =	vst v59;
	v56 =	vor.u32 v29, v53;
	v50 =	vld.idx.msk [tilespmem:v61+s14+$0x0], $0xffff  }
.LBB2_33:
0x259: {  	s0 =	sadd.s32 $0x5, s16  }
0x25a: {  	v18 =	vor.u32 v28, v49;
	s17 =	sadd.s32 $0x10, s17;
	[tilespmem:s15+$0xFFFFFEE0] =	vst v31;
	v31 =	vld.idx.msk [tilespmem:v40+s14+$0x0], $0xffff;
	v33 =	vmov v32;
	v40 =	vmov v51;
	s1 =	smov.u32 s16;
	s16 =	sadd.s32 $0x4, s16  }
0x25b: {  	v32 =	vor.u32 v38, v49;
	s5 =	sor.u32 $0x14, s17;
	s19 =	sand.u32 $0x4, s16;
	s0 =	sand.u32 $0x5, s0;
	[tilespmem:s15+$0xFFFFFE70] =	vst v58;
	v46 =	vld.idx.msk [tilespmem:v36+s14+$0x0], $0xffff;
	v36 =	vmov v14  }
0x25c: {  	s20 =	sadd.s32 $0x6, s1;
	v14 =	vor.u32 v28, v45;
	v51 =	vor.u32 v38, v33;
	s19 =	sadd.s32 s19, s5;
	s0 =	sadd.s32 s0, s5;
	v30 =	vld.idx.msk [tilespmem:v30+s14+$0x0], $0xffff  }
0x25d: {  	s1 =	sadd.s32 $0xFFFFFFFF, s1;
	p2 =	slt.u32 s16, $0x3C;
	v53 =	vmov s19;
	v54 =	vmov s0;
	s0 =	sand.u32 $0x6, s20;
	v55 =	vld.idx.msk [tilespmem:v55+s14+$0x0], $0xffff;
	[tilespmem:s15+$0xFFFFFF70] =	vst v57  }
0x25e: {  	v39 =	vcombine.low v37, v24;
	s1 =	sand.u32 $0x7, s1;
	v57 =	vshll.u32 v53, $0x8;
	v58 =	vshll.u32 v54, $0x8;
	s0 =	sadd.s32 s0, s5;
	[tilespmem:s18+$0xFFFFFE50] =	vst v52;
	v43 =	vld.idx.msk [tilespmem:v43+s14+$0x0], $0xffff  }
0x25f: {  	s1 =	sadd.s32 s1, s5;
	v53 =	vshll.u32 v53, $0x7;
	v52 =	vand.u32 $0x7FFFF800, v57;
	v57 =	vand.u32 $0x7FFFF800, v58;
	v42 =	vld.idx.msk [tilespmem:v42+s14+$0x0], $0xffff;
	[tilespmem:s18+$0xFFFFFF50] =	vst v50  }
0x260: {  	v50 =	vand.u32 $0x200, v53;
	v53 =	vshll.u32 v54, $0x7;
	v54 =	vmov s0;
	v59 =	vld.idx.msk [tilespmem:v32+s14+$0x0], $0xffff;
	[tilespmem:s15+$0xFFFFFFF0] =	vst v31  }
0x261: {  	v31 =	vand.u32 $0x280, v53;
	v32 =	vshll.u32 v54, $0x7;
	v53 =	vmov s1;
	[tilespmem:s15+$0xFFFFFEF0] =	vst v46;
	v46 =	vld.idx.msk [tilespmem:v56+s14+$0x0], $0xffff  }
0x262: {  	v54 =	vshll.u32 v54, $0x8;
	v56 =	vshll.u32 v53, $0x8;
	v53 =	vshll.u32 v53, $0x7;
	[tilespmem:s15+$0xFFFFFE80] =	vst v30;
	v48 =	vld.idx.msk [tilespmem:v48+s14+$0x0], $0xffff  }
0x263: {  	v50 =	vor.u32 v50, v52;
	v32 =	vand.u32 $0x300, v32;
	v30 =	vand.u32 $0x7FFFF800, v54;
	[tilespmem:s18+$0xFFFFFFD0] =	vst v55;
	v54 =	vld.idx.msk [tilespmem:v44+s14+$0x0], $0xffff  }
0x264: {  	v52 =	vor.u32 v39, v50;
	v60 =	vor.u32 v32, v30;
	v30 =	vand.u32 $0x380, v53;
	[tilespmem:s18+$0xFFFFFED0] =	vst v43;
	v53 =	vld.idx.msk [tilespmem:v51+s14+$0x0], $0xffff  }
0x265: {  	v61 =	vor.u32 v31, v57;
	v32 =	vand.u32 $0x7FFFF800, v56;
	v51 =	vor.u32 v39, v60;
	[tilespmem:s18+$0xFFFFFE60] =	vst v42;
	v31 =	vld.idx.msk [tilespmem:v41+s14+$0x0], $0xffff  }
.Ltmp18:
0x266: {  	v43 =	vor.u32 v39, v61;
	v32 =	vor.u32 v30, v32;
	v58 =	vld.idx.msk [tilespmem:v14+s14+$0x0], $0xffff;
	[tilespmem:s18+$0xFFFFFF60] =	vst v59;
	(pc) =	sbr.rel @p2 .LBB2_33-.Ltmp18, $4  }
0x267: {  	v42 =	vor.u32 v38, v50;
	v41 =	vor.u32 v38, v61;
	v55 =	vor.u32 v39, v32;
	[tilespmem:s15+$0x0] =	vst v46  }
0x268: {  	v44 =	vor.u32 v29, v49;
	v30 =	vor.u32 v29, v45;
	v45 =	vmov v50;
	v57 =	vld.idx.msk [tilespmem:v18+s14+$0x0], $0xffff;
	[tilespmem:s15+$0xFFFFFF00] =	vst v48  }
0x269: {  	v56 =	vor.u32 v29, v33;
	v49 =	vmov v60;
	v48 =	vor.u32 v29, v47;
	v52 =	vld.idx.msk [tilespmem:v52+s14+$0x0], $0xffff;
	[tilespmem:s15+$0xFFFFFF80] =	vst v54;
	s15 =	smov.u32 s18  }
0x26a: {  	v14 =	vor.u32 v28, v61;
	v47 =	vmov v61;
	s18 =	sadd.s32 $0x200, s18;
	v50 =	vld.idx.msk [tilespmem:v51+s14+$0x0], $0xffff;
	v51 =	vor.u32 v28, v32;
	[tilespmem:s15+$0xFFFFFFE0] =	vst v53  }
0x26b: {  	v33 =	vmov v40;
	v37 =	vmov v36;
	v46 =	vmov v49  }
0x26c: {  	s16 =	smov.u32 s15;
	v53 =	vmovc v32;
	v40 =	vmovc v51;
	v36 =	vmov v14;
	v51 =	vmov v45;
	s15 =	smov.u32 s18;
	v54 =	vmov v47  }
.LBB2_35:
0x26d: {  	_ =	sdelay $0x3  }
0x26e: {  	v14 =	vld.idx.msk [tilespmem:v55+s14+$0x0], $0xffff  }
0x26f: {  	[tilespmem:s16+$0xFFFFFEE0] =	vst @p1 v31;
	v18 =	vor.u32 v38, v53;
	v31 =	vld.idx.msk [tilespmem:v43+s14+$0x0], $0xffff  }
0x270: {  	[tilespmem:s16+$0xFFFFFE70] =	vst @p1 v58  }
0x271: {  	v32 =	vld.idx.msk @p1 [tilespmem:v33+s14+$0x0], $0xffff;
	[tilespmem:s16+$0xFFFFFF70] =	vst @p1 v57  }
0x272: {  	v58 =	vor.u32 v38, v46;
	v37 =	vld.idx.msk @p1 [tilespmem:v37+s14+$0x0], $0xffff;
	[tilespmem:s15+$0xFFFFFE50] =	vst v52  }
0x273: {  	v42 =	vld.idx.msk [tilespmem:v42+s14+$0x0], $0xffff;
	[tilespmem:s15+$0xFFFFFFD0] =	vst v14  }
0x274: {  	v14 =	vor.u32 v28, v51;
	[tilespmem:s15+$0xFFFFFED0] =	vst v31;
	v18 =	vld.idx.msk [tilespmem:v18+s14+$0x0], $0xffff  }
0x275: {  	[tilespmem:s15+$0xFFFFFF50] =	vst v50;
	v31 =	vld.idx.msk [tilespmem:v41+s14+$0x0], $0xffff  }
0x276: {  	v30 =	vld.idx.msk @p1 [tilespmem:v30+s14+$0x0], $0xffff;
	[tilespmem:s16+$0xFFFFFFF0] =	vst @p1 v32  }
0x277: {  	v33 =	vld.idx.msk [tilespmem:v58+s14+$0x0], $0xffff;
	[tilespmem:s16+$0xFFFFFEF0] =	vst @p1 v37  }
0x278: {  	v59 =	vor.u32 v28, v46;
	v37 =	vld.idx.msk @p1 [tilespmem:v56+s14+$0x0], $0xffff;
	[tilespmem:s15+$0xFFFFFE60] =	vst v42  }
0x279: {  	v14 =	vld.idx.msk [tilespmem:v14+s14+$0x0], $0xffff;
	[tilespmem:s15+$0xFFFFFFE0] =	vst v18  }
0x27a: {  	v18 =	vor.u32 v29, v51;
	[tilespmem:s15+$0xFFFFFEE0] =	vst v31;
	v31 =	vld.idx.msk [tilespmem:v40+s14+$0x0], $0xffff  }
0x27b: {  	[tilespmem:s16+$0xFFFFFE80] =	vst @p1 v30;
	v42 =	vld.idx.msk @p1 [tilespmem:v44+s14+$0x0], $0xffff  }
0x27c: {  	v60 =	vor.u32 v29, v53;
	[tilespmem:s15+$0xFFFFFF60] =	vst v33;
	v36 =	vld.idx.msk [tilespmem:v36+s14+$0x0], $0xffff  }
0x27d: {  	v30 =	vld.idx.msk [tilespmem:v59+s14+$0x0], $0xffff;
	[tilespmem:s16+$0x0] =	vst @p1 v37  }
0x27e: {  	v61 =	vor.u32 v29, v54;
	v40 =	vld.idx.msk @p1 [tilespmem:v48+s14+$0x0], $0xffff;
	[tilespmem:s15+$0xFFFFFE70] =	vst v14  }
0x27f: {  	v14 =	vld.idx.msk [tilespmem:v18+s14+$0x0], $0xffff;
	[tilespmem:s15+$0xFFFFFFF0] =	vst v31  }
0x280: {  	v18 =	vld [tilespmem:$0x1FF90]  }
0x281: {  	[tilespmem:s15+$0xFFFFFEF0] =	vst v36;
	v33 =	vld.idx.msk [tilespmem:v60+s14+$0x0], $0xffff  }
0x282: {  	v19 =	vld [tilespmem:$0x1FFA0]  }
0x283: {  	[tilespmem:s15+$0xFFFFFF70] =	vst v30;
	v30 =	vld.idx.msk [tilespmem:v61+s14+$0x0], $0xffff  }
0x284: {  	[tilespmem:s16+$0xFFFFFF00] =	vst @p1 v40  }
0x285: {  	s0 =	sand.u32 $0x7, s14;
	p2 =	por $0x0, $0x0;
	s5 =	simm.s32 $0x1;
	[tilespmem:s16+$0xFFFFFF80] =	vst @p1 v42  }
0x286: {  	s0 =	sadd.s32 s0, s14;
	s5 =	simm.s32 @!p2 $0x0;
	[tilespmem:s15+$0xFFFFFE80] =	vst v14  }
0x287: {  	s1 =	sadd.s32 $0x3, s0;
	s5 =	sshll.u32 s5, $0x2;
	s0 =	sadd.s32 $0x1, s0;
	[tilespmem:s15+$0x0] =	vst v33  }
0x288: {  	s5 =	sadd.s32 s5, s14;
	s0 =	sor.u32 $0x18, s0;
	[tilespmem:s15+$0xFFFFFF00] =	vst v30  }
0x289: {  	v62 =	vor.u32 v29, v46;
	s5 =	sor.u32 $0x18, s5;
	v54 =	vmov s0;
	v63 =	vsel vm0, v19, v25;
	v19 =	vld [tilespmem:$0x1FFB0]  }
0x28a: {  	s1 =	sor.u32 $0x18, s1;
	v47 =	vmov s5;
	v55 =	vshll.u32 v54, $0x8;
	v32 =	vshll.u32 v54, $0x7  }
0x28b: {  	v49 =	vshll.u32 v47, $0x8;
	v50 =	vshll.u32 v47, $0x7;
	v31 =	vmov s1  }
0x28c: {  	s17 =	sand.u32 $0x3, s14;
	v32 =	vand.u32 $0x280, v32;
	v45 =	vshll.u32 v31, $0x8;
	v31 =	vshll.u32 v31, $0x7  }
0x28d: {  	s19 =	sshll.u32 s17, $0x1;
	v51 =	vand.u32 $0x7FFFF800, v49;
	v31 =	vand.u32 $0x380, v31;
	v18 =	vsel vm0, v18, v22  }
0x28e: {  	s1 =	sadd.s32 $0x2, s19;
	v37 =	vcombine.low v63, v18;
	v18 =	vand.u32 $0x7FFFF800, v45;
	v52 =	vsel vm0, v19, v26;
	v19 =	vld [tilespmem:$0x1FFC0]  }
0x28f: {  	s1 =	sor.u32 $0x18, s1;
	v46 =	vld.idx.msk [tilespmem:v62+s14+$0x0], $0xffff;
	v33 =	vand.u32 $0x7FFFF800, v55;
	v30 =	vand.u32 $0x200, v50;
	v18 =	vor.u32 v31, v18  }
0x290: {  	s20 =	sadd.s32 $0x2, s14;
	v32 =	vor.u32 v32, v33;
	v31 =	vmov s1;
	v48 =	vor.u32 v37, v18  }
0x291: {  	s21 =	sand.u32 $0x3, s20;
	v30 =	vor.u32 v30, v51;
	v14 =	vshll.u32 v31, $0x8;
	v31 =	vshll.u32 v31, $0x7  }
0x292: {  	s0 =	sshll.u32 s21, $0x1;
	v56 =	vor.u32 v37, v30;
	v14 =	vand.u32 $0x7FFFF800, v14;
	v31 =	vand.u32 $0x300, v31  }
0x293: {  	s23 =	sadd.s32 $0x10, s14;
	s0 =	sadd.s32 $0x12, s0;
	s19 =	sadd.s32 $0x4, s14;
	v14 =	vor.u32 v31, v14;
	v31 =	vor.u32 v37, v32;
	v53 =	vsel vm0, v19, v27  }
0x294: {  	s22 =	sand.u32 $0x7, s19;
	p1 =	por !p2, !p2;
	s1 =	simm.s32 $0x1;
	[tilespmem:s15+$0xFFFFFF80] =	vst v46;
	v36 =	vcombine.low v53, v52  }
0x295: {  	s0 =	sor.u32 $0x18, s0;
	s5 =	sadd.s32 s22, s23;
	s1 =	simm.s32 @!p1 $0x0;
	v58 =	vor.u32 v37, v14;
	v40 =	vld.idx.msk [tilespmem:v48+s2+$0x0], $0xffff  }
0x296: {  	v60 =	vmov s0;
	s24 =	sadd.s32 $0x3, s5;
	s1 =	sshll.u32 s1, $0x2;
	v57 =	vor.u32 v36, v18  }
0x297: {  	v61 =	vshll.u32 v60, $0x8;
	s0 =	sor.u32 $0x18, s24;
	s1 =	sadd.s32 s1, s23;
	v41 =	vld.idx.msk [tilespmem:v56+s2+$0x0], $0xffff  }
0x298: {  	v62 =	vmov s0;
	v49 =	vor.u32 v34, v18;
	v46 =	vshll.u32 v60, $0x7;
	s1 =	sor.u32 $0x18, s1;
	v31 =	vld.idx.msk [tilespmem:v31+s2+$0x0], $0xffff  }
0x299: {  	s25 =	sadd.s32 $0x1, s5;
	s15 =	simm.s32 $0x1C1B0;
	v63 =	vmov s1;
	v56 =	vshll.u32 v62, $0x8;
	v48 =	vshll.u32 v62, $0x7  }
0x29a: {  	s0 =	sor.u32 $0x18, s25;
	v50 =	vshll.u32 v63, $0x7;
	v51 =	vand.u32 $0x7FFFF800, v56;
	v33 =	vld.idx.msk [tilespmem:v58+s2+$0x0], $0xffff;
	[tilespmem:s15+$0xFFFFFFD0] =	vst v40;
	v59 =	vor.u32 v36, v30  }
0x29b: {  	v48 =	vand.u32 $0x380, v48;
	v58 =	vmov s0;
	v45 =	vor.u32 v36, v32;
	v42 =	vld.idx.msk [tilespmem:v57+s2+$0x0], $0xffff  }
0x29c: {  	v48 =	vor.u32 v48, v51;
	v60 =	vshll.u32 v58, $0x8;
	[tilespmem:s15+$0xFFFFFE50] =	vst v41;
	v41 =	vshll.u32 v58, $0x7  }
0x29d: {  	v47 =	vor.u32 v36, v14;
	v41 =	vand.u32 $0x280, v41;
	[tilespmem:s15+$0xFFFFFED0] =	vst v31;
	v31 =	vand.u32 $0x7FFFF800, v60  }
0x29e: {  	v51 =	vor.u32 v37, v48;
	v31 =	vor.u32 v41, v31;
	v57 =	vshll.u32 v63, $0x8  }
0x29f: {  	v50 =	vand.u32 $0x200, v50;
	v41 =	vor.u32 v37, v31;
	v44 =	vld.idx.msk [tilespmem:v59+s2+$0x0], $0xffff;
	v59 =	vand.u32 $0x7FFFF800, v57  }
0x2a0: {  	v43 =	vor.u32 v34, v30;
	v45 =	vld.idx.msk [tilespmem:v45+s2+$0x0], $0xffff;
	[tilespmem:s15+$0xFFFFFFE0] =	vst v42;
	v42 =	vor.u32 v50, v59  }
0x2a1: {  	v46 =	vand.u32 $0x300, v46;
	v40 =	vand.u32 $0x7FFFF800, v61;
	[tilespmem:s15+$0xFFFFFF50] =	vst v33;
	v49 =	vld.idx.msk [tilespmem:v49+s2+$0x0], $0xffff;
	v61 =	vor.u32 v37, v42  }
0x2a2: {  	v18 =	vor.u32 v35, v18;
	v40 =	vor.u32 v46, v40;
	v46 =	vld.idx.msk [tilespmem:v47+s2+$0x0], $0xffff  }
0x2a3: {  	v63 =	vld.idx.msk [tilespmem:v51+s2+$0x0], $0xffff  }
0x2a4: {  	s18 =	sadd.s32 $0x2, s20;
	v62 =	vor.u32 v37, v40;
	v55 =	vld.idx.msk [tilespmem:v41+s2+$0x0], $0xffff;
	[tilespmem:s15+$0xFFFFFE60] =	vst v44  }
0x2a5: {  	s26 =	sand.u32 $0x3, s18;
	v52 =	vor.u32 v36, v48;
	v51 =	vld.idx.msk [tilespmem:v43+s2+$0x0], $0xffff  }
0x2a6: {  	s14 =	sadd.s32 $0x4, s19;
	s0 =	sshll.u32 s26, $0x1;
	v30 =	vor.u32 v35, v30;
	v60 =	vor.u32 v34, v32;
	[tilespmem:s15+$0xFFFFFFF0] =	vst v49;
	v33 =	vld.idx.msk [tilespmem:v61+s2+$0x0], $0xffff  }
0x2a7: {  	s17 =	sadd.s32 $0x10, s23;
	s28 =	sand.u32 $0x7, s14;
	s0 =	sadd.s32 $0x22, s0;
	v32 =	vor.u32 v35, v32;
	v54 =	vor.u32 v36, v31;
	v61 =	vor.u32 v34, v14;
	v18 =	vld.idx.msk [tilespmem:v18+s2+$0x0], $0xffff  }
0x2a8: {  	s16 =	simm.s32 $0x1C3B0;
	s1 =	sadd.s32 s28, s17;
	s0 =	sor.u32 $0x18, s0;
	v41 =	vor.u32 v35, v31;
	[tilespmem:s15+$0xFFFFFEE0] =	vst v45;
	v50 =	vor.u32 v36, v40;
	v44 =	vor.u32 v34, v42  }
0x2a9: {  	s5 =	simm.s32 $0x1;
	p1 =	por !p1, !p1;
	s29 =	sadd.s32 $0x3, s1;
	v62 =	vld.idx.msk [tilespmem:v62+s2+$0x0], $0xffff;
	[tilespmem:s16+$0xFFFFFFD0] =	vst v63;
	v43 =	vor.u32 v34, v31;
	v53 =	vor.u32 v36, v42;
	v31 =	vmov s0  }
0x2aa: {  	s5 =	simm.s32 @!p1 $0x0;
	[tilespmem:s15+$0xFFFFFF60] =	vst v46;
	v42 =	vor.u32 v35, v42;
	v52 =	vld.idx.msk [tilespmem:v52+s2+$0x0], $0xffff;
	s0 =	sor.u32 $0x18, s29;
	v63 =	vshll.u32 v31, $0x8;
	v31 =	vshll.u32 v31, $0x7  }
0x2ab: {  	s5 =	sshll.u32 s5, $0x2;
	v46 =	vand.u32 $0x7FFFF800, v63;
	v31 =	vand.u32 $0x300, v31;
	[tilespmem:s15+$0xFFFFFE70] =	vst v51;
	v49 =	vld.idx.msk [tilespmem:v60+s2+$0x0], $0xffff;
	v51 =	vmov s0  }
0x2ac: {  	s30 =	sadd.s32 s5, s17;
	v60 =	vor.u32 v34, v48;
	v58 =	vld.idx.msk [tilespmem:v61+s2+$0x0], $0xffff;
	v61 =	vshll.u32 v51, $0x7;
	[tilespmem:s15+$0x0] =	vst v18;
	v18 =	vshll.u32 v51, $0x8  }
0x2ad: {  	[tilespmem:s16+$0xFFFFFED0] =	vst v55;
	v45 =	vor.u32 v31, v46;
	s0 =	sor.u32 $0x18, s30;
	v47 =	vld.idx.msk [tilespmem:v30+s2+$0x0], $0xffff;
	v30 =	vand.u32 $0x380, v61;
	v18 =	vand.u32 $0x7FFFF800, v18  }
0x2ae: {  	s1 =	sadd.s32 $0x1, s1;
	v59 =	vld.idx.msk [tilespmem:v54+s2+$0x0], $0xffff;
	v14 =	vor.u32 v35, v14;
	v31 =	vmov s0;
	[tilespmem:s16+$0xFFFFFE50] =	vst v33;
	v46 =	vor.u32 v30, v18  }
0x2af: {  	s31 =	sor.u32 $0x18, s1;
	[tilespmem:s16+$0xFFFFFF50] =	vst v62;
	v33 =	vld.idx.msk [tilespmem:v53+s2+$0x0], $0xffff;
	v53 =	vor.u32 v35, v48;
	v18 =	vshll.u32 v31, $0x8;
	v62 =	vor.u32 v37, v46  }
0x2b0: {  	[tilespmem:s16+$0xFFFFFFE0] =	vst v52;
	v51 =	vld.idx.msk [tilespmem:v50+s2+$0x0], $0xffff;
	v30 =	vshll.u32 v31, $0x7;
	v31 =	vmov s31;
	v18 =	vand.u32 $0x7FFFF800, v18  }
0x2b1: {  	v52 =	vld.idx.msk [tilespmem:v60+s2+$0x0], $0xffff;
	[tilespmem:s15+$0xFFFFFEF0] =	vst v49;
	v30 =	vand.u32 $0x200, v30;
	v63 =	vshll.u32 v31, $0x8;
	v31 =	vshll.u32 v31, $0x7  }
0x2b2: {  	v32 =	vld.idx.msk [tilespmem:v32+s2+$0x0], $0xffff;
	v30 =	vor.u32 v30, v18;
	v18 =	vand.u32 $0x7FFFF800, v63;
	v31 =	vand.u32 $0x280, v31;
	[tilespmem:s15+$0xFFFFFF70] =	vst v58  }
0x2b3: {  	s20 =	simm.s32 $0x8;
	[tilespmem:s16+$0xFFFFFEE0] =	vst v59;
	v55 =	vor.u32 v37, v30;
	v31 =	vor.u32 v31, v18;
	v48 =	vld.idx.msk [tilespmem:v14+s2+$0x0], $0xffff  }
0x2b4: {  	s21 =	sadd.s32 $0x2, s18;
	s18 =	simm.s32 $0x1C3B0;
	s19 =	simm.s32 $0x22;
	v49 =	vor.u32 v37, v45;
	[tilespmem:s16+$0xFFFFFE60] =	vst v33;
	v54 =	vor.u32 v37, v31;
	v50 =	vld.idx.msk [tilespmem:v62+s2+$0x0], $0xffff  }
.LBB2_36:
0x2b5: {  	s0 =	sand.u32 $0x3, s21;
	v14 =	vor.u32 v34, v31;
	p1 =	por !p1, !p1;
	v18 =	vld.idx.msk [tilespmem:v44+s2+$0x0], $0xffff;
	v44 =	vor.u32 v34, v30;
	[tilespmem:s16+$0xFFFFFF60] =	vst v51;
	s1 =	simm.s32 $0x1  }
0x2b6: {  	v33 =	vor.u32 v36, v30;
	v51 =	vor.u32 v36, v31;
	v56 =	vor.u32 v36, v46;
	s19 =	sadd.s32 $0x10, s19;
	s0 =	sshll.u32 s0, $0x1;
	s1 =	simm.s32 @!p1 $0x0;
	[tilespmem:s16+$0xFFFFFFF0] =	vst v52  }
0x2b7: {  	v30 =	vor.u32 v35, v30;
	v31 =	vor.u32 v35, v31;
	v52 =	vor.u32 v36, v45;
	s0 =	sadd.s32 s0, s19;
	s1 =	sshll.u32 s1, $0x2;
	v53 =	vld.idx.msk [tilespmem:v53+s2+$0x0], $0xffff  }
0x2b8: {  	s14 =	sadd.s32 $0x4, s14;
	v57 =	vor.u32 v34, v40;
	s16 =	sadd.s32 $0x200, s16;
	s0 =	sor.u32 $0x18, s0;
	v55 =	vld.idx.msk [tilespmem:v55+s2+$0x0], $0xffff;
	[tilespmem:s15+$0xFFFFFE80] =	vst v47  }
0x2b9: {  	s20 =	sadd.s32 $0x4, s20;
	s17 =	sadd.s32 $0x10, s17;
	s5 =	sand.u32 $0x7, s14;
	v47 =	vmov s0;
	v54 =	vld.idx.msk [tilespmem:v54+s2+$0x0], $0xffff;
	[tilespmem:s15+$0xFFFFFF00] =	vst v32  }
0x2ba: {  	p2 =	slt.u32 s20, $0x3C;
	s1 =	sadd.s32 s1, s17;
	s0 =	sadd.s32 s5, s17;
	v32 =	vshll.u32 v47, $0x8;
	v47 =	vshll.u32 v47, $0x7;
	v49 =	vld.idx.msk [tilespmem:v49+s2+$0x0], $0xffff;
	[tilespmem:s16+$0xFFFFFFD0] =	vst v50  }
0x2bb: {  	s1 =	sor.u32 $0x18, s1;
	s5 =	sadd.s32 $0x1, s0;
	s0 =	sadd.s32 $0x3, s0;
	v32 =	vand.u32 $0x7FFFF800, v32;
	v47 =	vand.u32 $0x300, v47;
	v50 =	vld.idx.msk [tilespmem:v56+s2+$0x0], $0xffff;
	[tilespmem:s18+$0xFFFFFE70] =	vst v18  }
0x2bc: {  	v58 =	vor.u32 v35, v40;
	v18 =	vmov s1;
	s1 =	sor.u32 $0x18, s5;
	s0 =	sor.u32 $0x18, s0;
	v32 =	vor.u32 v47, v32;
	v56 =	vld.idx.msk [tilespmem:v43+s2+$0x0], $0xffff;
	[tilespmem:s15+$0xFFFFFF80] =	vst v48;
	v43 =	vmovc v14;
	s15 =	smov.u32 s18  }
0x2bd: {  	v40 =	vmov v45;
	v14 =	vmov s0;
	v48 =	vor.u32 v34, v46;
	s18 =	smov.u32 s16;
	v57 =	vld.idx.msk [tilespmem:v57+s2+$0x0], $0xffff;
	[tilespmem:s15+$0x0] =	vst v53  }
0x2be: {  	v19 =	vshll.u32 v14, $0x8;
	v14 =	vshll.u32 v14, $0x7;
	[tilespmem:s16+$0xFFFFFE50] =	vst v55;
	v47 =	vld.idx.msk [tilespmem:v42+s2+$0x0], $0xffff;
	v42 =	vmov v30  }
0x2bf: {  	v45 =	vmov v32;
	v30 =	vand.u32 $0x7FFFF800, v19;
	v14 =	vand.u32 $0x380, v14;
	v33 =	vld.idx.msk [tilespmem:v33+s2+$0x0], $0xffff;
	[tilespmem:s16+$0xFFFFFED0] =	vst v54  }
0x2c0: {  	v32 =	vshll.u32 v18, $0x8;
	v53 =	vmov s1;
	v14 =	vor.u32 v14, v30;
	v59 =	vld.idx.msk [tilespmem:v51+s2+$0x0], $0xffff;
	[tilespmem:s16+$0xFFFFFF50] =	vst v49  }
0x2c1: {  	v18 =	vshll.u32 v18, $0x7;
	v49 =	vshll.u32 v53, $0x8;
	v60 =	vor.u32 v37, v14;
	v51 =	vld.idx.msk [tilespmem:v52+s2+$0x0], $0xffff;
	[tilespmem:s16+$0xFFFFFFE0] =	vst v50  }
.Ltmp19:
0x2c2: {  	v18 =	vand.u32 $0x200, v18;
	v30 =	vand.u32 $0x7FFFF800, v32;
	v32 =	vshll.u32 v53, $0x7;
	v52 =	vld.idx.msk [tilespmem:v48+s2+$0x0], $0xffff;
	[tilespmem:s15+$0xFFFFFEF0] =	vst v56;
	(pc) =	sbr.rel @p2 .LBB2_36-.Ltmp19, $4  }
0x2c3: {  	v30 =	vor.u32 v18, v30;
	v18 =	vand.u32 $0x7FFFF800, v49;
	v48 =	vand.u32 $0x280, v32;
	v32 =	vld.idx.msk [tilespmem:v41+s2+$0x0], $0xffff;
	[tilespmem:s15+$0xFFFFFF70] =	vst v57;
	v41 =	vmovc v31  }
0x2c4: {  	v53 =	vor.u32 v35, v46;
	v55 =	vor.u32 v37, v30;
	v31 =	vor.u32 v48, v18;
	v48 =	vld.idx.msk [tilespmem:v58+s2+$0x0], $0xffff  }
0x2c5: {  	v54 =	vor.u32 v37, v31;
	[tilespmem:s16+$0xFFFFFE60] =	vst v33  }
0x2c6: {  	s21 =	sadd.s32 $0x2, s21;
	v46 =	vmov v14;
	v49 =	vor.u32 v37, v45;
	v50 =	vld.idx.msk [tilespmem:v60+s2+$0x0], $0xffff;
	[tilespmem:s16+$0xFFFFFEE0] =	vst v59  }
0x2c7: {  	_ =	sdelay $0x2  }
0x2c8: {  	[tilespmem:s16+$0xFFFFFF60] =	vst v51  }
0x2c9: {  	v14 =	vld.idx.msk [tilespmem:v44+s2+$0x0], $0xffff;
	v18 =	vor.u32 v36, v46;
	[tilespmem:s16+$0xFFFFFFF0] =	vst v52  }
0x2ca: {  	v33 =	vld.idx.msk [tilespmem:v55+s2+$0x0], $0xffff;
	[tilespmem:s15+$0xFFFFFE80] =	vst v47  }
0x2cb: {  	v61 =	vor.u32 v36, v30;
	v62 =	vld.idx.msk [tilespmem:v54+s2+$0x0], $0xffff;
	[tilespmem:s15+$0xFFFFFF00] =	vst v32  }
0x2cc: {  	s0 =	sadd.s32 $0x200, s16;
	v63 =	vor.u32 v36, v31;
	v49 =	vld.idx.msk [tilespmem:v49+s2+$0x0], $0xffff;
	[tilespmem:s15+$0xFFFFFF80] =	vst v48  }
0x2cd: {  	v54 =	vor.u32 v36, v45;
	v43 =	vld.idx.msk [tilespmem:v43+s2+$0x0], $0xffff;
	[tilespmem:s0+$0xFFFFFFD0] =	vst v50  }
0x2ce: {  	[tilespmem:s18+$0xFFFFFE70] =	vst v14;
	v14 =	vor.u32 v34, v40;
	v18 =	vld.idx.msk [tilespmem:v18+s2+$0x0], $0xffff  }
0x2cf: {  	v55 =	vld.idx.msk [tilespmem:v53+s2+$0x0], $0xffff;
	[tilespmem:s0+$0xFFFFFE50] =	vst v33  }
0x2d0: {  	v56 =	vor.u32 v34, v46;
	[tilespmem:s0+$0xFFFFFED0] =	vst v62;
	v33 =	vld.idx.msk [tilespmem:v61+s2+$0x0], $0xffff  }
0x2d1: {  	v57 =	vor.u32 v34, v30;
	[tilespmem:s0+$0xFFFFFF50] =	vst v49;
	v32 =	vld.idx.msk [tilespmem:v63+s2+$0x0], $0xffff  }
0x2d2: {  	v58 =	vor.u32 v34, v31;
	[tilespmem:s18+$0xFFFFFEF0] =	vst v43;
	v49 =	vld.idx.msk [tilespmem:v54+s2+$0x0], $0xffff  }
0x2d3: {  	v14 =	vld.idx.msk [tilespmem:v14+s2+$0x0], $0xffff;
	[tilespmem:s0+$0xFFFFFFE0] =	vst v18;
	v18 =	vor.u32 v34, v45  }
0x2d4: {  	[tilespmem:s18+$0x0] =	vst v55;
	v42 =	vld.idx.msk [tilespmem:v42+s2+$0x0], $0xffff  }
0x2d5: {  	v59 =	vor.u32 v35, v40;
	v48 =	vld.idx.msk [tilespmem:v56+s2+$0x0], $0xffff;
	[tilespmem:s0+$0xFFFFFE60] =	vst v33  }
0x2d6: {  	v60 =	vor.u32 v35, v46;
	[tilespmem:s0+$0xFFFFFEE0] =	vst v32;
	v61 =	vld.idx.msk [tilespmem:v57+s2+$0x0], $0xffff  }
0x2d7: {  	v30 =	vor.u32 v35, v30;
	[tilespmem:s0+$0xFFFFFF60] =	vst v49;
	v62 =	vld.idx.msk [tilespmem:v58+s2+$0x0], $0xffff  }
0x2d8: {  	v31 =	vor.u32 v35, v31;
	[tilespmem:s18+$0xFFFFFF70] =	vst v14;
	v14 =	vld.idx.msk [tilespmem:v18+s2+$0x0], $0xffff  }
0x2d9: {  	v63 =	vor.u32 v35, v45;
	[tilespmem:s18+$0xFFFFFE80] =	vst v42;
	v18 =	vld.idx.msk [tilespmem:v41+s2+$0x0], $0xffff  }
0x2da: {  	[tilespmem:s0+$0xFFFFFFF0] =	vst v48;
	v40 =	vld.idx.msk [tilespmem:v59+s2+$0x0], $0xffff  }
0x2db: {  	v33 =	vld.idx.msk [tilespmem:v60+s2+$0x0], $0xffff;
	[tilespmem:s0+$0xFFFFFE70] =	vst v61  }
0x2dc: {  	[tilespmem:s0+$0xFFFFFEF0] =	vst v62;
	v30 =	vld.idx.msk [tilespmem:v30+s2+$0x0], $0xffff  }
0x2dd: {  	v31 =	vld.idx.msk [tilespmem:v31+s2+$0x0], $0xffff;
	[tilespmem:s0+$0xFFFFFF70] =	vst v14  }
0x2de: {  	[tilespmem:s18+$0xFFFFFF00] =	vst v18;
	v14 =	vld.idx.msk [tilespmem:v63+s2+$0x0], $0xffff  }
0x2df: {  	[tilespmem:s18+$0xFFFFFF80] =	vst v40  }
.Ltmp20:
0x2e0: {  	[tilespmem:s0+$0x0] =	vst v33;
	(pc) =	sbr.rel @p0 .LBB2_83-.Ltmp20, $4  }
0x2e1: {  	[tilespmem:s0+$0xFFFFFE80] =	vst v30  }
0x2e2: {  	[tilespmem:s0+$0xFFFFFF00] =	vst v31  }
0x2e3: {  	[tilespmem:s0+$0xFFFFFF80] =	vst v14  }
0x2e4: {  	[hbm4b:s4+s2] =	stream.linear.scatter [tilespmem:s12], [sflag:$0x1], $0xE000, $0x38;
	[tilespmem:$0x1E000] =	vst v63  }
0x2e5: {  	s14 =	simm.s32 $0x0  }
0x2e6: {  	s0 =	simm.s32 $0x0;
	s1 =	simm.s32 $0x1;
	s15 =	simm.s32 $0x2  }
0x2e7: {  	s17 =	sand.u32 $0x4, s0;
	s18 =	sand.u32 $0x5, s1;
	s22 =	sand.u32 $0xE0, s14  }
0x2e8: {  	s1 =	simm.s32 $0xFFFFFFFB;
	s15 =	sand.u32 $0x6, s15;
	s6 =	sor.u32 s17, s22  }
0x2e9: {  	s5 =	sor.u32 s18, s22;
	s0 =	sand.u32 $0x7, s1;
	s16 =	sor.u32 s15, s22;
	v14 =	vmov s6  }
0x2ea: {  	v18 =	vmov s5;
	s0 =	sor.u32 s0, s22;
	v33 =	vmov s16;
	v30 =	vshll.u32 v14, $0x8  }
0x2eb: {  	s19 =	rddreg [dreg:$0x3];
	v31 =	vshll.u32 v18, $0x8;
	v32 =	vmov s0;
	v18 =	vshll.u32 v18, $0x7  }
0x2ec: {  	[tilespmem:s14], [sflag:$0x2] =	stream.strided.gather [hbm4b:s19+s8], $0x10000, s9, s8, $0x38;
	v14 =	vshll.u32 v14, $0x7;
	v31 =	vand.u32 $0xE000, v31;
	v18 =	vand.u32 $0x280, v18;
	[tilespmem:$0x1E000] =	vst v63  }
0x2ed: {  	_ =	swait.ge [sflag:s10], $0x10000;
	v40 =	vshll.u32 v32, $0x8;
	v32 =	vshll.u32 v32, $0x7;
	v18 =	vor.u32 v18, v31  }
0x2ee: {  	[sflag:s10] =	ssyncset.done $0x0;
	v31 =	vand.u32 $0xE000, v40;
	v32 =	vand.u32 $0x380, v32;
	v53 =	vor.u32 v0, v18  }
0x2ef: {  	s20 =	simm.s32 $0x10;
	[sflag:s10] =	ssyncadd.s32 $0xFFFF0000;
	v41 =	vshll.u32 v33, $0x8;
	v33 =	vshll.u32 v33, $0x7;
	v31 =	vor.u32 v32, v31  }
0x2f0: {  	s21 =	simm.s32 $0x4;
	s23 =	simm.s32 $0xFFFFFFFF;
	_ =	swait.ge [sflag:s11], $0xE000;
	v54 =	vand.u32 $0x300, v33;
	v55 =	vand.u32 $0xE000, v41;
	v56 =	vor.u32 v0, v31  }
0x2f1: {  	s24 =	sand.u32 $0x7, s23;
	s19 =	sand.u32 $0xE0, s20;
	v42 =	vand.u32 $0xE000, v30;
	v14 =	vand.u32 $0x200, v14;
	[sflag:s11] =	ssyncset.done $0x0;
	v32 =	vor.u32 v54, v55  }
0x2f2: {  	s25 =	simm.s32 $0x5;
	s1 =	sor.u32 s24, s19;
	v57 =	vor.u32 v14, v42;
	[sflag:s11] =	ssyncadd.s32 $0xFFFF2000;
	v58 =	vor.u32 v0, v32  }
0x2f3: {  	s16 =	sand.u32 $0x4, s21;
	s21 =	sand.u32 $0x5, s25;
	v47 =	vmov s1;
	v43 =	vor.u32 v0, v57;
	v40 =	vld.idx.msk [tilespmem:v53+s14+$0x0], $0xffff  }
0x2f4: {  	s26 =	sor.u32 s16, s19;
	s0 =	sor.u32 s21, s19;
	v49 =	vshll.u32 v47, $0x8;
	v44 =	vor.u32 v1, v18  }
0x2f5: {  	s6 =	simm.s32 $0x6;
	v47 =	vshll.u32 v47, $0x7;
	v46 =	vmov s26;
	v59 =	vmov s0;
	v41 =	vld.idx.msk [tilespmem:v56+s14+$0x0], $0xffff  }
0x2f6: {  	s24 =	sand.u32 $0x6, s6;
	v49 =	vand.u32 $0xE000, v49;
	v14 =	vor.u32 v14, v30;
	v30 =	vor.u32 v1, v31  }
0x2f7: {  	s28 =	simm.s32 $0x10100;
	v47 =	vand.u32 $0x380, v47;
	s0 =	sor.u32 s24, s19;
	v50 =	vshll.u32 v59, $0x8;
	v51 =	vshll.u32 v46, $0x8;
	v42 =	vld.idx.msk [tilespmem:v58+s14+$0x0], $0xffff  }
0x2f8: {  	v62 =	vmov s0;
	v46 =	vshll.u32 v46, $0x7;
	v48 =	vor.u32 v1, v32;
	v43 =	vld.idx.msk [tilespmem:v43+s14+$0x0], $0xffff;
	[tilespmem:s28+$0xFFFFFF80] =	vst v40  }
0x2f9: {  	v45 =	vor.u32 v2, v18;
	v33 =	vor.u32 v1, v57;
	v60 =	vand.u32 $0xE000, v50;
	v44 =	vld.idx.msk [tilespmem:v44+s14+$0x0], $0xffff  }
0x2fa: {  	v52 =	vshll.u32 v62, $0x8;
	v40 =	vshll.u32 v59, $0x7;
	[tilespmem:s28+$0x80] =	vst v41;
	v41 =	vor.u32 v47, v49  }
0x2fb: {  	v46 =	vand.u32 $0x200, v46;
	v40 =	vand.u32 $0x280, v40;
	v30 =	vld.idx.msk [tilespmem:v30+s14+$0x0], $0xffff;
	v49 =	vor.u32 v0, v41  }
0x2fc: {  	v61 =	vor.u32 v2, v31;
	v54 =	vor.u32 v2, v32;
	[tilespmem:s28+$0x0] =	vst v42;
	v40 =	vor.u32 v40, v60  }
0x2fd: {  	v58 =	vand.u32 $0xE000, v51;
	[tilespmem:s28+$0xFFFFFF00] =	vst v43;
	v42 =	vshll.u32 v62, $0x7;
	v63 =	vld.idx.msk [tilespmem:v48+s14+$0x0], $0xffff;
	v57 =	vor.u32 v0, v40  }
0x2fe: {  	v53 =	vor.u32 v46, v58;
	v59 =	vand.u32 $0xE000, v52;
	v33 =	vld.idx.msk [tilespmem:v33+s14+$0x0], $0xffff;
	v42 =	vand.u32 $0x300, v42;
	[tilespmem:s28+$0xFFFFFF90] =	vst v44  }
0x2ff: {  	v43 =	vor.u32 v42, v59;
	v42 =	vor.u32 v46, v51;
	v46 =	vor.u32 v2, v14;
	v45 =	vld.idx.msk [tilespmem:v45+s14+$0x0], $0xffff  }
0x300: {  	s30 =	simm.s32 $0x8;
	s8 =	simm.s32 $0x20;
	s23 =	simm.s32 $0x9;
	v60 =	vor.u32 v0, v43;
	[tilespmem:s28+$0x90] =	vst v30;
	v49 =	vld.idx.msk [tilespmem:v49+s14+$0x0], $0xffff  }
0x301: {  	s20 =	sand.u32 $0x4, s30;
	s23 =	sand.u32 $0x5, s23;
	s25 =	simm.s32 $0x3;
	v30 =	vor.u32 v0, v53;
	v50 =	vld.idx.msk [tilespmem:v61+s14+$0x0], $0xffff  }
0x302: {  	s1 =	sand.u32 $0x7, s25;
	s25 =	sand.u32 $0xE0, s8;
	s6 =	simm.s32 $0xA;
	v18 =	vor.u32 v3, v18;
	[tilespmem:s28+$0x10] =	vst v63;
	v48 =	vld.idx.msk [tilespmem:v57+s14+$0x0], $0xffff;
	v61 =	vor.u32 v1, v41  }
0x303: {  	s8 =	sor.u32 s20, s25;
	s20 =	sand.u32 $0x6, s6;
	s6 =	sor.u32 s1, s25;
	v31 =	vor.u32 v3, v31;
	v32 =	vor.u32 v3, v32;
	[tilespmem:s28+$0xFFFFFF10] =	vst v33;
	v47 =	vld.idx.msk [tilespmem:v54+s14+$0x0], $0xffff  }
0x304: {  	s26 =	simm.s32 $0x10300;
	s29 =	sor.u32 s23, s25;
	v58 =	vmov s6;
	v62 =	vmov s8;
	v33 =	vor.u32 v1, v40;
	v46 =	vld.idx.msk [tilespmem:v46+s14+$0x0], $0xffff;
	[tilespmem:s28+$0xFFFFFFA0] =	vst v45  }
0x305: {  	s8 =	sor.u32 s20, s25;
	v14 =	vor.u32 v3, v14;
	v56 =	vor.u32 v2, v40;
	v63 =	vmov s29;
	v51 =	vld.idx.msk [tilespmem:v60+s14+$0x0], $0xffff;
	[tilespmem:s26+$0x80] =	vst v49  }
0x306: {  	v59 =	vmov s8;
	v55 =	vor.u32 v1, v43;
	v57 =	vshll.u32 v63, $0x8;
	v30 =	vld.idx.msk [tilespmem:v30+s14+$0x0], $0xffff;
	[tilespmem:s28+$0xA0] =	vst v50  }
0x307: {  	v44 =	vor.u32 v2, v41;
	v53 =	vor.u32 v1, v53;
	v57 =	vand.u32 $0xE000, v57;
	v52 =	vld.idx.msk [tilespmem:v61+s14+$0x0], $0xffff;
	[tilespmem:s26+$0xFFFFFF80] =	vst v48  }
0x308: {  	v60 =	vshll.u32 v58, $0x8;
	v58 =	vshll.u32 v58, $0x7;
	v49 =	vshll.u32 v62, $0x8;
	[tilespmem:s28+$0x20] =	vst v47;
	v18 =	vld.idx.msk [tilespmem:v18+s14+$0x0], $0xffff  }
0x309: {  	v45 =	vand.u32 $0xE000, v60;
	v48 =	vshll.u32 v62, $0x7;
	v62 =	vand.u32 $0x380, v58;
	[tilespmem:s28+$0xFFFFFF20] =	vst v46;
	v58 =	vld.idx.msk [tilespmem:v33+s14+$0x0], $0xffff  }
0x30a: {  	v50 =	vand.u32 $0xE000, v49;
	v61 =	vshll.u32 v63, $0x7;
	v31 =	vld.idx.msk [tilespmem:v31+s14+$0x0], $0xffff;
	v45 =	vor.u32 v62, v45;
	[tilespmem:s26+$0x0] =	vst v51  }
0x30b: {  	v63 =	vshll.u32 v59, $0x8;
	v32 =	vld.idx.msk [tilespmem:v32+s14+$0x0], $0xffff;
	v60 =	vand.u32 $0x280, v61;
	v61 =	vor.u32 v0, v45;
	[tilespmem:s26+$0xFFFFFF00] =	vst v30  }
0x30c: {  	v48 =	vand.u32 $0x200, v48;
	v33 =	vld.idx.msk [tilespmem:v14+s14+$0x0], $0xffff;
	v51 =	vor.u32 v2, v42;
	v30 =	vshll.u32 v59, $0x7;
	[tilespmem:s26+$0x90] =	vst v52  }
0x30d: {  	v47 =	vor.u32 v60, v57;
	v62 =	vand.u32 $0x300, v30;
	v30 =	vor.u32 v48, v50;
	v52 =	vld.idx.msk [tilespmem:v55+s14+$0x0], $0xffff;
	[tilespmem:s28+$0xFFFFFFB0] =	vst v18  }
0x30e: {  	v63 =	vand.u32 $0xE000, v63;
	v55 =	vor.u32 v0, v47;
	v50 =	vld.idx.msk [tilespmem:v53+s14+$0x0], $0xffff;
	v53 =	vor.u32 v2, v43;
	[tilespmem:s26+$0xFFFFFF90] =	vst v58  }
0x30f: {  	v46 =	vor.u32 v62, v63;
	[tilespmem:s28+$0xB0] =	vst v31;
	v31 =	vor.u32 v48, v49;
	v49 =	vld.idx.msk [tilespmem:v56+s14+$0x0], $0xffff  }
0x310: {  	s31 =	simm.s32 $0x30;
	s29 =	simm.s32 $0x10500;
	[tilespmem:s28+$0x30] =	vst v32;
	v54 =	vor.u32 v0, v30;
	v48 =	vor.u32 v0, v46;
	v32 =	vld.idx.msk [tilespmem:v61+s14+$0x0], $0xffff  }
.LBB2_39:
0x311: {  	s0 =	sadd.s32 $0x5, s30;
	s1 =	sadd.s32 $0xFFFFFFFF, s30;
	v14 =	vor.u32 v3, v42;
	s5 =	smov.u32 s30  }
0x312: {  	v18 =	vor.u32 v3, v40;
	v56 =	vld.idx.msk [tilespmem:v44+s14+$0x0], $0xffff;
	[tilespmem:s28+$0xFFFFFF30] =	vst v33;
	v40 =	vmov v47;
	v42 =	vmov v31;
	s30 =	sadd.s32 $0x4, s30;
	s28 =	smov.u32 s26;
	s26 =	smov.u32 s29  }
0x313: {  	v33 =	vor.u32 v1, v45;
	v47 =	vor.u32 v3, v41;
	v41 =	vmov v45;
	s6 =	sand.u32 $0x4, s30;
	s0 =	sand.u32 $0x5, s0;
	s1 =	sand.u32 $0x7, s1;
	v31 =	vld.idx.msk [tilespmem:v55+s14+$0x0], $0xffff;
	[tilespmem:s28+$0x10] =	vst v52  }
0x314: {  	s8 =	sand.u32 $0xE0, s31;
	s5 =	sadd.s32 $0x6, s5;
	p1 =	slt.u32 s30, $0x3C;
	v57 =	vor.u32 v2, v40;
	v44 =	vor.u32 v2, v41;
	v52 =	vor.u32 v3, v43;
	v45 =	vld.idx.msk [tilespmem:v53+s14+$0x0], $0xffff  }
0x315: {  	v43 =	vmov v46;
	s6 =	sor.u32 s6, s8;
	s0 =	sor.u32 s0, s8;
	s5 =	sand.u32 $0x6, s5;
	v53 =	vld.idx.msk [tilespmem:v54+s14+$0x0], $0xffff;
	v54 =	vor.u32 v1, v30;
	v30 =	vor.u32 v1, v40;
	[tilespmem:s28+$0xFFFFFF10] =	vst v50  }
0x316: {  	s1 =	sor.u32 s1, s8;
	v55 =	vor.u32 v1, v43;
	v46 =	vmov s6;
	v50 =	vmov s0;
	s0 =	sor.u32 s5, s8;
	v51 =	vld.idx.msk [tilespmem:v51+s14+$0x0], $0xffff;
	[tilespmem:s28+$0xFFFFFFA0] =	vst v49  }
0x317: {  	v59 =	vmov s1;
	v49 =	vshll.u32 v46, $0x8;
	v58 =	vshll.u32 v50, $0x8;
	v48 =	vld.idx.msk [tilespmem:v48+s14+$0x0], $0xffff;
	[tilespmem:s29+$0x80] =	vst v32  }
0x318: {  	v60 =	vmov s0;
	v32 =	vand.u32 $0xE000, v49;
	v58 =	vand.u32 $0xE000, v58;
	v61 =	vld.idx.msk [tilespmem:v33+s14+$0x0], $0xffff;
	[tilespmem:s28+$0xA0] =	vst v56  }
0x319: {  	v33 =	vshll.u32 v46, $0x7;
	v46 =	vshll.u32 v59, $0x8;
	v56 =	vshll.u32 v59, $0x7;
	[tilespmem:s29+$0xFFFFFF80] =	vst v31;
	v59 =	vld.idx.msk [tilespmem:v47+s14+$0x0], $0xffff  }
0x31a: {  	v31 =	vshll.u32 v50, $0x7;
	v46 =	vand.u32 $0xE000, v46;
	v47 =	vand.u32 $0x380, v56;
	v56 =	vld.idx.msk [tilespmem:v30+s14+$0x0], $0xffff;
	[tilespmem:s28+$0x20] =	vst v45  }
0x31b: {  	v50 =	vshll.u32 v60, $0x8;
	v30 =	vshll.u32 v60, $0x7;
	v45 =	vor.u32 v47, v46;
	[tilespmem:s29+$0xFFFFFF00] =	vst v53;
	v60 =	vld.idx.msk [tilespmem:v52+s14+$0x0], $0xffff  }
0x31c: {  	v31 =	vand.u32 $0x280, v31;
	v53 =	vand.u32 $0x200, v33;
	v46 =	vand.u32 $0x300, v30;
	[tilespmem:s28+$0xFFFFFF20] =	vst v51;
	v18 =	vld.idx.msk [tilespmem:v18+s14+$0x0], $0xffff  }
0x31d: {  	v30 =	vor.u32 v53, v32;
	v32 =	vand.u32 $0xE000, v50;
	v51 =	vor.u32 v0, v45;
	[tilespmem:s29+$0x0] =	vst v48;
	v33 =	vld.idx.msk [tilespmem:v14+s14+$0x0], $0xffff  }
.Ltmp21:
0x31e: {  	v47 =	vor.u32 v31, v58;
	v46 =	vor.u32 v46, v32;
	v52 =	vld.idx.msk [tilespmem:v55+s14+$0x0], $0xffff;
	[tilespmem:s29+$0x90] =	vst v61;
	(pc) =	sbr.rel @p1 .LBB2_39-.Ltmp21, $4  }
0x31f: {  	v31 =	vor.u32 v53, v49;
	v55 =	vor.u32 v0, v47;
	v48 =	vor.u32 v0, v46;
	[tilespmem:s28+$0xB0] =	vst v59  }
0x320: {  	v53 =	vor.u32 v2, v43;
	v50 =	vld.idx.msk [tilespmem:v54+s14+$0x0], $0xffff;
	[tilespmem:s29+$0xFFFFFF90] =	vst v56  }
0x321: {  	v54 =	vor.u32 v0, v30;
	v49 =	vld.idx.msk [tilespmem:v57+s14+$0x0], $0xffff;
	[tilespmem:s28+$0x30] =	vst v60  }
0x322: {  	s31 =	sadd.s32 $0x10, s31;
	s29 =	sadd.s32 $0x200, s29;
	v32 =	vld.idx.msk [tilespmem:v51+s14+$0x0], $0xffff;
	v51 =	vor.u32 v2, v42;
	[tilespmem:s28+$0xFFFFFFB0] =	vst v18  }
0x323: {  	_ =	sdelay $0x3  }
0x324: {  	v14 =	vld.idx.msk [tilespmem:v44+s14+$0x0], $0xffff;
	[tilespmem:s28+$0xFFFFFF30] =	vst v33  }
0x325: {  	v18 =	vor.u32 v1, v45;
	[tilespmem:s26+$0x10] =	vst v52;
	v63 =	vld.idx.msk [tilespmem:v48+s14+$0x0], $0xffff  }
0x326: {  	v56 =	vld.idx.msk [tilespmem:v55+s14+$0x0], $0xffff;
	v57 =	vor.u32 v1, v46;
	[tilespmem:s26+$0xFFFFFF10] =	vst v50  }
0x327: {  	v58 =	vld.idx.msk [tilespmem:v54+s14+$0x0], $0xffff;
	v59 =	vor.u32 v1, v47;
	[tilespmem:s26+$0xFFFFFFA0] =	vst v49  }
0x328: {  	v30 =	vor.u32 v1, v30;
	v60 =	vld.idx.msk [tilespmem:v53+s14+$0x0], $0xffff;
	[tilespmem:s29+$0x80] =	vst v32  }
0x329: {  	v40 =	vor.u32 v3, v40;
	v62 =	vld.idx.msk [tilespmem:v51+s14+$0x0], $0xffff;
	[tilespmem:s26+$0xA0] =	vst v14  }
0x32a: {  	v14 =	vor.u32 v3, v43;
	v18 =	vld.idx.msk [tilespmem:v18+s14+$0x0], $0xffff;
	[tilespmem:s29+$0x0] =	vst v63  }
0x32b: {  	v63 =	vor.u32 v2, v45;
	[tilespmem:s29+$0xFFFFFF80] =	vst v56;
	v53 =	vld.idx.msk [tilespmem:v57+s14+$0x0], $0xffff  }
0x32c: {  	v54 =	vor.u32 v2, v46;
	[tilespmem:s29+$0xFFFFFF00] =	vst v58;
	v44 =	vld.idx.msk [tilespmem:v59+s14+$0x0], $0xffff  }
0x32d: {  	v55 =	vor.u32 v2, v47;
	[tilespmem:s26+$0x20] =	vst v60;
	v30 =	vld.idx.msk [tilespmem:v30+s14+$0x0], $0xffff  }
0x32e: {  	v56 =	vor.u32 v2, v31;
	v40 =	vld.idx.msk [tilespmem:v40+s14+$0x0], $0xffff;
	[tilespmem:s26+$0xFFFFFF20] =	vst v62  }
0x32f: {  	v61 =	vor.u32 v3, v41;
	v14 =	vld.idx.msk [tilespmem:v14+s14+$0x0], $0xffff;
	[tilespmem:s29+$0x90] =	vst v18  }
0x330: {  	v18 =	vor.u32 v3, v42;
	v33 =	vld.idx.msk [tilespmem:v63+s14+$0x0], $0xffff;
	[tilespmem:s29+$0x10] =	vst v53  }
0x331: {  	v57 =	vor.u32 v3, v45;
	[tilespmem:s29+$0xFFFFFF90] =	vst v44;
	v43 =	vld.idx.msk [tilespmem:v54+s14+$0x0], $0xffff  }
0x332: {  	v58 =	vor.u32 v3, v46;
	[tilespmem:s29+$0xFFFFFF10] =	vst v30;
	v44 =	vld.idx.msk [tilespmem:v55+s14+$0x0], $0xffff  }
0x333: {  	s0 =	sor.u32 $0x4, s22;
	[tilespmem:s26+$0xFFFFFFB0] =	vst v40;
	v30 =	vor.u32 v3, v47;
	v59 =	vld.idx.msk [tilespmem:v56+s14+$0x0], $0xffff  }
0x334: {  	s1 =	sadd.s32 s17, s0;
	s5 =	sadd.s32 s18, s0;
	s17 =	sadd.s32 s15, s0;
	v32 =	vld.idx.msk [tilespmem:v61+s14+$0x0], $0xffff;
	[tilespmem:s26+$0x30] =	vst v14;
	v14 =	vor.u32 v3, v31  }
0x335: {  	v50 =	vmov s17;
	v60 =	vmov s5;
	v18 =	vld.idx.msk [tilespmem:v18+s14+$0x0], $0xffff;
	[tilespmem:s29+$0xA0] =	vst v33  }
0x336: {  	v63 =	vshll.u32 v60, $0x8;
	v53 =	vshll.u32 v50, $0x7;
	v61 =	vld.idx.msk [tilespmem:v57+s14+$0x0], $0xffff;
	[tilespmem:s29+$0x20] =	vst v43  }
0x337: {  	s8 =	simm.s32 $0xFFFFFFFB;
	v49 =	vand.u32 $0xE800, v63;
	v31 =	vmov s1;
	v33 =	vshll.u32 v60, $0x7;
	[tilespmem:s29+$0xFFFFFFA0] =	vst v44;
	v48 =	vld.idx.msk [tilespmem:v58+s14+$0x0], $0xffff  }
0x338: {  	s1 =	sand.u32 $0x7, s8;
	v62 =	vshll.u32 v31, $0x8;
	v31 =	vshll.u32 v31, $0x7;
	[tilespmem:s29+$0xFFFFFF20] =	vst v59;
	v33 =	vand.u32 $0x280, v33;
	v30 =	vld.idx.msk [tilespmem:v30+s14+$0x0], $0xffff  }
0x339: {  	[tilespmem:s26+$0xB0] =	vst v32;
	s0 =	sadd.s32 s1, s0;
	v42 =	vand.u32 $0xE800, v62;
	v31 =	vand.u32 $0x200, v31;
	v32 =	vor.u32 v33, v49;
	v14 =	vld.idx.msk [tilespmem:v14+s14+$0x0], $0xffff  }
0x33a: {  	v51 =	vmov s0;
	v31 =	vor.u32 v31, v42;
	v33 =	vor.u32 v4, v32;
	[tilespmem:s26+$0xFFFFFF30] =	vst v18  }
0x33b: {  	v52 =	vshll.u32 v51, $0x8;
	v54 =	vor.u32 v4, v31;
	v18 =	vshll.u32 v50, $0x8;
	[tilespmem:s29+$0xB0] =	vst v61  }
0x33c: {  	v40 =	vshll.u32 v51, $0x7;
	v42 =	vand.u32 $0x300, v53;
	v18 =	vand.u32 $0xE800, v18;
	[tilespmem:s29+$0x30] =	vst v48  }
0x33d: {  	s18 =	sor.u32 $0x4, s19;
	v40 =	vand.u32 $0x380, v40;
	v18 =	vor.u32 v42, v18;
	[tilespmem:s29+$0xFFFFFFB0] =	vst v30;
	v30 =	vand.u32 $0xE800, v52  }
0x33e: {  	s19 =	sadd.s32 s16, s18;
	s21 =	sadd.s32 s21, s18;
	s14 =	simm.s32 $0x0;
	[tilespmem:s29+$0xFFFFFF30] =	vst v14;
	v14 =	vor.u32 v40, v30;
	v30 =	vor.u32 v4, v18  }
0x33f: {  	s24 =	sadd.s32 s24, s18;
	v55 =	vmov s19;
	v56 =	vmov s21;
	v33 =	vld.idx.msk [tilespmem:v33+s14+$0x0], $0xffff;
	v40 =	vor.u32 v4, v14  }
0x340: {  	v47 =	vshll.u32 v55, $0x7;
	v60 =	vmov s24;
	v57 =	vshll.u32 v55, $0x8;
	v41 =	vld.idx.msk [tilespmem:v54+s14+$0x0], $0xffff  }
0x341: {  	v62 =	vshll.u32 v60, $0x8;
	v58 =	vshll.u32 v56, $0x8;
	v49 =	vor.u32 v5, v31  }
0x342: {  	v55 =	vand.u32 $0x200, v47;
	v43 =	vor.u32 v5, v32;
	v51 =	vand.u32 $0xE800, v58  }
0x343: {  	s22 =	simm.s32 $0xFFFFFFFF;
	s15 =	simm.s32 $0x121B0;
	v50 =	vand.u32 $0xE800, v57;
	v57 =	vand.u32 $0xE800, v62;
	v48 =	vshll.u32 v56, $0x7;
	v30 =	vld.idx.msk [tilespmem:v30+s14+$0x0], $0xffff  }
0x344: {  	s1 =	sand.u32 $0x7, s22;
	v46 =	vor.u32 v5, v18;
	v56 =	vshll.u32 v60, $0x7;
	v59 =	vand.u32 $0x280, v48;
	[tilespmem:s15+$0xFFFFFED0] =	vst v33;
	v53 =	vld.idx.msk [tilespmem:v40+s14+$0x0], $0xffff  }
0x345: {  	s0 =	sadd.s32 s1, s18;
	v58 =	vand.u32 $0x300, v56;
	v42 =	vor.u32 v5, v14;
	v33 =	vor.u32 v59, v51;
	[tilespmem:s15+$0xFFFFFE50] =	vst v41  }
0x346: {  	v61 =	vmov s0;
	v41 =	vor.u32 v58, v57;
	v54 =	vor.u32 v4, v33;
	v49 =	vld.idx.msk [tilespmem:v49+s14+$0x0], $0xffff  }
0x347: {  	v63 =	vshll.u32 v61, $0x8;
	v59 =	vshll.u32 v61, $0x7;
	v61 =	vor.u32 v4, v41  }
0x348: {  	v45 =	vor.u32 v6, v31;
	v60 =	vand.u32 $0xE800, v63;
	v43 =	vld.idx.msk [tilespmem:v43+s14+$0x0], $0xffff;
	v47 =	vand.u32 $0x380, v59;
	[tilespmem:s15+$0xFFFFFF50] =	vst v30  }
0x349: {  	v63 =	vor.u32 v6, v32;
	v59 =	vor.u32 v47, v60;
	v46 =	vld.idx.msk [tilespmem:v46+s14+$0x0], $0xffff;
	[tilespmem:s15+$0xFFFFFFD0] =	vst v53  }
0x34a: {  	v40 =	vor.u32 v55, v50;
	v51 =	vor.u32 v4, v59;
	v62 =	vld.idx.msk [tilespmem:v42+s14+$0x0], $0xffff  }
0x34b: {  	v30 =	vor.u32 v4, v40;
	[tilespmem:s15+$0xFFFFFE60] =	vst v49;
	v49 =	vld.idx.msk [tilespmem:v54+s14+$0x0], $0xffff  }
0x34c: {  	v60 =	vor.u32 v6, v18;
	v50 =	vld.idx.msk [tilespmem:v61+s14+$0x0], $0xffff  }
0x34d: {  	v31 =	vor.u32 v7, v31;
	s26 =	sor.u32 $0x4, s25;
	v44 =	vor.u32 v6, v14;
	[tilespmem:s15+$0xFFFFFEE0] =	vst v43;
	v52 =	vld.idx.msk [tilespmem:v45+s14+$0x0], $0xffff  }
0x34e: {  	v32 =	vor.u32 v7, v32;
	s29 =	sadd.s32 s23, s26;
	v14 =	vor.u32 v7, v14;
	v54 =	vor.u32 v5, v33;
	v47 =	vld.idx.msk [tilespmem:v63+s14+$0x0], $0xffff  }
0x34f: {  	s16 =	simm.s32 $0x8;
	v56 =	vmov s29;
	v55 =	vor.u32 v5, v41;
	v57 =	vor.u32 v5, v40;
	v51 =	vld.idx.msk [tilespmem:v51+s14+$0x0], $0xffff;
	[tilespmem:s15+$0xFFFFFF60] =	vst v46  }
0x350: {  	s17 =	simm.s32 $0x123B0;
	s28 =	sand.u32 $0x4, s16;
	v58 =	vshll.u32 v56, $0x8;
	v18 =	vor.u32 v7, v18;
	v53 =	vor.u32 v5, v59;
	v30 =	vld.idx.msk [tilespmem:v30+s14+$0x0], $0xffff;
	[tilespmem:s15+$0xFFFFFFE0] =	vst v62  }
0x351: {  	s30 =	simm.s32 $0x3;
	s1 =	sadd.s32 s28, s26;
	s31 =	sadd.s32 s20, s26;
	v56 =	vshll.u32 v56, $0x7;
	v42 =	vor.u32 v6, v59;
	v45 =	vor.u32 v6, v40;
	v48 =	vld.idx.msk [tilespmem:v60+s14+$0x0], $0xffff;
	[tilespmem:s17+$0xFFFFFED0] =	vst v49  }
0x352: {  	v63 =	vand.u32 $0x280, v56;
	v56 =	vmov s31;
	v46 =	vmov s1;
	s1 =	sand.u32 $0x7, s30;
	[tilespmem:s17+$0xFFFFFF50] =	vst v50;
	v49 =	vld.idx.msk [tilespmem:v44+s14+$0x0], $0xffff  }
0x353: {  	v61 =	vshll.u32 v46, $0x8;
	v46 =	vshll.u32 v46, $0x7;
	v62 =	vand.u32 $0xE800, v58;
	s0 =	sadd.s32 s1, s26;
	[tilespmem:s15+$0xFFFFFE70] =	vst v52;
	v54 =	vld.idx.msk [tilespmem:v54+s14+$0x0], $0xffff  }
0x354: {  	v50 =	vor.u32 v6, v41;
	v58 =	vmov s0;
	v43 =	vor.u32 v63, v62;
	v63 =	vld.idx.msk [tilespmem:v55+s14+$0x0], $0xffff;
	[tilespmem:s15+$0xFFFFFEF0] =	vst v47  }
0x355: {  	v60 =	vand.u32 $0xE800, v61;
	v44 =	vshll.u32 v56, $0x8;
	v52 =	vshll.u32 v58, $0x8;
	[tilespmem:s17+$0xFFFFFFD0] =	vst v51;
	v51 =	vld.idx.msk [tilespmem:v32+s14+$0x0], $0xffff  }
0x356: {  	v61 =	vor.u32 v4, v43;
	v58 =	vshll.u32 v58, $0x7;
	v44 =	vand.u32 $0xE800, v44;
	[tilespmem:s17+$0xFFFFFE50] =	vst v30;
	v53 =	vld.idx.msk [tilespmem:v53+s14+$0x0], $0xffff  }
0x357: {  	v52 =	vand.u32 $0xE800, v52;
	v30 =	vand.u32 $0x200, v46;
	v62 =	vld.idx.msk [tilespmem:v57+s14+$0x0], $0xffff;
	v57 =	vshll.u32 v56, $0x7  }
0x358: {  	v30 =	vor.u32 v30, v60;
	v60 =	vand.u32 $0x380, v58;
	v46 =	vand.u32 $0x300, v57;
	v57 =	vld.idx.msk [tilespmem:v31+s14+$0x0], $0xffff;
	[tilespmem:s15+$0xFFFFFF70] =	vst v48  }
0x359: {  	v58 =	vor.u32 v4, v30;
	v48 =	vor.u32 v46, v44;
	v44 =	vor.u32 v60, v52;
	[tilespmem:s15+$0xFFFFFFF0] =	vst v49  }
0x35a: {  	v55 =	vld.idx.msk [tilespmem:v18+s14+$0x0], $0xffff;
	[tilespmem:s17+$0xFFFFFEE0] =	vst v54;
	v49 =	vor.u32 v7, v33;
	v54 =	vor.u32 v6, v33  }
0x35b: {  	[tilespmem:s17+$0xFFFFFF60] =	vst v63;
	v46 =	vor.u32 v7, v59;
	v52 =	vor.u32 v4, v48;
	v56 =	vld.idx.msk [tilespmem:v14+s14+$0x0], $0xffff  }
0x35c: {  	s19 =	simm.s32 $0x30;
	s18 =	simm.s32 $0x0;
	s20 =	simm.s32 $0x125B0;
	v47 =	vor.u32 v6, v44;
	v32 =	vld.idx.msk [tilespmem:v61+s14+$0x0], $0xffff;
	v31 =	vor.u32 v4, v44;
	[tilespmem:s17+$0xFFFFFE60] =	vst v62  }
.LBB2_41:
0x35d: {  	s0 =	sand.u32 $0xE0, s19;
	v18 =	vor.u32 v7, v40  }
0x35e: {  	s1 =	sadd.s32 $0x5, s16;
	v14 =	vld.idx.msk [tilespmem:v45+s18+$0x0], $0xffff;
	v33 =	vor.u32 v7, v41;
	[tilespmem:s15+$0xFFFFFE80] =	vst v57;
	v40 =	vmovc v30;
	v41 =	vmov v48;
	v59 =	vmov v49;
	s5 =	smov.u32 s16;
	s16 =	sadd.s32 $0x4, s16  }
0x35f: {  	v60 =	vor.u32 v5, v44;
	s0 =	sor.u32 $0x4, s0;
	s6 =	sand.u32 $0x4, s16;
	s1 =	sand.u32 $0x5, s1;
	v30 =	vld.idx.msk [tilespmem:v58+s14+$0x0], $0xffff;
	v45 =	vor.u32 v6, v40;
	[tilespmem:s15+$0xFFFFFF80] =	vst v55  }
0x360: {  	v48 =	vor.u32 v5, v43;
	s8 =	sadd.s32 $0x6, s5;
	s6 =	sadd.s32 s6, s0;
	s1 =	sadd.s32 s1, s0;
	v49 =	vld.idx.msk [tilespmem:v52+s14+$0x0], $0xffff;
	v52 =	vor.u32 v5, v41;
	[tilespmem:s15+$0x0] =	vst v56  }
0x361: {  	s5 =	sadd.s32 $0xFFFFFFFF, s5;
	p1 =	slt.u32 s16, $0x3C;
	v57 =	vor.u32 v5, v40;
	v55 =	vmov s6;
	v56 =	vmov s1;
	s1 =	sand.u32 $0x6, s8;
	v54 =	vld.idx.msk [tilespmem:v54+s18+$0x0], $0xffff;
	[tilespmem:s17+$0xFFFFFFE0] =	vst v53  }
0x362: {  	s5 =	sand.u32 $0x7, s5;
	v53 =	vshll.u32 v55, $0x8;
	v58 =	vshll.u32 v56, $0x8;
	v56 =	vshll.u32 v56, $0x7;
	s1 =	sadd.s32 s1, s0;
	v50 =	vld.idx.msk [tilespmem:v50+s18+$0x0], $0xffff;
	[tilespmem:s15+$0xFFFFFF00] =	vst v51;
	s15 =	smov.u32 s17  }
0x363: {  	s0 =	sadd.s32 s5, s0;
	s17 =	smov.u32 s20;
	v51 =	vand.u32 $0xE800, v53;
	v53 =	vshll.u32 v55, $0x7;
	v55 =	vand.u32 $0xE800, v58;
	[tilespmem:s20+$0xFFFFFED0] =	vst v32;
	v32 =	vld.idx.msk [tilespmem:v42+s18+$0x0], $0xffff;
	v42 =	vmovc v47  }
0x364: {  	v47 =	vand.u32 $0x280, v56;
	v56 =	vmov s1;
	v58 =	vmov s0;
	v31 =	vld.idx.msk [tilespmem:v31+s14+$0x0], $0xffff;
	[tilespmem:s15+$0xFFFFFE70] =	vst v14  }
0x365: {  	v14 =	vor.u32 v47, v55;
	v47 =	vshll.u32 v56, $0x8;
	v55 =	vshll.u32 v58, $0x8;
	[tilespmem:s20+$0xFFFFFE50] =	vst v30;
	v61 =	vld.idx.msk [tilespmem:v48+s14+$0x0], $0xffff  }
0x366: {  	v62 =	vor.u32 v4, v14;
	v55 =	vand.u32 $0xE800, v55;
	v48 =	vshll.u32 v58, $0x7;
	v63 =	vld.idx.msk [tilespmem:v57+s14+$0x0], $0xffff;
	[tilespmem:s20+$0xFFFFFF50] =	vst v49  }
0x367: {  	v30 =	vand.u32 $0x200, v53;
	v47 =	vand.u32 $0xE800, v47;
	v49 =	vshll.u32 v56, $0x7;
	v19 =	vld.idx.msk [tilespmem:v52+s14+$0x0], $0xffff;
	[tilespmem:s15+$0xFFFFFEF0] =	vst v54  }
0x368: {  	v30 =	vor.u32 v30, v51;
	v51 =	vand.u32 $0x380, v48;
	v49 =	vand.u32 $0x300, v49;
	v57 =	vld.idx.msk [tilespmem:v18+s18+$0x0], $0xffff;
	[tilespmem:s15+$0xFFFFFF70] =	vst v50  }
.Ltmp22:
0x369: {  	v48 =	vor.u32 v49, v47;
	v18 =	vor.u32 v51, v55;
	v55 =	vld.idx.msk [tilespmem:v33+s18+$0x0], $0xffff;
	[tilespmem:s15+$0xFFFFFFF0] =	vst v32;
	(pc) =	sbr.rel @p1 .LBB2_41-.Ltmp22, $4  }
0x36a: {  	v58 =	vor.u32 v4, v30;
	v52 =	vor.u32 v4, v48;
	[tilespmem:s20+$0xFFFFFFD0] =	vst v31;
	v56 =	vld.idx.msk [tilespmem:v46+s18+$0x0], $0xffff  }
0x36b: {  	v49 =	vor.u32 v7, v43;
	v47 =	vor.u32 v6, v18;
	[tilespmem:s20+$0xFFFFFEE0] =	vst v61;
	v53 =	vld.idx.msk [tilespmem:v60+s14+$0x0], $0xffff  }
0x36c: {  	v54 =	vor.u32 v6, v43;
	v50 =	vor.u32 v6, v41;
	v43 =	vmov v14;
	[tilespmem:s20+$0xFFFFFE60] =	vst v63;
	v51 =	vld.idx.msk [tilespmem:v59+s18+$0x0], $0xffff;
	s18 =	smov.u32 s14  }
0x36d: {  	s19 =	sadd.s32 $0x10, s19;
	v31 =	vor.u32 v4, v18;
	v46 =	vor.u32 v7, v44;
	v44 =	vmov v18;
	s20 =	sadd.s32 $0x200, s20;
	v32 =	vld.idx.msk [tilespmem:v62+s14+$0x0], $0xffff;
	[tilespmem:s17+$0xFFFFFF60] =	vst v19  }
0x36e: {  	_ =	sdelay $0x2  }
0x36f: {  	[tilespmem:s15+$0xFFFFFE80] =	vst v57  }
0x370: {  	v14 =	vld.idx.msk [tilespmem:v45+s18+$0x0], $0xffff;
	[tilespmem:s15+$0xFFFFFF80] =	vst v55  }
0x371: {  	v18 =	vld.idx.msk [tilespmem:v58+s14+$0x0], $0xffff;
	[tilespmem:s15+$0x0] =	vst v56  }
0x372: {  	v19 =	vld.idx.msk [tilespmem:v52+s14+$0x0], $0xffff;
	v33 =	vor.u32 v5, v30;
	[tilespmem:s17+$0xFFFFFFE0] =	vst v53  }
0x373: {  	v59 =	vor.u32 v5, v48;
	v31 =	vld.idx.msk [tilespmem:v31+s14+$0x0], $0xffff;
	[tilespmem:s15+$0xFFFFFF00] =	vst v51  }
0x374: {  	v60 =	vor.u32 v5, v44;
	v61 =	vld.idx.msk [tilespmem:v54+s18+$0x0], $0xffff;
	[tilespmem:s20+$0xFFFFFED0] =	vst v32  }
0x375: {  	v62 =	vor.u32 v5, v43;
	v50 =	vld.idx.msk [tilespmem:v50+s18+$0x0], $0xffff;
	[tilespmem:s17+$0xFFFFFE70] =	vst v14  }
0x376: {  	v63 =	vld.idx.msk [tilespmem:v42+s18+$0x0], $0xffff;
	v14 =	vor.u32 v7, v40;
	[tilespmem:s20+$0xFFFFFE50] =	vst v18  }
0x377: {  	v18 =	vor.u32 v7, v41;
	[tilespmem:s20+$0xFFFFFF50] =	vst v19;
	v33 =	vld.idx.msk [tilespmem:v33+s14+$0x0], $0xffff  }
0x378: {  	v19 =	vor.u32 v6, v30;
	[tilespmem:s20+$0xFFFFFFD0] =	vst v31;
	v45 =	vld.idx.msk [tilespmem:v59+s14+$0x0], $0xffff  }
0x379: {  	v51 =	vor.u32 v6, v48;
	[tilespmem:s17+$0xFFFFFEF0] =	vst v61;
	v31 =	vld.idx.msk [tilespmem:v60+s14+$0x0], $0xffff  }
0x37a: {  	v32 =	vld.idx.msk [tilespmem:v62+s14+$0x0], $0xffff;
	[tilespmem:s17+$0xFFFFFF70] =	vst v50  }
0x37b: {  	v52 =	vor.u32 v6, v43;
	[tilespmem:s17+$0xFFFFFFF0] =	vst v63;
	v14 =	vld.idx.msk [tilespmem:v14+s18+$0x0], $0xffff  }
0x37c: {  	v18 =	vld.idx.msk [tilespmem:v18+s18+$0x0], $0xffff;
	[tilespmem:s20+$0xFFFFFE60] =	vst v33  }
0x37d: {  	[tilespmem:s20+$0xFFFFFF60] =	vst v45;
	v19 =	vld.idx.msk [tilespmem:v19+s14+$0x0], $0xffff  }
0x37e: {  	s0 =	simm.s32 $0x0;
	v30 =	vor.u32 v7, v30;
	[tilespmem:s20+$0xFFFFFFE0] =	vst v31;
	v31 =	vld.idx.msk [tilespmem:v51+s14+$0x0], $0xffff  }
0x37f: {  	s30 =	simm.s32 $0x1;
	s16 =	sand.u32 $0x4, s0;
	v53 =	vor.u32 v7, v48;
	s15 =	sand.u32 $0xE0, s14;
	[tilespmem:s20+$0xFFFFFEE0] =	vst v32;
	v54 =	vld.idx.msk [tilespmem:v47+s14+$0x0], $0xffff  }
0x380: {  	s1 =	simm.s32 $0x2;
	v55 =	vor.u32 v7, v44;
	s0 =	sand.u32 $0x5, s30;
	s5 =	sor.u32 s16, s15;
	[tilespmem:s17+$0xFFFFFE80] =	vst v14;
	v14 =	vld.idx.msk [tilespmem:v52+s14+$0x0], $0xffff  }
0x381: {  	v57 =	vor.u32 v7, v43;
	s1 =	sand.u32 $0x6, s1;
	s0 =	sor.u32 s0, s15;
	s5 =	sor.u32 $0x8, s5;
	v56 =	vld.idx.msk [tilespmem:v46+s18+$0x0], $0xffff;
	[tilespmem:s17+$0xFFFFFF80] =	vst v18  }
0x382: {  	s1 =	sor.u32 s1, s15;
	s0 =	sor.u32 $0x8, s0;
	v58 =	vmov s5;
	v18 =	vld.idx.msk [tilespmem:v49+s18+$0x0], $0xffff;
	[tilespmem:s20+$0xFFFFFE70] =	vst v19  }
0x383: {  	s1 =	sor.u32 $0x8, s1;
	v60 =	vshll.u32 v58, $0x7;
	[tilespmem:s20+$0xFFFFFF70] =	vst v31;
	v31 =	vmov s0;
	v19 =	vld.idx.msk [tilespmem:v30+s14+$0x0], $0xffff  }
0x384: {  	s31 =	simm.s32 $0xFFFFFFFB;
	v63 =	vshll.u32 v58, $0x8;
	[tilespmem:s20+$0xFFFFFFF0] =	vst v54;
	v30 =	vmov s1;
	v32 =	vld.idx.msk [tilespmem:v53+s14+$0x0], $0xffff;
	v61 =	vshll.u32 v31, $0x8  }
0x385: {  	s18 =	sand.u32 $0x7, s31;
	v31 =	vshll.u32 v31, $0x7;
	v59 =	vshll.u32 v30, $0x8;
	v30 =	vshll.u32 v30, $0x7;
	[tilespmem:s20+$0xFFFFFEF0] =	vst v14;
	v14 =	vld.idx.msk [tilespmem:v55+s14+$0x0], $0xffff  }
0x386: {  	p2 =	por $0x1, $0x1;
	[tilespmem:s17+$0x0] =	vst v56;
	s0 =	sor.u32 s18, s15;
	v31 =	vand.u32 $0x280, v31;
	v33 =	vand.u32 $0xE800, v59;
	v30 =	vand.u32 $0x300, v30;
	v62 =	vld.idx.msk [tilespmem:v57+s14+$0x0], $0xffff  }
.Ltmp23:
0x387: {  	s0 =	sor.u32 $0x8, s0;
	[tilespmem:s17+$0xFFFFFF00] =	vst v18;
	v18 =	vand.u32 $0xE800, v61;
	v49 =	vor.u32 v30, v33;
	v30 =	vand.u32 $0x200, v60;
	(pc) =	sbr.rel @!p2 .LBB2_43-.Ltmp23, $4  }
0x388: {  	v53 =	vor.u32 v31, v18;
	v18 =	vmov s0;
	v31 =	vand.u32 $0xE800, v63;
	[tilespmem:s20+$0xFFFFFE80] =	vst v19  }
0x389: {  	v45 =	vor.u32 v8, v49;
	[tilespmem:s20+$0xFFFFFF80] =	vst v32;
	v19 =	vshll.u32 v18, $0x8;
	v18 =	vshll.u32 v18, $0x7  }
0x38a: {  	s19 =	simm.s32 $0x141B0;
	v32 =	vor.u32 v30, v31;
	v18 =	vand.u32 $0x380, v18;
	[tilespmem:s20+$0x0] =	vst v14;
	v14 =	vand.u32 $0xE800, v19  }
0x38b: {  	p3 =	por $0x0, $0x0;
	p1 =	por $0x0, $0x0;
	s17 =	simm.s32 $0x10;
	v47 =	vor.u32 v8, v53;
	v42 =	vor.u32 v8, v32;
	[tilespmem:s20+$0xFFFFFF00] =	vst v62;
	v31 =	vor.u32 v18, v14  }
0x38c: {  	s0 =	simm.s32 $0x4;
	s5 =	simm.s32 $0x6  }
0x38d: {  	s1 =	sand.u32 $0xE0, s17;
	s6 =	simm.s32 $0x5;
	s5 =	sand.u32 $0x6, s5  }
0x38e: {  	v14 =	vor.u32 v8, v31;
	s0 =	sand.u32 $0x4, s0;
	s6 =	sand.u32 $0x5, s6;
	s5 =	sor.u32 s5, s1  }
0x38f: {  	v18 =	vor.u32 v9, v53;
	v33 =	vor.u32 v9, v49;
	v55 =	vor.u32 v9, v32;
	s0 =	sor.u32 s0, s1;
	s6 =	sor.u32 s6, s1;
	s5 =	sor.u32 $0x8, s5  }
0x390: {  	v51 =	vor.u32 v11, v53;
	v56 =	vor.u32 v10, v49;
	s0 =	sor.u32 $0x8, s0;
	s30 =	sor.u32 $0x8, s6;
	v30 =	vmov s5  }
0x391: {  	v48 =	vld.idx.msk [tilespmem:v45+s14+$0x0], $0xffff;
	v19 =	vmov s0;
	v40 =	vmov s30;
	v41 =	vshll.u32 v30, $0x8  }
0x392: {  	s31 =	simm.s32 $0xFFFFFFFF;
	v44 =	vld.idx.msk [tilespmem:v47+s14+$0x0], $0xffff;
	v30 =	vshll.u32 v30, $0x7;
	v43 =	vshll.u32 v19, $0x7;
	v46 =	vshll.u32 v40, $0x8  }
0x393: {  	s0 =	sand.u32 $0x7, s31;
	v58 =	vshll.u32 v40, $0x7;
	v19 =	vshll.u32 v19, $0x8;
	v41 =	vand.u32 $0xE800, v41  }
0x394: {  	p4 =	por $0x1, $0x1;
	s0 =	sor.u32 s0, s1;
	v14 =	vld.idx.msk [tilespmem:v14+s14+$0x0], $0xffff;
	v30 =	vand.u32 $0x300, v30;
	v59 =	vand.u32 $0xE800, v46;
	v60 =	vand.u32 $0x280, v58  }
.Ltmp24:
0x395: {  	s0 =	sor.u32 $0x8, s0;
	v19 =	vand.u32 $0xE800, v19;
	v40 =	vor.u32 v30, v41;
	v30 =	vand.u32 $0x200, v43;
	(pc) =	sbr.rel @!p4 .LBB2_45-.Ltmp24, $4  }
0x396: {  	[tilespmem:s19+$0xFFFFFF50] =	vst v48;
	v58 =	vld.idx.msk [tilespmem:v42+s14+$0x0], $0xffff;
	v41 =	vor.u32 v60, v59;
	v61 =	vmov s0;
	v59 =	vor.u32 v9, v31  }
0x397: {  	[tilespmem:s19+$0xFFFFFED0] =	vst v44;
	v57 =	vld.idx.msk [tilespmem:v33+s14+$0x0], $0xffff;
	v45 =	vor.u32 v8, v40;
	v62 =	vshll.u32 v61, $0x8;
	v43 =	vshll.u32 v61, $0x7  }
0x398: {  	v52 =	vld.idx.msk [tilespmem:v18+s14+$0x0], $0xffff;
	v48 =	vor.u32 v30, v19;
	v63 =	vand.u32 $0xE800, v62;
	v43 =	vand.u32 $0x380, v43  }
0x399: {  	s22 =	simm.s32 $0x20;
	s20 =	simm.s32 $0x143B0;
	p3 =	por $0x1, $0x1;
	v47 =	vor.u32 v8, v41;
	v42 =	vor.u32 v8, v48;
	v50 =	vor.u32 v43, v63;
	[tilespmem:s19+$0xFFFFFFD0] =	vst v14  }
0x39a: {  	_ =	sdelay $0x2  }
0x39b: {  	s21 =	simm.s32 $0x8  }
0x39c: {  	s0 =	sand.u32 $0xE0, s22;
	s1 =	simm.s32 $0xA;
	v46 =	vor.u32 v11, v32;
	s6 =	simm.s32 $0x9;
	v14 =	vor.u32 v10, v53;
	v18 =	vld.idx.msk [tilespmem:v59+s14+$0x0], $0xffff;
	v19 =	vor.u32 v11, v49  }
0x39d: {  	v33 =	vld.idx.msk [tilespmem:v47+s14+$0x0], $0xffff;
	v30 =	vor.u32 v10, v31;
	v31 =	vor.u32 v11, v31;
	[tilespmem:s19+$0xFFFFFE50] =	vst v58;
	s5 =	sand.u32 $0x4, s21;
	s1 =	sand.u32 $0x6, s1;
	s6 =	sand.u32 $0x5, s6  }
0x39e: {  	v43 =	vor.u32 v8, v50;
	v32 =	vor.u32 v10, v32;
	v45 =	vld.idx.msk [tilespmem:v45+s14+$0x0], $0xffff;
	[tilespmem:s19+$0xFFFFFF60] =	vst v57;
	s5 =	sor.u32 s5, s0;
	s1 =	sor.u32 s1, s0;
	s6 =	sor.u32 s6, s0  }
0x39f: {  	v49 =	vor.u32 v9, v41;
	v44 =	vld.idx.msk [tilespmem:v55+s14+$0x0], $0xffff;
	s5 =	sor.u32 $0x8, s5;
	s1 =	sor.u32 $0x8, s1;
	s30 =	sor.u32 $0x8, s6;
	[tilespmem:s19+$0xFFFFFEE0] =	vst v52;
	v52 =	vor.u32 v9, v40  }
0x3a0: {  	s31 =	simm.s32 $0x3;
	v54 =	vld.idx.msk [tilespmem:v56+s14+$0x0], $0xffff;
	v47 =	vmov s5;
	v61 =	vmov s1;
	v62 =	vmov s30  }
0x3a1: {  	s1 =	sand.u32 $0x7, s31;
	v63 =	vshll.u32 v61, $0x8;
	v53 =	vshll.u32 v61, $0x7;
	v14 =	vld.idx.msk [tilespmem:v14+s14+$0x0], $0xffff;
	[tilespmem:s19+$0xFFFFFFE0] =	vst v18;
	v59 =	vshll.u32 v62, $0x8  }
0x3a2: {  	s0 =	sor.u32 s1, s0;
	v55 =	vshll.u32 v62, $0x7;
	v56 =	vand.u32 $0xE800, v63;
	v18 =	vand.u32 $0x300, v53;
	v61 =	vld.idx.msk [tilespmem:v30+s14+$0x0], $0xffff  }
0x3a3: {  	[tilespmem:s20+$0xFFFFFED0] =	vst v33;
	s0 =	sor.u32 $0x8, s0;
	v53 =	vand.u32 $0xE800, v59;
	v58 =	vand.u32 $0x280, v55;
	v30 =	vor.u32 v18, v56;
	v56 =	vld.idx.msk [tilespmem:v43+s14+$0x0], $0xffff  }
0x3a4: {  	v57 =	vshll.u32 v47, $0x7;
	[tilespmem:s19+$0xFFFFFE60] =	vst v44;
	v59 =	vmov s0;
	v63 =	vor.u32 v58, v53;
	v58 =	vld.idx.msk [tilespmem:v42+s14+$0x0], $0xffff  }
0x3a5: {  	p5 =	por $0x1, $0x1;
	v33 =	vshll.u32 v47, $0x8;
	[tilespmem:s20+$0xFFFFFF50] =	vst v45;
	v18 =	vand.u32 $0x200, v57;
	v32 =	vld.idx.msk [tilespmem:v32+s14+$0x0], $0xffff;
	v55 =	vshll.u32 v59, $0x8  }
.Ltmp25:
0x3a6: {  	v44 =	vshll.u32 v59, $0x7;
	v45 =	vor.u32 v8, v30;
	[tilespmem:s19+$0xFFFFFF70] =	vst v54;
	v57 =	vld.idx.msk [tilespmem:v52+s14+$0x0], $0xffff;
	v47 =	vor.u32 v8, v63;
	(pc) =	sbr.rel @!p5 .LBB2_47-.Ltmp25, $4  }
0x3a7: {  	v59 =	vor.u32 v9, v50;
	v52 =	vld.idx.msk [tilespmem:v49+s14+$0x0], $0xffff;
	v60 =	vand.u32 $0xE800, v55;
	v62 =	vand.u32 $0x380, v44;
	[tilespmem:s19+$0xFFFFFEF0] =	vst v14  }
0x3a8: {  	v33 =	vand.u32 $0xE800, v33;
	v54 =	vor.u32 v11, v41;
	v43 =	vor.u32 v62, v60;
	v60 =	vld.idx.msk [tilespmem:v19+s14+$0x0], $0xffff;
	[tilespmem:s19+$0xFFFFFFF0] =	vst v61  }
0x3a9: {  	v44 =	vor.u32 v18, v33;
	v55 =	vor.u32 v9, v48;
	v62 =	vld.idx.msk [tilespmem:v51+s14+$0x0], $0xffff;
	[tilespmem:s20+$0xFFFFFFD0] =	vst v56  }
0x3aa: {  	s23 =	simm.s32 $0x30;
	s22 =	simm.s32 $0x145B0;
	p4 =	por $0x1, $0x1;
	v42 =	vor.u32 v8, v44;
	v61 =	vld.idx.msk [tilespmem:v31+s14+$0x0], $0xffff;
	v56 =	vor.u32 v10, v40;
	[tilespmem:s19+$0xFFFFFE70] =	vst v32  }
.LBB2_48:
0x3ab: {  	s0 =	sand.u32 $0xE0, s23  }
0x3ac: {  	s1 =	sadd.s32 $0x6, s21;
	[tilespmem:s20+$0xFFFFFE50] =	vst v58;
	v14 =	vor.u32 v11, v40;
	v18 =	vld.idx.msk [tilespmem:v46+s14+$0x0], $0xffff;
	v46 =	vor.u32 v11, v48;
	v40 =	vmov v30;
	s5 =	smov.u32 s21;
	s21 =	sadd.s32 $0x4, s21  }
0x3ad: {  	v19 =	vor.u32 v10, v41;
	v32 =	vor.u32 v11, v50;
	v41 =	vmov v63;
	s6 =	sand.u32 $0x4, s21;
	s8 =	sadd.s32 $0x5, s5;
	s1 =	sand.u32 $0x6, s1;
	[tilespmem:s20+$0xFFFFFF60] =	vst v57;
	v31 =	vld.idx.msk [tilespmem:v59+s14+$0x0], $0xffff  }
0x3ae: {  	v49 =	vor.u32 v10, v48;
	v48 =	vmov v44;
	s6 =	sor.u32 s6, s0;
	s8 =	sand.u32 $0x5, s8;
	s1 =	sor.u32 s1, s0;
	v33 =	vld.idx.msk [tilespmem:v47+s14+$0x0], $0xffff;
	v47 =	vor.u32 v8, v43;
	[tilespmem:s19+$0xFFFFFF80] =	vst v60  }
0x3af: {  	v51 =	vor.u32 v9, v41;
	s6 =	sor.u32 $0x8, s6;
	s8 =	sor.u32 s8, s0;
	s1 =	sor.u32 $0x8, s1;
	v44 =	vld.idx.msk [tilespmem:v55+s14+$0x0], $0xffff;
	[tilespmem:s20+$0xFFFFFEE0] =	vst v52;
	v52 =	vor.u32 v10, v50;
	v50 =	vmov v43  }
0x3b0: {  	p5 =	slt.u32 s21, $0x3C;
	v53 =	vor.u32 v9, v40;
	v43 =	vmov s6;
	s6 =	sor.u32 $0x8, s8;
	v30 =	vmov s1;
	s1 =	sadd.s32 $0xFFFFFFFF, s5;
	v55 =	vld.idx.msk [tilespmem:v56+s14+$0x0], $0xffff;
	[tilespmem:s19+$0x0] =	vst v61  }
0x3b1: {  	v56 =	vmov s6;
	v57 =	vshll.u32 v30, $0x8;
	v30 =	vshll.u32 v30, $0x7;
	s1 =	sand.u32 $0x7, s1;
	v59 =	vld.idx.msk [tilespmem:v45+s14+$0x0], $0xffff;
	[tilespmem:s19+$0xFFFFFF00] =	vst v62  }
0x3b2: {  	v45 =	vshll.u32 v43, $0x7;
	v57 =	vand.u32 $0xE800, v57;
	v30 =	vand.u32 $0x300, v30;
	s0 =	sor.u32 s1, s0;
	v19 =	vld.idx.msk [tilespmem:v19+s14+$0x0], $0xffff;
	[tilespmem:s19+$0xFFFFFE80] =	vst v18;
	s19 =	smov.u32 s20;
	s20 =	smov.u32 s22  }
0x3b3: {  	v18 =	vshll.u32 v56, $0x8;
	v56 =	vshll.u32 v56, $0x7;
	v30 =	vor.u32 v30, v57;
	s0 =	sor.u32 $0x8, s0;
	[tilespmem:s19+$0xFFFFFFE0] =	vst v31  }
0x3b4: {  	v31 =	vand.u32 $0x200, v45;
	v18 =	vand.u32 $0xE800, v18;
	v45 =	vand.u32 $0x280, v56;
	[tilespmem:s22+$0xFFFFFED0] =	vst v33;
	v33 =	vld.idx.msk [tilespmem:v52+s14+$0x0], $0xffff  }
0x3b5: {  	v43 =	vshll.u32 v43, $0x8;
	v63 =	vor.u32 v45, v18;
	v18 =	vmov s0;
	v56 =	vld.idx.msk [tilespmem:v47+s14+$0x0], $0xffff;
	[tilespmem:s19+$0xFFFFFE60] =	vst v44  }
0x3b6: {  	v45 =	vor.u32 v8, v30;
	v44 =	vshll.u32 v18, $0x8;
	v18 =	vshll.u32 v18, $0x7;
	v49 =	vld.idx.msk [tilespmem:v49+s14+$0x0], $0xffff;
	[tilespmem:s19+$0xFFFFFF70] =	vst v55  }
0x3b7: {  	v47 =	vor.u32 v8, v63;
	v44 =	vand.u32 $0xE800, v44;
	v18 =	vand.u32 $0x380, v18;
	v58 =	vld.idx.msk [tilespmem:v42+s14+$0x0], $0xffff;
	[tilespmem:s22+$0xFFFFFF50] =	vst v59  }
.Ltmp26:
0x3b8: {  	v42 =	vand.u32 $0xE800, v43;
	v43 =	vor.u32 v18, v44;
	v57 =	vld.idx.msk [tilespmem:v53+s14+$0x0], $0xffff;
	[tilespmem:s19+$0xFFFFFEF0] =	vst v19;
	(pc) =	sbr.rel @p5 .LBB2_48-.Ltmp26, $4  }
0x3b9: {  	v59 =	vor.u32 v9, v50;
	v44 =	vor.u32 v31, v42;
	v60 =	vld.idx.msk [tilespmem:v14+s14+$0x0], $0xffff  }
0x3ba: {  	v55 =	vor.u32 v9, v48;
	v42 =	vor.u32 v8, v44;
	v52 =	vld.idx.msk [tilespmem:v51+s14+$0x0], $0xffff;
	[tilespmem:s19+$0xFFFFFFF0] =	vst v33  }
0x3bb: {  	[tilespmem:s22+$0xFFFFFFD0] =	vst v56;
	v61 =	vld.idx.msk [tilespmem:v32+s14+$0x0], $0xffff  }
0x3bc: {  	s23 =	sadd.s32 $0x10, s23;
	v56 =	vor.u32 v10, v40;
	s22 =	sadd.s32 $0x200, s22;
	[tilespmem:s19+$0xFFFFFE70] =	vst v49;
	v62 =	vld.idx.msk [tilespmem:v54+s14+$0x0], $0xffff;
	v54 =	vor.u32 v11, v41  }
0x3bd: {  	v32 =	vmovc v48;
	v49 =	vmov v40;
	v53 =	vmov v41;
	v31 =	vmov v50  }
0x3be: {  	s21 =	smov.u32 s20;
	v40 =	vmovc v30;
	v41 =	vmovc v63;
	v50 =	vmov v43;
	v48 =	vmov v44;
	s20 =	smov.u32 s22;
	v51 =	vmov v54  }
.LBB2_50:
0x3bf: {  	_ =	sdelay $0x3  }
0x3c0: {  	[tilespmem:s21+$0xFFFFFE50] =	vst @p3 v58;
	v14 =	vld.idx.msk @p4 [tilespmem:v46+s14+$0x0], $0xffff  }
0x3c1: {  	[tilespmem:s21+$0xFFFFFF60] =	vst @p3 v57;
	v19 =	vld.idx.msk @p3 [tilespmem:v59+s14+$0x0], $0xffff  }
0x3c2: {  	v18 =	vor.u32 @p3 v10, v53;
	v30 =	vld.idx.msk [tilespmem:v47+s14+$0x0], $0xffff;
	[tilespmem:s19+$0xFFFFFF80] =	vst @p4 v60  }
0x3c3: {  	v33 =	vor.u32 v8, v50;
	[tilespmem:s21+$0xFFFFFEE0] =	vst @p3 v52;
	v45 =	vld.idx.msk [tilespmem:v45+s14+$0x0], $0xffff  }
0x3c4: {  	v44 =	vor.u32 @p3 v10, v31;
	v42 =	vld.idx.msk [tilespmem:v42+s14+$0x0], $0xffff;
	[tilespmem:s19+$0x0] =	vst @p4 v61  }
0x3c5: {  	v57 =	vor.u32 v9, v40;
	v43 =	vld.idx.msk @p3 [tilespmem:v55+s14+$0x0], $0xffff;
	[tilespmem:s19+$0xFFFFFF00] =	vst @p4 v62  }
0x3c6: {  	s0 =	smov.u32 @p3 s21;
	v59 =	vor.u32 v9, v41;
	v46 =	vld.idx.msk @p3 [tilespmem:v56+s14+$0x0], $0xffff;
	[tilespmem:s19+$0xFFFFFE80] =	vst @p4 v14  }
0x3c7: {  	v60 =	vor.u32 v9, v48;
	v18 =	vld.idx.msk @p3 [tilespmem:v18+s14+$0x0], $0xffff;
	[tilespmem:s0+$0xFFFFFFE0] =	vst @p3 v19  }
0x3c8: {  	v47 =	vor.u32 @p3 v10, v32;
	v19 =	vld.idx.msk [tilespmem:v33+s14+$0x0], $0xffff;
	[tilespmem:s20+$0xFFFFFED0] =	vst v30  }
0x3c9: {  	v14 =	vor.u32 @p3 v11, v49;
	[tilespmem:s20+$0xFFFFFF50] =	vst v45;
	v30 =	vld.idx.msk @p3 [tilespmem:v44+s14+$0x0], $0xffff  }
0x3ca: {  	v58 =	vor.u32 v9, v50;
	[tilespmem:s20+$0xFFFFFE50] =	vst v42;
	v61 =	vld.idx.msk [tilespmem:v57+s14+$0x0], $0xffff  }
0x3cb: {  	[tilespmem:s0+$0xFFFFFE60] =	vst @p3 v43;
	v62 =	vld.idx.msk [tilespmem:v59+s14+$0x0], $0xffff  }
0x3cc: {  	v31 =	vor.u32 @p3 v11, v31;
	[tilespmem:s0+$0xFFFFFF70] =	vst @p3 v46;
	v49 =	vld.idx.msk [tilespmem:v60+s14+$0x0], $0xffff  }
0x3cd: {  	v43 =	vld.idx.msk @p3 [tilespmem:v47+s14+$0x0], $0xffff;
	[tilespmem:s20+$0xFFFFFFD0] =	vst v19  }
0x3ce: {  	v14 =	vld.idx.msk @p3 [tilespmem:v14+s14+$0x0], $0xffff;
	[tilespmem:s0+$0xFFFFFEF0] =	vst @p3 v18;
	v18 =	vor.u32 v10, v40  }
0x3cf: {  	v19 =	vld.idx.msk [tilespmem:v58+s14+$0x0], $0xffff;
	[tilespmem:s0+$0xFFFFFFF0] =	vst @p3 v30;
	v30 =	vor.u32 v10, v41  }
0x3d0: {  	v52 =	vor.u32 v10, v48;
	[tilespmem:s20+$0xFFFFFF60] =	vst v61  }
0x3d1: {  	[tilespmem:s20+$0xFFFFFEE0] =	vst v62;
	v31 =	vld.idx.msk @p3 [tilespmem:v31+s14+$0x0], $0xffff  }
0x3d2: {  	v63 =	vor.u32 v10, v50;
	v45 =	vld.idx.msk @p3 [tilespmem:v51+s14+$0x0], $0xffff;
	[tilespmem:s20+$0xFFFFFE60] =	vst v49  }
0x3d3: {  	v32 =	vor.u32 @p3 v11, v32;
	[tilespmem:s0+$0xFFFFFE70] =	vst @p3 v43;
	v18 =	vld.idx.msk [tilespmem:v18+s14+$0x0], $0xffff  }
0x3d4: {  	v32 =	vpsel p3, v32, v0;
	s0 =	smov.u32 @p3 s0;
	v14 =	vpsel p3, v14, v0;
	[tilespmem:s20+$0xFFFFFFE0] =	vst v19;
	v30 =	vld.idx.msk [tilespmem:v30+s14+$0x0], $0xffff  }
0x3d5: {  	v19 =	vor.u32 v11, v40;
	[tilespmem:s0+$0xFFFFFF80] =	vst @p3 v14;
	v14 =	vld.idx.msk [tilespmem:v52+s14+$0x0], $0xffff  }
0x3d6: {  	v55 =	vor.u32 v11, v41;
	v31 =	vpsel p3, v31, v0  }
0x3d7: {  	s1 =	simm.s32 $0x1;
	s5 =	sor.u32 $0xC, s15;
	v56 =	vor.u32 v11, v48;
	v53 =	vld.idx.msk [tilespmem:v63+s14+$0x0], $0xffff;
	[tilespmem:s0+$0x0] =	vst @p3 v31  }
0x3d8: {  	v54 =	vor.u32 v11, v50;
	s1 =	sand.u32 $0x5, s1;
	s6 =	sadd.s32 s16, s5;
	[tilespmem:s20+$0xFFFFFF70] =	vst v18  }
0x3d9: {  	s31 =	sadd.s32 s18, s5;
	s1 =	sadd.s32 s1, s5;
	v57 =	vmov s6;
	v31 =	vld.idx.msk @p3 [tilespmem:v32+s14+$0x0], $0xffff;
	[tilespmem:s20+$0xFFFFFEF0] =	vst v30  }
0x3da: {  	v58 =	vmov s1;
	v61 =	vmov s31;
	v18 =	vpsel p3, v45, v0;
	v19 =	vld.idx.msk [tilespmem:v19+s14+$0x0], $0xffff;
	[tilespmem:s20+$0xFFFFFE70] =	vst v14  }
0x3db: {  	v59 =	vshll.u32 v58, $0x8;
	v33 =	vshll.u32 v58, $0x7;
	v30 =	vshll.u32 v57, $0x8;
	[tilespmem:s0+$0xFFFFFF00] =	vst @p3 v18;
	v14 =	vld.idx.msk [tilespmem:v55+s14+$0x0], $0xffff  }
0x3dc: {  	s30 =	simm.s32 $0x2;
	v33 =	vand.u32 $0x280, v33;
	[tilespmem:s20+$0xFFFFFFF0] =	vst v53;
	v60 =	vand.u32 $0xF800, v30;
	v30 =	vand.u32 $0xF800, v59;
	v18 =	vld.idx.msk [tilespmem:v56+s14+$0x0], $0xffff  }
0x3dd: {  	s1 =	sand.u32 $0x6, s30;
	v62 =	vshll.u32 v61, $0x8;
	v40 =	vld.idx.msk [tilespmem:v54+s14+$0x0], $0xffff;
	v30 =	vor.u32 v33, v30  }
0x3de: {  	s1 =	sadd.s32 s1, s5;
	v42 =	vshll.u32 v61, $0x7;
	v32 =	vshll.u32 v57, $0x7;
	[tilespmem:s0+$0xFFFFFE80] =	vst @p3 v31;
	v63 =	vor.u32 v12, v30  }
.Ltmp27:
0x3df: {  	v32 =	vand.u32 $0x200, v32;
	v31 =	vmov s1;
	v33 =	vand.u32 $0xF800, v62;
	[tilespmem:s20+$0xFFFFFF80] =	vst v19;
	(pc) =	sbr.rel @!p2 .LBB2_51-.Ltmp27, $4  }
0x3e0: {  	v56 =	vor.u32 v32, v60;
	v19 =	vshll.u32 v31, $0x8;
	v31 =	vshll.u32 v31, $0x7;
	[tilespmem:s20+$0xFFFFFF00] =	vst v14  }
0x3e1: {  	v27 =	vmovc v22;
	v19 =	vand.u32 $0xF800, v19;
	v14 =	vand.u32 $0x300, v31;
	v31 =	vand.u32 $0x380, v42;
	[tilespmem:s20+$0xFFFFFE80] =	vst v18  }
0x3e2: {  	s16 =	simm.s32 $0x0;
	v52 =	vor.u32 v12, v56;
	[tilespmem:s20+$0x0] =	vst v40;
	v55 =	vor.u32 v14, v19;
	v31 =	vor.u32 v31, v33  }
0x3e3: {  	s15 =	simm.s32 $0x161B0;
	v49 =	vor.u32 v12, v55;
	v50 =	vor.u32 v15, v31;
	v46 =	vld.idx.msk [tilespmem:v63+s16+$0x0], $0xffff;
	v45 =	vor.u32 v12, v31  }
0x3e4: {  	_ =	sdelay $0x1  }
0x3e5: {  	s0 =	simm.s32 $0x4;
	s1 =	sand.u32 $0xE0, s17;
	s5 =	simm.s32 $0x5  }
0x3e6: {  	s1 =	sor.u32 $0xC, s1;
	s0 =	sand.u32 $0x4, s0;
	s5 =	sand.u32 $0x5, s5  }
0x3e7: {  	v42 =	vor.u32 v15, v56;
	v14 =	vld.idx.msk [tilespmem:v52+s16+$0x0], $0xffff;
	v18 =	vor.u32 v13, v31;
	v19 =	vor.u32 v13, v30;
	s6 =	simm.s32 $0x6;
	s0 =	sadd.s32 s0, s1;
	s5 =	sadd.s32 s5, s1  }
0x3e8: {  	v33 =	vld.idx.msk [tilespmem:v49+s16+$0x0], $0xffff;
	v43 =	vor.u32 v13, v56;
	s31 =	sand.u32 $0x6, s6;
	v40 =	vmov s0;
	v41 =	vmov s5  }
0x3e9: {  	v32 =	vor.u32 v13, v55;
	s30 =	simm.s32 $0xFFFFFFFF;
	s5 =	sadd.s32 s31, s1;
	v44 =	vshll.u32 v40, $0x8;
	v47 =	vshll.u32 v41, $0x8  }
0x3ea: {  	s0 =	sand.u32 $0x7, s30;
	v41 =	vshll.u32 v41, $0x7;
	v40 =	vshll.u32 v40, $0x7;
	v54 =	vmov s5  }
0x3eb: {  	v45 =	vld.idx.msk [tilespmem:v45+s16+$0x0], $0xffff;
	s0 =	sadd.s32 s0, s1;
	[tilespmem:s15+$0xFFFFFED0] =	vst v46;
	v44 =	vand.u32 $0xF800, v44;
	v47 =	vand.u32 $0xF800, v47;
	v41 =	vand.u32 $0x280, v41  }
0x3ec: {  	v48 =	vmov s0;
	v57 =	vshll.u32 v54, $0x8;
	[tilespmem:s15+$0xFFFFFE50] =	vst v14;
	v14 =	vld.idx.msk [tilespmem:v19+s16+$0x0], $0xffff;
	v59 =	vand.u32 $0x200, v40  }
0x3ed: {  	[tilespmem:s15+$0xFFFFFF50] =	vst v33;
	v61 =	vshll.u32 v54, $0x7;
	v33 =	vor.u32 v16, v30;
	v47 =	vor.u32 v41, v47;
	v51 =	vld.idx.msk [tilespmem:v43+s16+$0x0], $0xffff  }
0x3ee: {  	p3 =	por $0x1, $0x1;
	v54 =	vor.u32 v15, v55;
	v58 =	vshll.u32 v48, $0x8;
	v32 =	vld.idx.msk [tilespmem:v32+s16+$0x0], $0xffff;
	v19 =	vor.u32 v12, v47  }
.Ltmp28:
0x3ef: {  	v48 =	vshll.u32 v48, $0x7;
	v60 =	vand.u32 $0xF800, v57;
	v41 =	vor.u32 v59, v44;
	(pc) =	sbr.rel @!p3 .LBB2_53-.Ltmp28, $4  }
0x3f0: {  	[tilespmem:s15+$0xFFFFFFD0] =	vst v45;
	v62 =	vand.u32 $0x300, v61;
	v59 =	vor.u32 v15, v30;
	v44 =	vor.u32 v16, v31  }
0x3f1: {  	v53 =	vld.idx.msk [tilespmem:v18+s16+$0x0], $0xffff;
	v49 =	vand.u32 $0xF800, v58;
	v63 =	vand.u32 $0x380, v48;
	v40 =	vor.u32 v62, v60;
	[tilespmem:s15+$0xFFFFFEE0] =	vst v14  }
0x3f2: {  	v52 =	vor.u32 v12, v41;
	v48 =	vor.u32 v63, v49;
	v49 =	vor.u32 v12, v40;
	[tilespmem:s15+$0xFFFFFE60] =	vst v51  }
0x3f3: {  	s14 =	simm.s32 $0x20;
	s18 =	simm.s32 $0x163B0;
	p2 =	por $0x1, $0x1;
	v43 =	vor.u32 v15, v48;
	v45 =	vor.u32 v12, v48;
	[tilespmem:s15+$0xFFFFFF60] =	vst v32;
	v46 =	vld.idx.msk [tilespmem:v19+s16+$0x0], $0xffff  }
0x3f4: {  	_ =	sdelay $0x3  }
0x3f5: {  	v14 =	vld.idx.msk [tilespmem:v42+s16+$0x0], $0xffff  }
0x3f6: {  	s17 =	simm.s32 $0x8;
	s0 =	sand.u32 $0xE0, s14;
	v30 =	vld.idx.msk [tilespmem:v52+s16+$0x0], $0xffff  }
0x3f7: {  	s1 =	simm.s32 $0x9;
	v31 =	vor.u32 v13, v47;
	v32 =	vld.idx.msk [tilespmem:v49+s16+$0x0], $0xffff;
	s0 =	sor.u32 $0xC, s0;
	s5 =	sand.u32 $0x4, s17  }
0x3f8: {  	v18 =	vor.u32 v16, v56;
	v19 =	vor.u32 v16, v55;
	v56 =	vor.u32 v13, v41;
	v57 =	vld.idx.msk [tilespmem:v59+s16+$0x0], $0xffff;
	s1 =	sand.u32 $0x5, s1;
	s5 =	sadd.s32 s5, s0  }
0x3f9: {  	v42 =	vor.u32 v15, v41;
	v49 =	vor.u32 v13, v40;
	s6 =	simm.s32 $0xA;
	v54 =	vld.idx.msk [tilespmem:v54+s16+$0x0], $0xffff;
	s1 =	sadd.s32 s1, s0;
	[tilespmem:s15+$0xFFFFFFE0] =	vst v53;
	v51 =	vmov s5  }
0x3fa: {  	v55 =	vor.u32 v13, v48;
	s30 =	simm.s32 $0x3;
	v45 =	vld.idx.msk [tilespmem:v45+s16+$0x0], $0xffff;
	s31 =	sand.u32 $0x6, s6;
	v61 =	vmov s1;
	v62 =	vshll.u32 v51, $0x8;
	[tilespmem:s18+$0xFFFFFED0] =	vst v46  }
0x3fb: {  	s1 =	sand.u32 $0x7, s30;
	s5 =	sadd.s32 s31, s0;
	v58 =	vshll.u32 v61, $0x8;
	v52 =	vshll.u32 v61, $0x7;
	v59 =	vshll.u32 v51, $0x7;
	v46 =	vld.idx.msk [tilespmem:v50+s16+$0x0], $0xffff;
	[tilespmem:s15+$0xFFFFFE70] =	vst v14  }
0x3fc: {  	s0 =	sadd.s32 s1, s0;
	v61 =	vmov s5;
	v53 =	vand.u32 $0xF800, v62;
	v63 =	vand.u32 $0xF800, v58;
	[tilespmem:s18+$0xFFFFFE50] =	vst v30;
	v30 =	vld.idx.msk [tilespmem:v31+s16+$0x0], $0xffff  }
0x3fd: {  	v60 =	vand.u32 $0x280, v52;
	v62 =	vmov s0;
	v14 =	vshll.u32 v61, $0x8;
	[tilespmem:s18+$0xFFFFFF50] =	vst v32;
	v56 =	vld.idx.msk [tilespmem:v56+s16+$0x0], $0xffff  }
0x3fe: {  	v31 =	vand.u32 $0x200, v59;
	v52 =	vshll.u32 v61, $0x7;
	[tilespmem:s15+$0xFFFFFF70] =	vst v54;
	v54 =	vor.u32 v15, v40;
	v25 =	vld.idx.msk [tilespmem:v49+s16+$0x0], $0xffff  }
0x3ff: {  	v51 =	vor.u32 v60, v63;
	v63 =	vshll.u32 v62, $0x8;
	v58 =	vshll.u32 v62, $0x7;
	v60 =	vld.idx.msk [tilespmem:v18+s16+$0x0], $0xffff  }
0x400: {  	p3 =	por $0x1, $0x1;
	[tilespmem:s18+$0xFFFFFFD0] =	vst v45;
	v14 =	vand.u32 $0xF800, v14;
	v31 =	vor.u32 v31, v53;
	v61 =	vld.idx.msk [tilespmem:v19+s16+$0x0], $0xffff;
	v22 =	vor.u32 v12, v51  }
.Ltmp29:
0x401: {  	[tilespmem:s15+$0xFFFFFEF0] =	vst v57;
	v32 =	vand.u32 $0x300, v52;
	v53 =	vld.idx.msk [tilespmem:v55+s16+$0x0], $0xffff;
	v50 =	vand.u32 $0xF800, v63;
	v59 =	vand.u32 $0x380, v58;
	(pc) =	sbr.rel @!p3 .LBB2_55-.Ltmp29, $4  }
0x402: {  	v32 =	vor.u32 v32, v14;
	v52 =	vor.u32 v12, v31;
	v58 =	vor.u32 v16, v47;
	[tilespmem:s15+$0xFFFFFFF0] =	vst v46  }
0x403: {  	v57 =	vor.u32 v59, v50;
	v49 =	vor.u32 v12, v32;
	v62 =	vld.idx.msk [tilespmem:v44+s16+$0x0], $0xffff;
	[tilespmem:s18+$0xFFFFFEE0] =	vst v30  }
0x404: {  	s14 =	simm.s32 $0x0;
	v59 =	vor.u32 v15, v47;
	v63 =	vor.u32 v15, v57;
	v30 =	vld.idx.msk [tilespmem:v33+s16+$0x0], $0xffff;
	[tilespmem:s18+$0xFFFFFE60] =	vst v56  }
0x405: {  	s20 =	simm.s32 $0x30;
	s19 =	simm.s32 $0x165B0;
	p1 =	por $0x1, $0x1;
	v45 =	vor.u32 v12, v57;
	v44 =	vor.u32 v16, v48;
	[tilespmem:s18+$0xFFFFFF60] =	vst v25;
	v46 =	vld.idx.msk [tilespmem:v22+s14+$0x0], $0xffff  }
.LBB2_56:
0x406: {  	s0 =	sand.u32 $0xE0, s20;
	s1 =	sadd.s32 $0x5, s17;
	v18 =	vor.u32 v16, v41;
	s5 =	smov.u32 s17  }
0x407: {  	v14 =	vld.idx.msk [tilespmem:v42+s16+$0x0], $0xffff;
	v19 =	vor.u32 v16, v40;
	[tilespmem:s15+$0xFFFFFE80] =	vst v60;
	v41 =	vmovc v31;
	v40 =	vmov v32;
	v22 =	vmov v58;
	s17 =	sadd.s32 $0x4, s17;
	s21 =	smov.u32 s16;
	s16 =	smov.u32 s14  }
0x408: {  	v33 =	vor.u32 v13, v57;
	s0 =	sor.u32 $0xC, s0;
	s6 =	sand.u32 $0x4, s17;
	s1 =	sand.u32 $0x5, s1;
	v25 =	vld.idx.msk [tilespmem:v52+s16+$0x0], $0xffff;
	v42 =	vor.u32 v15, v41;
	[tilespmem:s15+$0xFFFFFF80] =	vst v61  }
0x409: {  	v31 =	vor.u32 v13, v51;
	s8 =	sadd.s32 $0x6, s5;
	v47 =	vor.u32 v13, v40;
	s6 =	sadd.s32 s6, s0;
	s1 =	sadd.s32 s1, s0;
	v32 =	vld.idx.msk [tilespmem:v49+s16+$0x0], $0xffff;
	[tilespmem:s15+$0x0] =	vst v62  }
0x40a: {  	s5 =	sadd.s32 $0xFFFFFFFF, s5;
	p3 =	slt.u32 s17, $0x3C;
	v50 =	vor.u32 v13, v41;
	v48 =	vmov s6;
	v49 =	vmov s1;
	s1 =	sand.u32 $0x6, s8;
	v52 =	vld.idx.msk [tilespmem:v59+s21+$0x0], $0xffff;
	[tilespmem:s18+$0xFFFFFFE0] =	vst v53  }
0x40b: {  	s5 =	sand.u32 $0x7, s5;
	v53 =	vshll.u32 v48, $0x8;
	v55 =	vshll.u32 v49, $0x8;
	v49 =	vshll.u32 v49, $0x7;
	s1 =	sadd.s32 s1, s0;
	v54 =	vld.idx.msk [tilespmem:v54+s21+$0x0], $0xffff;
	[tilespmem:s15+$0xFFFFFF00] =	vst v30;
	s15 =	smov.u32 s18  }
0x40c: {  	v48 =	vshll.u32 v48, $0x7;
	s0 =	sadd.s32 s5, s0;
	s18 =	smov.u32 s19;
	v30 =	vand.u32 $0xF800, v53;
	v53 =	vand.u32 $0xF800, v55;
	[tilespmem:s19+$0xFFFFFED0] =	vst v46;
	v46 =	vld.idx.msk [tilespmem:v43+s21+$0x0], $0xffff;
	v43 =	vmovc v63  }
0x40d: {  	v49 =	vand.u32 $0x280, v49;
	v55 =	vmov s1;
	v56 =	vmov s0;
	v45 =	vld.idx.msk [tilespmem:v45+s16+$0x0], $0xffff;
	[tilespmem:s15+$0xFFFFFE70] =	vst v14  }
0x40e: {  	v14 =	vor.u32 v49, v53;
	v49 =	vshll.u32 v55, $0x8;
	v53 =	vshll.u32 v56, $0x8;
	[tilespmem:s19+$0xFFFFFE50] =	vst v25;
	v25 =	vld.idx.msk [tilespmem:v31+s16+$0x0], $0xffff  }
0x40f: {  	v56 =	vshll.u32 v56, $0x7;
	v26 =	vor.u32 v12, v14;
	v53 =	vand.u32 $0xF800, v53;
	v50 =	vld.idx.msk [tilespmem:v50+s16+$0x0], $0xffff;
	[tilespmem:s19+$0xFFFFFF50] =	vst v32  }
0x410: {  	v31 =	vand.u32 $0x200, v48;
	v48 =	vshll.u32 v55, $0x7;
	v32 =	vand.u32 $0xF800, v49;
	v47 =	vld.idx.msk [tilespmem:v47+s16+$0x0], $0xffff;
	[tilespmem:s15+$0xFFFFFEF0] =	vst v52  }
0x411: {  	v31 =	vor.u32 v31, v30;
	v30 =	vand.u32 $0x300, v48;
	v48 =	vand.u32 $0x380, v56;
	v60 =	vld.idx.msk [tilespmem:v18+s21+$0x0], $0xffff;
	[tilespmem:s15+$0xFFFFFF70] =	vst v54  }
.Ltmp30:
0x412: {  	v32 =	vor.u32 v30, v32;
	v18 =	vor.u32 v48, v53;
	v61 =	vld.idx.msk [tilespmem:v19+s21+$0x0], $0xffff;
	[tilespmem:s15+$0xFFFFFFF0] =	vst v46;
	(pc) =	sbr.rel @p3 .LBB2_56-.Ltmp30, $4  }
0x413: {  	v52 =	vor.u32 v12, v31;
	v49 =	vor.u32 v12, v32;
	[tilespmem:s19+$0xFFFFFFD0] =	vst v45;
	v62 =	vld.idx.msk [tilespmem:v44+s21+$0x0], $0xffff  }
0x414: {  	v58 =	vor.u32 v16, v51;
	v63 =	vor.u32 v15, v18;
	[tilespmem:s19+$0xFFFFFEE0] =	vst v25;
	v53 =	vld.idx.msk [tilespmem:v33+s16+$0x0], $0xffff  }
0x415: {  	v59 =	vor.u32 v15, v51;
	v51 =	vmov v14;
	v54 =	vor.u32 v15, v40;
	[tilespmem:s19+$0xFFFFFE60] =	vst v50;
	v30 =	vld.idx.msk [tilespmem:v22+s21+$0x0], $0xffff  }
0x416: {  	s20 =	sadd.s32 $0x10, s20;
	v45 =	vor.u32 v12, v18;
	v44 =	vor.u32 v16, v57;
	v57 =	vmov v18;
	s19 =	sadd.s32 $0x200, s19;
	v46 =	vld.idx.msk [tilespmem:v26+s14+$0x0], $0xffff;
	[tilespmem:s18+$0xFFFFFF60] =	vst v47  }
0x417: {  	v56 =	vmovc v41;
	v55 =	vmov v40;
	v50 =	vmov v43;
	v41 =	vmov v31  }
0x418: {  	s17 =	smov.u32 s15;
	s15 =	smov.u32 s18;
	v40 =	vmovc v32;
	v33 =	vmovc v58;
	v48 =	vmov v57;
	v47 =	vmov v51;
	s18 =	smov.u32 s19;
	v43 =	vmov v63  }
.LBB2_58:
0x419: {  	_ =	sdelay $0x3  }
0x41a: {  	v14 =	vld.idx.msk @p2 [tilespmem:v42+s16+$0x0], $0xffff  }
0x41b: {  	[tilespmem:s17+$0xFFFFFE80] =	vst @p1 v60;
	v18 =	vld.idx.msk [tilespmem:v52+s14+$0x0], $0xffff  }
0x41c: {  	s0 =	smov.u32 @p2 s16;
	[tilespmem:s17+$0xFFFFFF80] =	vst @p1 v61;
	v19 =	vor.u32 v13, v47;
	v22 =	vld.idx.msk [tilespmem:v49+s14+$0x0], $0xffff  }
0x41d: {  	[tilespmem:s17+$0x0] =	vst @p1 v62;
	v25 =	vor.u32 v13, v41;
	v26 =	vld.idx.msk @p2 [tilespmem:v59+s0+$0x0], $0xffff  }
0x41e: {  	v31 =	vor.u32 v13, v40;
	[tilespmem:s15+$0xFFFFFFE0] =	vst @p2 v53;
	v32 =	vld.idx.msk @p2 [tilespmem:v54+s0+$0x0], $0xffff  }
0x41f: {  	v42 =	vor.u32 @p2 v16, v56;
	[tilespmem:s17+$0xFFFFFF00] =	vst @p1 v30;
	v30 =	vld.idx.msk [tilespmem:v45+s14+$0x0], $0xffff  }
0x420: {  	v57 =	vor.u32 v13, v48;
	[tilespmem:s18+$0xFFFFFED0] =	vst v46;
	v46 =	vld.idx.msk @p2 [tilespmem:v50+s0+$0x0], $0xffff  }
0x421: {  	v49 =	vor.u32 @p2 v16, v55;
	[tilespmem:s18+$0xFFFFFE50] =	vst v18;
	v18 =	vld.idx.msk [tilespmem:v19+s14+$0x0], $0xffff  }
0x422: {  	s1 =	smov.u32 @p2 s15;
	[tilespmem:s18+$0xFFFFFF50] =	vst v22;
	v19 =	vld.idx.msk [tilespmem:v25+s14+$0x0], $0xffff  }
0x423: {  	v22 =	vmov @p2 v33;
	[tilespmem:s1+$0xFFFFFE70] =	vst @p2 v14;
	v14 =	vld.idx.msk [tilespmem:v31+s14+$0x0], $0xffff  }
0x424: {  	v25 =	vor.u32 v15, v41;
	v31 =	vld.idx.msk @p2 [tilespmem:v42+s0+$0x0], $0xffff;
	[tilespmem:s18+$0xFFFFFFD0] =	vst v30  }
0x425: {  	v58 =	vor.u32 v15, v40;
	[tilespmem:s1+$0xFFFFFF70] =	vst @p2 v32;
	v30 =	vld.idx.msk [tilespmem:v57+s14+$0x0], $0xffff  }
0x426: {  	v33 =	vld.idx.msk @p2 [tilespmem:v49+s0+$0x0], $0xffff;
	[tilespmem:s1+$0xFFFFFFF0] =	vst @p2 v46  }
0x427: {  	v59 =	vor.u32 v15, v47;
	[tilespmem:s1+$0xFFFFFEF0] =	vst @p2 v26;
	v26 =	vld.idx.msk @p2 [tilespmem:v44+s0+$0x0], $0xffff  }
0x428: {  	[tilespmem:s18+$0xFFFFFE60] =	vst v19;
	v19 =	vld.idx.msk @p2 [tilespmem:v22+s0+$0x0], $0xffff  }
0x429: {  	[tilespmem:s18+$0xFFFFFF60] =	vst v14;
	v14 =	vld.idx.msk [tilespmem:v25+s14+$0x0], $0xffff  }
0x42a: {  	p1 =	por $0x0, $0x0;
	v22 =	vor.u32 v16, v41;
	s0 =	simm.s32 $0x1;
	[tilespmem:s18+$0xFFFFFFE0] =	vst v30;
	v25 =	vld.idx.msk [tilespmem:v58+s14+$0x0], $0xffff  }
0x42b: {  	s5 =	sand.u32 $0x7, s14;
	s1 =	smov.u32 @p2 s1;
	[tilespmem:s18+$0xFFFFFEE0] =	vst v18;
	v18 =	vpsel p2, v31, v0;
	v30 =	vor.u32 v16, v40;
	s0 =	simm.s32 @!p1 $0x0;
	v31 =	vld.idx.msk [tilespmem:v43+s14+$0x0], $0xffff  }
0x42c: {  	v60 =	vor.u32 v16, v48;
	s5 =	sadd.s32 s5, s14;
	v33 =	vpsel p2, v33, v0;
	[tilespmem:s1+$0xFFFFFE80] =	vst @p2 v18;
	v18 =	vld.idx.msk [tilespmem:v59+s14+$0x0], $0xffff;
	s0 =	sshll.u32 s0, $0x2  }
0x42d: {  	v61 =	vor.u32 v16, v47;
	s6 =	sadd.s32 $0x1, s5;
	[tilespmem:s1+$0xFFFFFF80] =	vst @p2 v33;
	s0 =	sadd.s32 s0, s14  }
0x42e: {  	s6 =	sor.u32 $0x10, s6;
	v26 =	vpsel p2, v26, v0;
	s0 =	sor.u32 $0x10, s0;
	[tilespmem:s18+$0xFFFFFE70] =	vst v14  }
0x42f: {  	v14 =	vpsel p2, v19, v0;
	[tilespmem:s18+$0xFFFFFF70] =	vst v25;
	v25 =	vmov s6;
	v19 =	vld.idx.msk [tilespmem:v22+s14+$0x0], $0xffff;
	v22 =	vmov s0  }
0x430: {  	v30 =	vld.idx.msk [tilespmem:v30+s14+$0x0], $0xffff;
	[tilespmem:s18+$0xFFFFFFF0] =	vst v31;
	v62 =	vshll.u32 v25, $0x8;
	v25 =	vshll.u32 v25, $0x7;
	v31 =	vshll.u32 v22, $0x8  }
0x431: {  	s31 =	sand.u32 $0x3, s14;
	[tilespmem:s18+$0xFFFFFEF0] =	vst v18;
	v22 =	vshll.u32 v22, $0x7;
	v18 =	vld.idx.msk [tilespmem:v60+s14+$0x0], $0xffff;
	v63 =	vand.u32 $0x7FFFF800, v62;
	v25 =	vand.u32 $0x280, v25  }
0x432: {  	s5 =	sadd.s32 $0x3, s5;
	[tilespmem:s1+$0x0] =	vst @p2 v26;
	v26 =	vld.idx.msk [tilespmem:v61+s14+$0x0], $0xffff;
	s0 =	sshll.u32 s31, $0x1;
	v31 =	vand.u32 $0x7FFFF800, v31;
	v22 =	vand.u32 $0x200, v22;
	v40 =	vor.u32 v25, v63  }
0x433: {  	s5 =	sor.u32 $0x10, s5;
	[tilespmem:s1+$0xFFFFFF00] =	vst @p2 v14;
	s0 =	sadd.s32 $0x2, s0;
	v41 =	vor.u32 v22, v31;
	v25 =	vor.u32 v17, v40  }
0x434: {  	v14 =	vmov s5;
	p2 =	por $0x1, $0x1;
	s0 =	sor.u32 $0x10, s0;
	v22 =	vor.u32 v17, v41;
	[tilespmem:s18+$0xFFFFFE80] =	vst v19  }
.Ltmp31:
0x435: {  	v19 =	vshll.u32 v14, $0x8;
	[tilespmem:s18+$0xFFFFFF80] =	vst v30;
	v30 =	vmov s0;
	v14 =	vshll.u32 v14, $0x7;
	(pc) =	sbr.rel @!p2 .LBB2_59-.Ltmp31, $4  }
0x436: {  	v19 =	vand.u32 $0x7FFFF800, v19;
	[tilespmem:s18+$0x0] =	vst v18;
	v18 =	vshll.u32 v30, $0x8;
	v30 =	vshll.u32 v30, $0x7  }
0x437: {  	[tilespmem:s18+$0xFFFFFF00] =	vst v26;
	v14 =	vand.u32 $0x380, v14;
	v18 =	vand.u32 $0x7FFFF800, v18;
	v26 =	vand.u32 $0x300, v30  }
0x438: {  	s16 =	simm.s32 $0x0;
	s15 =	sadd.s32 $0x10, s14;
	s21 =	sadd.s32 $0x4, s14;
	v43 =	vor.u32 v14, v19;
	v46 =	vor.u32 v26, v18;
	v50 =	vld.idx.msk [tilespmem:v25+s14+$0x0], $0xffff  }
0x439: {  	s19 =	sadd.s32 $0x2, s14;
	s17 =	simm.s32 $0x181B0;
	p3 =	por !p1, !p1;
	v47 =	vor.u32 v20, v41;
	v58 =	vor.u32 v17, v43;
	v51 =	vld.idx.msk [tilespmem:v22+s14+$0x0], $0xffff;
	v54 =	vor.u32 v17, v46  }
0x43a: {  	_ =	sdelay $0x2  }
0x43b: {  	s0 =	simm.s32 $0x1  }
0x43c: {  	s1 =	sand.u32 $0x7, s21;
	v14 =	vld.idx.msk [tilespmem:v58+s14+$0x0], $0xffff;
	v18 =	vor.u32 v20, v40;
	s0 =	simm.s32 @!p3 $0x0  }
0x43d: {  	v19 =	vor.u32 v20, v43;
	s1 =	sadd.s32 s1, s15;
	s0 =	sshll.u32 s0, $0x2  }
0x43e: {  	v22 =	vor.u32 v21, v41;
	v25 =	vld.idx.msk [tilespmem:v54+s14+$0x0], $0xffff;
	s5 =	sadd.s32 $0x1, s1;
	s0 =	sadd.s32 s0, s15  }
0x43f: {  	v26 =	vor.u32 v21, v40;
	v30 =	vor.u32 v21, v43;
	v33 =	vor.u32 v20, v46;
	s5 =	sor.u32 $0x10, s5;
	s0 =	sor.u32 $0x10, s0;
	[tilespmem:s17+$0xFFFFFE50] =	vst v51  }
0x440: {  	v56 =	vor.u32 v23, v41;
	[tilespmem:s17+$0xFFFFFED0] =	vst v50;
	v32 =	vmov s5;
	v31 =	vmov s0;
	v44 =	vld.idx.msk [tilespmem:v47+s14+$0x0], $0xffff  }
0x441: {  	v45 =	vshll.u32 v32, $0x8;
	v18 =	vld.idx.msk [tilespmem:v18+s14+$0x0], $0xffff;
	[tilespmem:s17+$0xFFFFFFD0] =	vst v14;
	v14 =	vshll.u32 v32, $0x7;
	v42 =	vshll.u32 v31, $0x8  }
0x442: {  	s30 =	sand.u32 $0x3, s19;
	s1 =	sadd.s32 $0x3, s1;
	v31 =	vshll.u32 v31, $0x7;
	v19 =	vld.idx.msk [tilespmem:v19+s14+$0x0], $0xffff;
	v59 =	vand.u32 $0x7FFFF800, v45;
	v14 =	vand.u32 $0x280, v14  }
0x443: {  	s31 =	sshll.u32 s30, $0x1;
	s29 =	sor.u32 $0x10, s1;
	v58 =	vand.u32 $0x7FFFF800, v42;
	v31 =	vand.u32 $0x200, v31;
	v57 =	vor.u32 v14, v59  }
0x444: {  	v51 =	vmov s29;
	s0 =	sadd.s32 $0x12, s31;
	[tilespmem:s17+$0xFFFFFF50] =	vst v25;
	v55 =	vor.u32 v31, v58;
	v61 =	vor.u32 v17, v57  }
0x445: {  	p5 =	por $0x1, $0x1;
	v62 =	vshll.u32 v51, $0x7;
	s0 =	sor.u32 $0x10, s0;
	v60 =	vld.idx.msk [tilespmem:v33+s14+$0x0], $0xffff;
	v14 =	vshll.u32 v51, $0x8;
	v25 =	vor.u32 v17, v55;
	[tilespmem:s17+$0xFFFFFE60] =	vst v44  }
.Ltmp32:
0x446: {  	v42 =	vor.u32 v21, v46;
	v59 =	vor.u32 v23, v40;
	v31 =	vmov s0;
	[tilespmem:s17+$0xFFFFFEE0] =	vst v18;
	v53 =	vld.idx.msk [tilespmem:v22+s14+$0x0], $0xffff;
	(pc) =	sbr.rel @!p5 .LBB2_61-.Ltmp32, $4  }
0x447: {  	v14 =	vand.u32 $0x7FFFF800, v14;
	v63 =	vshll.u32 v31, $0x8;
	v31 =	vshll.u32 v31, $0x7;
	v52 =	vld.idx.msk [tilespmem:v26+s14+$0x0], $0xffff;
	[tilespmem:s17+$0xFFFFFFE0] =	vst v19  }
0x448: {  	v18 =	vand.u32 $0x380, v62;
	v31 =	vand.u32 $0x300, v31;
	v22 =	vand.u32 $0x7FFFF800, v63;
	v48 =	vld.idx.msk [tilespmem:v30+s14+$0x0], $0xffff  }
0x449: {  	s20 =	sadd.s32 $0x10, s15;
	s18 =	simm.s32 $0x183B0;
	s23 =	sadd.s32 $0x4, s21;
	v47 =	vor.u32 v20, v55;
	v44 =	vor.u32 v18, v14;
	v45 =	vor.u32 v31, v22;
	v50 =	vld.idx.msk [tilespmem:v61+s14+$0x0], $0xffff  }
0x44a: {  	s24 =	sadd.s32 $0x2, s19;
	p4 =	por !p3, !p3;
	p3 =	por $0x1, $0x1;
	[tilespmem:s17+$0xFFFFFF60] =	vst v60;
	v58 =	vor.u32 v17, v44;
	v54 =	vor.u32 v17, v45;
	v51 =	vld.idx.msk [tilespmem:v25+s14+$0x0], $0xffff  }
0x44b: {  	_ =	sdelay $0x3  }
0x44c: {  	s0 =	simm.s32 $0x1;
	v14 =	vld.idx.msk [tilespmem:v58+s14+$0x0], $0xffff  }
0x44d: {  	s1 =	sand.u32 $0x7, s23;
	[tilespmem:s17+$0xFFFFFE70] =	vst v53;
	v22 =	vld.idx.msk [tilespmem:v42+s14+$0x0], $0xffff;
	s0 =	simm.s32 @!p4 $0x0  }
0x44e: {  	v18 =	vor.u32 v23, v46;
	v19 =	vor.u32 v20, v57;
	v26 =	vld.idx.msk [tilespmem:v54+s14+$0x0], $0xffff;
	s6 =	sand.u32 $0x3, s24;
	s1 =	sadd.s32 s1, s20;
	[tilespmem:s17+$0xFFFFFEF0] =	vst v52;
	s0 =	sshll.u32 s0, $0x2  }
0x44f: {  	v25 =	vor.u32 v23, v43;
	v30 =	vor.u32 v20, v44;
	v31 =	vor.u32 v21, v55;
	s6 =	sshll.u32 s6, $0x1;
	s5 =	sadd.s32 $0x1, s1;
	[tilespmem:s17+$0xFFFFFFF0] =	vst v48;
	s0 =	sadd.s32 s0, s20  }
0x450: {  	v32 =	vor.u32 v21, v57;
	v54 =	vor.u32 v20, v45;
	v58 =	vld.idx.msk [tilespmem:v56+s14+$0x0], $0xffff;
	s1 =	sadd.s32 $0x3, s1;
	s5 =	sor.u32 $0x10, s5;
	[tilespmem:s18+$0xFFFFFED0] =	vst v50;
	s0 =	sor.u32 $0x10, s0  }
0x451: {  	v49 =	vld.idx.msk [tilespmem:v59+s14+$0x0], $0xffff;
	s31 =	sadd.s32 $0x22, s6;
	v50 =	vor.u32 v21, v44;
	s1 =	sor.u32 $0x10, s1;
	[tilespmem:s18+$0xFFFFFE50] =	vst v51;
	v40 =	vmov s5;
	v33 =	vmov s0  }
0x452: {  	v59 =	vshll.u32 v40, $0x8;
	v47 =	vld.idx.msk [tilespmem:v47+s14+$0x0], $0xffff;
	[tilespmem:s18+$0xFFFFFFD0] =	vst v14;
	s0 =	sor.u32 $0x10, s31;
	v14 =	vmov s1;
	v40 =	vshll.u32 v40, $0x7  }
0x453: {  	v19 =	vld.idx.msk [tilespmem:v19+s14+$0x0], $0xffff;
	[tilespmem:s18+$0xFFFFFF50] =	vst v26;
	v41 =	vshll.u32 v33, $0x8;
	v33 =	vshll.u32 v33, $0x7;
	v60 =	vmov s0  }
0x454: {  	[tilespmem:s17+$0xFFFFFF70] =	vst v22;
	v30 =	vld.idx.msk [tilespmem:v30+s14+$0x0], $0xffff;
	v26 =	vand.u32 $0x7FFFF800, v59;
	v40 =	vand.u32 $0x280, v40;
	v22 =	vshll.u32 v14, $0x8  }
0x455: {  	v25 =	vld.idx.msk [tilespmem:v25+s14+$0x0], $0xffff;
	v41 =	vand.u32 $0x7FFFF800, v41;
	v33 =	vand.u32 $0x200, v33;
	v40 =	vor.u32 v40, v26  }
0x456: {  	[tilespmem:s17+$0xFFFFFE80] =	vst v58;
	v14 =	vshll.u32 v14, $0x7;
	v18 =	vld.idx.msk [tilespmem:v18+s14+$0x0], $0xffff;
	v41 =	vor.u32 v33, v41;
	v61 =	vor.u32 v17, v40  }
0x457: {  	p6 =	por $0x1, $0x1;
	v26 =	vld.idx.msk [tilespmem:v54+s14+$0x0], $0xffff;
	v22 =	vand.u32 $0x7FFFF800, v22;
	v14 =	vand.u32 $0x380, v14;
	v33 =	vor.u32 v17, v41;
	[tilespmem:s18+$0xFFFFFE60] =	vst v47  }
.Ltmp33:
0x458: {  	v62 =	vshll.u32 v60, $0x8;
	v63 =	vshll.u32 v60, $0x7;
	v43 =	vor.u32 v14, v22;
	[tilespmem:s18+$0xFFFFFEE0] =	vst v19;
	v53 =	vld.idx.msk [tilespmem:v31+s14+$0x0], $0xffff;
	(pc) =	sbr.rel @!p6 .LBB2_63-.Ltmp33, $4  }
0x459: {  	v14 =	vand.u32 $0x7FFFF800, v62;
	v58 =	vor.u32 v17, v43;
	v19 =	vand.u32 $0x300, v63;
	v52 =	vld.idx.msk [tilespmem:v32+s14+$0x0], $0xffff;
	[tilespmem:s18+$0xFFFFFFE0] =	vst v30  }
0x45a: {  	v42 =	vor.u32 v21, v45;
	s19 =	simm.s32 $0x8;
	s22 =	simm.s32 $0x32;
	[tilespmem:s17+$0x0] =	vst v25;
	v46 =	vor.u32 v19, v14;
	v48 =	vld.idx.msk [tilespmem:v50+s14+$0x0], $0xffff  }
0x45b: {  	s21 =	simm.s32 $0x185B0;
	s23 =	sadd.s32 $0x4, s23;
	s24 =	sadd.s32 $0x2, s24;
	v56 =	vor.u32 v23, v55;
	[tilespmem:s17+$0xFFFFFF80] =	vst v18;
	v54 =	vor.u32 v17, v46;
	v50 =	vld.idx.msk [tilespmem:v61+s14+$0x0], $0xffff  }
0x45c: {  	p5 =	por !p4, !p4;
	p4 =	por $0x1, $0x1;
	s20 =	sadd.s32 $0x10, s20;
	v59 =	vor.u32 v23, v57;
	v47 =	vor.u32 v20, v41;
	[tilespmem:s18+$0xFFFFFF60] =	vst v26;
	v51 =	vld.idx.msk [tilespmem:v33+s14+$0x0], $0xffff  }
.LBB2_64:
0x45d: {  	s5 =	simm.s32 $0x1  }
0x45e: {  	s0 =	sand.u32 $0x7, s23;
	s1 =	sand.u32 $0x3, s24;
	v14 =	vld.idx.msk [tilespmem:v58+s14+$0x0], $0xffff;
	v18 =	vor.u32 v23, v45;
	[tilespmem:s17+$0xFFFFFF00] =	vst v49;
	v45 =	vmov v46;
	s5 =	simm.s32 @!p5 $0x0  }
0x45f: {  	v19 =	vor.u32 v20, v40;
	v25 =	vor.u32 v23, v44;
	v44 =	vmov v43;
	s0 =	sadd.s32 s0, s20;
	s1 =	sshll.u32 s1, $0x1;
	s5 =	sshll.u32 s5, $0x2;
	[tilespmem:s18+$0xFFFFFE70] =	vst v53;
	v22 =	vld.idx.msk [tilespmem:v42+s14+$0x0], $0xffff  }
0x460: {  	v30 =	vor.u32 v20, v44;
	s1 =	sadd.s32 s1, s22;
	s6 =	sadd.s32 $0x1, s0;
	v42 =	vor.u32 v21, v45;
	s5 =	sadd.s32 s5, s20;
	v26 =	vld.idx.msk [tilespmem:v54+s14+$0x0], $0xffff;
	[tilespmem:s18+$0xFFFFFEF0] =	vst v52  }
0x461: {  	v31 =	vor.u32 v21, v41;
	v32 =	vor.u32 v21, v40;
	v33 =	vor.u32 v21, v44;
	s0 =	sadd.s32 $0x3, s0;
	s6 =	sor.u32 $0x10, s6;
	s5 =	sor.u32 $0x10, s5;
	v49 =	vld.idx.msk [tilespmem:v59+s14+$0x0], $0xffff  }
0x462: {  	s19 =	sadd.s32 $0x4, s19;
	s1 =	sor.u32 $0x10, s1;
	s0 =	sor.u32 $0x10, s0;
	v46 =	vmov s6;
	v43 =	vmov s5;
	[tilespmem:s21+$0xFFFFFE50] =	vst v51;
	v51 =	vor.u32 v20, v45;
	v52 =	vld.idx.msk [tilespmem:v56+s14+$0x0], $0xffff  }
0x463: {  	s17 =	smov.u32 s18;
	p6 =	slt.u32 s19, $0x3C;
	s18 =	smov.u32 s21;
	v55 =	vmov s0;
	v54 =	vshll.u32 v46, $0x8;
	v53 =	vshll.u32 v43, $0x8;
	v47 =	vld.idx.msk [tilespmem:v47+s14+$0x0], $0xffff;
	[tilespmem:s21+$0xFFFFFED0] =	vst v50  }
0x464: {  	v46 =	vshll.u32 v46, $0x7;
	v43 =	vshll.u32 v43, $0x7;
	v50 =	vmov s1;
	v19 =	vld.idx.msk [tilespmem:v19+s14+$0x0], $0xffff;
	[tilespmem:s21+$0xFFFFFFD0] =	vst v14  }
0x465: {  	v46 =	vand.u32 $0x280, v46;
	v14 =	vand.u32 $0x7FFFF800, v53;
	v53 =	vand.u32 $0x7FFFF800, v54;
	v30 =	vld.idx.msk [tilespmem:v30+s14+$0x0], $0xffff;
	[tilespmem:s17+$0xFFFFFFF0] =	vst v48  }
0x466: {  	v43 =	vand.u32 $0x200, v43;
	v56 =	vor.u32 v46, v53;
	v46 =	vshll.u32 v55, $0x8;
	[tilespmem:s21+$0xFFFFFF50] =	vst v26;
	v25 =	vld.idx.msk [tilespmem:v25+s14+$0x0], $0xffff  }
0x467: {  	v14 =	vor.u32 v43, v14;
	v43 =	vshll.u32 v55, $0x7;
	v26 =	vand.u32 $0x7FFFF800, v46;
	v55 =	vld.idx.msk [tilespmem:v51+s14+$0x0], $0xffff;
	[tilespmem:s17+$0xFFFFFF70] =	vst v22  }
0x468: {  	v46 =	vshll.u32 v50, $0x8;
	v43 =	vand.u32 $0x380, v43;
	v22 =	vor.u32 v17, v14;
	[tilespmem:s17+$0xFFFFFE80] =	vst v52;
	v18 =	vld.idx.msk [tilespmem:v18+s14+$0x0], $0xffff  }
0x469: {  	v48 =	vshll.u32 v50, $0x7;
	v57 =	vor.u32 v17, v56;
	v43 =	vor.u32 v43, v26;
	[tilespmem:s21+$0xFFFFFE60] =	vst v47  }
.Ltmp34:
0x46a: {  	v26 =	vand.u32 $0x7FFFF800, v46;
	v46 =	vand.u32 $0x300, v48;
	v58 =	vor.u32 v17, v43;
	v53 =	vld.idx.msk [tilespmem:v31+s14+$0x0], $0xffff;
	[tilespmem:s21+$0xFFFFFEE0] =	vst v19;
	(pc) =	sbr.rel @p6 .LBB2_64-.Ltmp34, $4  }
0x46b: {  	v46 =	vor.u32 v46, v26;
	v47 =	vor.u32 v20, v14;
	v52 =	vld.idx.msk [tilespmem:v32+s14+$0x0], $0xffff;
	[tilespmem:s21+$0xFFFFFFE0] =	vst v30  }
0x46c: {  	v54 =	vor.u32 v17, v46;
	v48 =	vld.idx.msk [tilespmem:v33+s14+$0x0], $0xffff;
	[tilespmem:s17+$0x0] =	vst v25  }
0x46d: {  	s22 =	sadd.s32 $0x10, s22;
	s20 =	sadd.s32 $0x10, s20;
	v59 =	vor.u32 v23, v40;
	v40 =	vmov v56;
	s21 =	sadd.s32 $0x200, s21;
	v51 =	vld.idx.msk [tilespmem:v22+s14+$0x0], $0xffff;
	[tilespmem:s18+$0xFFFFFF60] =	vst v55  }
0x46e: {  	s23 =	sadd.s32 $0x4, s23;
	s24 =	sadd.s32 $0x2, s24;
	p5 =	por !p5, !p5;
	v56 =	vor.u32 v23, v41;
	v41 =	vmov v14;
	v50 =	vld.idx.msk [tilespmem:v57+s14+$0x0], $0xffff;
	[tilespmem:s17+$0xFFFFFF80] =	vst v18  }
0x46f: {  	s19 =	smov.u32 s17;
	v30 =	vmov v45;
	v14 =	vmov v44;
	s17 =	smov.u32 s21  }
.LBB2_66:
0x470: {  	_ =	sdelay $0x3  }
0x471: {  	v18 =	vld.idx.msk [tilespmem:v58+s14+$0x0], $0xffff;
	v26 =	vor.u32 v20, v40  }
0x472: {  	v22 =	vor.u32 v20, v43;
	[tilespmem:s18+$0xFFFFFE70] =	vst @p3 v53  }
0x473: {  	v19 =	vld.idx.msk [tilespmem:v54+s14+$0x0], $0xffff;
	[tilespmem:s18+$0xFFFFFEF0] =	vst @p3 v52;
	v14 =	vor.u32 @p3 v23, v14  }
0x474: {  	v25 =	vor.u32 v20, v46;
	v31 =	vld.idx.msk @p3 [tilespmem:v42+s14+$0x0], $0xffff;
	[tilespmem:s17+$0xFFFFFE50] =	vst v51  }
0x475: {  	v33 =	vld.idx.msk [tilespmem:v47+s14+$0x0], $0xffff;
	[tilespmem:s17+$0xFFFFFED0] =	vst v50  }
0x476: {  	s0 =	smov.u32 @p3 s18;
	[tilespmem:s17+$0xFFFFFFD0] =	vst v18;
	v18 =	vor.u32 v21, v41;
	v26 =	vld.idx.msk [tilespmem:v26+s14+$0x0], $0xffff  }
0x477: {  	v44 =	vor.u32 v21, v40;
	[tilespmem:s0+$0xFFFFFFF0] =	vst @p3 v48;
	v22 =	vld.idx.msk [tilespmem:v22+s14+$0x0], $0xffff  }
0x478: {  	[tilespmem:s17+$0xFFFFFF50] =	vst v19;
	v19 =	vor.u32 v21, v43;
	v14 =	vld.idx.msk @p3 [tilespmem:v14+s14+$0x0], $0xffff  }
0x479: {  	[tilespmem:s0+$0xFFFFFF70] =	vst @p3 v31;
	v25 =	vld.idx.msk [tilespmem:v25+s14+$0x0], $0xffff  }
0x47a: {  	v32 =	vld.idx.msk @p3 [tilespmem:v59+s14+$0x0], $0xffff;
	v59 =	vor.u32 v21, v46;
	[tilespmem:s17+$0xFFFFFE60] =	vst v33  }
0x47b: {  	v30 =	vor.u32 @p3 v23, v30;
	v18 =	vld.idx.msk [tilespmem:v18+s14+$0x0], $0xffff;
	[tilespmem:s17+$0xFFFFFEE0] =	vst v26  }
0x47c: {  	[tilespmem:s17+$0xFFFFFFE0] =	vst v22;
	v22 =	vor.u32 v23, v41;
	v31 =	vld.idx.msk [tilespmem:v44+s14+$0x0], $0xffff  }
0x47d: {  	[tilespmem:s0+$0x0] =	vst @p3 v14;
	v14 =	vor.u32 v23, v40;
	v19 =	vld.idx.msk [tilespmem:v19+s14+$0x0], $0xffff  }
0x47e: {  	v45 =	vld.idx.msk @p3 [tilespmem:v56+s14+$0x0], $0xffff;
	v26 =	vor.u32 v23, v43;
	[tilespmem:s17+$0xFFFFFF60] =	vst v25  }
0x47f: {  	[tilespmem:s19+$0xFFFFFF00] =	vst @p4 v49;
	s1 =	simm.s32 $0x2;
	v25 =	vld.idx.msk [tilespmem:v59+s14+$0x0], $0xffff  }
0x480: {  	v60 =	vor.u32 v23, v46;
	s5 =	sor.u32 $0x14, s14;
	s1 =	sand.u32 $0x6, s1;
	v30 =	vld.idx.msk @p3 [tilespmem:v30+s14+$0x0], $0xffff;
	[tilespmem:s17+$0xFFFFFE70] =	vst v18  }
0x481: {  	s1 =	sadd.s32 s1, s5;
	v18 =	vld.idx.msk [tilespmem:v22+s14+$0x0], $0xffff;
	[tilespmem:s17+$0xFFFFFEF0] =	vst v31  }
0x482: {  	s6 =	sand.u32 $0x4, s16;
	[tilespmem:s17+$0xFFFFFFF0] =	vst v19;
	v19 =	vmov s1;
	v14 =	vld.idx.msk [tilespmem:v14+s14+$0x0], $0xffff  }
0x483: {  	s29 =	simm.s32 $0x1;
	s6 =	sadd.s32 s6, s5;
	[tilespmem:s0+$0xFFFFFE80] =	vst @p3 v45;
	v32 =	vpsel p3, v32, v0;
	v22 =	vld.idx.msk [tilespmem:v26+s14+$0x0], $0xffff;
	v26 =	vshll.u32 v19, $0x8;
	v19 =	vshll.u32 v19, $0x7  }
0x484: {  	s30 =	simm.s32 $0xFFFFFFFB;
	[tilespmem:s17+$0xFFFFFF70] =	vst v25;
	s1 =	sand.u32 $0x5, s29;
	v25 =	vmov s6;
	v26 =	vand.u32 $0x7FFFF800, v26;
	v19 =	vand.u32 $0x300, v19  }
0x485: {  	[tilespmem:s0+$0xFFFFFF80] =	vst @p3 v30;
	s0 =	smov.u32 @p3 s0;
	s6 =	sand.u32 $0x7, s30;
	v31 =	vld.idx.msk [tilespmem:v60+s14+$0x0], $0xffff;
	s1 =	sadd.s32 s1, s5;
	v30 =	vshll.u32 v25, $0x8;
	v25 =	vshll.u32 v25, $0x7;
	v40 =	vor.u32 v19, v26  }
0x486: {  	[tilespmem:s0+$0xFFFFFF00] =	vst @p3 v32;
	s31 =	sadd.s32 s6, s5;
	v61 =	vmov s1;
	v30 =	vand.u32 $0x7FFFF800, v30;
	v62 =	vor.u32 v39, v40  }
.Ltmp35:
0x487: {  	v25 =	vand.u32 $0x200, v25;
	v19 =	vshll.u32 v61, $0x8;
	v26 =	vmov s31;
	[tilespmem:s17+$0xFFFFFE80] =	vst v18;
	(pc) =	sbr.rel @!p2 .LBB2_67-.Ltmp35, $4  }
0x488: {  	v42 =	vor.u32 v25, v30;
	v18 =	vshll.u32 v61, $0x7;
	v19 =	vand.u32 $0x7FFFF800, v19;
	[tilespmem:s17+$0xFFFFFF00] =	vst v14  }
0x489: {  	v63 =	vshll.u32 v26, $0x8;
	v26 =	vshll.u32 v26, $0x7;
	v18 =	vand.u32 $0x280, v18;
	[tilespmem:s17+$0x0] =	vst v22  }
0x48a: {  	s16 =	simm.s32 $0x0;
	v14 =	vand.u32 $0x380, v26;
	v22 =	vand.u32 $0x7FFFF800, v63;
	[tilespmem:s17+$0xFFFFFF80] =	vst v31;
	v41 =	vor.u32 v18, v19  }
0x48b: {  	s14 =	simm.s32 $0x1A1B0;
	v50 =	vor.u32 v39, v42;
	v53 =	vor.u32 v39, v41;
	v43 =	vor.u32 v14, v22;
	v47 =	vld.idx.msk [tilespmem:v62+s16+$0x0], $0xffff  }
0x48c: {  	_ =	sdelay $0x3  }
0x48d: {  	s0 =	simm.s32 $0x4;
	v14 =	vld.idx.msk [tilespmem:v53+s16+$0x0], $0xffff;
	v18 =	vor.u32 v38, v40  }
0x48e: {  	s1 =	sor.u32 $0x14, s15;
	s5 =	simm.s32 $0x6;
	s6 =	simm.s32 $0x5;
	v19 =	vld.idx.msk [tilespmem:v50+s16+$0x0], $0xffff;
	v22 =	vor.u32 v38, v41  }
0x48f: {  	v25 =	vor.u32 v28, v40;
	v26 =	vor.u32 v39, v43;
	v30 =	vor.u32 v38, v42;
	s0 =	sand.u32 $0x4, s0;
	s5 =	sand.u32 $0x6, s5;
	s6 =	sand.u32 $0x5, s6  }
0x490: {  	v54 =	vor.u32 v28, v42;
	v56 =	vor.u32 v29, v40;
	v52 =	vor.u32 v38, v43;
	s0 =	sadd.s32 s0, s1;
	s5 =	sadd.s32 s5, s1;
	s6 =	sadd.s32 s6, s1  }
0x491: {  	v31 =	vmov s0;
	v32 =	vmov s5;
	v33 =	vmov s6;
	[tilespmem:s14+$0xFFFFFF50] =	vst v47  }
0x492: {  	s31 =	simm.s32 $0xFFFFFFFF;
	v44 =	vshll.u32 v31, $0x8;
	v45 =	vshll.u32 v32, $0x8;
	v32 =	vshll.u32 v32, $0x7;
	[tilespmem:s14+$0xFFFFFED0] =	vst v14;
	v14 =	vld.idx.msk [tilespmem:v18+s16+$0x0], $0xffff  }
0x493: {  	s0 =	sand.u32 $0x7, s31;
	v46 =	vshll.u32 v33, $0x7;
	v45 =	vand.u32 $0x7FFFF800, v45;
	v18 =	vand.u32 $0x300, v32;
	[tilespmem:s14+$0xFFFFFE50] =	vst v19;
	v19 =	vld.idx.msk [tilespmem:v22+s16+$0x0], $0xffff  }
0x494: {  	s0 =	sadd.s32 s0, s1;
	v33 =	vshll.u32 v33, $0x8;
	v57 =	vor.u32 v18, v45;
	v22 =	vld.idx.msk [tilespmem:v30+s16+$0x0], $0xffff;
	v30 =	vor.u32 v28, v41  }
0x495: {  	p3 =	por $0x1, $0x1;
	v31 =	vshll.u32 v31, $0x7;
	v61 =	vmov s0;
	v62 =	vor.u32 v39, v57  }
.Ltmp36:
0x496: {  	v33 =	vand.u32 $0x7FFFF800, v33;
	v63 =	vand.u32 $0x280, v46;
	v44 =	vand.u32 $0x7FFFF800, v44;
	(pc) =	sbr.rel @!p3 .LBB2_69-.Ltmp36, $4  }
0x497: {  	v31 =	vand.u32 $0x200, v31;
	v49 =	vld.idx.msk [tilespmem:v26+s16+$0x0], $0xffff;
	v18 =	vshll.u32 v61, $0x8;
	v58 =	vor.u32 v63, v33;
	[tilespmem:s14+$0xFFFFFF60] =	vst v14  }
0x498: {  	v32 =	vshll.u32 v61, $0x7;
	v45 =	vor.u32 v31, v44;
	v44 =	vor.u32 v29, v41;
	[tilespmem:s14+$0xFFFFFEE0] =	vst v19;
	v51 =	vld.idx.msk [tilespmem:v25+s16+$0x0], $0xffff  }
0x499: {  	v18 =	vand.u32 $0x7FFFF800, v18;
	v53 =	vor.u32 v39, v58;
	v14 =	vand.u32 $0x380, v32;
	v48 =	vld.idx.msk [tilespmem:v30+s16+$0x0], $0xffff  }
0x49a: {  	s19 =	sadd.s32 $0x10, s15;
	s15 =	simm.s32 $0x1A3B0;
	p2 =	por $0x1, $0x1;
	v50 =	vor.u32 v39, v45;
	v46 =	vor.u32 v14, v18;
	[tilespmem:s14+$0xFFFFFE60] =	vst v22;
	v47 =	vld.idx.msk [tilespmem:v62+s16+$0x0], $0xffff  }
0x49b: {  	_ =	sdelay $0x3  }
0x49c: {  	s18 =	simm.s32 $0x8;
	s0 =	sor.u32 $0x14, s19;
	v14 =	vld.idx.msk [tilespmem:v53+s16+$0x0], $0xffff;
	v18 =	vor.u32 v38, v57  }
0x49d: {  	s1 =	simm.s32 $0xA;
	s6 =	simm.s32 $0x9;
	v19 =	vor.u32 v29, v42;
	v25 =	vld.idx.msk [tilespmem:v50+s16+$0x0], $0xffff;
	v26 =	vor.u32 v38, v58;
	s5 =	sand.u32 $0x4, s18;
	[tilespmem:s14+$0xFFFFFFD0] =	vst v49  }
0x49e: {  	v22 =	vor.u32 v28, v43;
	v30 =	vld.idx.msk [tilespmem:v54+s16+$0x0], $0xffff;
	v33 =	vor.u32 v38, v45;
	s1 =	sand.u32 $0x6, s1;
	s6 =	sand.u32 $0x5, s6;
	s5 =	sadd.s32 s5, s0;
	[tilespmem:s14+$0xFFFFFF70] =	vst v51  }
0x49f: {  	v31 =	vor.u32 v28, v57;
	v54 =	vor.u32 v28, v45;
	s1 =	sadd.s32 s1, s0;
	s29 =	sadd.s32 s6, s0;
	v52 =	vld.idx.msk [tilespmem:v52+s16+$0x0], $0xffff;
	v32 =	vmov s5;
	[tilespmem:s14+$0xFFFFFEF0] =	vst v48  }
0x4a0: {  	s30 =	simm.s32 $0x3;
	v49 =	vor.u32 v39, v46;
	v40 =	vmov s1;
	v41 =	vmov s29;
	v56 =	vld.idx.msk [tilespmem:v56+s16+$0x0], $0xffff;
	[tilespmem:s15+$0xFFFFFF50] =	vst v47  }
0x4a1: {  	s31 =	sand.u32 $0x7, s30;
	v48 =	vor.u32 v28, v58;
	v59 =	vshll.u32 v32, $0x8;
	v60 =	vshll.u32 v40, $0x8;
	[tilespmem:s15+$0xFFFFFED0] =	vst v14;
	v18 =	vld.idx.msk [tilespmem:v18+s16+$0x0], $0xffff  }
0x4a2: {  	s0 =	sadd.s32 s31, s0;
	v61 =	vshll.u32 v41, $0x7;
	v40 =	vshll.u32 v40, $0x7;
	v41 =	vshll.u32 v41, $0x8;
	[tilespmem:s15+$0xFFFFFE50] =	vst v25;
	v26 =	vld.idx.msk [tilespmem:v26+s16+$0x0], $0xffff  }
0x4a3: {  	v51 =	vand.u32 $0x7FFFF800, v60;
	v14 =	vmov s0;
	v40 =	vand.u32 $0x300, v40;
	[tilespmem:s14+$0xFFFFFE70] =	vst v30;
	v33 =	vld.idx.msk [tilespmem:v33+s16+$0x0], $0xffff  }
0x4a4: {  	v41 =	vand.u32 $0x7FFFF800, v41;
	v30 =	vshll.u32 v32, $0x7;
	v40 =	vor.u32 v40, v51;
	v19 =	vld.idx.msk [tilespmem:v19+s16+$0x0], $0xffff  }
0x4a5: {  	p3 =	por $0x1, $0x1;
	v62 =	vand.u32 $0x280, v61;
	v63 =	vand.u32 $0x200, v30;
	v30 =	vld.idx.msk [tilespmem:v44+s16+$0x0], $0xffff;
	v47 =	vor.u32 v39, v40;
	[tilespmem:s14+$0xFFFFFFE0] =	vst v52  }
.Ltmp37:
0x4a6: {  	v50 =	vand.u32 $0x7FFFF800, v59;
	v60 =	vor.u32 v29, v43;
	v41 =	vor.u32 v62, v41;
	v49 =	vld.idx.msk [tilespmem:v49+s16+$0x0], $0xffff;
	[tilespmem:s14+$0xFFFFFF80] =	vst v56;
	(pc) =	sbr.rel @!p3 .LBB2_71-.Ltmp37, $4  }
0x4a7: {  	v25 =	vshll.u32 v14, $0x8;
	v42 =	vor.u32 v63, v50;
	v53 =	vor.u32 v39, v41;
	v59 =	vld.idx.msk [tilespmem:v22+s16+$0x0], $0xffff;
	[tilespmem:s15+$0xFFFFFF60] =	vst v18  }
0x4a8: {  	v14 =	vshll.u32 v14, $0x7;
	v44 =	vor.u32 v29, v58;
	v50 =	vor.u32 v39, v42;
	[tilespmem:s15+$0xFFFFFEE0] =	vst v26;
	v51 =	vld.idx.msk [tilespmem:v31+s16+$0x0], $0xffff  }
0x4a9: {  	s17 =	simm.s32 $0x0;
	s21 =	sadd.s32 $0x10, s19;
	v25 =	vand.u32 $0x7FFFF800, v25;
	v14 =	vand.u32 $0x380, v14;
	v52 =	vor.u32 v38, v46;
	[tilespmem:s15+$0xFFFFFE60] =	vst v33;
	v48 =	vld.idx.msk [tilespmem:v48+s16+$0x0], $0xffff  }
0x4aa: {  	s20 =	simm.s32 $0x1A5B0;
	p1 =	por $0x1, $0x1;
	s19 =	simm.s32 $0x0;
	v55 =	vor.u32 v14, v25;
	v56 =	vor.u32 v29, v57;
	[tilespmem:s14+$0xFFFFFE80] =	vst v19;
	v47 =	vld.idx.msk [tilespmem:v47+s17+$0x0], $0xffff  }
.LBB2_72:
0x4ab: {  	s0 =	sor.u32 $0x14, s21  }
0x4ac: {  	s1 =	sadd.s32 $0x6, s18;
	v14 =	vld.idx.msk [tilespmem:v53+s17+$0x0], $0xffff;
	v18 =	vor.u32 v29, v45;
	v19 =	vor.u32 v28, v46;
	[tilespmem:s14+$0xFFFFFF00] =	vst v30;
	v45 =	vmov v42;
	s5 =	smov.u32 s18;
	s18 =	sadd.s32 $0x4, s18  }
0x4ad: {  	v25 =	vor.u32 v38, v40;
	v26 =	vor.u32 v28, v40;
	s6 =	sand.u32 $0x4, s18;
	s8 =	sadd.s32 $0x5, s5;
	s1 =	sand.u32 $0x6, s1;
	v22 =	vld.idx.msk [tilespmem:v50+s17+$0x0], $0xffff;
	[tilespmem:s15+$0xFFFFFFD0] =	vst v49  }
0x4ae: {  	v30 =	vor.u32 v38, v41;
	v31 =	vor.u32 v39, v55;
	s6 =	sadd.s32 s6, s0;
	s8 =	sand.u32 $0x5, s8;
	s1 =	sadd.s32 s1, s0;
	v32 =	vld.idx.msk [tilespmem:v54+s16+$0x0], $0xffff;
	[tilespmem:s14+$0xFFFFFFF0] =	vst v59  }
0x4af: {  	p3 =	slt.u32 s18, $0x3C;
	v43 =	vor.u32 v38, v45;
	v33 =	vmov s6;
	s6 =	sadd.s32 s8, s0;
	v42 =	vmov s1;
	s1 =	sadd.s32 $0xFFFFFFFF, s5;
	[tilespmem:s15+$0xFFFFFF70] =	vst v51;
	v49 =	vld.idx.msk [tilespmem:v60+s19+$0x0], $0xffff  }
0x4b0: {  	s19 =	smov.u32 s16;
	v50 =	vshll.u32 v33, $0x8;
	v51 =	vmov s6;
	v53 =	vshll.u32 v42, $0x8;
	s1 =	sand.u32 $0x7, s1;
	[tilespmem:s15+$0xFFFFFEF0] =	vst v48;
	v48 =	vld.idx.msk [tilespmem:v56+s16+$0x0], $0xffff;
	s16 =	smov.u32 s17  }
0x4b1: {  	v42 =	vshll.u32 v42, $0x7;
	v54 =	vshll.u32 v51, $0x7;
	v53 =	vand.u32 $0x7FFFF800, v53;
	s0 =	sadd.s32 s1, s0;
	[tilespmem:s20+$0xFFFFFF50] =	vst v47;
	v47 =	vld.idx.msk [tilespmem:v52+s19+$0x0], $0xffff  }
0x4b2: {  	v51 =	vshll.u32 v51, $0x8;
	v42 =	vand.u32 $0x300, v42;
	v52 =	vmov s0;
	[tilespmem:s20+$0xFFFFFED0] =	vst v14;
	v14 =	vld.idx.msk [tilespmem:v25+s16+$0x0], $0xffff  }
0x4b3: {  	v25 =	vand.u32 $0x7FFFF800, v51;
	v57 =	vor.u32 v42, v53;
	v42 =	vshll.u32 v52, $0x8;
	[tilespmem:s20+$0xFFFFFE50] =	vst v22;
	v22 =	vld.idx.msk [tilespmem:v30+s16+$0x0], $0xffff  }
0x4b4: {  	v56 =	vor.u32 v28, v41;
	v52 =	vshll.u32 v52, $0x7;
	v51 =	vand.u32 $0x7FFFF800, v42;
	v43 =	vld.idx.msk [tilespmem:v43+s16+$0x0], $0xffff;
	[tilespmem:s15+$0xFFFFFE70] =	vst v32  }
0x4b5: {  	v30 =	vshll.u32 v33, $0x7;
	v33 =	vor.u32 v39, v57;
	v32 =	vand.u32 $0x280, v54;
	v18 =	vld.idx.msk [tilespmem:v18+s19+$0x0], $0xffff;
	[tilespmem:s14+$0x0] =	vst v49;
	s14 =	smov.u32 s15;
	s15 =	smov.u32 s20  }
0x4b6: {  	v42 =	vand.u32 $0x7FFFF800, v50;
	v49 =	vand.u32 $0x200, v30;
	v25 =	vor.u32 v32, v25;
	v30 =	vld.idx.msk [tilespmem:v44+s19+$0x0], $0xffff;
	[tilespmem:s14+$0xFFFFFF80] =	vst v48  }
.Ltmp38:
0x4b7: {  	v32 =	vand.u32 $0x380, v52;
	v42 =	vor.u32 v49, v42;
	v53 =	vor.u32 v39, v25;
	v49 =	vld.idx.msk [tilespmem:v31+s16+$0x0], $0xffff;
	[tilespmem:s14+$0xFFFFFFE0] =	vst v47;
	(pc) =	sbr.rel @p3 .LBB2_72-.Ltmp38, $4  }
0x4b8: {  	v50 =	vor.u32 v39, v42;
	v31 =	vor.u32 v32, v51;
	[tilespmem:s20+$0xFFFFFF60] =	vst v14;
	v59 =	vld.idx.msk [tilespmem:v19+s19+$0x0], $0xffff  }
0x4b9: {  	v60 =	vor.u32 v29, v46;
	v46 =	vmov v55;
	v54 =	vor.u32 v28, v45;
	[tilespmem:s20+$0xFFFFFEE0] =	vst v22;
	v51 =	vld.idx.msk [tilespmem:v26+s16+$0x0], $0xffff  }
0x4ba: {  	v44 =	vor.u32 v29, v41;
	v41 =	vmov v25;
	v55 =	vmov v31;
	[tilespmem:s20+$0xFFFFFE60] =	vst v43;
	v48 =	vld.idx.msk [tilespmem:v56+s16+$0x0], $0xffff  }
0x4bb: {  	s21 =	sadd.s32 $0x10, s21;
	v52 =	vor.u32 v38, v46;
	v56 =	vor.u32 v29, v40;
	s20 =	sadd.s32 $0x200, s20;
	v40 =	vmov v57;
	v47 =	vld.idx.msk [tilespmem:v33+s17+$0x0], $0xffff;
	[tilespmem:s14+$0xFFFFFE80] =	vst v18  }
0x4bc: {  	s18 =	smov.u32 s14;
	v32 =	vmov v45;
	v31 =	vmov v46;
	v43 =	vmov v55;
	s14 =	smov.u32 s20  }
.LBB2_74:
0x4bd: {  	_ =	sdelay $0x3  }
0x4be: {  	v14 =	vld.idx.msk [tilespmem:v53+s17+$0x0], $0xffff;
	[tilespmem:s18+$0xFFFFFF00] =	vst @p1 v30;
	v18 =	vor.u32 v39, v43  }
0x4bf: {  	v19 =	vld.idx.msk [tilespmem:v50+s17+$0x0], $0xffff;
	[tilespmem:s15+$0xFFFFFFD0] =	vst @p2 v49  }
0x4c0: {  	v22 =	vor.u32 v38, v40;
	v25 =	vld.idx.msk @p2 [tilespmem:v54+s16+$0x0], $0xffff;
	[tilespmem:s18+$0xFFFFFFF0] =	vst @p1 v59  }
0x4c1: {  	v26 =	vor.u32 v38, v41;
	s0 =	smov.u32 @p2 s16;
	[tilespmem:s15+$0xFFFFFF70] =	vst @p2 v51;
	v30 =	vld.idx.msk @p1 [tilespmem:v60+s19+$0x0], $0xffff  }
0x4c2: {  	v33 =	vor.u32 v38, v42;
	v45 =	vld.idx.msk @p2 [tilespmem:v52+s0+$0x0], $0xffff;
	[tilespmem:s15+$0xFFFFFEF0] =	vst @p2 v48  }
0x4c3: {  	v32 =	vor.u32 @p2 v29, v32;
	[tilespmem:s14+$0xFFFFFF50] =	vst v47;
	v18 =	vld.idx.msk [tilespmem:v18+s17+$0x0], $0xffff  }
0x4c4: {  	v39 =	vld.idx.msk @p2 [tilespmem:v56+s16+$0x0], $0xffff;
	[tilespmem:s14+$0xFFFFFED0] =	vst v14;
	v14 =	vor.u32 v38, v43  }
0x4c5: {  	v38 =	vor.u32 @p2 v28, v31;
	v22 =	vld.idx.msk [tilespmem:v22+s17+$0x0], $0xffff;
	[tilespmem:s14+$0xFFFFFE50] =	vst v19  }
0x4c6: {  	[tilespmem:s15+$0xFFFFFE70] =	vst @p2 v25;
	v19 =	vld.idx.msk [tilespmem:v26+s17+$0x0], $0xffff  }
0x4c7: {  	v25 =	vor.u32 v28, v40;
	v26 =	vld.idx.msk [tilespmem:v33+s17+$0x0], $0xffff;
	[tilespmem:s18+$0x0] =	vst @p1 v30  }
0x4c8: {  	s1 =	smov.u32 @p2 s15;
	v56 =	vor.u32 v28, v42;
	v30 =	vld.idx.msk @p2 [tilespmem:v32+s0+$0x0], $0xffff;
	[tilespmem:s14+$0xFFFFFFD0] =	vst v18  }
0x4c9: {  	[tilespmem:s1+$0xFFFFFFE0] =	vst @p2 v45;
	v18 =	vor.u32 v28, v41;
	v14 =	vld.idx.msk [tilespmem:v14+s17+$0x0], $0xffff  }
0x4ca: {  	v57 =	vor.u32 v28, v43;
	[tilespmem:s1+$0xFFFFFF80] =	vst @p2 v39;
	v33 =	vld.idx.msk @p2 [tilespmem:v38+s0+$0x0], $0xffff  }
0x4cb: {  	s6 =	simm.s32 $0x1;
	p1 =	por $0x0, $0x0;
	v39 =	vld.idx.msk @p2 [tilespmem:v44+s0+$0x0], $0xffff;
	[tilespmem:s14+$0xFFFFFF60] =	vst v22;
	v22 =	vor.u32 @p2 v29, v31  }
0x4cc: {  	s8 =	sand.u32 $0x7, s17;
	s6 =	simm.s32 @!p1 $0x0;
	v25 =	vld.idx.msk [tilespmem:v25+s17+$0x0], $0xffff;
	[tilespmem:s14+$0xFFFFFE60] =	vst v26;
	v22 =	vpsel p2, v22, v0  }
0x4cd: {  	s28 =	sand.u32 $0x3, s17;
	s5 =	smov.u32 @p2 s1;
	s6 =	sshll.u32 s6, $0x2;
	[tilespmem:s14+$0xFFFFFEE0] =	vst v19;
	v19 =	vor.u32 v29, v40;
	v26 =	vld.idx.msk [tilespmem:v56+s17+$0x0], $0xffff  }
0x4ce: {  	s8 =	sadd.s32 s8, s17;
	s29 =	sshll.u32 s28, $0x1;
	s6 =	sadd.s32 s6, s17;
	v31 =	vor.u32 v29, v42;
	v18 =	vld.idx.msk [tilespmem:v18+s17+$0x0], $0xffff;
	[tilespmem:s14+$0xFFFFFFE0] =	vst v14  }
0x4cf: {  	s30 =	sadd.s32 $0x1, s8;
	s6 =	sor.u32 $0x18, s6;
	[tilespmem:s1+$0xFFFFFE80] =	vst @p2 v30;
	s1 =	sadd.s32 $0x2, s29;
	v30 =	vpsel p2, v33, v0;
	v14 =	vor.u32 v29, v41;
	v58 =	vld.idx.msk [tilespmem:v57+s17+$0x0], $0xffff  }
0x4d0: {  	s15 =	sor.u32 $0x18, s30;
	s0 =	smov.u32 @p2 s0;
	v59 =	vmov s6;
	s1 =	sor.u32 $0x18, s1;
	[tilespmem:s5+$0xFFFFFFF0] =	vst @p2 v30;
	v30 =	vor.u32 v29, v43  }
0x4d1: {  	s31 =	sadd.s32 $0x3, s8;
	v60 =	vmov s1;
	[tilespmem:s14+$0xFFFFFF70] =	vst v25;
	v25 =	vmov s15;
	v22 =	vld.idx.msk @p2 [tilespmem:v22+s0+$0x0], $0xffff  }
0x4d2: {  	v38 =	vpsel p2, v39, v0;
	v62 =	vshll.u32 v60, $0x7;
	v19 =	vld.idx.msk [tilespmem:v19+s17+$0x0], $0xffff;
	[tilespmem:s14+$0xFFFFFE70] =	vst v26;
	s0 =	sor.u32 $0x18, s31;
	v26 =	vshll.u32 v25, $0x8  }
0x4d3: {  	v25 =	vshll.u32 v25, $0x7;
	v26 =	vand.u32 $0x7FFFF800, v26;
	v61 =	vmov s0;
	[tilespmem:s14+$0xFFFFFEF0] =	vst v18;
	v18 =	vld.idx.msk [tilespmem:v31+s17+$0x0], $0xffff  }
0x4d4: {  	v25 =	vand.u32 $0x280, v25;
	v63 =	vshll.u32 v61, $0x8;
	v40 =	vshll.u32 v61, $0x7;
	v14 =	vld.idx.msk [tilespmem:v14+s17+$0x0], $0xffff;
	[tilespmem:s14+$0xFFFFFFF0] =	vst v58  }
0x4d5: {  	p3 =	por $0x1, $0x1;
	[tilespmem:s5+$0xFFFFFF00] =	vst @p2 v38;
	v38 =	vor.u32 v25, v26;
	v26 =	vand.u32 $0x300, v62;
	v31 =	vshll.u32 v59, $0x7;
	v30 =	vld.idx.msk [tilespmem:v30+s17+$0x0], $0xffff  }
.Ltmp39:
0x4d6: {  	v41 =	vand.u32 $0x7FFFF800, v63;
	v25 =	vand.u32 $0x380, v40;
	v50 =	vor.u32 v37, v38;
	[tilespmem:s5+$0x0] =	vst @p2 v22;
	(pc) =	sbr.rel @!p3 .LBB2_75-.Ltmp39, $4  }
0x4d7: {  	v31 =	vand.u32 $0x200, v31;
	v22 =	vshll.u32 v60, $0x8;
	[tilespmem:s14+$0xFFFFFF80] =	vst v19;
	v19 =	vshll.u32 v59, $0x8  }
0x4d8: {  	v57 =	vor.u32 v25, v41;
	[tilespmem:s14+$0xFFFFFE80] =	vst v18;
	v18 =	vand.u32 $0x7FFFF800, v19;
	v19 =	vand.u32 $0x7FFFF800, v22  }
0x4d9: {  	s19 =	sadd.s32 $0x4, s17;
	s16 =	sadd.s32 $0x2, s17;
	v51 =	vor.u32 v37, v57;
	[tilespmem:s14+$0xFFFFFF00] =	vst v14;
	v43 =	vor.u32 v31, v18;
	v40 =	vor.u32 v26, v19  }
0x4da: {  	s18 =	sadd.s32 $0x10, s17;
	s15 =	simm.s32 $0x1C1B0;
	p2 =	por !p1, !p1;
	v47 =	vor.u32 v37, v40;
	v39 =	vor.u32 v34, v40;
	v48 =	vor.u32 v37, v43;
	[tilespmem:s14+$0x0] =	vst v30  }
0x4db: {  	_ =	sdelay $0x2  }
0x4dc: {  	s0 =	sand.u32 $0x7, s19;
	s1 =	simm.s32 $0x1;
	s5 =	sand.u32 $0x3, s16  }
0x4dd: {  	v14 =	vld.idx.msk [tilespmem:v50+s2+$0x0], $0xffff;
	s1 =	simm.s32 @!p2 $0x0;
	s0 =	sadd.s32 s0, s18;
	s5 =	sshll.u32 s5, $0x1  }
0x4de: {  	v18 =	vld.idx.msk [tilespmem:v51+s2+$0x0], $0xffff;
	v19 =	vor.u32 v34, v57;
	v22 =	vor.u32 v36, v38;
	s1 =	sshll.u32 s1, $0x2;
	s6 =	sadd.s32 $0x1, s0;
	s5 =	sadd.s32 $0x12, s5  }
0x4df: {  	v25 =	vor.u32 v34, v38;
	v26 =	vor.u32 v36, v40;
	v30 =	vor.u32 v36, v57;
	s0 =	sadd.s32 $0x3, s0;
	s1 =	sadd.s32 s1, s18;
	s6 =	sor.u32 $0x18, s6  }
0x4e0: {  	v33 =	vor.u32 v36, v43;
	v56 =	vor.u32 v34, v43;
	s31 =	sor.u32 $0x18, s5;
	s0 =	sor.u32 $0x18, s0;
	s1 =	sor.u32 $0x18, s1;
	v31 =	vmov s6  }
0x4e1: {  	v42 =	vld.idx.msk [tilespmem:v48+s2+$0x0], $0xffff;
	v44 =	vmov s31;
	v60 =	vmov s0;
	v32 =	vmov s1  }
0x4e2: {  	v46 =	vld.idx.msk [tilespmem:v47+s2+$0x0], $0xffff;
	v41 =	vshll.u32 v31, $0x8;
	v31 =	vshll.u32 v31, $0x7;
	[tilespmem:s15+$0xFFFFFED0] =	vst v14;
	v61 =	vshll.u32 v60, $0x8  }
0x4e3: {  	[tilespmem:s15+$0xFFFFFFD0] =	vst v18;
	v47 =	vshll.u32 v60, $0x7;
	v45 =	vshll.u32 v32, $0x7;
	v41 =	vand.u32 $0x7FFFF800, v41;
	v22 =	vld.idx.msk [tilespmem:v22+s2+$0x0], $0xffff  }
0x4e4: {  	v14 =	vand.u32 $0x280, v31;
	v31 =	vshll.u32 v44, $0x7;
	v62 =	vand.u32 $0x7FFFF800, v61;
	v30 =	vld.idx.msk [tilespmem:v30+s2+$0x0], $0xffff  }
0x4e5: {  	p4 =	por $0x1, $0x1;
	v63 =	vand.u32 $0x380, v47;
	v32 =	vshll.u32 v32, $0x8;
	v18 =	vand.u32 $0x200, v45  }
.Ltmp40:
0x4e6: {  	[tilespmem:s15+$0xFFFFFE50] =	vst v42;
	v58 =	vor.u32 v14, v41;
	v14 =	vshll.u32 v44, $0x8;
	v31 =	vand.u32 $0x300, v31;
	(pc) =	sbr.rel @!p4 .LBB2_77-.Ltmp40, $4  }
0x4e7: {  	[tilespmem:s15+$0xFFFFFF50] =	vst v46;
	v54 =	vld.idx.msk [tilespmem:v33+s2+$0x0], $0xffff;
	v41 =	vor.u32 v63, v62;
	v32 =	vand.u32 $0x7FFFF800, v32;
	v45 =	vor.u32 v35, v38  }
0x4e8: {  	s17 =	sadd.s32 $0x10, s18;
	v53 =	vld.idx.msk [tilespmem:v26+s2+$0x0], $0xffff;
	v50 =	vor.u32 v37, v58;
	v14 =	vand.u32 $0x7FFFF800, v14;
	v44 =	vor.u32 v18, v32;
	[tilespmem:s15+$0xFFFFFEE0] =	vst v22  }
0x4e9: {  	s14 =	simm.s32 $0x1C3B0;
	s20 =	sadd.s32 $0x4, s19;
	s21 =	sadd.s32 $0x2, s16;
	v51 =	vor.u32 v37, v41;
	v46 =	vor.u32 v31, v14;
	[tilespmem:s15+$0xFFFFFFE0] =	vst v30;
	v52 =	vld.idx.msk [tilespmem:v25+s2+$0x0], $0xffff  }
0x4ea: {  	p3 =	por !p2, !p2;
	s8 =	simm.s32 $0x800;
	p2 =	por $0x1, $0x1;
	v48 =	vor.u32 v37, v44;
	v47 =	vor.u32 v37, v46;
	v42 =	vor.u32 v34, v46;
	v55 =	vld.idx.msk [tilespmem:v19+s2+$0x0], $0xffff  }
0x4eb: {  	_ =	sdelay $0x3  }
0x4ec: {  	v14 =	vld.idx.msk [tilespmem:v50+s2+$0x0], $0xffff  }
0x4ed: {  	s0 =	simm.s32 $0x1;
	s1 =	sand.u32 $0x7, s20;
	v19 =	vld.idx.msk [tilespmem:v51+s2+$0x0], $0xffff  }
0x4ee: {  	v18 =	vor.u32 v35, v43;
	v22 =	vor.u32 v35, v57;
	s5 =	sand.u32 $0x3, s21;
	v25 =	vor.u32 v35, v40;
	v33 =	vld.idx.msk [tilespmem:v47+s2+$0x0], $0xffff;
	s0 =	simm.s32 @!p3 $0x0;
	s1 =	sadd.s32 s1, s17  }
0x4ef: {  	v26 =	vor.u32 v34, v41;
	v30 =	vor.u32 v36, v58;
	v48 =	vld.idx.msk [tilespmem:v48+s2+$0x0], $0xffff;
	[tilespmem:s15+$0xFFFFFE60] =	vst v54;
	s5 =	sshll.u32 s5, $0x1;
	s0 =	sshll.u32 s0, $0x2;
	s6 =	sadd.s32 $0x1, s1  }
0x4f0: {  	v32 =	vor.u32 v34, v58;
	v38 =	vor.u32 v36, v41;
	v31 =	vld.idx.msk [tilespmem:v56+s2+$0x0], $0xffff;
	[tilespmem:s15+$0xFFFFFF60] =	vst v53;
	s5 =	sadd.s32 $0x22, s5;
	s1 =	sadd.s32 $0x3, s1;
	s0 =	sadd.s32 s0, s17  }
0x4f1: {  	v40 =	vor.u32 v36, v46;
	v51 =	vor.u32 v36, v44;
	s6 =	sor.u32 $0x18, s6;
	[tilespmem:s15+$0xFFFFFEF0] =	vst v52;
	s31 =	sor.u32 $0x18, s5;
	s1 =	sor.u32 $0x18, s1;
	v39 =	vld.idx.msk [tilespmem:v39+s2+$0x0], $0xffff  }
0x4f2: {  	s0 =	sor.u32 $0x18, s0;
	v56 =	vmov s6;
	[tilespmem:s15+$0xFFFFFFF0] =	vst v55;
	v57 =	vmov s31;
	v60 =	vmov s1  }
0x4f3: {  	v63 =	vmov s0;
	v49 =	vshll.u32 v56, $0x8;
	v47 =	vshll.u32 v56, $0x7;
	[tilespmem:s14+$0xFFFFFED0] =	vst v14;
	v14 =	vld.idx.msk [tilespmem:v22+s2+$0x0], $0xffff  }
0x4f4: {  	v61 =	vshll.u32 v60, $0x8;
	[tilespmem:s14+$0xFFFFFFD0] =	vst v19;
	v19 =	vshll.u32 v57, $0x7;
	v56 =	vor.u32 v34, v44;
	v30 =	vld.idx.msk [tilespmem:v30+s2+$0x0], $0xffff  }
0x4f5: {  	[tilespmem:s14+$0xFFFFFE50] =	vst v48;
	v59 =	vshll.u32 v63, $0x7;
	v22 =	vand.u32 $0x7FFFF800, v49;
	v47 =	vand.u32 $0x280, v47;
	v62 =	vld.idx.msk [tilespmem:v38+s2+$0x0], $0xffff  }
0x4f6: {  	v49 =	vand.u32 $0x7FFFF800, v61;
	v63 =	vshll.u32 v63, $0x8;
	v19 =	vand.u32 $0x300, v19;
	v54 =	vld.idx.msk [tilespmem:v51+s2+$0x0], $0xffff;
	[tilespmem:s15+$0xFFFFFE70] =	vst v31  }
0x4f7: {  	p4 =	por $0x1, $0x1;
	[tilespmem:s14+$0xFFFFFF50] =	vst v33;
	v52 =	vand.u32 $0x200, v59;
	v31 =	vshll.u32 v60, $0x7;
	v38 =	vor.u32 v47, v22;
	v18 =	vld.idx.msk [tilespmem:v18+s2+$0x0], $0xffff  }
.Ltmp41:
0x4f8: {  	v22 =	vshll.u32 v57, $0x8;
	v59 =	vld.idx.msk [tilespmem:v45+s2+$0x0], $0xffff;
	v45 =	vor.u32 v35, v58;
	v31 =	vand.u32 $0x380, v31;
	[tilespmem:s15+$0xFFFFFF70] =	vst v39;
	(pc) =	sbr.rel @!p4 .LBB2_79-.Ltmp41, $4  }
0x4f9: {  	v53 =	vld.idx.msk [tilespmem:v40+s2+$0x0], $0xffff;
	v50 =	vor.u32 v37, v38;
	v22 =	vand.u32 $0x7FFFF800, v22;
	v49 =	vor.u32 v31, v49;
	[tilespmem:s15+$0x0] =	vst v14  }
0x4fa: {  	s16 =	simm.s32 $0x8;
	s18 =	sadd.s32 $0x10, s17;
	v31 =	vand.u32 $0x7FFFF800, v63;
	v40 =	vor.u32 v19, v22;
	v51 =	vor.u32 v37, v49;
	[tilespmem:s14+$0xFFFFFEE0] =	vst v30;
	v30 =	vld.idx.msk [tilespmem:v25+s2+$0x0], $0xffff  }
0x4fb: {  	s19 =	simm.s32 $0x32;
	s20 =	sadd.s32 $0x4, s20;
	s21 =	sadd.s32 $0x2, s21;
	v43 =	vor.u32 v52, v31;
	v47 =	vor.u32 v37, v40;
	[tilespmem:s14+$0xFFFFFFE0] =	vst v62;
	v52 =	vld.idx.msk [tilespmem:v32+s2+$0x0], $0xffff  }
0x4fc: {  	p1 =	por $0x1, $0x1;
	p3 =	por !p3, !p3;
	s17 =	simm.s32 $0x1C5B0;
	v39 =	vor.u32 v34, v40;
	v48 =	vor.u32 v37, v43;
	v55 =	vld.idx.msk [tilespmem:v26+s2+$0x0], $0xffff;
	[tilespmem:s15+$0xFFFFFE80] =	vst v18  }
.LBB2_80:
0x4fd: {  	s5 =	simm.s32 $0x1  }
0x4fe: {  	s0 =	sand.u32 $0x7, s20;
	s1 =	sand.u32 $0x3, s21;
	v14 =	vld.idx.msk [tilespmem:v50+s2+$0x0], $0xffff;
	v18 =	vor.u32 v35, v44;
	v19 =	vor.u32 v35, v46;
	[tilespmem:s15+$0xFFFFFF00] =	vst v59;
	v44 =	vmov v43;
	s5 =	simm.s32 @!p3 $0x0  }
0x4ff: {  	v25 =	vor.u32 v34, v49;
	v26 =	vor.u32 v35, v41;
	v41 =	vmov v49;
	s0 =	sadd.s32 s0, s18;
	s1 =	sshll.u32 s1, $0x1;
	s5 =	sshll.u32 s5, $0x2;
	v22 =	vld.idx.msk [tilespmem:v51+s2+$0x0], $0xffff;
	[tilespmem:s14+$0xFFFFFE60] =	vst v54  }
0x500: {  	v31 =	vor.u32 v36, v38;
	v32 =	vor.u32 v34, v38;
	v46 =	vmov v40;
	s1 =	sadd.s32 s1, s19;
	s6 =	sadd.s32 $0x1, s0;
	s5 =	sadd.s32 s5, s18;
	v33 =	vld.idx.msk [tilespmem:v56+s2+$0x0], $0xffff;
	[tilespmem:s14+$0xFFFFFF60] =	vst v53  }
0x501: {  	v43 =	vor.u32 v36, v41;
	s0 =	sadd.s32 $0x3, s0;
	s6 =	sor.u32 $0x18, s6;
	s5 =	sor.u32 $0x18, s5;
	v40 =	vld.idx.msk [tilespmem:v47+s2+$0x0], $0xffff;
	v47 =	vor.u32 v36, v46;
	[tilespmem:s15+$0xFFFFFF80] =	vst v30  }
0x502: {  	s16 =	sadd.s32 $0x4, s16;
	v51 =	vor.u32 v36, v44;
	s1 =	sor.u32 $0x18, s1;
	s0 =	sor.u32 $0x18, s0;
	v49 =	vmov s6;
	v30 =	vmov s5;
	v48 =	vld.idx.msk [tilespmem:v48+s2+$0x0], $0xffff;
	[tilespmem:s14+$0xFFFFFEF0] =	vst v52  }
0x503: {  	p4 =	slt.u32 s16, $0x3C;
	s15 =	smov.u32 s14;
	v50 =	vshll.u32 v49, $0x8;
	v49 =	vshll.u32 v49, $0x7;
	v52 =	vmov s1;
	v53 =	vld.idx.msk [tilespmem:v42+s2+$0x0], $0xffff;
	[tilespmem:s14+$0xFFFFFFF0] =	vst v55;
	v42 =	vmovc v39;
	s14 =	smov.u32 s17  }
0x504: {  	v54 =	vmov s0;
	v39 =	vshll.u32 v30, $0x7;
	v50 =	vand.u32 $0x7FFFF800, v50;
	[tilespmem:s17+$0xFFFFFED0] =	vst v14;
	v14 =	vld.idx.msk [tilespmem:v26+s2+$0x0], $0xffff  }
0x505: {  	v55 =	vshll.u32 v54, $0x8;
	v26 =	vand.u32 $0x280, v49;
	v49 =	vshll.u32 v52, $0x7;
	v31 =	vld.idx.msk [tilespmem:v31+s2+$0x0], $0xffff;
	[tilespmem:s17+$0xFFFFFFD0] =	vst v22  }
0x506: {  	v54 =	vshll.u32 v54, $0x7;
	v22 =	vand.u32 $0x200, v39;
	v39 =	vand.u32 $0x7FFFF800, v55;
	v55 =	vld.idx.msk [tilespmem:v43+s2+$0x0], $0xffff;
	[tilespmem:s15+$0xFFFFFE70] =	vst v33  }
0x507: {  	v26 =	vor.u32 v26, v50;
	v33 =	vshll.u32 v52, $0x8;
	v43 =	vand.u32 $0x380, v54;
	[tilespmem:s17+$0xFFFFFF50] =	vst v40;
	v18 =	vld.idx.msk [tilespmem:v18+s2+$0x0], $0xffff  }
0x508: {  	v30 =	vshll.u32 v30, $0x8;
	v40 =	vand.u32 $0x300, v49;
	v49 =	vor.u32 v43, v39;
	[tilespmem:s17+$0xFFFFFE50] =	vst v48;
	v59 =	vld.idx.msk [tilespmem:v45+s2+$0x0], $0xffff  }
.Ltmp42:
0x509: {  	v30 =	vand.u32 $0x7FFFF800, v30;
	v50 =	vor.u32 v37, v26;
	v33 =	vand.u32 $0x7FFFF800, v33;
	v54 =	vld.idx.msk [tilespmem:v51+s2+$0x0], $0xffff;
	[tilespmem:s15+$0xFFFFFF70] =	vst v53;
	(pc) =	sbr.rel @p4 .LBB2_80-.Ltmp42, $4  }
0x50a: {  	v43 =	vor.u32 v22, v30;
	v51 =	vor.u32 v37, v49;
	v53 =	vld.idx.msk [tilespmem:v47+s2+$0x0], $0xffff;
	[tilespmem:s15+$0x0] =	vst v14  }
0x50b: {  	v56 =	vor.u32 v34, v44;
	v40 =	vor.u32 v40, v33;
	[tilespmem:s17+$0xFFFFFEE0] =	vst v31;
	v30 =	vld.idx.msk [tilespmem:v19+s2+$0x0], $0xffff  }
0x50c: {  	s19 =	sadd.s32 $0x10, s19;
	s18 =	sadd.s32 $0x10, s18;
	v39 =	vor.u32 v34, v40;
	v47 =	vor.u32 v37, v40;
	s17 =	sadd.s32 $0x200, s17;
	v52 =	vld.idx.msk [tilespmem:v32+s2+$0x0], $0xffff;
	[tilespmem:s14+$0xFFFFFFE0] =	vst v55  }
0x50d: {  	s20 =	sadd.s32 $0x4, s20;
	s21 =	sadd.s32 $0x2, s21;
	p3 =	por !p3, !p3;
	v48 =	vor.u32 v37, v43;
	v45 =	vor.u32 v35, v38;
	v38 =	vmov v26;
	v55 =	vld.idx.msk [tilespmem:v25+s2+$0x0], $0xffff;
	[tilespmem:s15+$0xFFFFFE80] =	vst v18  }
.Ltmp43:
0x50e: {  	(pc) =	sbr.rel .LBB2_82-.Ltmp43, $2  }
0x50f: {  	_ =	sdelay $0x2  }
0x510: {  	s16 =	smov.u32 s15;
	v32 =	vmovc v44;
	v31 =	vmov v46;
	v57 =	vmov v41;
	v14 =	vmov v42;
	s15 =	smov.u32 s17  }
.LBB2_6:
.Ltmp44:
0x511: {  	(pc) =	sbr.rel .LBB2_13-.Ltmp44, $3  }
0x512: {  	_ =	sdelay $0x1  }
0x513: {  	s19 =	simm.s32 $0x0  }
0x514: {  	v36 =	vmovc v47;
	v38 =	vmov v49;
	v37 =	vmov v52;
	v41 =	vmov v51;
	s21 =	simm.s32 $0x141B0;
	s14 =	simm.s32 $0x0;
	p4 =	por $0x0, $0x0  }
.LBB2_14:
.Ltmp45:
0x515: {  	(pc) =	sbr.rel .LBB2_21-.Ltmp45, $2  }
0x516: {  	_ =	sdelay $0x2  }
0x517: {  	p2 =	por $0x0, $0x0  }
.LBB2_22:
.Ltmp46:
0x518: {  	(pc) =	sbr.rel .LBB2_29-.Ltmp46, $2  }
0x519: {  	_ =	sdelay $0x2  }
0x51a: {  	s14 =	simm.s32 $0x0;
	p3 =	por $0x0, $0x0;
	p4 =	por $0x0, $0x0  }
.LBB2_30:
.Ltmp47:
0x51b: {  	(pc) =	sbr.rel .LBB2_35-.Ltmp47, $2  }
0x51c: {  	_ =	sdelay $0x2  }
0x51d: {  	_ = 	snop  }
.LBB2_8:
.Ltmp48:
0x51e: {  	(pc) =	sbr.rel .LBB2_13-.Ltmp48, $2  }
0x51f: {  	_ =	sdelay $0x2  }
0x520: {  	s15 =	simm.s32 $0x141B0;
	s14 =	simm.s32 $0x0;
	p4 =	por $0x0, $0x0  }
.LBB2_16:
.Ltmp49:
0x521: {  	(pc) =	sbr.rel .LBB2_21-.Ltmp49, $4  }
0x522: {  	_ = 	snop  }
0x523: {  	v31 =	vmov v36;
	v32 =	vmov v40  }
0x524: {  	v33 =	vmovc v39;
	v58 =	vmovc v41;
	v14 =	vmov v37;
	v59 =	vmov v38;
	v36 =	vmov v42  }
0x525: {  	s16 =	simm.s32 $0x161B0;
	v40 =	vmovc v46;
	v39 =	vmovc v45;
	v41 =	vmov v48;
	v37 =	vmov v43;
	s18 =	simm.s32 $0x163B0;
	v38 =	vmov v44  }
.LBB2_24:
.Ltmp50:
0x526: {  	(pc) =	sbr.rel .LBB2_29-.Ltmp50, $4  }
0x527: {  	_ = 	snop  }
0x528: {  	v62 =	vmov v42;
	v30 =	vmov v37  }
0x529: {  	s14 =	simm.s32 $0x0;
	v31 =	vmovc v39;
	v63 =	vmovc v40;
	v14 =	vmov v38;
	v32 =	vmov v36;
	v42 =	vmov v51  }
0x52a: {  	s19 =	simm.s32 $0x181B0;
	v37 =	vmovc v43;
	v39 =	vmovc v48;
	v40 =	vmov v47;
	v38 =	vmov v44;
	s16 =	simm.s32 $0x183B0;
	v36 =	vmov v45;
	p4 =	por $0x0, $0x0  }
.LBB2_32:
.Ltmp51:
0x52b: {  	(pc) =	sbr.rel .LBB2_35-.Ltmp51, $3  }
0x52c: {  	_ =	sdelay $0x1  }
0x52d: {  	v33 =	vmov v40;
	v37 =	vmov v36;
	v46 =	vmov v49  }
0x52e: {  	s16 =	simm.s32 $0x1A1B0;
	v53 =	vmovc v32;
	v40 =	vmovc v51;
	v36 =	vmov v14;
	v51 =	vmov v45;
	s15 =	simm.s32 $0x1A3B0;
	v54 =	vmov v47  }
.LBB2_10:
.Ltmp52:
0x52f: {  	(pc) =	sbr.rel .LBB2_13-.Ltmp52, $3  }
0x530: {  	_ =	sdelay $0x1  }
0x531: {  	v47 =	vmov v36;
	s15 =	simm.s32 $0x143B0;
	v49 =	vmov v38;
	s22 =	simm.s32 $0x0;
	v51 =	vmov v41  }
0x532: {  	v52 =	vmovc v37;
	v36 =	vmovc v55;
	v38 =	vmov v58;
	v37 =	vmov v31;
	v41 =	vmov v32;
	s19 =	simm.s32 $0x0;
	s21 =	simm.s32 $0x145B0;
	s14 =	simm.s32 $0x0  }
.LBB2_18:
.Ltmp53:
0x533: {  	(pc) =	sbr.rel .LBB2_21-.Ltmp53, $3  }
0x534: {  	_ =	sdelay $0x1  }
0x535: {  	v31 =	vmov v42  }
0x536: {  	v32 =	vmovc v46;
	v33 =	vmovc v45;
	v58 =	vmov v48;
	s17 =	simm.s32 $0x161B0;
	v14 =	vmov v43;
	s18 =	simm.s32 $0x165B0;
	v59 =	vmov v44  }
.LBB2_26:
.Ltmp54:
0x537: {  	(pc) =	sbr.rel .LBB2_29-.Ltmp54, $3  }
0x538: {  	_ =	sdelay $0x1  }
0x539: {  	v33 =	vmovc v36;
	v62 =	vmov v51;
	v30 =	vmov v43;
	v63 =	vmov v47  }
0x53a: {  	s20 =	simm.s32 $0x181B0;
	s21 =	simm.s32 $0x0;
	v14 =	vmovc v44;
	s16 =	simm.s32 $0x185B0;
	v32 =	vmovc v45;
	v36 =	vmov v61;
	v53 =	vmov v31;
	v31 =	vmov v48  }
.LBB2_43:
.Ltmp55:
0x53b: {  	(pc) =	sbr.rel .LBB2_50-.Ltmp55, $2  }
0x53c: {  	_ =	sdelay $0x2  }
0x53d: {  	v40 =	vmovc v49;
	v41 =	vmov v53;
	v50 =	vmov v31;
	v48 =	vmov v32;
	s20 =	simm.s32 $0x141B0;
	p4 =	por $0x0, $0x0  }
.LBB2_51:
.Ltmp56:
0x53e: {  	(pc) =	sbr.rel .LBB2_58-.Ltmp56, $2  }
0x53f: {  	_ =	sdelay $0x2  }
0x540: {  	v41 =	vmovc v56;
	v40 =	vmovc v55;
	s14 =	simm.s32 $0x0;
	v48 =	vmov v31;
	v47 =	vmov v30;
	s18 =	simm.s32 $0x161B0;
	v43 =	vmov v50;
	p2 =	por $0x0, $0x0  }
.LBB2_59:
.Ltmp57:
0x541: {  	(pc) =	sbr.rel .LBB2_66-.Ltmp57, $2  }
0x542: {  	_ =	sdelay $0x2  }
0x543: {  	p3 =	por $0x0, $0x0;
	p4 =	por $0x0, $0x0  }
.LBB2_67:
.Ltmp58:
0x544: {  	(pc) =	sbr.rel .LBB2_74-.Ltmp58, $2  }
0x545: {  	_ =	sdelay $0x2  }
0x546: {  	s17 =	simm.s32 $0x0;
	p2 =	por $0x0, $0x0  }
.LBB2_45:
.Ltmp59:
0x547: {  	(pc) =	sbr.rel .LBB2_50-.Ltmp59, $2  }
0x548: {  	_ =	sdelay $0x2  }
0x549: {  	s21 =	simm.s32 $0x141B0;
	p4 =	por $0x0, $0x0  }
.LBB2_53:
.Ltmp60:
0x54a: {  	(pc) =	sbr.rel .LBB2_58-.Ltmp60, $2  }
0x54b: {  	_ =	sdelay $0x2  }
0x54c: {  	s14 =	simm.s32 $0x0  }
.LBB2_61:
.Ltmp61:
0x54d: {  	(pc) =	sbr.rel .LBB2_66-.Ltmp61, $3  }
0x54e: {  	_ =	sdelay $0x1  }
0x54f: {  	v30 =	vmov v46  }
0x550: {  	v14 =	vmovc v43;
	v46 =	vmovc v45;
	v40 =	vmov v57;
	s18 =	simm.s32 $0x181B0;
	v43 =	vmov v44;
	v41 =	vmov v55;
	s17 =	simm.s32 $0x183B0;
	p4 =	por $0x0, $0x0  }
.LBB2_69:
.Ltmp62:
0x551: {  	(pc) =	sbr.rel .LBB2_74-.Ltmp62, $3  }
0x552: {  	_ =	sdelay $0x1  }
0x553: {  	v32 =	vmov v42  }
0x554: {  	v31 =	vmovc v43;
	s17 =	simm.s32 $0x0;
	v42 =	vmovc v45;
	v40 =	vmov v57;
	s15 =	simm.s32 $0x1A1B0;
	v41 =	vmov v58;
	v43 =	vmov v46;
	s14 =	simm.s32 $0x1A3B0  }
.LBB2_77:
.Ltmp63:
0x555: {  	(pc) =	sbr.rel .LBB2_82-.Ltmp63, $3  }
0x556: {  	_ =	sdelay $0x1  }
0x557: {  	v32 =	vmov v43;
	v31 =	vmov v40;
	v14 =	vmov v39  }
0x558: {  	v43 =	vmovc v44;
	v49 =	vmovc v41;
	s14 =	simm.s32 $0x1C1B0;
	v38 =	vmov v58;
	v40 =	vmov v46;
	v39 =	vmov v42;
	s15 =	simm.s32 $0x1C3B0  }
.LBB2_47:
.Ltmp64:
0x559: {  	(pc) =	sbr.rel .LBB2_50-.Ltmp64, $3  }
0x55a: {  	_ =	sdelay $0x1  }
0x55b: {  	v32 =	vmovc v48;
	v49 =	vmov v40;
	v53 =	vmov v41;
	v31 =	vmov v50  }
0x55c: {  	s21 =	simm.s32 $0x143B0;
	v40 =	vmovc v30;
	v41 =	vmovc v63;
	v50 =	vmov v43;
	v48 =	vmov v44;
	s20 =	simm.s32 $0x145B0;
	v51 =	vmov v54  }
.LBB2_55:
.Ltmp65:
0x55d: {  	(pc) =	sbr.rel .LBB2_58-.Ltmp65, $3  }
0x55e: {  	_ =	sdelay $0x1  }
0x55f: {  	v56 =	vmovc v41;
	v55 =	vmov v40;
	v50 =	vmov v43;
	v41 =	vmov v31  }
0x560: {  	s17 =	simm.s32 $0x161B0;
	v40 =	vmovc v32;
	v33 =	vmovc v58;
	v48 =	vmov v57;
	v47 =	vmov v51;
	s15 =	simm.s32 $0x163B0;
	s18 =	simm.s32 $0x165B0;
	v43 =	vmov v63  }
.LBB2_63:
.Ltmp66:
0x561: {  	(pc) =	sbr.rel .LBB2_66-.Ltmp66, $2  }
0x562: {  	_ =	sdelay $0x2  }
0x563: {  	v30 =	vmov v45;
	s19 =	simm.s32 $0x181B0;
	v14 =	vmov v44;
	s17 =	simm.s32 $0x185B0  }
.LBB2_71:
.Ltmp67:
0x564: {  	(pc) =	sbr.rel .LBB2_74-.Ltmp67, $2  }
0x565: {  	_ =	sdelay $0x2  }
0x566: {  	v32 =	vmov v45;
	v31 =	vmov v46;
	s18 =	simm.s32 $0x1A1B0;
	v43 =	vmov v55;
	s19 =	simm.s32 $0x0;
	s14 =	simm.s32 $0x1A5B0  }
.LBB2_79:
.Ltmp68:
0x567: {  	(pc) =	sbr.rel .LBB2_82-.Ltmp68, $2  }
0x568: {  	_ =	sdelay $0x2  }
0x569: {  	v32 =	vmovc v44;
	v31 =	vmov v46;
	s16 =	simm.s32 $0x1C1B0;
	v57 =	vmov v41;
	v14 =	vmov v42;
	s15 =	simm.s32 $0x1C5B0  }
.LBB2_84:
0x56a: {  	_ =	sfence.sel $0x180000  }
0x56b: {  	[bflag:$0x0] =	sbarrier.arrive $0xFFFF  }
0x56c: {  	_ =	strace $0x90000047  }
0x56d: {  	s0 =	stileid.u32;
	[bflag:$0x2] =	sbarrier.arrive $0xFFFF  }
0x56e: {  	p0 =	sne.s32 s0, $0x0;
	s0 =	rddreg [dreg:$0x2]  }
0x56f: {  	s0 =	sadd.s32 @!p0 $0x100000, s0  }
0x570: {  	[sflag:s0] =	ssyncadd.tile.s32 @!p0 $0x1;
	_ =	shalt  }
.Lfunc_end2:
_tile_overlayer_lowered:
.L_overlay_start_2:
0x571: {  	(tag) =	ssettag $0x2  }
0x572: {  	s0 =	rddreg [dreg:$0x0];
	s2 =	stileid.u32  }
0x573: {  	s1 =	rddreg [dreg:$0x1];
	p0 =	sne.s32 s2, $0x0  }
0x574: {  	s3 =	rddreg [dreg:$0x2];
	[bflag:$0x3] =	sbarrier.arrive $0xFFFF;
	s2 =	simm.s32 @!p0 $0x1C02  }
0x575: {  	[timem:s3], [sflag:s2] =	dma.local @!p0 [hbm:s0], s1  }
0x576: {  	s0 =	simm.s32 @!p0 $0x2  }
0x577: {  	_ =	swait.ge @!p0 [sflag:s0], s1  }
0x578: {  	s1 =	ssub.s32 @!p0 $0x0, s1;
	[sflag:s0] =	ssyncset.done @!p0 $0x0  }
0x579: {  	[sflag:s0] =	ssyncadd.s32 @!p0 s1  }
0x57a: {  	[bflag:$0x3] =	sbarrier.arrive $0xFFFF  }
0x57b: {  	_ =	shalt  }

</sc_bundles>
